<compile_context>
chip_gen: v7x
topology: tpu7x:2x2x1
jax: 0.10.2.dev20260603
libtpu: 0.0.44.dev20260713+nightly
codegen_flags: <defaults>
</compile_context>

<pallas_src>
import jax
import jax.numpy as jnp
from jax import lax
from jax.experimental import pallas as pl
from jax.experimental.pallas import tpu as pltpu
from jax.experimental.pallas import tpu_sc as plsc

B = 16
NQ = 20000
NCLS = 36
K = 300
FLAT = NQ * NCLS
HALF = FLAT // 2
W = 12000
NW_HALF = HALF // W
NW_FULL = FLAT // W
VPW = W // 16
UNR = 6
NBUCK = 2048
CAP = 2048
CAPB = CAP + 16
CAPW = 384
OUTK = 512


def _body(logits_ref, quads_ref,
          scores_out, labels_out, quads_out,
          wbuf, strip, hist_l, hist_p, candk, candi, othk, othi, pdata,
          wsc, wlb, wqr, wvl, psc, plb_, pqr, pvl, gidx, qbuf,
          sp_hist, sp_candk, sp_candi, sp_cnt,
          sp_wsc, sp_wlb, sp_wqr, sp_wvl, gsem):
  i32 = jnp.int32
  c = lax.axis_index("c")
  s = lax.axis_index("s")
  batch = c * 8 + s // 2
  half = s % 2
  I16 = lax.iota(i32, 16)
  ZERO = jnp.zeros((16,), i32)
  ONES = jnp.ones((16,), i32)
  KS = jnp.full((16,), K, i32)

  def key_of(x):
    bits = lax.bitcast_convert_type(x, i32)
    m = lax.shift_right_arithmetic(bits, jnp.full((16,), 31, i32))
    return lax.bitwise_xor(bits, lax.bitwise_and(m, jnp.full((16,), 0x7FFFFFFF, i32)))

  def sra(v, n):
    return lax.shift_right_arithmetic(v, jnp.full((16,), n, i32))

  def zero_strip():
    def zb(i, _):
      for u in range(16):
        strip[pl.ds((i * 16 + u) * 16, 16)] = ZERO
      return 0
    lax.fori_loop(0, NBUCK * 16 // (16 * 16), zb, 0)

  def stream(lo, n_windows, vreg_fn, init):
    def wb(w, carry):
      pltpu.sync_copy(
          logits_ref.at[pl.ds(batch * FLAT + lo + w * W, W)], wbuf)

      def vb(vi, carry2):
        for u in range(UNR):
          off = (vi * UNR + u) * 16
          x = wbuf[pl.ds(off, 16)]
          carry2 = vreg_fn(x, lo + w * W + off, carry2)
        return carry2
      return lax.fori_loop(0, VPW // UNR, vb, carry)
    return lax.fori_loop(0, n_windows, wb, init)

  def hist_stream(lo, n_windows, bucket_fn):
    def vf(x, base, carry):
      del base
      k = key_of(x)
      b, msk = bucket_fn(k)
      plsc.addupdate_scatter(strip, [b * 16 + I16], ONES, mask=msk)
      return carry
    stream(lo, n_windows, vf, 0)

  def strip_reduce(nbuck):
    def g(i, _):
      acc = ZERO
      for lane in range(16):
        acc = acc + plsc.load_gather(strip, [i * 256 + I16 * 16 + lane])
      hist_l[pl.ds(i * 16, 16)] = acc
      return 0
    lax.fori_loop(0, nbuck // 16, g, 0)

  def take(a, j):
    return a.at[j].get(mode="promise_in_bounds")

  def scan_top(nbuck, kneed):
    def sb(i, carry):
      found, bsel, n_ge, n_gt, csum = carry
      v = (nbuck // 16 - 1) - i
      h = hist_l[pl.ds(v * 16, 16)]
      rev = lax.rev(h, (0,))
      cum = plsc.cumsum(rev) + csum
      m = jnp.logical_and(cum >= kneed, found == 0)
      anyc = plsc.all_reduce_population_count(m)
      j = jnp.where(anyc > 0, plsc.all_reduce_ffs(m), 0)
      cum_at = take(cum, j)
      rev_at = take(rev, j)
      hit = anyc > 0
      bsel = jnp.where(hit, v * 16 + 15 - j, bsel)
      n_ge = jnp.where(hit, cum_at, n_ge)
      n_gt = jnp.where(hit, cum_at - rev_at, n_gt)
      found = jnp.where(hit, ONES, found)
      csum = take(cum, jnp.full((16,), 15, i32))
      return found, bsel, n_ge, n_gt, csum
    _, bsel, n_ge, n_gt, _ = lax.fori_loop(
        0, nbuck // 16, sb, (ZERO, ZERO, ZERO, ZERO, ZERO))
    return bsel, n_ge, n_gt

  zero_strip()
  hist_stream(half * HALF, NW_HALF, lambda k: (sra(k, 21) + 1024, None))
  strip_reduce(NBUCK)
  pltpu.sync_copy(hist_l, sp_hist.at[s])
  plsc.subcore_barrier()
  pltpu.sync_copy(sp_hist.at[s ^ 1], hist_p)

  def cmb(i, _):
    for u in range(4):
      off = (i * 4 + u) * 16
      hist_l[pl.ds(off, 16)] = hist_l[pl.ds(off, 16)] + hist_p[pl.ds(off, 16)]
    return 0
  lax.fori_loop(0, NBUCK // (16 * 4), cmb, 0)

  b1, n_ge1, n_gt1 = scan_top(NBUCK, KS)

  t_a = jnp.left_shift(b1 - 1024, jnp.full((16,), 21, i32))
  pdata[pl.ds(0, 16)] = t_a - 1
  pdata[pl.ds(16, 16)] = t_a - 1
  pdata[pl.ds(32, 16)] = ZERO

  mb1 = jnp.max(n_ge1) > CAP

  @pl.when(mb1)
  def _refine1():
    k1 = KS - n_gt1
    pref1 = b1 - 1024
    zero_strip()
    hist_stream(0, NW_FULL,
                lambda k: (lax.bitwise_and(sra(k, 10), jnp.full((16,), 0x7FF, i32)),
                           sra(k, 21) == pref1))
    strip_reduce(NBUCK)
    b2, n_ge2, n_gt2 = scan_top(NBUCK, k1)
    pref21 = pref1 * 2048 + b2
    t2 = pref21 * 1024
    pdata[pl.ds(0, 16)] = t2 - 1
    pdata[pl.ds(16, 16)] = t2 - 1
    pdata[pl.ds(32, 16)] = ZERO
    mb2 = jnp.max(n_gt1 + n_ge2) > CAP

    @pl.when(mb2)
    def _refine2():
      k2 = k1 - n_gt2
      zero_strip()
      hist_stream(0, NW_FULL,
                  lambda k: (lax.bitwise_and(k, jnp.full((16,), 0x3FF, i32)),
                             sra(k, 10) == pref21))
      strip_reduce(1024)
      b3, _, n_gt3 = scan_top(1024, k2)
      t_exact = pref21 * 1024 + b3
      pdata[pl.ds(0, 16)] = t_exact
      pdata[pl.ds(16, 16)] = t_exact
      pdata[pl.ds(32, 16)] = k2 - n_gt3

  t_strict = pdata[pl.ds(0, 16)]
  t_eq = pdata[pl.ds(16, 16)]
  eq_cap = pdata[pl.ds(32, 16)]
  def cvf(x, base, carry):
    cnt, eqc = carry
    k = key_of(x)
    idx = base + I16
    m = k > t_strict
    m2 = jnp.logical_and(k == t_eq, eq_cap > 0)
    pc2 = plsc.cumsum(m2.astype(i32))
    keep2 = jnp.logical_and(m2, (eqc + pc2) <= eq_cap)
    eqc = eqc + plsc.all_reduce_population_count(m2)
    m = jnp.logical_or(m, keep2)
    mi = m.astype(i32)
    pos = cnt + plsc.cumsum(mi) - mi
    plsc.store_scatter(candk, [pos], k, mask=m)
    plsc.store_scatter(candi, [pos], idx, mask=m)
    cnt = cnt + plsc.all_reduce_population_count(m)
    return cnt, eqc

  cnt, _ = stream(half * HALF, NW_HALF, cvf, (ZERO, ZERO))
  pdata[pl.ds(48, 16)] = cnt

  pltpu.sync_copy(candk, sp_candk.at[s])
  pltpu.sync_copy(candi, sp_candi.at[s])
  pltpu.sync_copy(pdata.at[pl.ds(48, 16)], sp_cnt.at[s])
  plsc.subcore_barrier()
  pltpu.sync_copy(sp_candk.at[s ^ 1], othk)
  pltpu.sync_copy(sp_candi.at[s ^ 1], othi)
  pltpu.sync_copy(sp_cnt.at[s ^ 1], pdata.at[pl.ds(48, 16)])
  cnt_oth = pdata[pl.ds(48, 16)]

  cn_own = jnp.max(cnt)
  cn_oth = jnp.max(cnt_oth)
  nvo = (cn_own + 15) // 16

  def pf(i, _):
    wvl[pl.ds(i * 16, 16)] = ZERO
    wqr[pl.ds(i * 16, 16)] = ZERO
    return 0
  lax.fori_loop(0, CAPW // 16, pf, 0)

  def rank_vo(vo, _):
    base = vo * 16
    kv = candk[pl.ds(base, 16)]
    iv = candi[pl.ds(base, 16)]
    valid = (base + I16) < cnt

    def rj(kref, iref):
      def step(j, r):
        jv = jnp.full((16,), j, i32)
        bk = plsc.load_gather(kref, [jv])
        bi = plsc.load_gather(iref, [jv])
        beats = jnp.logical_or(bk > kv, jnp.logical_and(bk == kv, bi < iv))
        return r + beats.astype(i32)
      return step

    r = lax.fori_loop(0, cn_own, rj(candk, candi), ZERO)
    r = lax.fori_loop(0, cn_oth, rj(othk, othi), r)
    win = jnp.logical_and(valid, r < KS)

    bits = lax.bitwise_xor(
        kv, lax.bitwise_and(sra(kv, 31), jnp.full((16,), 0x7FFFFFFF, i32)))
    x = lax.bitcast_convert_type(bits, jnp.float32)
    sc = 1.0 / (1.0 + jnp.exp(-x))
    qi = iv // NCLS
    lb = iv - qi * NCLS
    plsc.store_scatter(wsc, [r], sc, mask=win)
    plsc.store_scatter(wlb, [r], lb, mask=win)
    plsc.store_scatter(wqr, [r], batch * NQ + qi, mask=win)
    plsc.store_scatter(wvl, [r], ONES, mask=win)
    return 0
  lax.fori_loop(0, nvo, rank_vo, 0)

  pltpu.sync_copy(wsc, sp_wsc.at[s])
  pltpu.sync_copy(wlb, sp_wlb.at[s])
  pltpu.sync_copy(wqr, sp_wqr.at[s])
  pltpu.sync_copy(wvl, sp_wvl.at[s])
  plsc.subcore_barrier()

  @pl.when(half == 0)
  def _writeout():
    pltpu.sync_copy(sp_wsc.at[s + 1], psc)
    pltpu.sync_copy(sp_wlb.at[s + 1], plb_)
    pltpu.sync_copy(sp_wqr.at[s + 1], pqr)
    pltpu.sync_copy(sp_wvl.at[s + 1], pvl)

    def mg(i, _):
      sl = pl.ds(i * 16, 16)
      use_p = pvl[sl] > 0
      wsc[sl] = jnp.where(use_p, psc[sl], wsc[sl])
      wlb[sl] = jnp.where(use_p, plb_[sl], wlb[sl])
      wqr[sl] = jnp.where(use_p, pqr[sl], wqr[sl])
      return 0
    lax.fori_loop(0, CAPW // 16, mg, 0)

    pltpu.sync_copy(wsc, scores_out.at[pl.ds(batch * OUTK, CAPW)])
    pltpu.sync_copy(wlb, labels_out.at[pl.ds(batch * OUTK, CAPW)])

    for chunk in range(CAPW // 128):
      cb = chunk * 128
      for t in range(8):
        gidx[pl.ds(t * 16, 16)] = wqr[pl.ds(cb + t * 16, 16)]
      pltpu.async_copy(quads_ref.at[gidx], qbuf.at[pl.ds(cb, 128)], gsem).wait()
    pltpu.sync_copy(qbuf, quads_out.at[pl.ds(batch * OUTK, CAPW)])


@jax.jit
def _sc_topk(logits1d, quads2d):
  f32 = jnp.float32
  i32 = jnp.int32
  mesh = plsc.VectorSubcoreMesh(
      core_axis_name="c", subcore_axis_name="s", num_cores=2, num_subcores=16)
  return pl.kernel(
      _body,
      out_type=(
          jax.ShapeDtypeStruct((B * OUTK,), f32),
          jax.ShapeDtypeStruct((B * OUTK,), i32),
          jax.ShapeDtypeStruct((B * OUTK, 8), f32),
      ),
      mesh=mesh,
      compiler_params=pltpu.CompilerParams(
          needs_layout_passes=False, use_tc_tiling_on_sc=False),
      scratch_types=[
          pltpu.VMEM((W,), f32),
          pltpu.VMEM((NBUCK * 16,), i32),
          pltpu.VMEM((NBUCK,), i32),
          pltpu.VMEM((NBUCK,), i32),
          pltpu.VMEM((CAPB,), i32),
          pltpu.VMEM((CAPB,), i32),
          pltpu.VMEM((CAPB,), i32),
          pltpu.VMEM((CAPB,), i32),
          pltpu.VMEM((64,), i32),
          pltpu.VMEM((CAPW,), f32),
          pltpu.VMEM((CAPW,), i32),
          pltpu.VMEM((CAPW,), i32),
          pltpu.VMEM((CAPW,), i32),
          pltpu.VMEM((CAPW,), f32),
          pltpu.VMEM((CAPW,), i32),
          pltpu.VMEM((CAPW,), i32),
          pltpu.VMEM((CAPW,), i32),
          pltpu.VMEM((128,), i32),
          pltpu.VMEM((CAPW, 8), f32),
          pltpu.VMEM_SHARED((16, NBUCK), i32),
          pltpu.VMEM_SHARED((16, CAPB), i32),
          pltpu.VMEM_SHARED((16, CAPB), i32),
          pltpu.VMEM_SHARED((16, 16), i32),
          pltpu.VMEM_SHARED((16, CAPW), f32),
          pltpu.VMEM_SHARED((16, CAPW), i32),
          pltpu.VMEM_SHARED((16, CAPW), i32),
          pltpu.VMEM_SHARED((16, CAPW), i32),
          pltpu.SemaphoreType.DMA,
      ],
  )(logits1d, quads2d)


def _scale_body(q_ref, s_ref, o_ref):
  o_ref[...] = q_ref[...] * s_ref[...][:, None, :]


@jax.jit
def _scale_quads(quads_raw, scale8):
  return pl.pallas_call(
      _scale_body,
      out_shape=jax.ShapeDtypeStruct((B, OUTK, 8), jnp.float32),
  )(quads_raw, scale8)


def kernel(pred_logits, pred_quads, orig_target_sizes):
  logits1d = pred_logits.reshape(-1)
  quads2d = pred_quads.reshape(B * NQ, 8)
  scores_p, labels_p, quads_p = _sc_topk(logits1d, quads2d)
  scale8 = jnp.tile(orig_target_sizes, (1, 4))
  quads_s = _scale_quads(quads_p.reshape(B, OUTK, 8), scale8)
  labels = labels_p.reshape(B, OUTK)[:, :K]
  quads = quads_s[:, :K, :]
  scores = scores_p.reshape(B, OUTK)[:, :K]
  return labels, quads, scores

# --- scband reference (transcript-rebuilt; emitter-appended) ---
"""Pipeline reference for scband-rtdetrpost-processor-17325898072217 (READ-ONLY COPY).

The authoritative reference and input builder live on the scoring server;
editing this copy changes nothing except your own understanding.
"""

import jax, jax.numpy as jnp
import numpy as np

NUM_CLASSES = 36
NUM_TOP_QUERIES = 300


def quad_to_xyxy(quads):
    # quads are 4 (x, y) corner points in normalized [0, 1] coordinates;
    # the conversion keeps the 8-dim point layout (identity on point coords).
    return quads


def setup_inputs(seed: int = 0) -> dict:
    key = jax.random.key(seed)
    k1, k2, k3 = jax.random.split(key, 3)
    B, N = 16, 20000
    pred_logits = jax.random.normal(k1, (B, N, NUM_CLASSES), dtype=jnp.float32)
    pred_quads = jax.random.uniform(k2, (B, N, 8), dtype=jnp.float32)
    orig_target_sizes = jax.random.uniform(k3, (B, 2), dtype=jnp.float32) * 1024.0
    return {
        "pred_logits": pred_logits,
        "pred_quads": pred_quads,
        "orig_target_sizes": orig_target_sizes,
    }


def reference(pred_logits, pred_quads, orig_target_sizes):
    # quads -> absolute pixel coords
    quads_pred = quad_to_xyxy(pred_quads)
    scale = jnp.tile(orig_target_sizes, (1, 4))[:, None, :]  # [B, 1, 8]
    quads_pred = quads_pred * scale

    # focal-loss branch: sigmoid scores, flatten over (queries, classes), top-k
    scores = jax.nn.sigmoid(pred_logits)
    B = scores.shape[0]
    flat = scores.reshape(B, -1)  # [B, N * num_classes]
    topk_scores, index = jax.lax.top_k(flat, NUM_TOP_QUERIES)
    labels = index % NUM_CLASSES
    qindex = index // NUM_CLASSES
    quads = jnp.take_along_axis(quads_pred, qindex[..., None], axis=1)  # gather [B, K, 8]
    return (labels, quads, topk_scores)

if __name__ == "__main__":
    import jax
    _d = setup_inputs()
    print(jax.jit(kernel)(*tuple(_d.values())))

</pallas_src>

<mosaic_0001>
#map = affine_map<(d0, d1) -> (0)>
#map1 = affine_map<(d0, d1) -> (0, 0)>
module attributes {stable_mosaic.version = 14 : i64} {
  func.func @_body(%arg0: i32, %arg1: i32, %arg2: memref<11520000xf32, #tpu.memory_space<hbm>>, %arg3: memref<320000x8xf32, #tpu.memory_space<hbm>>, %arg4: memref<8192xf32, #tpu.memory_space<hbm>>, %arg5: memref<8192xi32, #tpu.memory_space<hbm>>, %arg6: memref<8192x8xf32, #tpu.memory_space<hbm>>, %arg7: memref<12000xf32, #tpu.memory_space<vmem>>, %arg8: memref<32768xi32, #tpu.memory_space<vmem>>, %arg9: memref<2048xi32, #tpu.memory_space<vmem>>, %arg10: memref<2048xi32, #tpu.memory_space<vmem>>, %arg11: memref<2064xi32, #tpu.memory_space<vmem>>, %arg12: memref<2064xi32, #tpu.memory_space<vmem>>, %arg13: memref<2064xi32, #tpu.memory_space<vmem>>, %arg14: memref<2064xi32, #tpu.memory_space<vmem>>, %arg15: memref<64xi32, #tpu.memory_space<vmem>>, %arg16: memref<384xf32, #tpu.memory_space<vmem>>, %arg17: memref<384xi32, #tpu.memory_space<vmem>>, %arg18: memref<384xi32, #tpu.memory_space<vmem>>, %arg19: memref<384xi32, #tpu.memory_space<vmem>>, %arg20: memref<384xf32, #tpu.memory_space<vmem>>, %arg21: memref<384xi32, #tpu.memory_space<vmem>>, %arg22: memref<384xi32, #tpu.memory_space<vmem>>, %arg23: memref<384xi32, #tpu.memory_space<vmem>>, %arg24: memref<128xi32, #tpu.memory_space<vmem>>, %arg25: memref<384x8xf32, #tpu.memory_space<vmem>>, %arg26: memref<16x2048xi32, #tpu.memory_space<vmem_shared>>, %arg27: memref<16x2064xi32, #tpu.memory_space<vmem_shared>>, %arg28: memref<16x2064xi32, #tpu.memory_space<vmem_shared>>, %arg29: memref<16x16xi32, #tpu.memory_space<vmem_shared>>, %arg30: memref<16x384xf32, #tpu.memory_space<vmem_shared>>, %arg31: memref<16x384xi32, #tpu.memory_space<vmem_shared>>, %arg32: memref<16x384xi32, #tpu.memory_space<vmem_shared>>, %arg33: memref<16x384xi32, #tpu.memory_space<vmem_shared>>, %arg34: memref<!tpu.dma_semaphore, #tpu.memory_space<semaphore_mem>>) attributes {dimension_semantics = [#tpu.dimension_semantics<core_parallel>, #tpu.dimension_semantics<subcore_parallel>], iteration_bounds = array<i64: 2, 16>, scalar_prefetch = 0 : i64, scratch_operands = 28 : i64, tpu.core_type = #tpu.core_type<sc_vector_subcore>, window_params = [{transform_indices = #map}, {transform_indices = #map1}, {transform_indices = #map}, {transform_indices = #map}, {transform_indices = #map1}]} {
    %mul3A = arith.constant 8 : i32
    %mul3A_0 = arith.muli %arg0, %mul3A : i32
    %jit3A = arith.constant 2 : i32
    %div3A = arith.divsi %arg1, %jit3A : i32
    %sign3A = arith.constant 0 : i32
    %sign3A_1 = arith.cmpi sgt, %arg1, %sign3A : i32
    %sign3A_2 = arith.extui %sign3A_1 : i1 to i32
    %sign3A_3 = arith.constant 0 : i32
    %sign3A_4 = arith.cmpi slt, %arg1, %sign3A_3 : i32
    %sign3A_5 = arith.extui %sign3A_4 : i1 to i32
    %sign3A_6 = arith.subi %sign3A_2, %sign3A_5 : i32
    %sign3A_7 = arith.constant 0 : i32
    %sign3A_8 = arith.cmpi sgt, %jit3A, %sign3A_7 : i32
    %sign3A_9 = arith.extui %sign3A_8 : i1 to i32
    %sign3A_10 = arith.constant 0 : i32
    %sign3A_11 = arith.cmpi slt, %jit3A, %sign3A_10 : i32
    %sign3A_12 = arith.extui %sign3A_11 : i1 to i32
    %sign3A_13 = arith.subi %sign3A_9, %sign3A_12 : i32
    %ne3A = arith.cmpi ne, %sign3A_6, %sign3A_13 : i32
    %rem3A = arith.remsi %arg1, %jit3A : i32
    %ne3A_14 = arith.constant 0 : i32
    %ne3A_15 = arith.cmpi ne, %rem3A, %ne3A_14 : i32
    %and3A = arith.andi %ne3A, %ne3A_15 : i1
    %sub3A = arith.constant 1 : i32
    %sub3A_16 = arith.subi %div3A, %sub3A : i32
    %select_n3A = arith.select %and3A, %sub3A_16, %div3A : i32
    %add3A = arith.addi %mul3A_0, %select_n3A : i32
    %jit3A_17 = arith.constant 2 : i32
    %eq3A = arith.constant 0 : i32
    %eq3A_18 = arith.cmpi eq, %jit3A_17, %eq3A : i32
    %jit3A_19 = arith.constant 1 : i32
    %select_n3A_20 = arith.select %eq3A_18, %jit3A_19, %jit3A_17 : i32
    %rem3A_21 = arith.remsi %arg1, %select_n3A_20 : i32
    %ne3A_22 = arith.constant 0 : i32
    %ne3A_23 = arith.cmpi ne, %rem3A_21, %ne3A_22 : i32
    %lt3A = arith.constant 0 : i32
    %lt3A_24 = arith.cmpi slt, %rem3A_21, %lt3A : i32
    %lt3A_25 = arith.constant 0 : i32
    %lt3A_26 = arith.cmpi slt, %select_n3A_20, %lt3A_25 : i32
    %ne3A_27 = arith.xori %lt3A_24, %lt3A_26 : i1
    %and3A_28 = arith.andi %ne3A_27, %ne3A_23 : i1
    %add3A_29 = arith.addi %rem3A_21, %select_n3A_20 : i32
    %select_n3A_30 = arith.select %and3A_28, %add3A_29, %rem3A_21 : i32
    %iota3A = tpu.iota {dimensions = array<i32: 0>} : vector<16xi32>
    %broadcast_in_dim3A = arith.constant 0 : i32
    %broadcast_in_dim3A_31 = vector.broadcast %broadcast_in_dim3A : i32 to vector<16xi32>
    %broadcast_in_dim3A_32 = arith.constant 1 : i32
    %broadcast_in_dim3A_33 = vector.broadcast %broadcast_in_dim3A_32 : i32 to vector<16xi32>
    %broadcast_in_dim3A_34 = arith.constant 300 : i32
    %broadcast_in_dim3A_35 = vector.broadcast %broadcast_in_dim3A_34 : i32 to vector<16xi32>
    %scan3A = arith.constant 0 : i32
    %scan3A_36 = arith.constant 0 : i32
    %scan3A_37 = arith.constant 128 : i32
    %scan3A_38 = arith.addi %scan3A_36, %scan3A_37 : i32
    %scan3A_39 = arith.constant 1 : i32
    %scan3A_40 = scf.for %scan3A_186 = %scan3A_36 to %scan3A_38 step %scan3A_39 iter_args(%scan3A_187 = %scan3A) -> (i32)  : i32 {
      %mul3A_188 = arith.constant 16 : i32
      %mul3A_189 = arith.muli %scan3A_186, %mul3A_188 : i32
      %add3A_190 = arith.constant 0 : i32
      %add3A_191 = arith.addi %mul3A_189, %add3A_190 : i32
      %mul3A_192 = arith.constant 16 : i32
      %mul3A_193 = arith.muli %add3A_191, %mul3A_192 : i32
      %swap3A_194 = arith.index_cast %mul3A_193 : i32 to index
      %swap3A_195 = tpu.vector_load %arg8[%swap3A_194] {strides = array<i32>} : memref<32768xi32, #tpu.memory_space<vmem>>, vector<16xi32>,
      tpu.vector_store %arg8[%swap3A_194], %broadcast_in_dim3A_31 {strides = array<i32>} : memref<32768xi32, #tpu.memory_space<vmem>>, vector<16xi32>,
      %mul3A_196 = arith.constant 16 : i32
      %mul3A_197 = arith.muli %scan3A_186, %mul3A_196 : i32
      %add3A_198 = arith.constant 1 : i32
      %add3A_199 = arith.addi %mul3A_197, %add3A_198 : i32
      %mul3A_200 = arith.constant 16 : i32
      %mul3A_201 = arith.muli %add3A_199, %mul3A_200 : i32
      %swap3A_202 = arith.index_cast %mul3A_201 : i32 to index
      %swap3A_203 = tpu.vector_load %arg8[%swap3A_202] {strides = array<i32>} : memref<32768xi32, #tpu.memory_space<vmem>>, vector<16xi32>,
      tpu.vector_store %arg8[%swap3A_202], %broadcast_in_dim3A_31 {strides = array<i32>} : memref<32768xi32, #tpu.memory_space<vmem>>, vector<16xi32>,
      %mul3A_204 = arith.constant 16 : i32
      %mul3A_205 = arith.muli %scan3A_186, %mul3A_204 : i32
      %add3A_206 = arith.constant 2 : i32
      %add3A_207 = arith.addi %mul3A_205, %add3A_206 : i32
      %mul3A_208 = arith.constant 16 : i32
      %mul3A_209 = arith.muli %add3A_207, %mul3A_208 : i32
      %swap3A_210 = arith.index_cast %mul3A_209 : i32 to index
      %swap3A_211 = tpu.vector_load %arg8[%swap3A_210] {strides = array<i32>} : memref<32768xi32, #tpu.memory_space<vmem>>, vector<16xi32>,
      tpu.vector_store %arg8[%swap3A_210], %broadcast_in_dim3A_31 {strides = array<i32>} : memref<32768xi32, #tpu.memory_space<vmem>>, vector<16xi32>,
      %mul3A_212 = arith.constant 16 : i32
      %mul3A_213 = arith.muli %scan3A_186, %mul3A_212 : i32
      %add3A_214 = arith.constant 3 : i32
      %add3A_215 = arith.addi %mul3A_213, %add3A_214 : i32
      %mul3A_216 = arith.constant 16 : i32
      %mul3A_217 = arith.muli %add3A_215, %mul3A_216 : i32
      %swap3A_218 = arith.index_cast %mul3A_217 : i32 to index
      %swap3A_219 = tpu.vector_load %arg8[%swap3A_218] {strides = array<i32>} : memref<32768xi32, #tpu.memory_space<vmem>>, vector<16xi32>,
      tpu.vector_store %arg8[%swap3A_218], %broadcast_in_dim3A_31 {strides = array<i32>} : memref<32768xi32, #tpu.memory_space<vmem>>, vector<16xi32>,
      %mul3A_220 = arith.constant 16 : i32
      %mul3A_221 = arith.muli %scan3A_186, %mul3A_220 : i32
      %add3A_222 = arith.constant 4 : i32
      %add3A_223 = arith.addi %mul3A_221, %add3A_222 : i32
      %mul3A_224 = arith.constant 16 : i32
      %mul3A_225 = arith.muli %add3A_223, %mul3A_224 : i32
      %swap3A_226 = arith.index_cast %mul3A_225 : i32 to index
      %swap3A_227 = tpu.vector_load %arg8[%swap3A_226] {strides = array<i32>} : memref<32768xi32, #tpu.memory_space<vmem>>, vector<16xi32>,
      tpu.vector_store %arg8[%swap3A_226], %broadcast_in_dim3A_31 {strides = array<i32>} : memref<32768xi32, #tpu.memory_space<vmem>>, vector<16xi32>,
      %mul3A_228 = arith.constant 16 : i32
      %mul3A_229 = arith.muli %scan3A_186, %mul3A_228 : i32
      %add3A_230 = arith.constant 5 : i32
      %add3A_231 = arith.addi %mul3A_229, %add3A_230 : i32
      %mul3A_232 = arith.constant 16 : i32
      %mul3A_233 = arith.muli %add3A_231, %mul3A_232 : i32
      %swap3A_234 = arith.index_cast %mul3A_233 : i32 to index
      %swap3A_235 = tpu.vector_load %arg8[%swap3A_234] {strides = array<i32>} : memref<32768xi32, #tpu.memory_space<vmem>>, vector<16xi32>,
      tpu.vector_store %arg8[%swap3A_234], %broadcast_in_dim3A_31 {strides = array<i32>} : memref<32768xi32, #tpu.memory_space<vmem>>, vector<16xi32>,
      %mul3A_236 = arith.constant 16 : i32
      %mul3A_237 = arith.muli %scan3A_186, %mul3A_236 : i32
      %add3A_238 = arith.constant 6 : i32
      %add3A_239 = arith.addi %mul3A_237, %add3A_238 : i32
      %mul3A_240 = arith.constant 16 : i32
      %mul3A_241 = arith.muli %add3A_239, %mul3A_240 : i32
      %swap3A_242 = arith.index_cast %mul3A_241 : i32 to index
      %swap3A_243 = tpu.vector_load %arg8[%swap3A_242] {strides = array<i32>} : memref<32768xi32, #tpu.memory_space<vmem>>, vector<16xi32>,
      tpu.vector_store %arg8[%swap3A_242], %broadcast_in_dim3A_31 {strides = array<i32>} : memref<32768xi32, #tpu.memory_space<vmem>>, vector<16xi32>,
      %mul3A_244 = arith.constant 16 : i32
      %mul3A_245 = arith.muli %scan3A_186, %mul3A_244 : i32
      %add3A_246 = arith.constant 7 : i32
      %add3A_247 = arith.addi %mul3A_245, %add3A_246 : i32
      %mul3A_248 = arith.constant 16 : i32
      %mul3A_249 = arith.muli %add3A_247, %mul3A_248 : i32
      %swap3A_250 = arith.index_cast %mul3A_249 : i32 to index
      %swap3A_251 = tpu.vector_load %arg8[%swap3A_250] {strides = array<i32>} : memref<32768xi32, #tpu.memory_space<vmem>>, vector<16xi32>,
      tpu.vector_store %arg8[%swap3A_250], %broadcast_in_dim3A_31 {strides = array<i32>} : memref<32768xi32, #tpu.memory_space<vmem>>, vector<16xi32>,
      %mul3A_252 = arith.constant 16 : i32
      %mul3A_253 = arith.muli %scan3A_186, %mul3A_252 : i32
      %add3A_254 = arith.constant 8 : i32
      %add3A_255 = arith.addi %mul3A_253, %add3A_254 : i32
      %mul3A_256 = arith.constant 16 : i32
      %mul3A_257 = arith.muli %add3A_255, %mul3A_256 : i32
      %swap3A_258 = arith.index_cast %mul3A_257 : i32 to index
      %swap3A_259 = tpu.vector_load %arg8[%swap3A_258] {strides = array<i32>} : memref<32768xi32, #tpu.memory_space<vmem>>, vector<16xi32>,
      tpu.vector_store %arg8[%swap3A_258], %broadcast_in_dim3A_31 {strides = array<i32>} : memref<32768xi32, #tpu.memory_space<vmem>>, vector<16xi32>,
      %mul3A_260 = arith.constant 16 : i32
      %mul3A_261 = arith.muli %scan3A_186, %mul3A_260 : i32
      %add3A_262 = arith.constant 9 : i32
      %add3A_263 = arith.addi %mul3A_261, %add3A_262 : i32
      %mul3A_264 = arith.constant 16 : i32
      %mul3A_265 = arith.muli %add3A_263, %mul3A_264 : i32
      %swap3A_266 = arith.index_cast %mul3A_265 : i32 to index
      %swap3A_267 = tpu.vector_load %arg8[%swap3A_266] {strides = array<i32>} : memref<32768xi32, #tpu.memory_space<vmem>>, vector<16xi32>,
      tpu.vector_store %arg8[%swap3A_266], %broadcast_in_dim3A_31 {strides = array<i32>} : memref<32768xi32, #tpu.memory_space<vmem>>, vector<16xi32>,
      %mul3A_268 = arith.constant 16 : i32
      %mul3A_269 = arith.muli %scan3A_186, %mul3A_268 : i32
      %add3A_270 = arith.constant 10 : i32
      %add3A_271 = arith.addi %mul3A_269, %add3A_270 : i32
      %mul3A_272 = arith.constant 16 : i32
      %mul3A_273 = arith.muli %add3A_271, %mul3A_272 : i32
      %swap3A_274 = arith.index_cast %mul3A_273 : i32 to index
      %swap3A_275 = tpu.vector_load %arg8[%swap3A_274] {strides = array<i32>} : memref<32768xi32, #tpu.memory_space<vmem>>, vector<16xi32>,
      tpu.vector_store %arg8[%swap3A_274], %broadcast_in_dim3A_31 {strides = array<i32>} : memref<32768xi32, #tpu.memory_space<vmem>>, vector<16xi32>,
      %mul3A_276 = arith.constant 16 : i32
      %mul3A_277 = arith.muli %scan3A_186, %mul3A_276 : i32
      %add3A_278 = arith.constant 11 : i32
      %add3A_279 = arith.addi %mul3A_277, %add3A_278 : i32
      %mul3A_280 = arith.constant 16 : i32
      %mul3A_281 = arith.muli %add3A_279, %mul3A_280 : i32
      %swap3A_282 = arith.index_cast %mul3A_281 : i32 to index
      %swap3A_283 = tpu.vector_load %arg8[%swap3A_282] {strides = array<i32>} : memref<32768xi32, #tpu.memory_space<vmem>>, vector<16xi32>,
      tpu.vector_store %arg8[%swap3A_282], %broadcast_in_dim3A_31 {strides = array<i32>} : memref<32768xi32, #tpu.memory_space<vmem>>, vector<16xi32>,
      %mul3A_284 = arith.constant 16 : i32
      %mul3A_285 = arith.muli %scan3A_186, %mul3A_284 : i32
      %add3A_286 = arith.constant 12 : i32
      %add3A_287 = arith.addi %mul3A_285, %add3A_286 : i32
      %mul3A_288 = arith.constant 16 : i32
      %mul3A_289 = arith.muli %add3A_287, %mul3A_288 : i32
      %swap3A_290 = arith.index_cast %mul3A_289 : i32 to index
      %swap3A_291 = tpu.vector_load %arg8[%swap3A_290] {strides = array<i32>} : memref<32768xi32, #tpu.memory_space<vmem>>, vector<16xi32>,
      tpu.vector_store %arg8[%swap3A_290], %broadcast_in_dim3A_31 {strides = array<i32>} : memref<32768xi32, #tpu.memory_space<vmem>>, vector<16xi32>,
      %mul3A_292 = arith.constant 16 : i32
      %mul3A_293 = arith.muli %scan3A_186, %mul3A_292 : i32
      %add3A_294 = arith.constant 13 : i32
      %add3A_295 = arith.addi %mul3A_293, %add3A_294 : i32
      %mul3A_296 = arith.constant 16 : i32
      %mul3A_297 = arith.muli %add3A_295, %mul3A_296 : i32
      %swap3A_298 = arith.index_cast %mul3A_297 : i32 to index
      %swap3A_299 = tpu.vector_load %arg8[%swap3A_298] {strides = array<i32>} : memref<32768xi32, #tpu.memory_space<vmem>>, vector<16xi32>,
      tpu.vector_store %arg8[%swap3A_298], %broadcast_in_dim3A_31 {strides = array<i32>} : memref<32768xi32, #tpu.memory_space<vmem>>, vector<16xi32>,
      %mul3A_300 = arith.constant 16 : i32
      %mul3A_301 = arith.muli %scan3A_186, %mul3A_300 : i32
      %add3A_302 = arith.constant 14 : i32
      %add3A_303 = arith.addi %mul3A_301, %add3A_302 : i32
      %mul3A_304 = arith.constant 16 : i32
      %mul3A_305 = arith.muli %add3A_303, %mul3A_304 : i32
      %swap3A_306 = arith.index_cast %mul3A_305 : i32 to index
      %swap3A_307 = tpu.vector_load %arg8[%swap3A_306] {strides = array<i32>} : memref<32768xi32, #tpu.memory_space<vmem>>, vector<16xi32>,
      tpu.vector_store %arg8[%swap3A_306], %broadcast_in_dim3A_31 {strides = array<i32>} : memref<32768xi32, #tpu.memory_space<vmem>>, vector<16xi32>,
      %mul3A_308 = arith.constant 16 : i32
      %mul3A_309 = arith.muli %scan3A_186, %mul3A_308 : i32
      %add3A_310 = arith.constant 15 : i32
      %add3A_311 = arith.addi %mul3A_309, %add3A_310 : i32
      %mul3A_312 = arith.constant 16 : i32
      %mul3A_313 = arith.muli %add3A_311, %mul3A_312 : i32
      %swap3A_314 = arith.index_cast %mul3A_313 : i32 to index
      %swap3A_315 = tpu.vector_load %arg8[%swap3A_314] {strides = array<i32>} : memref<32768xi32, #tpu.memory_space<vmem>>, vector<16xi32>,
      tpu.vector_store %arg8[%swap3A_314], %broadcast_in_dim3A_31 {strides = array<i32>} : memref<32768xi32, #tpu.memory_space<vmem>>, vector<16xi32>,
      %scan3A_316 = arith.constant 0 : i32
      scf.yield %scan3A_316 : i32
    }
    %scan3A_41 = arith.constant 128 : i32
    %mul3A_42 = arith.constant 360000 : i32
    %mul3A_43 = arith.muli %select_n3A_30, %mul3A_42 : i32
    %scan3A_44 = arith.constant 0 : i32
    %scan3A_45 = arith.constant 0 : i32
    %scan3A_46 = arith.constant 30 : i32
    %scan3A_47 = arith.addi %scan3A_45, %scan3A_46 : i32
    %scan3A_48 = arith.constant 1 : i32
    scf.for %scan3A_186 = %scan3A_45 to %scan3A_47 step %scan3A_48  : i32 {
      %mul3A_187 = arith.constant 720000 : i32
      %mul3A_188 = arith.muli %add3A, %mul3A_187 : i32
      %add3A_189 = arith.addi %mul3A_188, %mul3A_43 : i32
      %mul3A_190 = arith.constant 12000 : i32
      %mul3A_191 = arith.muli %scan3A_186, %mul3A_190 : i32
      %add3A_192 = arith.addi %add3A_189, %mul3A_191 : i32
      "tpu.region"() ({
        %run_scoped3A = tpu.sem_alloc : memref<!tpu.dma_semaphore, #tpu.memory_space<semaphore_mem>>
        %dma_start3A = tpu.memref_slice %arg2[%add3A_192] : memref<11520000xf32, #tpu.memory_space<hbm>> -> memref<12000xf32, #tpu.memory_space<hbm>>
        %dma_start3A_198 = tpu.memref_slice %arg2[%add3A_192] : memref<11520000xf32, #tpu.memory_space<hbm>> -> memref<12000xf32, #tpu.memory_space<hbm>>
        tpu.enqueue_dma source(%dma_start3A_198 : memref<12000xf32, #tpu.memory_space<hbm>>) target(%arg7 : memref<12000xf32, #tpu.memory_space<vmem>>) target_semaphore(%run_scoped3A : memref<!tpu.dma_semaphore, #tpu.memory_space<semaphore_mem>>)
        %dma_wait3A = tpu.memref_slice %arg2[%add3A_192] : memref<11520000xf32, #tpu.memory_space<hbm>> -> memref<12000xf32, #tpu.memory_space<hbm>>
        %dma_wait3A_199 = tpu.memref_slice %arg2[%add3A_192] : memref<11520000xf32, #tpu.memory_space<hbm>> -> memref<12000xf32, #tpu.memory_space<hbm>>
        tpu.wait_dma2 semaphore(%run_scoped3A : memref<!tpu.dma_semaphore, #tpu.memory_space<semaphore_mem>>) src(%dma_wait3A_199 : memref<12000xf32, #tpu.memory_space<hbm>>) dst(%arg7 : memref<12000xf32, #tpu.memory_space<vmem>>)
        tpu.yield
      }) : () -> ()
      %scan3A_193 = arith.constant 0 : i32
      %scan3A_194 = arith.constant 125 : i32
      %scan3A_195 = arith.addi %scan3A_193, %scan3A_194 : i32
      %scan3A_196 = arith.constant 1 : i32
      scf.for %scan3A_198 = %scan3A_193 to %scan3A_195 step %scan3A_196  : i32 {
        %mul3A_199 = arith.constant 6 : i32
        %mul3A_200 = arith.muli %scan3A_198, %mul3A_199 : i32
        %add3A_201 = arith.constant 0 : i32
        %add3A_202 = arith.addi %mul3A_200, %add3A_201 : i32
        %mul3A_203 = arith.constant 16 : i32
        %mul3A_204 = arith.muli %add3A_202, %mul3A_203 : i32
        %get3A_205 = arith.index_cast %mul3A_204 : i32 to index
        %get3A_206 = tpu.vector_load %arg7[%get3A_205] {strides = array<i32>} : memref<12000xf32, #tpu.memory_space<vmem>>, vector<16xf32>,
        %mul3A_207 = arith.constant 12000 : i32
        %mul3A_208 = arith.muli %scan3A_186, %mul3A_207 : i32
        %add3A_209 = arith.addi %mul3A_43, %mul3A_208 : i32
        %add3A_210 = arith.addi %add3A_209, %mul3A_204 : i32
        %bitcast_convert_type3A = tpu.bitcast %get3A_206 : vector<16xf32> -> vector<16xi32>
        %broadcast_in_dim3A_211 = arith.constant 31 : i32
        %broadcast_in_dim3A_212 = vector.broadcast %broadcast_in_dim3A_211 : i32 to vector<16xi32>
        %shift_right_arithmetic3A = arith.shrsi %bitcast_convert_type3A, %broadcast_in_dim3A_212 : vector<16xi32>
        %broadcast_in_dim3A_213 = arith.constant 2147483647 : i32
        %broadcast_in_dim3A_214 = vector.broadcast %broadcast_in_dim3A_213 : i32 to vector<16xi32>
        %and3A_215 = arith.andi %shift_right_arithmetic3A, %broadcast_in_dim3A_214 : vector<16xi32>
        %xor3A_216 = arith.xori %bitcast_convert_type3A, %and3A_215 : vector<16xi32>
        %broadcast_in_dim3A_217 = arith.constant 21 : i32
        %broadcast_in_dim3A_218 = vector.broadcast %broadcast_in_dim3A_217 : i32 to vector<16xi32>
        %shift_right_arithmetic3A_219 = arith.shrsi %xor3A_216, %broadcast_in_dim3A_218 : vector<16xi32>
        %add3A_220 = arith.constant 1024 : i32
        %add3A_221 = vector.broadcast %add3A_220 : i32 to vector<16xi32>
        %add3A_222 = arith.addi %shift_right_arithmetic3A_219, %add3A_221 : vector<16xi32>
        %mul3A_223 = arith.constant 16 : i32
        %mul3A_224 = vector.broadcast %mul3A_223 : i32 to vector<16xi32>
        %mul3A_225 = arith.muli %add3A_222, %mul3A_224 : vector<16xi32>
        %add3A_226 = arith.addi %mul3A_225, %iota3A : vector<16xi32>
        tpu.vector_store_idx %arg8[%add3A_226], %broadcast_in_dim3A_33 {add = true} : memref<32768xi32, #tpu.memory_space<vmem>>[vector<16xi32>], vector<16xi32>,
        %mul3A_227 = arith.constant 6 : i32
        %mul3A_228 = arith.muli %scan3A_198, %mul3A_227 : i32
        %add3A_229 = arith.constant 1 : i32
        %add3A_230 = arith.addi %mul3A_228, %add3A_229 : i32
        %mul3A_231 = arith.constant 16 : i32
        %mul3A_232 = arith.muli %add3A_230, %mul3A_231 : i32
        %get3A_233 = arith.index_cast %mul3A_232 : i32 to index
        %get3A_234 = tpu.vector_load %arg7[%get3A_233] {strides = array<i32>} : memref<12000xf32, #tpu.memory_space<vmem>>, vector<16xf32>,
        %mul3A_235 = arith.constant 12000 : i32
        %mul3A_236 = arith.muli %scan3A_186, %mul3A_235 : i32
        %add3A_237 = arith.addi %mul3A_43, %mul3A_236 : i32
        %add3A_238 = arith.addi %add3A_237, %mul3A_232 : i32
        %bitcast_convert_type3A_239 = tpu.bitcast %get3A_234 : vector<16xf32> -> vector<16xi32>
        %broadcast_in_dim3A_240 = arith.constant 31 : i32
        %broadcast_in_dim3A_241 = vector.broadcast %broadcast_in_dim3A_240 : i32 to vector<16xi32>
        %shift_right_arithmetic3A_242 = arith.shrsi %bitcast_convert_type3A_239, %broadcast_in_dim3A_241 : vector<16xi32>
        %broadcast_in_dim3A_243 = arith.constant 2147483647 : i32
        %broadcast_in_dim3A_244 = vector.broadcast %broadcast_in_dim3A_243 : i32 to vector<16xi32>
        %and3A_245 = arith.andi %shift_right_arithmetic3A_242, %broadcast_in_dim3A_244 : vector<16xi32>
        %xor3A_246 = arith.xori %bitcast_convert_type3A_239, %and3A_245 : vector<16xi32>
        %broadcast_in_dim3A_247 = arith.constant 21 : i32
        %broadcast_in_dim3A_248 = vector.broadcast %broadcast_in_dim3A_247 : i32 to vector<16xi32>
        %shift_right_arithmetic3A_249 = arith.shrsi %xor3A_246, %broadcast_in_dim3A_248 : vector<16xi32>
        %add3A_250 = arith.constant 1024 : i32
        %add3A_251 = vector.broadcast %add3A_250 : i32 to vector<16xi32>
        %add3A_252 = arith.addi %shift_right_arithmetic3A_249, %add3A_251 : vector<16xi32>
        %mul3A_253 = arith.constant 16 : i32
        %mul3A_254 = vector.broadcast %mul3A_253 : i32 to vector<16xi32>
        %mul3A_255 = arith.muli %add3A_252, %mul3A_254 : vector<16xi32>
        %add3A_256 = arith.addi %mul3A_255, %iota3A : vector<16xi32>
        tpu.vector_store_idx %arg8[%add3A_256], %broadcast_in_dim3A_33 {add = true} : memref<32768xi32, #tpu.memory_space<vmem>>[vector<16xi32>], vector<16xi32>,
        %mul3A_257 = arith.constant 6 : i32
        %mul3A_258 = arith.muli %scan3A_198, %mul3A_257 : i32
        %add3A_259 = arith.constant 2 : i32
        %add3A_260 = arith.addi %mul3A_258, %add3A_259 : i32
        %mul3A_261 = arith.constant 16 : i32
        %mul3A_262 = arith.muli %add3A_260, %mul3A_261 : i32
        %get3A_263 = arith.index_cast %mul3A_262 : i32 to index
        %get3A_264 = tpu.vector_load %arg7[%get3A_263] {strides = array<i32>} : memref<12000xf32, #tpu.memory_space<vmem>>, vector<16xf32>,
        %mul3A_265 = arith.constant 12000 : i32
        %mul3A_266 = arith.muli %scan3A_186, %mul3A_265 : i32
        %add3A_267 = arith.addi %mul3A_43, %mul3A_266 : i32
        %add3A_268 = arith.addi %add3A_267, %mul3A_262 : i32
        %bitcast_convert_type3A_269 = tpu.bitcast %get3A_264 : vector<16xf32> -> vector<16xi32>
        %broadcast_in_dim3A_270 = arith.constant 31 : i32
        %broadcast_in_dim3A_271 = vector.broadcast %broadcast_in_dim3A_270 : i32 to vector<16xi32>
        %shift_right_arithmetic3A_272 = arith.shrsi %bitcast_convert_type3A_269, %broadcast_in_dim3A_271 : vector<16xi32>
        %broadcast_in_dim3A_273 = arith.constant 2147483647 : i32
        %broadcast_in_dim3A_274 = vector.broadcast %broadcast_in_dim3A_273 : i32 to vector<16xi32>
        %and3A_275 = arith.andi %shift_right_arithmetic3A_272, %broadcast_in_dim3A_274 : vector<16xi32>
        %xor3A_276 = arith.xori %bitcast_convert_type3A_269, %and3A_275 : vector<16xi32>
        %broadcast_in_dim3A_277 = arith.constant 21 : i32
        %broadcast_in_dim3A_278 = vector.broadcast %broadcast_in_dim3A_277 : i32 to vector<16xi32>
        %shift_right_arithmetic3A_279 = arith.shrsi %xor3A_276, %broadcast_in_dim3A_278 : vector<16xi32>
        %add3A_280 = arith.constant 1024 : i32
        %add3A_281 = vector.broadcast %add3A_280 : i32 to vector<16xi32>
        %add3A_282 = arith.addi %shift_right_arithmetic3A_279, %add3A_281 : vector<16xi32>
        %mul3A_283 = arith.constant 16 : i32
        %mul3A_284 = vector.broadcast %mul3A_283 : i32 to vector<16xi32>
        %mul3A_285 = arith.muli %add3A_282, %mul3A_284 : vector<16xi32>
        %add3A_286 = arith.addi %mul3A_285, %iota3A : vector<16xi32>
        tpu.vector_store_idx %arg8[%add3A_286], %broadcast_in_dim3A_33 {add = true} : memref<32768xi32, #tpu.memory_space<vmem>>[vector<16xi32>], vector<16xi32>,
        %mul3A_287 = arith.constant 6 : i32
        %mul3A_288 = arith.muli %scan3A_198, %mul3A_287 : i32
        %add3A_289 = arith.constant 3 : i32
        %add3A_290 = arith.addi %mul3A_288, %add3A_289 : i32
        %mul3A_291 = arith.constant 16 : i32
        %mul3A_292 = arith.muli %add3A_290, %mul3A_291 : i32
        %get3A_293 = arith.index_cast %mul3A_292 : i32 to index
        %get3A_294 = tpu.vector_load %arg7[%get3A_293] {strides = array<i32>} : memref<12000xf32, #tpu.memory_space<vmem>>, vector<16xf32>,
        %mul3A_295 = arith.constant 12000 : i32
        %mul3A_296 = arith.muli %scan3A_186, %mul3A_295 : i32
        %add3A_297 = arith.addi %mul3A_43, %mul3A_296 : i32
        %add3A_298 = arith.addi %add3A_297, %mul3A_292 : i32
        %bitcast_convert_type3A_299 = tpu.bitcast %get3A_294 : vector<16xf32> -> vector<16xi32>
        %broadcast_in_dim3A_300 = arith.constant 31 : i32
        %broadcast_in_dim3A_301 = vector.broadcast %broadcast_in_dim3A_300 : i32 to vector<16xi32>
        %shift_right_arithmetic3A_302 = arith.shrsi %bitcast_convert_type3A_299, %broadcast_in_dim3A_301 : vector<16xi32>
        %broadcast_in_dim3A_303 = arith.constant 2147483647 : i32
        %broadcast_in_dim3A_304 = vector.broadcast %broadcast_in_dim3A_303 : i32 to vector<16xi32>
        %and3A_305 = arith.andi %shift_right_arithmetic3A_302, %broadcast_in_dim3A_304 : vector<16xi32>
        %xor3A_306 = arith.xori %bitcast_convert_type3A_299, %and3A_305 : vector<16xi32>
        %broadcast_in_dim3A_307 = arith.constant 21 : i32
        %broadcast_in_dim3A_308 = vector.broadcast %broadcast_in_dim3A_307 : i32 to vector<16xi32>
        %shift_right_arithmetic3A_309 = arith.shrsi %xor3A_306, %broadcast_in_dim3A_308 : vector<16xi32>
        %add3A_310 = arith.constant 1024 : i32
        %add3A_311 = vector.broadcast %add3A_310 : i32 to vector<16xi32>
        %add3A_312 = arith.addi %shift_right_arithmetic3A_309, %add3A_311 : vector<16xi32>
        %mul3A_313 = arith.constant 16 : i32
        %mul3A_314 = vector.broadcast %mul3A_313 : i32 to vector<16xi32>
        %mul3A_315 = arith.muli %add3A_312, %mul3A_314 : vector<16xi32>
        %add3A_316 = arith.addi %mul3A_315, %iota3A : vector<16xi32>
        tpu.vector_store_idx %arg8[%add3A_316], %broadcast_in_dim3A_33 {add = true} : memref<32768xi32, #tpu.memory_space<vmem>>[vector<16xi32>], vector<16xi32>,
        %mul3A_317 = arith.constant 6 : i32
        %mul3A_318 = arith.muli %scan3A_198, %mul3A_317 : i32
        %add3A_319 = arith.constant 4 : i32
        %add3A_320 = arith.addi %mul3A_318, %add3A_319 : i32
        %mul3A_321 = arith.constant 16 : i32
        %mul3A_322 = arith.muli %add3A_320, %mul3A_321 : i32
        %get3A_323 = arith.index_cast %mul3A_322 : i32 to index
        %get3A_324 = tpu.vector_load %arg7[%get3A_323] {strides = array<i32>} : memref<12000xf32, #tpu.memory_space<vmem>>, vector<16xf32>,
        %mul3A_325 = arith.constant 12000 : i32
        %mul3A_326 = arith.muli %scan3A_186, %mul3A_325 : i32
        %add3A_327 = arith.addi %mul3A_43, %mul3A_326 : i32
        %add3A_328 = arith.addi %add3A_327, %mul3A_322 : i32
        %bitcast_convert_type3A_329 = tpu.bitcast %get3A_324 : vector<16xf32> -> vector<16xi32>
        %broadcast_in_dim3A_330 = arith.constant 31 : i32
        %broadcast_in_dim3A_331 = vector.broadcast %broadcast_in_dim3A_330 : i32 to vector<16xi32>
        %shift_right_arithmetic3A_332 = arith.shrsi %bitcast_convert_type3A_329, %broadcast_in_dim3A_331 : vector<16xi32>
        %broadcast_in_dim3A_333 = arith.constant 2147483647 : i32
        %broadcast_in_dim3A_334 = vector.broadcast %broadcast_in_dim3A_333 : i32 to vector<16xi32>
        %and3A_335 = arith.andi %shift_right_arithmetic3A_332, %broadcast_in_dim3A_334 : vector<16xi32>
        %xor3A_336 = arith.xori %bitcast_convert_type3A_329, %and3A_335 : vector<16xi32>
        %broadcast_in_dim3A_337 = arith.constant 21 : i32
        %broadcast_in_dim3A_338 = vector.broadcast %broadcast_in_dim3A_337 : i32 to vector<16xi32>
        %shift_right_arithmetic3A_339 = arith.shrsi %xor3A_336, %broadcast_in_dim3A_338 : vector<16xi32>
        %add3A_340 = arith.constant 1024 : i32
        %add3A_341 = vector.broadcast %add3A_340 : i32 to vector<16xi32>
        %add3A_342 = arith.addi %shift_right_arithmetic3A_339, %add3A_341 : vector<16xi32>
        %mul3A_343 = arith.constant 16 : i32
        %mul3A_344 = vector.broadcast %mul3A_343 : i32 to vector<16xi32>
        %mul3A_345 = arith.muli %add3A_342, %mul3A_344 : vector<16xi32>
        %add3A_346 = arith.addi %mul3A_345, %iota3A : vector<16xi32>
        tpu.vector_store_idx %arg8[%add3A_346], %broadcast_in_dim3A_33 {add = true} : memref<32768xi32, #tpu.memory_space<vmem>>[vector<16xi32>], vector<16xi32>,
        %mul3A_347 = arith.constant 6 : i32
        %mul3A_348 = arith.muli %scan3A_198, %mul3A_347 : i32
        %add3A_349 = arith.constant 5 : i32
        %add3A_350 = arith.addi %mul3A_348, %add3A_349 : i32
        %mul3A_351 = arith.constant 16 : i32
        %mul3A_352 = arith.muli %add3A_350, %mul3A_351 : i32
        %get3A_353 = arith.index_cast %mul3A_352 : i32 to index
        %get3A_354 = tpu.vector_load %arg7[%get3A_353] {strides = array<i32>} : memref<12000xf32, #tpu.memory_space<vmem>>, vector<16xf32>,
        %mul3A_355 = arith.constant 12000 : i32
        %mul3A_356 = arith.muli %scan3A_186, %mul3A_355 : i32
        %add3A_357 = arith.addi %mul3A_43, %mul3A_356 : i32
        %add3A_358 = arith.addi %add3A_357, %mul3A_352 : i32
        %bitcast_convert_type3A_359 = tpu.bitcast %get3A_354 : vector<16xf32> -> vector<16xi32>
        %broadcast_in_dim3A_360 = arith.constant 31 : i32
        %broadcast_in_dim3A_361 = vector.broadcast %broadcast_in_dim3A_360 : i32 to vector<16xi32>
        %shift_right_arithmetic3A_362 = arith.shrsi %bitcast_convert_type3A_359, %broadcast_in_dim3A_361 : vector<16xi32>
        %broadcast_in_dim3A_363 = arith.constant 2147483647 : i32
        %broadcast_in_dim3A_364 = vector.broadcast %broadcast_in_dim3A_363 : i32 to vector<16xi32>
        %and3A_365 = arith.andi %shift_right_arithmetic3A_362, %broadcast_in_dim3A_364 : vector<16xi32>
        %xor3A_366 = arith.xori %bitcast_convert_type3A_359, %and3A_365 : vector<16xi32>
        %broadcast_in_dim3A_367 = arith.constant 21 : i32
        %broadcast_in_dim3A_368 = vector.broadcast %broadcast_in_dim3A_367 : i32 to vector<16xi32>
        %shift_right_arithmetic3A_369 = arith.shrsi %xor3A_366, %broadcast_in_dim3A_368 : vector<16xi32>
        %add3A_370 = arith.constant 1024 : i32
        %add3A_371 = vector.broadcast %add3A_370 : i32 to vector<16xi32>
        %add3A_372 = arith.addi %shift_right_arithmetic3A_369, %add3A_371 : vector<16xi32>
        %mul3A_373 = arith.constant 16 : i32
        %mul3A_374 = vector.broadcast %mul3A_373 : i32 to vector<16xi32>
        %mul3A_375 = arith.muli %add3A_372, %mul3A_374 : vector<16xi32>
        %add3A_376 = arith.addi %mul3A_375, %iota3A : vector<16xi32>
        tpu.vector_store_idx %arg8[%add3A_376], %broadcast_in_dim3A_33 {add = true} : memref<32768xi32, #tpu.memory_space<vmem>>[vector<16xi32>], vector<16xi32>,
      }
      %scan3A_197 = arith.constant 125 : i32
    }
    %scan3A_49 = arith.constant 30 : i32
    %scan3A_50 = arith.constant 0 : i32
    %scan3A_51 = arith.constant 0 : i32
    %scan3A_52 = arith.constant 128 : i32
    %scan3A_53 = arith.addi %scan3A_51, %scan3A_52 : i32
    %scan3A_54 = arith.constant 1 : i32
    %scan3A_55 = scf.for %scan3A_186 = %scan3A_51 to %scan3A_53 step %scan3A_54 iter_args(%scan3A_187 = %scan3A_50) -> (i32)  : i32 {
      %mul3A_188 = arith.constant 256 : i32
      %mul3A_189 = arith.muli %scan3A_186, %mul3A_188 : i32
      %mul3A_190 = arith.constant 16 : i32
      %mul3A_191 = vector.broadcast %mul3A_190 : i32 to vector<16xi32>
      %mul3A_192 = arith.muli %iota3A, %mul3A_191 : vector<16xi32>
      %add3A_193 = vector.broadcast %mul3A_189 : i32 to vector<16xi32>
      %add3A_194 = arith.addi %add3A_193, %mul3A_192 : vector<16xi32>
      %add3A_195 = arith.constant 0 : i32
      %add3A_196 = vector.broadcast %add3A_195 : i32 to vector<16xi32>
      %add3A_197 = arith.addi %add3A_194, %add3A_196 : vector<16xi32>
      %gather3A = tpu.vector_load_idx %arg8[%add3A_197] : memref<32768xi32, #tpu.memory_space<vmem>>[vector<16xi32>], vector<16xi32>,
      %add3A_198 = arith.addi %broadcast_in_dim3A_31, %gather3A : vector<16xi32>
      %mul3A_199 = arith.constant 256 : i32
      %mul3A_200 = arith.muli %scan3A_186, %mul3A_199 : i32
      %mul3A_201 = arith.constant 16 : i32
      %mul3A_202 = vector.broadcast %mul3A_201 : i32 to vector<16xi32>
      %mul3A_203 = arith.muli %iota3A, %mul3A_202 : vector<16xi32>
      %add3A_204 = vector.broadcast %mul3A_200 : i32 to vector<16xi32>
      %add3A_205 = arith.addi %add3A_204, %mul3A_203 : vector<16xi32>
      %add3A_206 = arith.constant 1 : i32
      %add3A_207 = vector.broadcast %add3A_206 : i32 to vector<16xi32>
      %add3A_208 = arith.addi %add3A_205, %add3A_207 : vector<16xi32>
      %gather3A_209 = tpu.vector_load_idx %arg8[%add3A_208] : memref<32768xi32, #tpu.memory_space<vmem>>[vector<16xi32>], vector<16xi32>,
      %add3A_210 = arith.addi %add3A_198, %gather3A_209 : vector<16xi32>
      %mul3A_211 = arith.constant 256 : i32
      %mul3A_212 = arith.muli %scan3A_186, %mul3A_211 : i32
      %mul3A_213 = arith.constant 16 : i32
      %mul3A_214 = vector.broadcast %mul3A_213 : i32 to vector<16xi32>
      %mul3A_215 = arith.muli %iota3A, %mul3A_214 : vector<16xi32>
      %add3A_216 = vector.broadcast %mul3A_212 : i32 to vector<16xi32>
      %add3A_217 = arith.addi %add3A_216, %mul3A_215 : vector<16xi32>
      %add3A_218 = arith.constant 2 : i32
      %add3A_219 = vector.broadcast %add3A_218 : i32 to vector<16xi32>
      %add3A_220 = arith.addi %add3A_217, %add3A_219 : vector<16xi32>
      %gather3A_221 = tpu.vector_load_idx %arg8[%add3A_220] : memref<32768xi32, #tpu.memory_space<vmem>>[vector<16xi32>], vector<16xi32>,
      %add3A_222 = arith.addi %add3A_210, %gather3A_221 : vector<16xi32>
      %mul3A_223 = arith.constant 256 : i32
      %mul3A_224 = arith.muli %scan3A_186, %mul3A_223 : i32
      %mul3A_225 = arith.constant 16 : i32
      %mul3A_226 = vector.broadcast %mul3A_225 : i32 to vector<16xi32>
      %mul3A_227 = arith.muli %iota3A, %mul3A_226 : vector<16xi32>
      %add3A_228 = vector.broadcast %mul3A_224 : i32 to vector<16xi32>
      %add3A_229 = arith.addi %add3A_228, %mul3A_227 : vector<16xi32>
      %add3A_230 = arith.constant 3 : i32
      %add3A_231 = vector.broadcast %add3A_230 : i32 to vector<16xi32>
      %add3A_232 = arith.addi %add3A_229, %add3A_231 : vector<16xi32>
      %gather3A_233 = tpu.vector_load_idx %arg8[%add3A_232] : memref<32768xi32, #tpu.memory_space<vmem>>[vector<16xi32>], vector<16xi32>,
      %add3A_234 = arith.addi %add3A_222, %gather3A_233 : vector<16xi32>
      %mul3A_235 = arith.constant 256 : i32
      %mul3A_236 = arith.muli %scan3A_186, %mul3A_235 : i32
      %mul3A_237 = arith.constant 16 : i32
      %mul3A_238 = vector.broadcast %mul3A_237 : i32 to vector<16xi32>
      %mul3A_239 = arith.muli %iota3A, %mul3A_238 : vector<16xi32>
      %add3A_240 = vector.broadcast %mul3A_236 : i32 to vector<16xi32>
      %add3A_241 = arith.addi %add3A_240, %mul3A_239 : vector<16xi32>
      %add3A_242 = arith.constant 4 : i32
      %add3A_243 = vector.broadcast %add3A_242 : i32 to vector<16xi32>
      %add3A_244 = arith.addi %add3A_241, %add3A_243 : vector<16xi32>
      %gather3A_245 = tpu.vector_load_idx %arg8[%add3A_244] : memref<32768xi32, #tpu.memory_space<vmem>>[vector<16xi32>], vector<16xi32>,
      %add3A_246 = arith.addi %add3A_234, %gather3A_245 : vector<16xi32>
      %mul3A_247 = arith.constant 256 : i32
      %mul3A_248 = arith.muli %scan3A_186, %mul3A_247 : i32
      %mul3A_249 = arith.constant 16 : i32
      %mul3A_250 = vector.broadcast %mul3A_249 : i32 to vector<16xi32>
      %mul3A_251 = arith.muli %iota3A, %mul3A_250 : vector<16xi32>
      %add3A_252 = vector.broadcast %mul3A_248 : i32 to vector<16xi32>
      %add3A_253 = arith.addi %add3A_252, %mul3A_251 : vector<16xi32>
      %add3A_254 = arith.constant 5 : i32
      %add3A_255 = vector.broadcast %add3A_254 : i32 to vector<16xi32>
      %add3A_256 = arith.addi %add3A_253, %add3A_255 : vector<16xi32>
      %gather3A_257 = tpu.vector_load_idx %arg8[%add3A_256] : memref<32768xi32, #tpu.memory_space<vmem>>[vector<16xi32>], vector<16xi32>,
      %add3A_258 = arith.addi %add3A_246, %gather3A_257 : vector<16xi32>
      %mul3A_259 = arith.constant 256 : i32
      %mul3A_260 = arith.muli %scan3A_186, %mul3A_259 : i32
      %mul3A_261 = arith.constant 16 : i32
      %mul3A_262 = vector.broadcast %mul3A_261 : i32 to vector<16xi32>
      %mul3A_263 = arith.muli %iota3A, %mul3A_262 : vector<16xi32>
      %add3A_264 = vector.broadcast %mul3A_260 : i32 to vector<16xi32>
      %add3A_265 = arith.addi %add3A_264, %mul3A_263 : vector<16xi32>
      %add3A_266 = arith.constant 6 : i32
      %add3A_267 = vector.broadcast %add3A_266 : i32 to vector<16xi32>
      %add3A_268 = arith.addi %add3A_265, %add3A_267 : vector<16xi32>
      %gather3A_269 = tpu.vector_load_idx %arg8[%add3A_268] : memref<32768xi32, #tpu.memory_space<vmem>>[vector<16xi32>], vector<16xi32>,
      %add3A_270 = arith.addi %add3A_258, %gather3A_269 : vector<16xi32>
      %mul3A_271 = arith.constant 256 : i32
      %mul3A_272 = arith.muli %scan3A_186, %mul3A_271 : i32
      %mul3A_273 = arith.constant 16 : i32
      %mul3A_274 = vector.broadcast %mul3A_273 : i32 to vector<16xi32>
      %mul3A_275 = arith.muli %iota3A, %mul3A_274 : vector<16xi32>
      %add3A_276 = vector.broadcast %mul3A_272 : i32 to vector<16xi32>
      %add3A_277 = arith.addi %add3A_276, %mul3A_275 : vector<16xi32>
      %add3A_278 = arith.constant 7 : i32
      %add3A_279 = vector.broadcast %add3A_278 : i32 to vector<16xi32>
      %add3A_280 = arith.addi %add3A_277, %add3A_279 : vector<16xi32>
      %gather3A_281 = tpu.vector_load_idx %arg8[%add3A_280] : memref<32768xi32, #tpu.memory_space<vmem>>[vector<16xi32>], vector<16xi32>,
      %add3A_282 = arith.addi %add3A_270, %gather3A_281 : vector<16xi32>
      %mul3A_283 = arith.constant 256 : i32
      %mul3A_284 = arith.muli %scan3A_186, %mul3A_283 : i32
      %mul3A_285 = arith.constant 16 : i32
      %mul3A_286 = vector.broadcast %mul3A_285 : i32 to vector<16xi32>
      %mul3A_287 = arith.muli %iota3A, %mul3A_286 : vector<16xi32>
      %add3A_288 = vector.broadcast %mul3A_284 : i32 to vector<16xi32>
      %add3A_289 = arith.addi %add3A_288, %mul3A_287 : vector<16xi32>
      %add3A_290 = arith.constant 8 : i32
      %add3A_291 = vector.broadcast %add3A_290 : i32 to vector<16xi32>
      %add3A_292 = arith.addi %add3A_289, %add3A_291 : vector<16xi32>
      %gather3A_293 = tpu.vector_load_idx %arg8[%add3A_292] : memref<32768xi32, #tpu.memory_space<vmem>>[vector<16xi32>], vector<16xi32>,
      %add3A_294 = arith.addi %add3A_282, %gather3A_293 : vector<16xi32>
      %mul3A_295 = arith.constant 256 : i32
      %mul3A_296 = arith.muli %scan3A_186, %mul3A_295 : i32
      %mul3A_297 = arith.constant 16 : i32
      %mul3A_298 = vector.broadcast %mul3A_297 : i32 to vector<16xi32>
      %mul3A_299 = arith.muli %iota3A, %mul3A_298 : vector<16xi32>
      %add3A_300 = vector.broadcast %mul3A_296 : i32 to vector<16xi32>
      %add3A_301 = arith.addi %add3A_300, %mul3A_299 : vector<16xi32>
      %add3A_302 = arith.constant 9 : i32
      %add3A_303 = vector.broadcast %add3A_302 : i32 to vector<16xi32>
      %add3A_304 = arith.addi %add3A_301, %add3A_303 : vector<16xi32>
      %gather3A_305 = tpu.vector_load_idx %arg8[%add3A_304] : memref<32768xi32, #tpu.memory_space<vmem>>[vector<16xi32>], vector<16xi32>,
      %add3A_306 = arith.addi %add3A_294, %gather3A_305 : vector<16xi32>
      %mul3A_307 = arith.constant 256 : i32
      %mul3A_308 = arith.muli %scan3A_186, %mul3A_307 : i32
      %mul3A_309 = arith.constant 16 : i32
      %mul3A_310 = vector.broadcast %mul3A_309 : i32 to vector<16xi32>
      %mul3A_311 = arith.muli %iota3A, %mul3A_310 : vector<16xi32>
      %add3A_312 = vector.broadcast %mul3A_308 : i32 to vector<16xi32>
      %add3A_313 = arith.addi %add3A_312, %mul3A_311 : vector<16xi32>
      %add3A_314 = arith.constant 10 : i32
      %add3A_315 = vector.broadcast %add3A_314 : i32 to vector<16xi32>
      %add3A_316 = arith.addi %add3A_313, %add3A_315 : vector<16xi32>
      %gather3A_317 = tpu.vector_load_idx %arg8[%add3A_316] : memref<32768xi32, #tpu.memory_space<vmem>>[vector<16xi32>], vector<16xi32>,
      %add3A_318 = arith.addi %add3A_306, %gather3A_317 : vector<16xi32>
      %mul3A_319 = arith.constant 256 : i32
      %mul3A_320 = arith.muli %scan3A_186, %mul3A_319 : i32
      %mul3A_321 = arith.constant 16 : i32
      %mul3A_322 = vector.broadcast %mul3A_321 : i32 to vector<16xi32>
      %mul3A_323 = arith.muli %iota3A, %mul3A_322 : vector<16xi32>
      %add3A_324 = vector.broadcast %mul3A_320 : i32 to vector<16xi32>
      %add3A_325 = arith.addi %add3A_324, %mul3A_323 : vector<16xi32>
      %add3A_326 = arith.constant 11 : i32
      %add3A_327 = vector.broadcast %add3A_326 : i32 to vector<16xi32>
      %add3A_328 = arith.addi %add3A_325, %add3A_327 : vector<16xi32>
      %gather3A_329 = tpu.vector_load_idx %arg8[%add3A_328] : memref<32768xi32, #tpu.memory_space<vmem>>[vector<16xi32>], vector<16xi32>,
      %add3A_330 = arith.addi %add3A_318, %gather3A_329 : vector<16xi32>
      %mul3A_331 = arith.constant 256 : i32
      %mul3A_332 = arith.muli %scan3A_186, %mul3A_331 : i32
      %mul3A_333 = arith.constant 16 : i32
      %mul3A_334 = vector.broadcast %mul3A_333 : i32 to vector<16xi32>
      %mul3A_335 = arith.muli %iota3A, %mul3A_334 : vector<16xi32>
      %add3A_336 = vector.broadcast %mul3A_332 : i32 to vector<16xi32>
      %add3A_337 = arith.addi %add3A_336, %mul3A_335 : vector<16xi32>
      %add3A_338 = arith.constant 12 : i32
      %add3A_339 = vector.broadcast %add3A_338 : i32 to vector<16xi32>
      %add3A_340 = arith.addi %add3A_337, %add3A_339 : vector<16xi32>
      %gather3A_341 = tpu.vector_load_idx %arg8[%add3A_340] : memref<32768xi32, #tpu.memory_space<vmem>>[vector<16xi32>], vector<16xi32>,
      %add3A_342 = arith.addi %add3A_330, %gather3A_341 : vector<16xi32>
      %mul3A_343 = arith.constant 256 : i32
      %mul3A_344 = arith.muli %scan3A_186, %mul3A_343 : i32
      %mul3A_345 = arith.constant 16 : i32
      %mul3A_346 = vector.broadcast %mul3A_345 : i32 to vector<16xi32>
      %mul3A_347 = arith.muli %iota3A, %mul3A_346 : vector<16xi32>
      %add3A_348 = vector.broadcast %mul3A_344 : i32 to vector<16xi32>
      %add3A_349 = arith.addi %add3A_348, %mul3A_347 : vector<16xi32>
      %add3A_350 = arith.constant 13 : i32
      %add3A_351 = vector.broadcast %add3A_350 : i32 to vector<16xi32>
      %add3A_352 = arith.addi %add3A_349, %add3A_351 : vector<16xi32>
      %gather3A_353 = tpu.vector_load_idx %arg8[%add3A_352] : memref<32768xi32, #tpu.memory_space<vmem>>[vector<16xi32>], vector<16xi32>,
      %add3A_354 = arith.addi %add3A_342, %gather3A_353 : vector<16xi32>
      %mul3A_355 = arith.constant 256 : i32
      %mul3A_356 = arith.muli %scan3A_186, %mul3A_355 : i32
      %mul3A_357 = arith.constant 16 : i32
      %mul3A_358 = vector.broadcast %mul3A_357 : i32 to vector<16xi32>
      %mul3A_359 = arith.muli %iota3A, %mul3A_358 : vector<16xi32>
      %add3A_360 = vector.broadcast %mul3A_356 : i32 to vector<16xi32>
      %add3A_361 = arith.addi %add3A_360, %mul3A_359 : vector<16xi32>
      %add3A_362 = arith.constant 14 : i32
      %add3A_363 = vector.broadcast %add3A_362 : i32 to vector<16xi32>
      %add3A_364 = arith.addi %add3A_361, %add3A_363 : vector<16xi32>
      %gather3A_365 = tpu.vector_load_idx %arg8[%add3A_364] : memref<32768xi32, #tpu.memory_space<vmem>>[vector<16xi32>], vector<16xi32>,
      %add3A_366 = arith.addi %add3A_354, %gather3A_365 : vector<16xi32>
      %mul3A_367 = arith.constant 256 : i32
      %mul3A_368 = arith.muli %scan3A_186, %mul3A_367 : i32
      %mul3A_369 = arith.constant 16 : i32
      %mul3A_370 = vector.broadcast %mul3A_369 : i32 to vector<16xi32>
      %mul3A_371 = arith.muli %iota3A, %mul3A_370 : vector<16xi32>
      %add3A_372 = vector.broadcast %mul3A_368 : i32 to vector<16xi32>
      %add3A_373 = arith.addi %add3A_372, %mul3A_371 : vector<16xi32>
      %add3A_374 = arith.constant 15 : i32
      %add3A_375 = vector.broadcast %add3A_374 : i32 to vector<16xi32>
      %add3A_376 = arith.addi %add3A_373, %add3A_375 : vector<16xi32>
      %gather3A_377 = tpu.vector_load_idx %arg8[%add3A_376] : memref<32768xi32, #tpu.memory_space<vmem>>[vector<16xi32>], vector<16xi32>,
      %add3A_378 = arith.addi %add3A_366, %gather3A_377 : vector<16xi32>
      %mul3A_379 = arith.constant 16 : i32
      %mul3A_380 = arith.muli %scan3A_186, %mul3A_379 : i32
      %swap3A_381 = arith.index_cast %mul3A_380 : i32 to index
      %swap3A_382 = tpu.vector_load %arg9[%swap3A_381] {strides = array<i32>} : memref<2048xi32, #tpu.memory_space<vmem>>, vector<16xi32>,
      tpu.vector_store %arg9[%swap3A_381], %add3A_378 {strides = array<i32>} : memref<2048xi32, #tpu.memory_space<vmem>>, vector<16xi32>,
      %scan3A_383 = arith.constant 0 : i32
      scf.yield %scan3A_383 : i32
    }
    %scan3A_56 = arith.constant 128 : i32
    "tpu.region"() ({
      %run_scoped3A = tpu.sem_alloc : memref<!tpu.dma_semaphore, #tpu.memory_space<semaphore_mem>>
      %dma_start3A = arith.constant 0 : i32
      %dma_start3A_186 = tpu.memref_slice %arg26[%arg1, %dma_start3A] : memref<16x2048xi32, #tpu.memory_space<vmem_shared>> -> memref<1x2048xi32, #tpu.memory_space<vmem_shared>>
      %dma_start3A_187 = tpu.memref_squeeze %dma_start3A_186 : memref<1x2048xi32, #tpu.memory_space<vmem_shared>> -> memref<2048xi32, #tpu.memory_space<vmem_shared>>
      %dma_start3A_188 = arith.constant 0 : i32
      %dma_start3A_189 = tpu.memref_slice %arg26[%arg1, %dma_start3A_188] : memref<16x2048xi32, #tpu.memory_space<vmem_shared>> -> memref<1x2048xi32, #tpu.memory_space<vmem_shared>>
      %dma_start3A_190 = tpu.memref_squeeze %dma_start3A_189 : memref<1x2048xi32, #tpu.memory_space<vmem_shared>> -> memref<2048xi32, #tpu.memory_space<vmem_shared>>
      tpu.enqueue_dma source(%arg9 : memref<2048xi32, #tpu.memory_space<vmem>>) target(%dma_start3A_190 : memref<2048xi32, #tpu.memory_space<vmem_shared>>) target_semaphore(%run_scoped3A : memref<!tpu.dma_semaphore, #tpu.memory_space<semaphore_mem>>)
      %dma_wait3A = arith.constant 0 : i32
      %dma_wait3A_191 = tpu.memref_slice %arg26[%arg1, %dma_wait3A] : memref<16x2048xi32, #tpu.memory_space<vmem_shared>> -> memref<1x2048xi32, #tpu.memory_space<vmem_shared>>
      %dma_wait3A_192 = tpu.memref_squeeze %dma_wait3A_191 : memref<1x2048xi32, #tpu.memory_space<vmem_shared>> -> memref<2048xi32, #tpu.memory_space<vmem_shared>>
      %dma_wait3A_193 = arith.constant 0 : i32
      %dma_wait3A_194 = tpu.memref_slice %arg26[%arg1, %dma_wait3A_193] : memref<16x2048xi32, #tpu.memory_space<vmem_shared>> -> memref<1x2048xi32, #tpu.memory_space<vmem_shared>>
      %dma_wait3A_195 = tpu.memref_squeeze %dma_wait3A_194 : memref<1x2048xi32, #tpu.memory_space<vmem_shared>> -> memref<2048xi32, #tpu.memory_space<vmem_shared>>
      tpu.wait_dma2 semaphore(%run_scoped3A : memref<!tpu.dma_semaphore, #tpu.memory_space<semaphore_mem>>) src(%arg9 : memref<2048xi32, #tpu.memory_space<vmem>>) dst(%dma_wait3A_195 : memref<2048xi32, #tpu.memory_space<vmem_shared>>)
      tpu.yield
    }) : () -> ()
    %barrier3A = arith.constant 0 : index
    tpu.barrier barrier_id(%barrier3A)
    %xor3A = arith.constant 1 : i32
    %xor3A_57 = arith.xori %arg1, %xor3A : i32
    "tpu.region"() ({
      %run_scoped3A = tpu.sem_alloc : memref<!tpu.dma_semaphore, #tpu.memory_space<semaphore_mem>>
      %dma_start3A = arith.constant 0 : i32
      %dma_start3A_186 = tpu.memref_slice %arg26[%xor3A_57, %dma_start3A] : memref<16x2048xi32, #tpu.memory_space<vmem_shared>> -> memref<1x2048xi32, #tpu.memory_space<vmem_shared>>
      %dma_start3A_187 = tpu.memref_squeeze %dma_start3A_186 : memref<1x2048xi32, #tpu.memory_space<vmem_shared>> -> memref<2048xi32, #tpu.memory_space<vmem_shared>>
      %dma_start3A_188 = arith.constant 0 : i32
      %dma_start3A_189 = tpu.memref_slice %arg26[%xor3A_57, %dma_start3A_188] : memref<16x2048xi32, #tpu.memory_space<vmem_shared>> -> memref<1x2048xi32, #tpu.memory_space<vmem_shared>>
      %dma_start3A_190 = tpu.memref_squeeze %dma_start3A_189 : memref<1x2048xi32, #tpu.memory_space<vmem_shared>> -> memref<2048xi32, #tpu.memory_space<vmem_shared>>
      tpu.enqueue_dma source(%dma_start3A_190 : memref<2048xi32, #tpu.memory_space<vmem_shared>>) target(%arg10 : memref<2048xi32, #tpu.memory_space<vmem>>) target_semaphore(%run_scoped3A : memref<!tpu.dma_semaphore, #tpu.memory_space<semaphore_mem>>)
      %dma_wait3A = arith.constant 0 : i32
      %dma_wait3A_191 = tpu.memref_slice %arg26[%xor3A_57, %dma_wait3A] : memref<16x2048xi32, #tpu.memory_space<vmem_shared>> -> memref<1x2048xi32, #tpu.memory_space<vmem_shared>>
      %dma_wait3A_192 = tpu.memref_squeeze %dma_wait3A_191 : memref<1x2048xi32, #tpu.memory_space<vmem_shared>> -> memref<2048xi32, #tpu.memory_space<vmem_shared>>
      %dma_wait3A_193 = arith.constant 0 : i32
      %dma_wait3A_194 = tpu.memref_slice %arg26[%xor3A_57, %dma_wait3A_193] : memref<16x2048xi32, #tpu.memory_space<vmem_shared>> -> memref<1x2048xi32, #tpu.memory_space<vmem_shared>>
      %dma_wait3A_195 = tpu.memref_squeeze %dma_wait3A_194 : memref<1x2048xi32, #tpu.memory_space<vmem_shared>> -> memref<2048xi32, #tpu.memory_space<vmem_shared>>
      tpu.wait_dma2 semaphore(%run_scoped3A : memref<!tpu.dma_semaphore, #tpu.memory_space<semaphore_mem>>) src(%dma_wait3A_195 : memref<2048xi32, #tpu.memory_space<vmem_shared>>) dst(%arg10 : memref<2048xi32, #tpu.memory_space<vmem>>)
      tpu.yield
    }) : () -> ()
    %scan3A_58 = arith.constant 0 : i32
    %scan3A_59 = arith.constant 0 : i32
    %scan3A_60 = arith.constant 32 : i32
    %scan3A_61 = arith.addi %scan3A_59, %scan3A_60 : i32
    %scan3A_62 = arith.constant 1 : i32
    %scan3A_63 = scf.for %scan3A_186 = %scan3A_59 to %scan3A_61 step %scan3A_62 iter_args(%scan3A_187 = %scan3A_58) -> (i32)  : i32 {
      %mul3A_188 = arith.constant 4 : i32
      %mul3A_189 = arith.muli %scan3A_186, %mul3A_188 : i32
      %add3A_190 = arith.constant 0 : i32
      %add3A_191 = arith.addi %mul3A_189, %add3A_190 : i32
      %mul3A_192 = arith.constant 16 : i32
      %mul3A_193 = arith.muli %add3A_191, %mul3A_192 : i32
      %get3A_194 = arith.index_cast %mul3A_193 : i32 to index
      %get3A_195 = tpu.vector_load %arg9[%get3A_194] {strides = array<i32>} : memref<2048xi32, #tpu.memory_space<vmem>>, vector<16xi32>,
      %get3A_196 = arith.index_cast %mul3A_193 : i32 to index
      %get3A_197 = tpu.vector_load %arg10[%get3A_196] {strides = array<i32>} : memref<2048xi32, #tpu.memory_space<vmem>>, vector<16xi32>,
      %add3A_198 = arith.addi %get3A_195, %get3A_197 : vector<16xi32>
      %swap3A_199 = arith.index_cast %mul3A_193 : i32 to index
      %swap3A_200 = tpu.vector_load %arg9[%swap3A_199] {strides = array<i32>} : memref<2048xi32, #tpu.memory_space<vmem>>, vector<16xi32>,
      tpu.vector_store %arg9[%swap3A_199], %add3A_198 {strides = array<i32>} : memref<2048xi32, #tpu.memory_space<vmem>>, vector<16xi32>,
      %mul3A_201 = arith.constant 4 : i32
      %mul3A_202 = arith.muli %scan3A_186, %mul3A_201 : i32
      %add3A_203 = arith.constant 1 : i32
      %add3A_204 = arith.addi %mul3A_202, %add3A_203 : i32
      %mul3A_205 = arith.constant 16 : i32
      %mul3A_206 = arith.muli %add3A_204, %mul3A_205 : i32
      %get3A_207 = arith.index_cast %mul3A_206 : i32 to index
      %get3A_208 = tpu.vector_load %arg9[%get3A_207] {strides = array<i32>} : memref<2048xi32, #tpu.memory_space<vmem>>, vector<16xi32>,
      %get3A_209 = arith.index_cast %mul3A_206 : i32 to index
      %get3A_210 = tpu.vector_load %arg10[%get3A_209] {strides = array<i32>} : memref<2048xi32, #tpu.memory_space<vmem>>, vector<16xi32>,
      %add3A_211 = arith.addi %get3A_208, %get3A_210 : vector<16xi32>
      %swap3A_212 = arith.index_cast %mul3A_206 : i32 to index
      %swap3A_213 = tpu.vector_load %arg9[%swap3A_212] {strides = array<i32>} : memref<2048xi32, #tpu.memory_space<vmem>>, vector<16xi32>,
      tpu.vector_store %arg9[%swap3A_212], %add3A_211 {strides = array<i32>} : memref<2048xi32, #tpu.memory_space<vmem>>, vector<16xi32>,
      %mul3A_214 = arith.constant 4 : i32
      %mul3A_215 = arith.muli %scan3A_186, %mul3A_214 : i32
      %add3A_216 = arith.constant 2 : i32
      %add3A_217 = arith.addi %mul3A_215, %add3A_216 : i32
      %mul3A_218 = arith.constant 16 : i32
      %mul3A_219 = arith.muli %add3A_217, %mul3A_218 : i32
      %get3A_220 = arith.index_cast %mul3A_219 : i32 to index
      %get3A_221 = tpu.vector_load %arg9[%get3A_220] {strides = array<i32>} : memref<2048xi32, #tpu.memory_space<vmem>>, vector<16xi32>,
      %get3A_222 = arith.index_cast %mul3A_219 : i32 to index
      %get3A_223 = tpu.vector_load %arg10[%get3A_222] {strides = array<i32>} : memref<2048xi32, #tpu.memory_space<vmem>>, vector<16xi32>,
      %add3A_224 = arith.addi %get3A_221, %get3A_223 : vector<16xi32>
      %swap3A_225 = arith.index_cast %mul3A_219 : i32 to index
      %swap3A_226 = tpu.vector_load %arg9[%swap3A_225] {strides = array<i32>} : memref<2048xi32, #tpu.memory_space<vmem>>, vector<16xi32>,
      tpu.vector_store %arg9[%swap3A_225], %add3A_224 {strides = array<i32>} : memref<2048xi32, #tpu.memory_space<vmem>>, vector<16xi32>,
      %mul3A_227 = arith.constant 4 : i32
      %mul3A_228 = arith.muli %scan3A_186, %mul3A_227 : i32
      %add3A_229 = arith.constant 3 : i32
      %add3A_230 = arith.addi %mul3A_228, %add3A_229 : i32
      %mul3A_231 = arith.constant 16 : i32
      %mul3A_232 = arith.muli %add3A_230, %mul3A_231 : i32
      %get3A_233 = arith.index_cast %mul3A_232 : i32 to index
      %get3A_234 = tpu.vector_load %arg9[%get3A_233] {strides = array<i32>} : memref<2048xi32, #tpu.memory_space<vmem>>, vector<16xi32>,
      %get3A_235 = arith.index_cast %mul3A_232 : i32 to index
      %get3A_236 = tpu.vector_load %arg10[%get3A_235] {strides = array<i32>} : memref<2048xi32, #tpu.memory_space<vmem>>, vector<16xi32>,
      %add3A_237 = arith.addi %get3A_234, %get3A_236 : vector<16xi32>
      %swap3A_238 = arith.index_cast %mul3A_232 : i32 to index
      %swap3A_239 = tpu.vector_load %arg9[%swap3A_238] {strides = array<i32>} : memref<2048xi32, #tpu.memory_space<vmem>>, vector<16xi32>,
      tpu.vector_store %arg9[%swap3A_238], %add3A_237 {strides = array<i32>} : memref<2048xi32, #tpu.memory_space<vmem>>, vector<16xi32>,
      %scan3A_240 = arith.constant 0 : i32
      scf.yield %scan3A_240 : i32
    }
    %scan3A_64 = arith.constant 32 : i32
    %scan3A_65 = arith.constant 0 : i32
    %scan3A_66 = arith.constant 128 : i32
    %scan3A_67 = arith.addi %scan3A_65, %scan3A_66 : i32
    %scan3A_68 = arith.constant 1 : i32
    %scan3A_69:5 = scf.for %scan3A_186 = %scan3A_65 to %scan3A_67 step %scan3A_68 iter_args(%scan3A_187 = %broadcast_in_dim3A_31, %scan3A_188 = %broadcast_in_dim3A_31, %scan3A_189 = %broadcast_in_dim3A_31, %scan3A_190 = %broadcast_in_dim3A_31, %scan3A_191 = %broadcast_in_dim3A_31) -> (vector<16xi32>, vector<16xi32>, vector<16xi32>, vector<16xi32>, vector<16xi32>)  : i32 {
      %sub3A_192 = arith.constant 127 : i32
      %sub3A_193 = arith.subi %sub3A_192, %scan3A_186 : i32
      %mul3A_194 = arith.constant 16 : i32
      %mul3A_195 = arith.muli %sub3A_193, %mul3A_194 : i32
      %get3A_196 = arith.index_cast %mul3A_195 : i32 to index
      %get3A_197 = tpu.vector_load %arg9[%get3A_196] {strides = array<i32>} : memref<2048xi32, #tpu.memory_space<vmem>>, vector<16xi32>,
      %rev3A = arith.constant 15 : i32
      %rev3A_198 = vector.broadcast %rev3A : i32 to vector<16xi32>
      %rev3A_199 = tpu.iota {dimensions = array<i32: 0>} : vector<16xi32>
      %rev3A_200 = arith.subi %rev3A_198, %rev3A_199 : vector<16xi32>
      %rev3A_201 = tpu.dynamic_gather %get3A_197[%rev3A_200] in [0] : vector<16xi32>, vector<16xi32> -> vector<16xi32>
      %broadcast_in_dim3A_202 = arith.constant true
      %broadcast_in_dim3A_203 = vector.broadcast %broadcast_in_dim3A_202 : i1 to vector<16xi1>
      %masked_cumsum3A = tpu.scan <sum>, %rev3A_201 masked %broadcast_in_dim3A_203 : vector<16xi32>, vector<16xi1> -> vector<16xi32>
      %add3A_204 = arith.addi %masked_cumsum3A, %scan3A_191 : vector<16xi32>
      %ge3A = arith.cmpi sge, %add3A_204, %broadcast_in_dim3A_35 : vector<16xi32>
      %eq3A_205 = arith.constant 0 : i32
      %eq3A_206 = vector.broadcast %eq3A_205 : i32 to vector<16xi32>
      %eq3A_207 = arith.cmpi eq, %scan3A_187, %eq3A_206 : vector<16xi32>
      %and3A_208 = arith.andi %ge3A, %eq3A_207 : vector<16xi1>
      %all_reduce_population_count3A = tpu.all_reduce %and3A_208 {dim = 0 : i64, kind = #tpu.reduction_kind<sum>} : vector<16xi1> -> vector<16xi32>
      %gt3A_209 = arith.constant 0 : i32
      %gt3A_210 = vector.broadcast %gt3A_209 : i32 to vector<16xi32>
      %gt3A_211 = arith.cmpi sgt, %all_reduce_population_count3A, %gt3A_210 : vector<16xi32>
      %all_reduce_ffs3A = tpu.all_reduce %and3A_208 {dim = 0 : i64, kind = #tpu.reduction_kind<find_first_set>} : vector<16xi1> -> vector<16xi32>
      %jit3A_212 = arith.constant 0 : i32
      %broadcast_in_dim3A_213 = vector.broadcast %jit3A_212 : i32 to vector<16xi32>
      %select_n3A_214 = arith.select %gt3A_211, %all_reduce_ffs3A, %broadcast_in_dim3A_213 : vector<16xi1>, vector<16xi32>
      %lt3A_215 = arith.constant 0 : i32
      %lt3A_216 = vector.broadcast %lt3A_215 : i32 to vector<16xi32>
      %lt3A_217 = arith.cmpi slt, %select_n3A_214, %lt3A_216 : vector<16xi32>
      %add3A_218 = arith.constant 16 : i32
      %add3A_219 = vector.broadcast %add3A_218 : i32 to vector<16xi32>
      %add3A_220 = arith.addi %select_n3A_214, %add3A_219 : vector<16xi32>
      %select_n3A_221 = arith.select %lt3A_217, %add3A_220, %select_n3A_214 : vector<16xi1>, vector<16xi32>
      %broadcast_in_dim3A_222 = vector.shape_cast %select_n3A_221 : vector<16xi32> to vector<16x1xi32>
      %gather3A = vector.shape_cast %broadcast_in_dim3A_222 : vector<16x1xi32> to vector<16xi32>
      %gather3A_223 = tpu.dynamic_gather %add3A_204[%gather3A] in [0] : vector<16xi32>, vector<16xi32> -> vector<16xi32>
      %lt3A_224 = arith.constant 0 : i32
      %lt3A_225 = vector.broadcast %lt3A_224 : i32 to vector<16xi32>
      %lt3A_226 = arith.cmpi slt, %select_n3A_214, %lt3A_225 : vector<16xi32>
      %add3A_227 = arith.constant 16 : i32
      %add3A_228 = vector.broadcast %add3A_227 : i32 to vector<16xi32>
      %add3A_229 = arith.addi %select_n3A_214, %add3A_228 : vector<16xi32>
      %select_n3A_230 = arith.select %lt3A_226, %add3A_229, %select_n3A_214 : vector<16xi1>, vector<16xi32>
      %broadcast_in_dim3A_231 = vector.shape_cast %select_n3A_230 : vector<16xi32> to vector<16x1xi32>
      %gather3A_232 = vector.shape_cast %broadcast_in_dim3A_231 : vector<16x1xi32> to vector<16xi32>
      %gather3A_233 = tpu.dynamic_gather %rev3A_201[%gather3A_232] in [0] : vector<16xi32>, vector<16xi32> -> vector<16xi32>
      %gt3A_234 = arith.constant 0 : i32
      %gt3A_235 = vector.broadcast %gt3A_234 : i32 to vector<16xi32>
      %gt3A_236 = arith.cmpi sgt, %all_reduce_population_count3A, %gt3A_235 : vector<16xi32>
      %mul3A_237 = arith.constant 16 : i32
      %mul3A_238 = arith.muli %sub3A_193, %mul3A_237 : i32
      %add3A_239 = arith.constant 15 : i32
      %add3A_240 = arith.addi %mul3A_238, %add3A_239 : i32
      %sub3A_241 = vector.broadcast %add3A_240 : i32 to vector<16xi32>
      %sub3A_242 = arith.subi %sub3A_241, %select_n3A_214 : vector<16xi32>
      %select_n3A_243 = arith.select %gt3A_236, %sub3A_242, %scan3A_188 : vector<16xi1>, vector<16xi32>
      %select_n3A_244 = arith.select %gt3A_236, %gather3A_223, %scan3A_189 : vector<16xi1>, vector<16xi32>
      %sub3A_245 = arith.subi %gather3A_223, %gather3A_233 : vector<16xi32>
      %select_n3A_246 = arith.select %gt3A_236, %sub3A_245, %scan3A_190 : vector<16xi1>, vector<16xi32>
      %select_n3A_247 = arith.select %gt3A_236, %broadcast_in_dim3A_33, %scan3A_187 : vector<16xi1>, vector<16xi32>
      %broadcast_in_dim3A_248 = arith.constant 15 : i32
      %broadcast_in_dim3A_249 = vector.broadcast %broadcast_in_dim3A_248 : i32 to vector<16xi32>
      %lt3A_250 = arith.constant 0 : i32
      %lt3A_251 = vector.broadcast %lt3A_250 : i32 to vector<16xi32>
      %lt3A_252 = arith.cmpi slt, %broadcast_in_dim3A_249, %lt3A_251 : vector<16xi32>
      %add3A_253 = arith.constant 16 : i32
      %add3A_254 = vector.broadcast %add3A_253 : i32 to vector<16xi32>
      %add3A_255 = arith.addi %broadcast_in_dim3A_249, %add3A_254 : vector<16xi32>
      %select_n3A_256 = arith.select %lt3A_252, %add3A_255, %broadcast_in_dim3A_249 : vector<16xi1>, vector<16xi32>
      %broadcast_in_dim3A_257 = vector.shape_cast %select_n3A_256 : vector<16xi32> to vector<16x1xi32>
      %gather3A_258 = vector.shape_cast %broadcast_in_dim3A_257 : vector<16x1xi32> to vector<16xi32>
      %gather3A_259 = tpu.dynamic_gather %add3A_204[%gather3A_258] in [0] : vector<16xi32>, vector<16xi32> -> vector<16xi32>
      scf.yield %select_n3A_247, %select_n3A_243, %select_n3A_244, %select_n3A_246, %gather3A_259 : vector<16xi32>, vector<16xi32>, vector<16xi32>, vector<16xi32>, vector<16xi32>
    }
    %scan3A_70 = arith.constant 128 : i32
    %sub3A_71 = arith.constant 1024 : i32
    %sub3A_72 = vector.broadcast %sub3A_71 : i32 to vector<16xi32>
    %sub3A_73 = arith.subi %scan3A_69#1, %sub3A_72 : vector<16xi32>
    %broadcast_in_dim3A_74 = arith.constant 21 : i32
    %broadcast_in_dim3A_75 = vector.broadcast %broadcast_in_dim3A_74 : i32 to vector<16xi32>
    %shift_left3A = arith.shli %sub3A_73, %broadcast_in_dim3A_75 : vector<16xi32>
    %sub3A_76 = arith.constant 1 : i32
    %sub3A_77 = vector.broadcast %sub3A_76 : i32 to vector<16xi32>
    %sub3A_78 = arith.subi %shift_left3A, %sub3A_77 : vector<16xi32>
    %swap3A = arith.constant 0 : index
    %swap3A_79 = tpu.vector_load %arg15[%swap3A] {strides = array<i32>} : memref<64xi32, #tpu.memory_space<vmem>>, vector<16xi32>,
    tpu.vector_store %arg15[%swap3A], %sub3A_78 {strides = array<i32>} : memref<64xi32, #tpu.memory_space<vmem>>, vector<16xi32>,
    %sub3A_80 = arith.constant 1 : i32
    %sub3A_81 = vector.broadcast %sub3A_80 : i32 to vector<16xi32>
    %sub3A_82 = arith.subi %shift_left3A, %sub3A_81 : vector<16xi32>
    %swap3A_83 = arith.constant 16 : index
    %swap3A_84 = tpu.vector_load %arg15[%swap3A_83] {strides = array<i32>} : memref<64xi32, #tpu.memory_space<vmem>>, vector<16xi32>,
    tpu.vector_store %arg15[%swap3A_83], %sub3A_82 {strides = array<i32>} : memref<64xi32, #tpu.memory_space<vmem>>, vector<16xi32>,
    %swap3A_85 = arith.constant 32 : index
    %swap3A_86 = tpu.vector_load %arg15[%swap3A_85] {strides = array<i32>} : memref<64xi32, #tpu.memory_space<vmem>>, vector<16xi32>,
    tpu.vector_store %arg15[%swap3A_85], %broadcast_in_dim3A_31 {strides = array<i32>} : memref<64xi32, #tpu.memory_space<vmem>>, vector<16xi32>,
    %reduce_max3A = arith.constant true
    %reduce_max3A_87 = vector.broadcast %reduce_max3A : i1 to vector<16xi1>
    %reduce_max3A_88 = arith.constant -2147483648 : i32
    %reduce_max3A_89 = vector.broadcast %reduce_max3A_88 : i32 to vector<16xi32>
    %reduce_max3A_90 = arith.xori %scan3A_69#2, %reduce_max3A_89 : vector<16xi32>
    %reduce_max3A_91 = tpu.scan <max>, %reduce_max3A_90 masked %reduce_max3A_87 : vector<16xi32>, vector<16xi1> -> vector<16xi32>
    %reduce_max3A_92 = arith.xori %reduce_max3A_91, %reduce_max3A_89 : vector<16xi32>
    %reduce_max3A_93 = vector.extract %reduce_max3A_92[15] : i32 from vector<16xi32>
    %gt3A = arith.constant 2048 : i32
    %gt3A_94 = arith.cmpi sgt, %reduce_max3A_93, %gt3A : i32
    %convert_element_type3A = arith.extui %gt3A_94 : i1 to i32
    %cond3A = arith.constant 0 : i32
    %cond3A_95 = arith.cmpi ne, %convert_element_type3A, %cond3A : i32
    scf.if %cond3A_95 {
      %sub3A_186 = arith.subi %broadcast_in_dim3A_35, %scan3A_69#3 : vector<16xi32>
      %sub3A_187 = arith.constant 1024 : i32
      %sub3A_188 = vector.broadcast %sub3A_187 : i32 to vector<16xi32>
      %sub3A_189 = arith.subi %scan3A_69#1, %sub3A_188 : vector<16xi32>
      %scan3A_190 = arith.constant 0 : i32
      %scan3A_191 = arith.constant 0 : i32
      %scan3A_192 = arith.constant 128 : i32
      %scan3A_193 = arith.addi %scan3A_191, %scan3A_192 : i32
      %scan3A_194 = arith.constant 1 : i32
      %scan3A_195 = scf.for %scan3A_249 = %scan3A_191 to %scan3A_193 step %scan3A_194 iter_args(%scan3A_250 = %scan3A_190) -> (i32)  : i32 {
        %mul3A_251 = arith.constant 16 : i32
        %mul3A_252 = arith.muli %scan3A_249, %mul3A_251 : i32
        %add3A_253 = arith.constant 0 : i32
        %add3A_254 = arith.addi %mul3A_252, %add3A_253 : i32
        %mul3A_255 = arith.constant 16 : i32
        %mul3A_256 = arith.muli %add3A_254, %mul3A_255 : i32
        %swap3A_257 = arith.index_cast %mul3A_256 : i32 to index
        %swap3A_258 = tpu.vector_load %arg8[%swap3A_257] {strides = array<i32>} : memref<32768xi32, #tpu.memory_space<vmem>>, vector<16xi32>,
        tpu.vector_store %arg8[%swap3A_257], %broadcast_in_dim3A_31 {strides = array<i32>} : memref<32768xi32, #tpu.memory_space<vmem>>, vector<16xi32>,
        %mul3A_259 = arith.constant 16 : i32
        %mul3A_260 = arith.muli %scan3A_249, %mul3A_259 : i32
        %add3A_261 = arith.constant 1 : i32
        %add3A_262 = arith.addi %mul3A_260, %add3A_261 : i32
        %mul3A_263 = arith.constant 16 : i32
        %mul3A_264 = arith.muli %add3A_262, %mul3A_263 : i32
        %swap3A_265 = arith.index_cast %mul3A_264 : i32 to index
        %swap3A_266 = tpu.vector_load %arg8[%swap3A_265] {strides = array<i32>} : memref<32768xi32, #tpu.memory_space<vmem>>, vector<16xi32>,
        tpu.vector_store %arg8[%swap3A_265], %broadcast_in_dim3A_31 {strides = array<i32>} : memref<32768xi32, #tpu.memory_space<vmem>>, vector<16xi32>,
        %mul3A_267 = arith.constant 16 : i32
        %mul3A_268 = arith.muli %scan3A_249, %mul3A_267 : i32
        %add3A_269 = arith.constant 2 : i32
        %add3A_270 = arith.addi %mul3A_268, %add3A_269 : i32
        %mul3A_271 = arith.constant 16 : i32
        %mul3A_272 = arith.muli %add3A_270, %mul3A_271 : i32
        %swap3A_273 = arith.index_cast %mul3A_272 : i32 to index
        %swap3A_274 = tpu.vector_load %arg8[%swap3A_273] {strides = array<i32>} : memref<32768xi32, #tpu.memory_space<vmem>>, vector<16xi32>,
        tpu.vector_store %arg8[%swap3A_273], %broadcast_in_dim3A_31 {strides = array<i32>} : memref<32768xi32, #tpu.memory_space<vmem>>, vector<16xi32>,
        %mul3A_275 = arith.constant 16 : i32
        %mul3A_276 = arith.muli %scan3A_249, %mul3A_275 : i32
        %add3A_277 = arith.constant 3 : i32
        %add3A_278 = arith.addi %mul3A_276, %add3A_277 : i32
        %mul3A_279 = arith.constant 16 : i32
        %mul3A_280 = arith.muli %add3A_278, %mul3A_279 : i32
        %swap3A_281 = arith.index_cast %mul3A_280 : i32 to index
        %swap3A_282 = tpu.vector_load %arg8[%swap3A_281] {strides = array<i32>} : memref<32768xi32, #tpu.memory_space<vmem>>, vector<16xi32>,
        tpu.vector_store %arg8[%swap3A_281], %broadcast_in_dim3A_31 {strides = array<i32>} : memref<32768xi32, #tpu.memory_space<vmem>>, vector<16xi32>,
        %mul3A_283 = arith.constant 16 : i32
        %mul3A_284 = arith.muli %scan3A_249, %mul3A_283 : i32
        %add3A_285 = arith.constant 4 : i32
        %add3A_286 = arith.addi %mul3A_284, %add3A_285 : i32
        %mul3A_287 = arith.constant 16 : i32
        %mul3A_288 = arith.muli %add3A_286, %mul3A_287 : i32
        %swap3A_289 = arith.index_cast %mul3A_288 : i32 to index
        %swap3A_290 = tpu.vector_load %arg8[%swap3A_289] {strides = array<i32>} : memref<32768xi32, #tpu.memory_space<vmem>>, vector<16xi32>,
        tpu.vector_store %arg8[%swap3A_289], %broadcast_in_dim3A_31 {strides = array<i32>} : memref<32768xi32, #tpu.memory_space<vmem>>, vector<16xi32>,
        %mul3A_291 = arith.constant 16 : i32
        %mul3A_292 = arith.muli %scan3A_249, %mul3A_291 : i32
        %add3A_293 = arith.constant 5 : i32
        %add3A_294 = arith.addi %mul3A_292, %add3A_293 : i32
        %mul3A_295 = arith.constant 16 : i32
        %mul3A_296 = arith.muli %add3A_294, %mul3A_295 : i32
        %swap3A_297 = arith.index_cast %mul3A_296 : i32 to index
        %swap3A_298 = tpu.vector_load %arg8[%swap3A_297] {strides = array<i32>} : memref<32768xi32, #tpu.memory_space<vmem>>, vector<16xi32>,
        tpu.vector_store %arg8[%swap3A_297], %broadcast_in_dim3A_31 {strides = array<i32>} : memref<32768xi32, #tpu.memory_space<vmem>>, vector<16xi32>,
        %mul3A_299 = arith.constant 16 : i32
        %mul3A_300 = arith.muli %scan3A_249, %mul3A_299 : i32
        %add3A_301 = arith.constant 6 : i32
        %add3A_302 = arith.addi %mul3A_300, %add3A_301 : i32
        %mul3A_303 = arith.constant 16 : i32
        %mul3A_304 = arith.muli %add3A_302, %mul3A_303 : i32
        %swap3A_305 = arith.index_cast %mul3A_304 : i32 to index
        %swap3A_306 = tpu.vector_load %arg8[%swap3A_305] {strides = array<i32>} : memref<32768xi32, #tpu.memory_space<vmem>>, vector<16xi32>,
        tpu.vector_store %arg8[%swap3A_305], %broadcast_in_dim3A_31 {strides = array<i32>} : memref<32768xi32, #tpu.memory_space<vmem>>, vector<16xi32>,
        %mul3A_307 = arith.constant 16 : i32
        %mul3A_308 = arith.muli %scan3A_249, %mul3A_307 : i32
        %add3A_309 = arith.constant 7 : i32
        %add3A_310 = arith.addi %mul3A_308, %add3A_309 : i32
        %mul3A_311 = arith.constant 16 : i32
        %mul3A_312 = arith.muli %add3A_310, %mul3A_311 : i32
        %swap3A_313 = arith.index_cast %mul3A_312 : i32 to index
        %swap3A_314 = tpu.vector_load %arg8[%swap3A_313] {strides = array<i32>} : memref<32768xi32, #tpu.memory_space<vmem>>, vector<16xi32>,
        tpu.vector_store %arg8[%swap3A_313], %broadcast_in_dim3A_31 {strides = array<i32>} : memref<32768xi32, #tpu.memory_space<vmem>>, vector<16xi32>,
        %mul3A_315 = arith.constant 16 : i32
        %mul3A_316 = arith.muli %scan3A_249, %mul3A_315 : i32
        %add3A_317 = arith.constant 8 : i32
        %add3A_318 = arith.addi %mul3A_316, %add3A_317 : i32
        %mul3A_319 = arith.constant 16 : i32
        %mul3A_320 = arith.muli %add3A_318, %mul3A_319 : i32
        %swap3A_321 = arith.index_cast %mul3A_320 : i32 to index
        %swap3A_322 = tpu.vector_load %arg8[%swap3A_321] {strides = array<i32>} : memref<32768xi32, #tpu.memory_space<vmem>>, vector<16xi32>,
        tpu.vector_store %arg8[%swap3A_321], %broadcast_in_dim3A_31 {strides = array<i32>} : memref<32768xi32, #tpu.memory_space<vmem>>, vector<16xi32>,
        %mul3A_323 = arith.constant 16 : i32
        %mul3A_324 = arith.muli %scan3A_249, %mul3A_323 : i32
        %add3A_325 = arith.constant 9 : i32
        %add3A_326 = arith.addi %mul3A_324, %add3A_325 : i32
        %mul3A_327 = arith.constant 16 : i32
        %mul3A_328 = arith.muli %add3A_326, %mul3A_327 : i32
        %swap3A_329 = arith.index_cast %mul3A_328 : i32 to index
        %swap3A_330 = tpu.vector_load %arg8[%swap3A_329] {strides = array<i32>} : memref<32768xi32, #tpu.memory_space<vmem>>, vector<16xi32>,
        tpu.vector_store %arg8[%swap3A_329], %broadcast_in_dim3A_31 {strides = array<i32>} : memref<32768xi32, #tpu.memory_space<vmem>>, vector<16xi32>,
        %mul3A_331 = arith.constant 16 : i32
        %mul3A_332 = arith.muli %scan3A_249, %mul3A_331 : i32
        %add3A_333 = arith.constant 10 : i32
        %add3A_334 = arith.addi %mul3A_332, %add3A_333 : i32
        %mul3A_335 = arith.constant 16 : i32
        %mul3A_336 = arith.muli %add3A_334, %mul3A_335 : i32
        %swap3A_337 = arith.index_cast %mul3A_336 : i32 to index
        %swap3A_338 = tpu.vector_load %arg8[%swap3A_337] {strides = array<i32>} : memref<32768xi32, #tpu.memory_space<vmem>>, vector<16xi32>,
        tpu.vector_store %arg8[%swap3A_337], %broadcast_in_dim3A_31 {strides = array<i32>} : memref<32768xi32, #tpu.memory_space<vmem>>, vector<16xi32>,
        %mul3A_339 = arith.constant 16 : i32
        %mul3A_340 = arith.muli %scan3A_249, %mul3A_339 : i32
        %add3A_341 = arith.constant 11 : i32
        %add3A_342 = arith.addi %mul3A_340, %add3A_341 : i32
        %mul3A_343 = arith.constant 16 : i32
        %mul3A_344 = arith.muli %add3A_342, %mul3A_343 : i32
        %swap3A_345 = arith.index_cast %mul3A_344 : i32 to index
        %swap3A_346 = tpu.vector_load %arg8[%swap3A_345] {strides = array<i32>} : memref<32768xi32, #tpu.memory_space<vmem>>, vector<16xi32>,
        tpu.vector_store %arg8[%swap3A_345], %broadcast_in_dim3A_31 {strides = array<i32>} : memref<32768xi32, #tpu.memory_space<vmem>>, vector<16xi32>,
        %mul3A_347 = arith.constant 16 : i32
        %mul3A_348 = arith.muli %scan3A_249, %mul3A_347 : i32
        %add3A_349 = arith.constant 12 : i32
        %add3A_350 = arith.addi %mul3A_348, %add3A_349 : i32
        %mul3A_351 = arith.constant 16 : i32
        %mul3A_352 = arith.muli %add3A_350, %mul3A_351 : i32
        %swap3A_353 = arith.index_cast %mul3A_352 : i32 to index
        %swap3A_354 = tpu.vector_load %arg8[%swap3A_353] {strides = array<i32>} : memref<32768xi32, #tpu.memory_space<vmem>>, vector<16xi32>,
        tpu.vector_store %arg8[%swap3A_353], %broadcast_in_dim3A_31 {strides = array<i32>} : memref<32768xi32, #tpu.memory_space<vmem>>, vector<16xi32>,
        %mul3A_355 = arith.constant 16 : i32
        %mul3A_356 = arith.muli %scan3A_249, %mul3A_355 : i32
        %add3A_357 = arith.constant 13 : i32
        %add3A_358 = arith.addi %mul3A_356, %add3A_357 : i32
        %mul3A_359 = arith.constant 16 : i32
        %mul3A_360 = arith.muli %add3A_358, %mul3A_359 : i32
        %swap3A_361 = arith.index_cast %mul3A_360 : i32 to index
        %swap3A_362 = tpu.vector_load %arg8[%swap3A_361] {strides = array<i32>} : memref<32768xi32, #tpu.memory_space<vmem>>, vector<16xi32>,
        tpu.vector_store %arg8[%swap3A_361], %broadcast_in_dim3A_31 {strides = array<i32>} : memref<32768xi32, #tpu.memory_space<vmem>>, vector<16xi32>,
        %mul3A_363 = arith.constant 16 : i32
        %mul3A_364 = arith.muli %scan3A_249, %mul3A_363 : i32
        %add3A_365 = arith.constant 14 : i32
        %add3A_366 = arith.addi %mul3A_364, %add3A_365 : i32
        %mul3A_367 = arith.constant 16 : i32
        %mul3A_368 = arith.muli %add3A_366, %mul3A_367 : i32
        %swap3A_369 = arith.index_cast %mul3A_368 : i32 to index
        %swap3A_370 = tpu.vector_load %arg8[%swap3A_369] {strides = array<i32>} : memref<32768xi32, #tpu.memory_space<vmem>>, vector<16xi32>,
        tpu.vector_store %arg8[%swap3A_369], %broadcast_in_dim3A_31 {strides = array<i32>} : memref<32768xi32, #tpu.memory_space<vmem>>, vector<16xi32>,
        %mul3A_371 = arith.constant 16 : i32
        %mul3A_372 = arith.muli %scan3A_249, %mul3A_371 : i32
        %add3A_373 = arith.constant 15 : i32
        %add3A_374 = arith.addi %mul3A_372, %add3A_373 : i32
        %mul3A_375 = arith.constant 16 : i32
        %mul3A_376 = arith.muli %add3A_374, %mul3A_375 : i32
        %swap3A_377 = arith.index_cast %mul3A_376 : i32 to index
        %swap3A_378 = tpu.vector_load %arg8[%swap3A_377] {strides = array<i32>} : memref<32768xi32, #tpu.memory_space<vmem>>, vector<16xi32>,
        tpu.vector_store %arg8[%swap3A_377], %broadcast_in_dim3A_31 {strides = array<i32>} : memref<32768xi32, #tpu.memory_space<vmem>>, vector<16xi32>,
        %scan3A_379 = arith.constant 0 : i32
        scf.yield %scan3A_379 : i32
      }
      %scan3A_196 = arith.constant 128 : i32
      %scan3A_197 = arith.constant 0 : i32
      %scan3A_198 = arith.constant 0 : i32
      %scan3A_199 = arith.constant 60 : i32
      %scan3A_200 = arith.addi %scan3A_198, %scan3A_199 : i32
      %scan3A_201 = arith.constant 1 : i32
      scf.for %scan3A_249 = %scan3A_198 to %scan3A_200 step %scan3A_201  : i32 {
        %mul3A_250 = arith.constant 720000 : i32
        %mul3A_251 = arith.muli %add3A, %mul3A_250 : i32
        %add3A_252 = arith.constant 0 : i32
        %add3A_253 = arith.addi %mul3A_251, %add3A_252 : i32
        %mul3A_254 = arith.constant 12000 : i32
        %mul3A_255 = arith.muli %scan3A_249, %mul3A_254 : i32
        %add3A_256 = arith.addi %add3A_253, %mul3A_255 : i32
        "tpu.region"() ({
          %run_scoped3A = tpu.sem_alloc : memref<!tpu.dma_semaphore, #tpu.memory_space<semaphore_mem>>
          %dma_start3A = tpu.memref_slice %arg2[%add3A_256] : memref<11520000xf32, #tpu.memory_space<hbm>> -> memref<12000xf32, #tpu.memory_space<hbm>>
          %dma_start3A_262 = tpu.memref_slice %arg2[%add3A_256] : memref<11520000xf32, #tpu.memory_space<hbm>> -> memref<12000xf32, #tpu.memory_space<hbm>>
          tpu.enqueue_dma source(%dma_start3A_262 : memref<12000xf32, #tpu.memory_space<hbm>>) target(%arg7 : memref<12000xf32, #tpu.memory_space<vmem>>) target_semaphore(%run_scoped3A : memref<!tpu.dma_semaphore, #tpu.memory_space<semaphore_mem>>)
          %dma_wait3A = tpu.memref_slice %arg2[%add3A_256] : memref<11520000xf32, #tpu.memory_space<hbm>> -> memref<12000xf32, #tpu.memory_space<hbm>>
          %dma_wait3A_263 = tpu.memref_slice %arg2[%add3A_256] : memref<11520000xf32, #tpu.memory_space<hbm>> -> memref<12000xf32, #tpu.memory_space<hbm>>
          tpu.wait_dma2 semaphore(%run_scoped3A : memref<!tpu.dma_semaphore, #tpu.memory_space<semaphore_mem>>) src(%dma_wait3A_263 : memref<12000xf32, #tpu.memory_space<hbm>>) dst(%arg7 : memref<12000xf32, #tpu.memory_space<vmem>>)
          tpu.yield
        }) : () -> ()
        %scan3A_257 = arith.constant 0 : i32
        %scan3A_258 = arith.constant 125 : i32
        %scan3A_259 = arith.addi %scan3A_257, %scan3A_258 : i32
        %scan3A_260 = arith.constant 1 : i32
        scf.for %scan3A_262 = %scan3A_257 to %scan3A_259 step %scan3A_260  : i32 {
          %mul3A_263 = arith.constant 6 : i32
          %mul3A_264 = arith.muli %scan3A_262, %mul3A_263 : i32
          %add3A_265 = arith.constant 0 : i32
          %add3A_266 = arith.addi %mul3A_264, %add3A_265 : i32
          %mul3A_267 = arith.constant 16 : i32
          %mul3A_268 = arith.muli %add3A_266, %mul3A_267 : i32
          %get3A_269 = arith.index_cast %mul3A_268 : i32 to index
          %get3A_270 = tpu.vector_load %arg7[%get3A_269] {strides = array<i32>} : memref<12000xf32, #tpu.memory_space<vmem>>, vector<16xf32>,
          %mul3A_271 = arith.constant 12000 : i32
          %mul3A_272 = arith.muli %scan3A_249, %mul3A_271 : i32
          %add3A_273 = arith.constant 0 : i32
          %add3A_274 = arith.addi %add3A_273, %mul3A_272 : i32
          %add3A_275 = arith.addi %add3A_274, %mul3A_268 : i32
          %bitcast_convert_type3A = tpu.bitcast %get3A_270 : vector<16xf32> -> vector<16xi32>
          %broadcast_in_dim3A_276 = arith.constant 31 : i32
          %broadcast_in_dim3A_277 = vector.broadcast %broadcast_in_dim3A_276 : i32 to vector<16xi32>
          %shift_right_arithmetic3A = arith.shrsi %bitcast_convert_type3A, %broadcast_in_dim3A_277 : vector<16xi32>
          %broadcast_in_dim3A_278 = arith.constant 2147483647 : i32
          %broadcast_in_dim3A_279 = vector.broadcast %broadcast_in_dim3A_278 : i32 to vector<16xi32>
          %and3A_280 = arith.andi %shift_right_arithmetic3A, %broadcast_in_dim3A_279 : vector<16xi32>
          %xor3A_281 = arith.xori %bitcast_convert_type3A, %and3A_280 : vector<16xi32>
          %broadcast_in_dim3A_282 = arith.constant 10 : i32
          %broadcast_in_dim3A_283 = vector.broadcast %broadcast_in_dim3A_282 : i32 to vector<16xi32>
          %shift_right_arithmetic3A_284 = arith.shrsi %xor3A_281, %broadcast_in_dim3A_283 : vector<16xi32>
          %broadcast_in_dim3A_285 = arith.constant 2047 : i32
          %broadcast_in_dim3A_286 = vector.broadcast %broadcast_in_dim3A_285 : i32 to vector<16xi32>
          %and3A_287 = arith.andi %shift_right_arithmetic3A_284, %broadcast_in_dim3A_286 : vector<16xi32>
          %broadcast_in_dim3A_288 = arith.constant 21 : i32
          %broadcast_in_dim3A_289 = vector.broadcast %broadcast_in_dim3A_288 : i32 to vector<16xi32>
          %shift_right_arithmetic3A_290 = arith.shrsi %xor3A_281, %broadcast_in_dim3A_289 : vector<16xi32>
          %eq3A_291 = arith.cmpi eq, %shift_right_arithmetic3A_290, %sub3A_189 : vector<16xi32>
          %mul3A_292 = arith.constant 16 : i32
          %mul3A_293 = vector.broadcast %mul3A_292 : i32 to vector<16xi32>
          %mul3A_294 = arith.muli %and3A_287, %mul3A_293 : vector<16xi32>
          %add3A_295 = arith.addi %mul3A_294, %iota3A : vector<16xi32>
          tpu.vector_store_idx %arg8[%add3A_295], %broadcast_in_dim3A_33 masked %eq3A_291 {add = true} : memref<32768xi32, #tpu.memory_space<vmem>>[vector<16xi32>], vector<16xi32>, vector<16xi1>
          %mul3A_296 = arith.constant 6 : i32
          %mul3A_297 = arith.muli %scan3A_262, %mul3A_296 : i32
          %add3A_298 = arith.constant 1 : i32
          %add3A_299 = arith.addi %mul3A_297, %add3A_298 : i32
          %mul3A_300 = arith.constant 16 : i32
          %mul3A_301 = arith.muli %add3A_299, %mul3A_300 : i32
          %get3A_302 = arith.index_cast %mul3A_301 : i32 to index
          %get3A_303 = tpu.vector_load %arg7[%get3A_302] {strides = array<i32>} : memref<12000xf32, #tpu.memory_space<vmem>>, vector<16xf32>,
          %mul3A_304 = arith.constant 12000 : i32
          %mul3A_305 = arith.muli %scan3A_249, %mul3A_304 : i32
          %add3A_306 = arith.constant 0 : i32
          %add3A_307 = arith.addi %add3A_306, %mul3A_305 : i32
          %add3A_308 = arith.addi %add3A_307, %mul3A_301 : i32
          %bitcast_convert_type3A_309 = tpu.bitcast %get3A_303 : vector<16xf32> -> vector<16xi32>
          %broadcast_in_dim3A_310 = arith.constant 31 : i32
          %broadcast_in_dim3A_311 = vector.broadcast %broadcast_in_dim3A_310 : i32 to vector<16xi32>
          %shift_right_arithmetic3A_312 = arith.shrsi %bitcast_convert_type3A_309, %broadcast_in_dim3A_311 : vector<16xi32>
          %broadcast_in_dim3A_313 = arith.constant 2147483647 : i32
          %broadcast_in_dim3A_314 = vector.broadcast %broadcast_in_dim3A_313 : i32 to vector<16xi32>
          %and3A_315 = arith.andi %shift_right_arithmetic3A_312, %broadcast_in_dim3A_314 : vector<16xi32>
          %xor3A_316 = arith.xori %bitcast_convert_type3A_309, %and3A_315 : vector<16xi32>
          %broadcast_in_dim3A_317 = arith.constant 10 : i32
          %broadcast_in_dim3A_318 = vector.broadcast %broadcast_in_dim3A_317 : i32 to vector<16xi32>
          %shift_right_arithmetic3A_319 = arith.shrsi %xor3A_316, %broadcast_in_dim3A_318 : vector<16xi32>
          %broadcast_in_dim3A_320 = arith.constant 2047 : i32
          %broadcast_in_dim3A_321 = vector.broadcast %broadcast_in_dim3A_320 : i32 to vector<16xi32>
          %and3A_322 = arith.andi %shift_right_arithmetic3A_319, %broadcast_in_dim3A_321 : vector<16xi32>
          %broadcast_in_dim3A_323 = arith.constant 21 : i32
          %broadcast_in_dim3A_324 = vector.broadcast %broadcast_in_dim3A_323 : i32 to vector<16xi32>
          %shift_right_arithmetic3A_325 = arith.shrsi %xor3A_316, %broadcast_in_dim3A_324 : vector<16xi32>
          %eq3A_326 = arith.cmpi eq, %shift_right_arithmetic3A_325, %sub3A_189 : vector<16xi32>
          %mul3A_327 = arith.constant 16 : i32
          %mul3A_328 = vector.broadcast %mul3A_327 : i32 to vector<16xi32>
          %mul3A_329 = arith.muli %and3A_322, %mul3A_328 : vector<16xi32>
          %add3A_330 = arith.addi %mul3A_329, %iota3A : vector<16xi32>
          tpu.vector_store_idx %arg8[%add3A_330], %broadcast_in_dim3A_33 masked %eq3A_326 {add = true} : memref<32768xi32, #tpu.memory_space<vmem>>[vector<16xi32>], vector<16xi32>, vector<16xi1>
          %mul3A_331 = arith.constant 6 : i32
          %mul3A_332 = arith.muli %scan3A_262, %mul3A_331 : i32
          %add3A_333 = arith.constant 2 : i32
          %add3A_334 = arith.addi %mul3A_332, %add3A_333 : i32
          %mul3A_335 = arith.constant 16 : i32
          %mul3A_336 = arith.muli %add3A_334, %mul3A_335 : i32
          %get3A_337 = arith.index_cast %mul3A_336 : i32 to index
          %get3A_338 = tpu.vector_load %arg7[%get3A_337] {strides = array<i32>} : memref<12000xf32, #tpu.memory_space<vmem>>, vector<16xf32>,
          %mul3A_339 = arith.constant 12000 : i32
          %mul3A_340 = arith.muli %scan3A_249, %mul3A_339 : i32
          %add3A_341 = arith.constant 0 : i32
          %add3A_342 = arith.addi %add3A_341, %mul3A_340 : i32
          %add3A_343 = arith.addi %add3A_342, %mul3A_336 : i32
          %bitcast_convert_type3A_344 = tpu.bitcast %get3A_338 : vector<16xf32> -> vector<16xi32>
          %broadcast_in_dim3A_345 = arith.constant 31 : i32
          %broadcast_in_dim3A_346 = vector.broadcast %broadcast_in_dim3A_345 : i32 to vector<16xi32>
          %shift_right_arithmetic3A_347 = arith.shrsi %bitcast_convert_type3A_344, %broadcast_in_dim3A_346 : vector<16xi32>
          %broadcast_in_dim3A_348 = arith.constant 2147483647 : i32
          %broadcast_in_dim3A_349 = vector.broadcast %broadcast_in_dim3A_348 : i32 to vector<16xi32>
          %and3A_350 = arith.andi %shift_right_arithmetic3A_347, %broadcast_in_dim3A_349 : vector<16xi32>
          %xor3A_351 = arith.xori %bitcast_convert_type3A_344, %and3A_350 : vector<16xi32>
          %broadcast_in_dim3A_352 = arith.constant 10 : i32
          %broadcast_in_dim3A_353 = vector.broadcast %broadcast_in_dim3A_352 : i32 to vector<16xi32>
          %shift_right_arithmetic3A_354 = arith.shrsi %xor3A_351, %broadcast_in_dim3A_353 : vector<16xi32>
          %broadcast_in_dim3A_355 = arith.constant 2047 : i32
          %broadcast_in_dim3A_356 = vector.broadcast %broadcast_in_dim3A_355 : i32 to vector<16xi32>
          %and3A_357 = arith.andi %shift_right_arithmetic3A_354, %broadcast_in_dim3A_356 : vector<16xi32>
          %broadcast_in_dim3A_358 = arith.constant 21 : i32
          %broadcast_in_dim3A_359 = vector.broadcast %broadcast_in_dim3A_358 : i32 to vector<16xi32>
          %shift_right_arithmetic3A_360 = arith.shrsi %xor3A_351, %broadcast_in_dim3A_359 : vector<16xi32>
          %eq3A_361 = arith.cmpi eq, %shift_right_arithmetic3A_360, %sub3A_189 : vector<16xi32>
          %mul3A_362 = arith.constant 16 : i32
          %mul3A_363 = vector.broadcast %mul3A_362 : i32 to vector<16xi32>
          %mul3A_364 = arith.muli %and3A_357, %mul3A_363 : vector<16xi32>
          %add3A_365 = arith.addi %mul3A_364, %iota3A : vector<16xi32>
          tpu.vector_store_idx %arg8[%add3A_365], %broadcast_in_dim3A_33 masked %eq3A_361 {add = true} : memref<32768xi32, #tpu.memory_space<vmem>>[vector<16xi32>], vector<16xi32>, vector<16xi1>
          %mul3A_366 = arith.constant 6 : i32
          %mul3A_367 = arith.muli %scan3A_262, %mul3A_366 : i32
          %add3A_368 = arith.constant 3 : i32
          %add3A_369 = arith.addi %mul3A_367, %add3A_368 : i32
          %mul3A_370 = arith.constant 16 : i32
          %mul3A_371 = arith.muli %add3A_369, %mul3A_370 : i32
          %get3A_372 = arith.index_cast %mul3A_371 : i32 to index
          %get3A_373 = tpu.vector_load %arg7[%get3A_372] {strides = array<i32>} : memref<12000xf32, #tpu.memory_space<vmem>>, vector<16xf32>,
          %mul3A_374 = arith.constant 12000 : i32
          %mul3A_375 = arith.muli %scan3A_249, %mul3A_374 : i32
          %add3A_376 = arith.constant 0 : i32
          %add3A_377 = arith.addi %add3A_376, %mul3A_375 : i32
          %add3A_378 = arith.addi %add3A_377, %mul3A_371 : i32
          %bitcast_convert_type3A_379 = tpu.bitcast %get3A_373 : vector<16xf32> -> vector<16xi32>
          %broadcast_in_dim3A_380 = arith.constant 31 : i32
          %broadcast_in_dim3A_381 = vector.broadcast %broadcast_in_dim3A_380 : i32 to vector<16xi32>
          %shift_right_arithmetic3A_382 = arith.shrsi %bitcast_convert_type3A_379, %broadcast_in_dim3A_381 : vector<16xi32>
          %broadcast_in_dim3A_383 = arith.constant 2147483647 : i32
          %broadcast_in_dim3A_384 = vector.broadcast %broadcast_in_dim3A_383 : i32 to vector<16xi32>
          %and3A_385 = arith.andi %shift_right_arithmetic3A_382, %broadcast_in_dim3A_384 : vector<16xi32>
          %xor3A_386 = arith.xori %bitcast_convert_type3A_379, %and3A_385 : vector<16xi32>
          %broadcast_in_dim3A_387 = arith.constant 10 : i32
          %broadcast_in_dim3A_388 = vector.broadcast %broadcast_in_dim3A_387 : i32 to vector<16xi32>
          %shift_right_arithmetic3A_389 = arith.shrsi %xor3A_386, %broadcast_in_dim3A_388 : vector<16xi32>
          %broadcast_in_dim3A_390 = arith.constant 2047 : i32
          %broadcast_in_dim3A_391 = vector.broadcast %broadcast_in_dim3A_390 : i32 to vector<16xi32>
          %and3A_392 = arith.andi %shift_right_arithmetic3A_389, %broadcast_in_dim3A_391 : vector<16xi32>
          %broadcast_in_dim3A_393 = arith.constant 21 : i32
          %broadcast_in_dim3A_394 = vector.broadcast %broadcast_in_dim3A_393 : i32 to vector<16xi32>
          %shift_right_arithmetic3A_395 = arith.shrsi %xor3A_386, %broadcast_in_dim3A_394 : vector<16xi32>
          %eq3A_396 = arith.cmpi eq, %shift_right_arithmetic3A_395, %sub3A_189 : vector<16xi32>
          %mul3A_397 = arith.constant 16 : i32
          %mul3A_398 = vector.broadcast %mul3A_397 : i32 to vector<16xi32>
          %mul3A_399 = arith.muli %and3A_392, %mul3A_398 : vector<16xi32>
          %add3A_400 = arith.addi %mul3A_399, %iota3A : vector<16xi32>
          tpu.vector_store_idx %arg8[%add3A_400], %broadcast_in_dim3A_33 masked %eq3A_396 {add = true} : memref<32768xi32, #tpu.memory_space<vmem>>[vector<16xi32>], vector<16xi32>, vector<16xi1>
          %mul3A_401 = arith.constant 6 : i32
          %mul3A_402 = arith.muli %scan3A_262, %mul3A_401 : i32
          %add3A_403 = arith.constant 4 : i32
          %add3A_404 = arith.addi %mul3A_402, %add3A_403 : i32
          %mul3A_405 = arith.constant 16 : i32
          %mul3A_406 = arith.muli %add3A_404, %mul3A_405 : i32
          %get3A_407 = arith.index_cast %mul3A_406 : i32 to index
          %get3A_408 = tpu.vector_load %arg7[%get3A_407] {strides = array<i32>} : memref<12000xf32, #tpu.memory_space<vmem>>, vector<16xf32>,
          %mul3A_409 = arith.constant 12000 : i32
          %mul3A_410 = arith.muli %scan3A_249, %mul3A_409 : i32
          %add3A_411 = arith.constant 0 : i32
          %add3A_412 = arith.addi %add3A_411, %mul3A_410 : i32
          %add3A_413 = arith.addi %add3A_412, %mul3A_406 : i32
          %bitcast_convert_type3A_414 = tpu.bitcast %get3A_408 : vector<16xf32> -> vector<16xi32>
          %broadcast_in_dim3A_415 = arith.constant 31 : i32
          %broadcast_in_dim3A_416 = vector.broadcast %broadcast_in_dim3A_415 : i32 to vector<16xi32>
          %shift_right_arithmetic3A_417 = arith.shrsi %bitcast_convert_type3A_414, %broadcast_in_dim3A_416 : vector<16xi32>
          %broadcast_in_dim3A_418 = arith.constant 2147483647 : i32
          %broadcast_in_dim3A_419 = vector.broadcast %broadcast_in_dim3A_418 : i32 to vector<16xi32>
          %and3A_420 = arith.andi %shift_right_arithmetic3A_417, %broadcast_in_dim3A_419 : vector<16xi32>
          %xor3A_421 = arith.xori %bitcast_convert_type3A_414, %and3A_420 : vector<16xi32>
          %broadcast_in_dim3A_422 = arith.constant 10 : i32
          %broadcast_in_dim3A_423 = vector.broadcast %broadcast_in_dim3A_422 : i32 to vector<16xi32>
          %shift_right_arithmetic3A_424 = arith.shrsi %xor3A_421, %broadcast_in_dim3A_423 : vector<16xi32>
          %broadcast_in_dim3A_425 = arith.constant 2047 : i32
          %broadcast_in_dim3A_426 = vector.broadcast %broadcast_in_dim3A_425 : i32 to vector<16xi32>
          %and3A_427 = arith.andi %shift_right_arithmetic3A_424, %broadcast_in_dim3A_426 : vector<16xi32>
          %broadcast_in_dim3A_428 = arith.constant 21 : i32
          %broadcast_in_dim3A_429 = vector.broadcast %broadcast_in_dim3A_428 : i32 to vector<16xi32>
          %shift_right_arithmetic3A_430 = arith.shrsi %xor3A_421, %broadcast_in_dim3A_429 : vector<16xi32>
          %eq3A_431 = arith.cmpi eq, %shift_right_arithmetic3A_430, %sub3A_189 : vector<16xi32>
          %mul3A_432 = arith.constant 16 : i32
          %mul3A_433 = vector.broadcast %mul3A_432 : i32 to vector<16xi32>
          %mul3A_434 = arith.muli %and3A_427, %mul3A_433 : vector<16xi32>
          %add3A_435 = arith.addi %mul3A_434, %iota3A : vector<16xi32>
          tpu.vector_store_idx %arg8[%add3A_435], %broadcast_in_dim3A_33 masked %eq3A_431 {add = true} : memref<32768xi32, #tpu.memory_space<vmem>>[vector<16xi32>], vector<16xi32>, vector<16xi1>
          %mul3A_436 = arith.constant 6 : i32
          %mul3A_437 = arith.muli %scan3A_262, %mul3A_436 : i32
          %add3A_438 = arith.constant 5 : i32
          %add3A_439 = arith.addi %mul3A_437, %add3A_438 : i32
          %mul3A_440 = arith.constant 16 : i32
          %mul3A_441 = arith.muli %add3A_439, %mul3A_440 : i32
          %get3A_442 = arith.index_cast %mul3A_441 : i32 to index
          %get3A_443 = tpu.vector_load %arg7[%get3A_442] {strides = array<i32>} : memref<12000xf32, #tpu.memory_space<vmem>>, vector<16xf32>,
          %mul3A_444 = arith.constant 12000 : i32
          %mul3A_445 = arith.muli %scan3A_249, %mul3A_444 : i32
          %add3A_446 = arith.constant 0 : i32
          %add3A_447 = arith.addi %add3A_446, %mul3A_445 : i32
          %add3A_448 = arith.addi %add3A_447, %mul3A_441 : i32
          %bitcast_convert_type3A_449 = tpu.bitcast %get3A_443 : vector<16xf32> -> vector<16xi32>
          %broadcast_in_dim3A_450 = arith.constant 31 : i32
          %broadcast_in_dim3A_451 = vector.broadcast %broadcast_in_dim3A_450 : i32 to vector<16xi32>
          %shift_right_arithmetic3A_452 = arith.shrsi %bitcast_convert_type3A_449, %broadcast_in_dim3A_451 : vector<16xi32>
          %broadcast_in_dim3A_453 = arith.constant 2147483647 : i32
          %broadcast_in_dim3A_454 = vector.broadcast %broadcast_in_dim3A_453 : i32 to vector<16xi32>
          %and3A_455 = arith.andi %shift_right_arithmetic3A_452, %broadcast_in_dim3A_454 : vector<16xi32>
          %xor3A_456 = arith.xori %bitcast_convert_type3A_449, %and3A_455 : vector<16xi32>
          %broadcast_in_dim3A_457 = arith.constant 10 : i32
          %broadcast_in_dim3A_458 = vector.broadcast %broadcast_in_dim3A_457 : i32 to vector<16xi32>
          %shift_right_arithmetic3A_459 = arith.shrsi %xor3A_456, %broadcast_in_dim3A_458 : vector<16xi32>
          %broadcast_in_dim3A_460 = arith.constant 2047 : i32
          %broadcast_in_dim3A_461 = vector.broadcast %broadcast_in_dim3A_460 : i32 to vector<16xi32>
          %and3A_462 = arith.andi %shift_right_arithmetic3A_459, %broadcast_in_dim3A_461 : vector<16xi32>
          %broadcast_in_dim3A_463 = arith.constant 21 : i32
          %broadcast_in_dim3A_464 = vector.broadcast %broadcast_in_dim3A_463 : i32 to vector<16xi32>
          %shift_right_arithmetic3A_465 = arith.shrsi %xor3A_456, %broadcast_in_dim3A_464 : vector<16xi32>
          %eq3A_466 = arith.cmpi eq, %shift_right_arithmetic3A_465, %sub3A_189 : vector<16xi32>
          %mul3A_467 = arith.constant 16 : i32
          %mul3A_468 = vector.broadcast %mul3A_467 : i32 to vector<16xi32>
          %mul3A_469 = arith.muli %and3A_462, %mul3A_468 : vector<16xi32>
          %add3A_470 = arith.addi %mul3A_469, %iota3A : vector<16xi32>
          tpu.vector_store_idx %arg8[%add3A_470], %broadcast_in_dim3A_33 masked %eq3A_466 {add = true} : memref<32768xi32, #tpu.memory_space<vmem>>[vector<16xi32>], vector<16xi32>, vector<16xi1>
        }
        %scan3A_261 = arith.constant 125 : i32
      }
      %scan3A_202 = arith.constant 60 : i32
      %scan3A_203 = arith.constant 0 : i32
      %scan3A_204 = arith.constant 0 : i32
      %scan3A_205 = arith.constant 128 : i32
      %scan3A_206 = arith.addi %scan3A_204, %scan3A_205 : i32
      %scan3A_207 = arith.constant 1 : i32
      %scan3A_208 = scf.for %scan3A_249 = %scan3A_204 to %scan3A_206 step %scan3A_207 iter_args(%scan3A_250 = %scan3A_203) -> (i32)  : i32 {
        %mul3A_251 = arith.constant 256 : i32
        %mul3A_252 = arith.muli %scan3A_249, %mul3A_251 : i32
        %mul3A_253 = arith.constant 16 : i32
        %mul3A_254 = vector.broadcast %mul3A_253 : i32 to vector<16xi32>
        %mul3A_255 = arith.muli %iota3A, %mul3A_254 : vector<16xi32>
        %add3A_256 = vector.broadcast %mul3A_252 : i32 to vector<16xi32>
        %add3A_257 = arith.addi %add3A_256, %mul3A_255 : vector<16xi32>
        %add3A_258 = arith.constant 0 : i32
        %add3A_259 = vector.broadcast %add3A_258 : i32 to vector<16xi32>
        %add3A_260 = arith.addi %add3A_257, %add3A_259 : vector<16xi32>
        %gather3A = tpu.vector_load_idx %arg8[%add3A_260] : memref<32768xi32, #tpu.memory_space<vmem>>[vector<16xi32>], vector<16xi32>,
        %add3A_261 = arith.addi %broadcast_in_dim3A_31, %gather3A : vector<16xi32>
        %mul3A_262 = arith.constant 256 : i32
        %mul3A_263 = arith.muli %scan3A_249, %mul3A_262 : i32
        %mul3A_264 = arith.constant 16 : i32
        %mul3A_265 = vector.broadcast %mul3A_264 : i32 to vector<16xi32>
        %mul3A_266 = arith.muli %iota3A, %mul3A_265 : vector<16xi32>
        %add3A_267 = vector.broadcast %mul3A_263 : i32 to vector<16xi32>
        %add3A_268 = arith.addi %add3A_267, %mul3A_266 : vector<16xi32>
        %add3A_269 = arith.constant 1 : i32
        %add3A_270 = vector.broadcast %add3A_269 : i32 to vector<16xi32>
        %add3A_271 = arith.addi %add3A_268, %add3A_270 : vector<16xi32>
        %gather3A_272 = tpu.vector_load_idx %arg8[%add3A_271] : memref<32768xi32, #tpu.memory_space<vmem>>[vector<16xi32>], vector<16xi32>,
        %add3A_273 = arith.addi %add3A_261, %gather3A_272 : vector<16xi32>
        %mul3A_274 = arith.constant 256 : i32
        %mul3A_275 = arith.muli %scan3A_249, %mul3A_274 : i32
        %mul3A_276 = arith.constant 16 : i32
        %mul3A_277 = vector.broadcast %mul3A_276 : i32 to vector<16xi32>
        %mul3A_278 = arith.muli %iota3A, %mul3A_277 : vector<16xi32>
        %add3A_279 = vector.broadcast %mul3A_275 : i32 to vector<16xi32>
        %add3A_280 = arith.addi %add3A_279, %mul3A_278 : vector<16xi32>
        %add3A_281 = arith.constant 2 : i32
        %add3A_282 = vector.broadcast %add3A_281 : i32 to vector<16xi32>
        %add3A_283 = arith.addi %add3A_280, %add3A_282 : vector<16xi32>
        %gather3A_284 = tpu.vector_load_idx %arg8[%add3A_283] : memref<32768xi32, #tpu.memory_space<vmem>>[vector<16xi32>], vector<16xi32>,
        %add3A_285 = arith.addi %add3A_273, %gather3A_284 : vector<16xi32>
        %mul3A_286 = arith.constant 256 : i32
        %mul3A_287 = arith.muli %scan3A_249, %mul3A_286 : i32
        %mul3A_288 = arith.constant 16 : i32
        %mul3A_289 = vector.broadcast %mul3A_288 : i32 to vector<16xi32>
        %mul3A_290 = arith.muli %iota3A, %mul3A_289 : vector<16xi32>
        %add3A_291 = vector.broadcast %mul3A_287 : i32 to vector<16xi32>
        %add3A_292 = arith.addi %add3A_291, %mul3A_290 : vector<16xi32>
        %add3A_293 = arith.constant 3 : i32
        %add3A_294 = vector.broadcast %add3A_293 : i32 to vector<16xi32>
        %add3A_295 = arith.addi %add3A_292, %add3A_294 : vector<16xi32>
        %gather3A_296 = tpu.vector_load_idx %arg8[%add3A_295] : memref<32768xi32, #tpu.memory_space<vmem>>[vector<16xi32>], vector<16xi32>,
        %add3A_297 = arith.addi %add3A_285, %gather3A_296 : vector<16xi32>
        %mul3A_298 = arith.constant 256 : i32
        %mul3A_299 = arith.muli %scan3A_249, %mul3A_298 : i32
        %mul3A_300 = arith.constant 16 : i32
        %mul3A_301 = vector.broadcast %mul3A_300 : i32 to vector<16xi32>
        %mul3A_302 = arith.muli %iota3A, %mul3A_301 : vector<16xi32>
        %add3A_303 = vector.broadcast %mul3A_299 : i32 to vector<16xi32>
        %add3A_304 = arith.addi %add3A_303, %mul3A_302 : vector<16xi32>
        %add3A_305 = arith.constant 4 : i32
        %add3A_306 = vector.broadcast %add3A_305 : i32 to vector<16xi32>
        %add3A_307 = arith.addi %add3A_304, %add3A_306 : vector<16xi32>
        %gather3A_308 = tpu.vector_load_idx %arg8[%add3A_307] : memref<32768xi32, #tpu.memory_space<vmem>>[vector<16xi32>], vector<16xi32>,
        %add3A_309 = arith.addi %add3A_297, %gather3A_308 : vector<16xi32>
        %mul3A_310 = arith.constant 256 : i32
        %mul3A_311 = arith.muli %scan3A_249, %mul3A_310 : i32
        %mul3A_312 = arith.constant 16 : i32
        %mul3A_313 = vector.broadcast %mul3A_312 : i32 to vector<16xi32>
        %mul3A_314 = arith.muli %iota3A, %mul3A_313 : vector<16xi32>
        %add3A_315 = vector.broadcast %mul3A_311 : i32 to vector<16xi32>
        %add3A_316 = arith.addi %add3A_315, %mul3A_314 : vector<16xi32>
        %add3A_317 = arith.constant 5 : i32
        %add3A_318 = vector.broadcast %add3A_317 : i32 to vector<16xi32>
        %add3A_319 = arith.addi %add3A_316, %add3A_318 : vector<16xi32>
        %gather3A_320 = tpu.vector_load_idx %arg8[%add3A_319] : memref<32768xi32, #tpu.memory_space<vmem>>[vector<16xi32>], vector<16xi32>,
        %add3A_321 = arith.addi %add3A_309, %gather3A_320 : vector<16xi32>
        %mul3A_322 = arith.constant 256 : i32
        %mul3A_323 = arith.muli %scan3A_249, %mul3A_322 : i32
        %mul3A_324 = arith.constant 16 : i32
        %mul3A_325 = vector.broadcast %mul3A_324 : i32 to vector<16xi32>
        %mul3A_326 = arith.muli %iota3A, %mul3A_325 : vector<16xi32>
        %add3A_327 = vector.broadcast %mul3A_323 : i32 to vector<16xi32>
        %add3A_328 = arith.addi %add3A_327, %mul3A_326 : vector<16xi32>
        %add3A_329 = arith.constant 6 : i32
        %add3A_330 = vector.broadcast %add3A_329 : i32 to vector<16xi32>
        %add3A_331 = arith.addi %add3A_328, %add3A_330 : vector<16xi32>
        %gather3A_332 = tpu.vector_load_idx %arg8[%add3A_331] : memref<32768xi32, #tpu.memory_space<vmem>>[vector<16xi32>], vector<16xi32>,
        %add3A_333 = arith.addi %add3A_321, %gather3A_332 : vector<16xi32>
        %mul3A_334 = arith.constant 256 : i32
        %mul3A_335 = arith.muli %scan3A_249, %mul3A_334 : i32
        %mul3A_336 = arith.constant 16 : i32
        %mul3A_337 = vector.broadcast %mul3A_336 : i32 to vector<16xi32>
        %mul3A_338 = arith.muli %iota3A, %mul3A_337 : vector<16xi32>
        %add3A_339 = vector.broadcast %mul3A_335 : i32 to vector<16xi32>
        %add3A_340 = arith.addi %add3A_339, %mul3A_338 : vector<16xi32>
        %add3A_341 = arith.constant 7 : i32
        %add3A_342 = vector.broadcast %add3A_341 : i32 to vector<16xi32>
        %add3A_343 = arith.addi %add3A_340, %add3A_342 : vector<16xi32>
        %gather3A_344 = tpu.vector_load_idx %arg8[%add3A_343] : memref<32768xi32, #tpu.memory_space<vmem>>[vector<16xi32>], vector<16xi32>,
        %add3A_345 = arith.addi %add3A_333, %gather3A_344 : vector<16xi32>
        %mul3A_346 = arith.constant 256 : i32
        %mul3A_347 = arith.muli %scan3A_249, %mul3A_346 : i32
        %mul3A_348 = arith.constant 16 : i32
        %mul3A_349 = vector.broadcast %mul3A_348 : i32 to vector<16xi32>
        %mul3A_350 = arith.muli %iota3A, %mul3A_349 : vector<16xi32>
        %add3A_351 = vector.broadcast %mul3A_347 : i32 to vector<16xi32>
        %add3A_352 = arith.addi %add3A_351, %mul3A_350 : vector<16xi32>
        %add3A_353 = arith.constant 8 : i32
        %add3A_354 = vector.broadcast %add3A_353 : i32 to vector<16xi32>
        %add3A_355 = arith.addi %add3A_352, %add3A_354 : vector<16xi32>
        %gather3A_356 = tpu.vector_load_idx %arg8[%add3A_355] : memref<32768xi32, #tpu.memory_space<vmem>>[vector<16xi32>], vector<16xi32>,
        %add3A_357 = arith.addi %add3A_345, %gather3A_356 : vector<16xi32>
        %mul3A_358 = arith.constant 256 : i32
        %mul3A_359 = arith.muli %scan3A_249, %mul3A_358 : i32
        %mul3A_360 = arith.constant 16 : i32
        %mul3A_361 = vector.broadcast %mul3A_360 : i32 to vector<16xi32>
        %mul3A_362 = arith.muli %iota3A, %mul3A_361 : vector<16xi32>
        %add3A_363 = vector.broadcast %mul3A_359 : i32 to vector<16xi32>
        %add3A_364 = arith.addi %add3A_363, %mul3A_362 : vector<16xi32>
        %add3A_365 = arith.constant 9 : i32
        %add3A_366 = vector.broadcast %add3A_365 : i32 to vector<16xi32>
        %add3A_367 = arith.addi %add3A_364, %add3A_366 : vector<16xi32>
        %gather3A_368 = tpu.vector_load_idx %arg8[%add3A_367] : memref<32768xi32, #tpu.memory_space<vmem>>[vector<16xi32>], vector<16xi32>,
        %add3A_369 = arith.addi %add3A_357, %gather3A_368 : vector<16xi32>
        %mul3A_370 = arith.constant 256 : i32
        %mul3A_371 = arith.muli %scan3A_249, %mul3A_370 : i32
        %mul3A_372 = arith.constant 16 : i32
        %mul3A_373 = vector.broadcast %mul3A_372 : i32 to vector<16xi32>
        %mul3A_374 = arith.muli %iota3A, %mul3A_373 : vector<16xi32>
        %add3A_375 = vector.broadcast %mul3A_371 : i32 to vector<16xi32>
        %add3A_376 = arith.addi %add3A_375, %mul3A_374 : vector<16xi32>
        %add3A_377 = arith.constant 10 : i32
        %add3A_378 = vector.broadcast %add3A_377 : i32 to vector<16xi32>
        %add3A_379 = arith.addi %add3A_376, %add3A_378 : vector<16xi32>
        %gather3A_380 = tpu.vector_load_idx %arg8[%add3A_379] : memref<32768xi32, #tpu.memory_space<vmem>>[vector<16xi32>], vector<16xi32>,
        %add3A_381 = arith.addi %add3A_369, %gather3A_380 : vector<16xi32>
        %mul3A_382 = arith.constant 256 : i32
        %mul3A_383 = arith.muli %scan3A_249, %mul3A_382 : i32
        %mul3A_384 = arith.constant 16 : i32
        %mul3A_385 = vector.broadcast %mul3A_384 : i32 to vector<16xi32>
        %mul3A_386 = arith.muli %iota3A, %mul3A_385 : vector<16xi32>
        %add3A_387 = vector.broadcast %mul3A_383 : i32 to vector<16xi32>
        %add3A_388 = arith.addi %add3A_387, %mul3A_386 : vector<16xi32>
        %add3A_389 = arith.constant 11 : i32
        %add3A_390 = vector.broadcast %add3A_389 : i32 to vector<16xi32>
        %add3A_391 = arith.addi %add3A_388, %add3A_390 : vector<16xi32>
        %gather3A_392 = tpu.vector_load_idx %arg8[%add3A_391] : memref<32768xi32, #tpu.memory_space<vmem>>[vector<16xi32>], vector<16xi32>,
        %add3A_393 = arith.addi %add3A_381, %gather3A_392 : vector<16xi32>
        %mul3A_394 = arith.constant 256 : i32
        %mul3A_395 = arith.muli %scan3A_249, %mul3A_394 : i32
        %mul3A_396 = arith.constant 16 : i32
        %mul3A_397 = vector.broadcast %mul3A_396 : i32 to vector<16xi32>
        %mul3A_398 = arith.muli %iota3A, %mul3A_397 : vector<16xi32>
        %add3A_399 = vector.broadcast %mul3A_395 : i32 to vector<16xi32>
        %add3A_400 = arith.addi %add3A_399, %mul3A_398 : vector<16xi32>
        %add3A_401 = arith.constant 12 : i32
        %add3A_402 = vector.broadcast %add3A_401 : i32 to vector<16xi32>
        %add3A_403 = arith.addi %add3A_400, %add3A_402 : vector<16xi32>
        %gather3A_404 = tpu.vector_load_idx %arg8[%add3A_403] : memref<32768xi32, #tpu.memory_space<vmem>>[vector<16xi32>], vector<16xi32>,
        %add3A_405 = arith.addi %add3A_393, %gather3A_404 : vector<16xi32>
        %mul3A_406 = arith.constant 256 : i32
        %mul3A_407 = arith.muli %scan3A_249, %mul3A_406 : i32
        %mul3A_408 = arith.constant 16 : i32
        %mul3A_409 = vector.broadcast %mul3A_408 : i32 to vector<16xi32>
        %mul3A_410 = arith.muli %iota3A, %mul3A_409 : vector<16xi32>
        %add3A_411 = vector.broadcast %mul3A_407 : i32 to vector<16xi32>
        %add3A_412 = arith.addi %add3A_411, %mul3A_410 : vector<16xi32>
        %add3A_413 = arith.constant 13 : i32
        %add3A_414 = vector.broadcast %add3A_413 : i32 to vector<16xi32>
        %add3A_415 = arith.addi %add3A_412, %add3A_414 : vector<16xi32>
        %gather3A_416 = tpu.vector_load_idx %arg8[%add3A_415] : memref<32768xi32, #tpu.memory_space<vmem>>[vector<16xi32>], vector<16xi32>,
        %add3A_417 = arith.addi %add3A_405, %gather3A_416 : vector<16xi32>
        %mul3A_418 = arith.constant 256 : i32
        %mul3A_419 = arith.muli %scan3A_249, %mul3A_418 : i32
        %mul3A_420 = arith.constant 16 : i32
        %mul3A_421 = vector.broadcast %mul3A_420 : i32 to vector<16xi32>
        %mul3A_422 = arith.muli %iota3A, %mul3A_421 : vector<16xi32>
        %add3A_423 = vector.broadcast %mul3A_419 : i32 to vector<16xi32>
        %add3A_424 = arith.addi %add3A_423, %mul3A_422 : vector<16xi32>
        %add3A_425 = arith.constant 14 : i32
        %add3A_426 = vector.broadcast %add3A_425 : i32 to vector<16xi32>
        %add3A_427 = arith.addi %add3A_424, %add3A_426 : vector<16xi32>
        %gather3A_428 = tpu.vector_load_idx %arg8[%add3A_427] : memref<32768xi32, #tpu.memory_space<vmem>>[vector<16xi32>], vector<16xi32>,
        %add3A_429 = arith.addi %add3A_417, %gather3A_428 : vector<16xi32>
        %mul3A_430 = arith.constant 256 : i32
        %mul3A_431 = arith.muli %scan3A_249, %mul3A_430 : i32
        %mul3A_432 = arith.constant 16 : i32
        %mul3A_433 = vector.broadcast %mul3A_432 : i32 to vector<16xi32>
        %mul3A_434 = arith.muli %iota3A, %mul3A_433 : vector<16xi32>
        %add3A_435 = vector.broadcast %mul3A_431 : i32 to vector<16xi32>
        %add3A_436 = arith.addi %add3A_435, %mul3A_434 : vector<16xi32>
        %add3A_437 = arith.constant 15 : i32
        %add3A_438 = vector.broadcast %add3A_437 : i32 to vector<16xi32>
        %add3A_439 = arith.addi %add3A_436, %add3A_438 : vector<16xi32>
        %gather3A_440 = tpu.vector_load_idx %arg8[%add3A_439] : memref<32768xi32, #tpu.memory_space<vmem>>[vector<16xi32>], vector<16xi32>,
        %add3A_441 = arith.addi %add3A_429, %gather3A_440 : vector<16xi32>
        %mul3A_442 = arith.constant 16 : i32
        %mul3A_443 = arith.muli %scan3A_249, %mul3A_442 : i32
        %swap3A_444 = arith.index_cast %mul3A_443 : i32 to index
        %swap3A_445 = tpu.vector_load %arg9[%swap3A_444] {strides = array<i32>} : memref<2048xi32, #tpu.memory_space<vmem>>, vector<16xi32>,
        tpu.vector_store %arg9[%swap3A_444], %add3A_441 {strides = array<i32>} : memref<2048xi32, #tpu.memory_space<vmem>>, vector<16xi32>,
        %scan3A_446 = arith.constant 0 : i32
        scf.yield %scan3A_446 : i32
      }
      %scan3A_209 = arith.constant 128 : i32
      %scan3A_210 = arith.constant 0 : i32
      %scan3A_211 = arith.constant 128 : i32
      %scan3A_212 = arith.addi %scan3A_210, %scan3A_211 : i32
      %scan3A_213 = arith.constant 1 : i32
      %scan3A_214:5 = scf.for %scan3A_249 = %scan3A_210 to %scan3A_212 step %scan3A_213 iter_args(%scan3A_250 = %broadcast_in_dim3A_31, %scan3A_251 = %broadcast_in_dim3A_31, %scan3A_252 = %broadcast_in_dim3A_31, %scan3A_253 = %broadcast_in_dim3A_31, %scan3A_254 = %broadcast_in_dim3A_31) -> (vector<16xi32>, vector<16xi32>, vector<16xi32>, vector<16xi32>, vector<16xi32>)  : i32 {
        %sub3A_255 = arith.constant 127 : i32
        %sub3A_256 = arith.subi %sub3A_255, %scan3A_249 : i32
        %mul3A_257 = arith.constant 16 : i32
        %mul3A_258 = arith.muli %sub3A_256, %mul3A_257 : i32
        %get3A_259 = arith.index_cast %mul3A_258 : i32 to index
        %get3A_260 = tpu.vector_load %arg9[%get3A_259] {strides = array<i32>} : memref<2048xi32, #tpu.memory_space<vmem>>, vector<16xi32>,
        %rev3A = arith.constant 15 : i32
        %rev3A_261 = vector.broadcast %rev3A : i32 to vector<16xi32>
        %rev3A_262 = tpu.iota {dimensions = array<i32: 0>} : vector<16xi32>
        %rev3A_263 = arith.subi %rev3A_261, %rev3A_262 : vector<16xi32>
        %rev3A_264 = tpu.dynamic_gather %get3A_260[%rev3A_263] in [0] : vector<16xi32>, vector<16xi32> -> vector<16xi32>
        %broadcast_in_dim3A_265 = arith.constant true
        %broadcast_in_dim3A_266 = vector.broadcast %broadcast_in_dim3A_265 : i1 to vector<16xi1>
        %masked_cumsum3A = tpu.scan <sum>, %rev3A_264 masked %broadcast_in_dim3A_266 : vector<16xi32>, vector<16xi1> -> vector<16xi32>
        %add3A_267 = arith.addi %masked_cumsum3A, %scan3A_254 : vector<16xi32>
        %ge3A = arith.cmpi sge, %add3A_267, %sub3A_186 : vector<16xi32>
        %eq3A_268 = arith.constant 0 : i32
        %eq3A_269 = vector.broadcast %eq3A_268 : i32 to vector<16xi32>
        %eq3A_270 = arith.cmpi eq, %scan3A_250, %eq3A_269 : vector<16xi32>
        %and3A_271 = arith.andi %ge3A, %eq3A_270 : vector<16xi1>
        %all_reduce_population_count3A = tpu.all_reduce %and3A_271 {dim = 0 : i64, kind = #tpu.reduction_kind<sum>} : vector<16xi1> -> vector<16xi32>
        %gt3A_272 = arith.constant 0 : i32
        %gt3A_273 = vector.broadcast %gt3A_272 : i32 to vector<16xi32>
        %gt3A_274 = arith.cmpi sgt, %all_reduce_population_count3A, %gt3A_273 : vector<16xi32>
        %all_reduce_ffs3A = tpu.all_reduce %and3A_271 {dim = 0 : i64, kind = #tpu.reduction_kind<find_first_set>} : vector<16xi1> -> vector<16xi32>
        %jit3A_275 = arith.constant 0 : i32
        %broadcast_in_dim3A_276 = vector.broadcast %jit3A_275 : i32 to vector<16xi32>
        %select_n3A_277 = arith.select %gt3A_274, %all_reduce_ffs3A, %broadcast_in_dim3A_276 : vector<16xi1>, vector<16xi32>
        %lt3A_278 = arith.constant 0 : i32
        %lt3A_279 = vector.broadcast %lt3A_278 : i32 to vector<16xi32>
        %lt3A_280 = arith.cmpi slt, %select_n3A_277, %lt3A_279 : vector<16xi32>
        %add3A_281 = arith.constant 16 : i32
        %add3A_282 = vector.broadcast %add3A_281 : i32 to vector<16xi32>
        %add3A_283 = arith.addi %select_n3A_277, %add3A_282 : vector<16xi32>
        %select_n3A_284 = arith.select %lt3A_280, %add3A_283, %select_n3A_277 : vector<16xi1>, vector<16xi32>
        %broadcast_in_dim3A_285 = vector.shape_cast %select_n3A_284 : vector<16xi32> to vector<16x1xi32>
        %gather3A = vector.shape_cast %broadcast_in_dim3A_285 : vector<16x1xi32> to vector<16xi32>
        %gather3A_286 = tpu.dynamic_gather %add3A_267[%gather3A] in [0] : vector<16xi32>, vector<16xi32> -> vector<16xi32>
        %lt3A_287 = arith.constant 0 : i32
        %lt3A_288 = vector.broadcast %lt3A_287 : i32 to vector<16xi32>
        %lt3A_289 = arith.cmpi slt, %select_n3A_277, %lt3A_288 : vector<16xi32>
        %add3A_290 = arith.constant 16 : i32
        %add3A_291 = vector.broadcast %add3A_290 : i32 to vector<16xi32>
        %add3A_292 = arith.addi %select_n3A_277, %add3A_291 : vector<16xi32>
        %select_n3A_293 = arith.select %lt3A_289, %add3A_292, %select_n3A_277 : vector<16xi1>, vector<16xi32>
        %broadcast_in_dim3A_294 = vector.shape_cast %select_n3A_293 : vector<16xi32> to vector<16x1xi32>
        %gather3A_295 = vector.shape_cast %broadcast_in_dim3A_294 : vector<16x1xi32> to vector<16xi32>
        %gather3A_296 = tpu.dynamic_gather %rev3A_264[%gather3A_295] in [0] : vector<16xi32>, vector<16xi32> -> vector<16xi32>
        %gt3A_297 = arith.constant 0 : i32
        %gt3A_298 = vector.broadcast %gt3A_297 : i32 to vector<16xi32>
        %gt3A_299 = arith.cmpi sgt, %all_reduce_population_count3A, %gt3A_298 : vector<16xi32>
        %mul3A_300 = arith.constant 16 : i32
        %mul3A_301 = arith.muli %sub3A_256, %mul3A_300 : i32
        %add3A_302 = arith.constant 15 : i32
        %add3A_303 = arith.addi %mul3A_301, %add3A_302 : i32
        %sub3A_304 = vector.broadcast %add3A_303 : i32 to vector<16xi32>
        %sub3A_305 = arith.subi %sub3A_304, %select_n3A_277 : vector<16xi32>
        %select_n3A_306 = arith.select %gt3A_299, %sub3A_305, %scan3A_251 : vector<16xi1>, vector<16xi32>
        %select_n3A_307 = arith.select %gt3A_299, %gather3A_286, %scan3A_252 : vector<16xi1>, vector<16xi32>
        %sub3A_308 = arith.subi %gather3A_286, %gather3A_296 : vector<16xi32>
        %select_n3A_309 = arith.select %gt3A_299, %sub3A_308, %scan3A_253 : vector<16xi1>, vector<16xi32>
        %select_n3A_310 = arith.select %gt3A_299, %broadcast_in_dim3A_33, %scan3A_250 : vector<16xi1>, vector<16xi32>
        %broadcast_in_dim3A_311 = arith.constant 15 : i32
        %broadcast_in_dim3A_312 = vector.broadcast %broadcast_in_dim3A_311 : i32 to vector<16xi32>
        %lt3A_313 = arith.constant 0 : i32
        %lt3A_314 = vector.broadcast %lt3A_313 : i32 to vector<16xi32>
        %lt3A_315 = arith.cmpi slt, %broadcast_in_dim3A_312, %lt3A_314 : vector<16xi32>
        %add3A_316 = arith.constant 16 : i32
        %add3A_317 = vector.broadcast %add3A_316 : i32 to vector<16xi32>
        %add3A_318 = arith.addi %broadcast_in_dim3A_312, %add3A_317 : vector<16xi32>
        %select_n3A_319 = arith.select %lt3A_315, %add3A_318, %broadcast_in_dim3A_312 : vector<16xi1>, vector<16xi32>
        %broadcast_in_dim3A_320 = vector.shape_cast %select_n3A_319 : vector<16xi32> to vector<16x1xi32>
        %gather3A_321 = vector.shape_cast %broadcast_in_dim3A_320 : vector<16x1xi32> to vector<16xi32>
        %gather3A_322 = tpu.dynamic_gather %add3A_267[%gather3A_321] in [0] : vector<16xi32>, vector<16xi32> -> vector<16xi32>
        scf.yield %select_n3A_310, %select_n3A_306, %select_n3A_307, %select_n3A_309, %gather3A_322 : vector<16xi32>, vector<16xi32>, vector<16xi32>, vector<16xi32>, vector<16xi32>
      }
      %scan3A_215 = arith.constant 128 : i32
      %mul3A_216 = arith.constant 2048 : i32
      %mul3A_217 = vector.broadcast %mul3A_216 : i32 to vector<16xi32>
      %mul3A_218 = arith.muli %sub3A_189, %mul3A_217 : vector<16xi32>
      %add3A_219 = arith.addi %mul3A_218, %scan3A_214#1 : vector<16xi32>
      %mul3A_220 = arith.constant 1024 : i32
      %mul3A_221 = vector.broadcast %mul3A_220 : i32 to vector<16xi32>
      %mul3A_222 = arith.muli %add3A_219, %mul3A_221 : vector<16xi32>
      %sub3A_223 = arith.constant 1 : i32
      %sub3A_224 = vector.broadcast %sub3A_223 : i32 to vector<16xi32>
      %sub3A_225 = arith.subi %mul3A_222, %sub3A_224 : vector<16xi32>
      %swap3A_226 = arith.constant 0 : index
      %swap3A_227 = tpu.vector_load %arg15[%swap3A_226] {strides = array<i32>} : memref<64xi32, #tpu.memory_space<vmem>>, vector<16xi32>,
      tpu.vector_store %arg15[%swap3A_226], %sub3A_225 {strides = array<i32>} : memref<64xi32, #tpu.memory_space<vmem>>, vector<16xi32>,
      %sub3A_228 = arith.constant 1 : i32
      %sub3A_229 = vector.broadcast %sub3A_228 : i32 to vector<16xi32>
      %sub3A_230 = arith.subi %mul3A_222, %sub3A_229 : vector<16xi32>
      %swap3A_231 = arith.constant 16 : index
      %swap3A_232 = tpu.vector_load %arg15[%swap3A_231] {strides = array<i32>} : memref<64xi32, #tpu.memory_space<vmem>>, vector<16xi32>,
      tpu.vector_store %arg15[%swap3A_231], %sub3A_230 {strides = array<i32>} : memref<64xi32, #tpu.memory_space<vmem>>, vector<16xi32>,
      %swap3A_233 = arith.constant 32 : index
      %swap3A_234 = tpu.vector_load %arg15[%swap3A_233] {strides = array<i32>} : memref<64xi32, #tpu.memory_space<vmem>>, vector<16xi32>,
      tpu.vector_store %arg15[%swap3A_233], %broadcast_in_dim3A_31 {strides = array<i32>} : memref<64xi32, #tpu.memory_space<vmem>>, vector<16xi32>,
      %add3A_235 = arith.addi %scan3A_69#3, %scan3A_214#2 : vector<16xi32>
      %reduce_max3A_236 = arith.constant true
      %reduce_max3A_237 = vector.broadcast %reduce_max3A_236 : i1 to vector<16xi1>
      %reduce_max3A_238 = arith.constant -2147483648 : i32
      %reduce_max3A_239 = vector.broadcast %reduce_max3A_238 : i32 to vector<16xi32>
      %reduce_max3A_240 = arith.xori %add3A_235, %reduce_max3A_239 : vector<16xi32>
      %reduce_max3A_241 = tpu.scan <max>, %reduce_max3A_240 masked %reduce_max3A_237 : vector<16xi32>, vector<16xi1> -> vector<16xi32>
      %reduce_max3A_242 = arith.xori %reduce_max3A_241, %reduce_max3A_239 : vector<16xi32>
      %reduce_max3A_243 = vector.extract %reduce_max3A_242[15] : i32 from vector<16xi32>
      %gt3A_244 = arith.constant 2048 : i32
      %gt3A_245 = arith.cmpi sgt, %reduce_max3A_243, %gt3A_244 : i32
      %convert_element_type3A_246 = arith.extui %gt3A_245 : i1 to i32
      %cond3A_247 = arith.constant 0 : i32
      %cond3A_248 = arith.cmpi ne, %convert_element_type3A_246, %cond3A_247 : i32
      scf.if %cond3A_248 {
        %sub3A_249 = arith.subi %sub3A_186, %scan3A_214#3 : vector<16xi32>
        %scan3A_250 = arith.constant 0 : i32
        %scan3A_251 = arith.constant 0 : i32
        %scan3A_252 = arith.constant 128 : i32
        %scan3A_253 = arith.addi %scan3A_251, %scan3A_252 : i32
        %scan3A_254 = arith.constant 1 : i32
        %scan3A_255 = scf.for %scan3A_287 = %scan3A_251 to %scan3A_253 step %scan3A_254 iter_args(%scan3A_288 = %scan3A_250) -> (i32)  : i32 {
          %mul3A_289 = arith.constant 16 : i32
          %mul3A_290 = arith.muli %scan3A_287, %mul3A_289 : i32
          %add3A_291 = arith.constant 0 : i32
          %add3A_292 = arith.addi %mul3A_290, %add3A_291 : i32
          %mul3A_293 = arith.constant 16 : i32
          %mul3A_294 = arith.muli %add3A_292, %mul3A_293 : i32
          %swap3A_295 = arith.index_cast %mul3A_294 : i32 to index
          %swap3A_296 = tpu.vector_load %arg8[%swap3A_295] {strides = array<i32>} : memref<32768xi32, #tpu.memory_space<vmem>>, vector<16xi32>,
          tpu.vector_store %arg8[%swap3A_295], %broadcast_in_dim3A_31 {strides = array<i32>} : memref<32768xi32, #tpu.memory_space<vmem>>, vector<16xi32>,
          %mul3A_297 = arith.constant 16 : i32
          %mul3A_298 = arith.muli %scan3A_287, %mul3A_297 : i32
          %add3A_299 = arith.constant 1 : i32
          %add3A_300 = arith.addi %mul3A_298, %add3A_299 : i32
          %mul3A_301 = arith.constant 16 : i32
          %mul3A_302 = arith.muli %add3A_300, %mul3A_301 : i32
          %swap3A_303 = arith.index_cast %mul3A_302 : i32 to index
          %swap3A_304 = tpu.vector_load %arg8[%swap3A_303] {strides = array<i32>} : memref<32768xi32, #tpu.memory_space<vmem>>, vector<16xi32>,
          tpu.vector_store %arg8[%swap3A_303], %broadcast_in_dim3A_31 {strides = array<i32>} : memref<32768xi32, #tpu.memory_space<vmem>>, vector<16xi32>,
          %mul3A_305 = arith.constant 16 : i32
          %mul3A_306 = arith.muli %scan3A_287, %mul3A_305 : i32
          %add3A_307 = arith.constant 2 : i32
          %add3A_308 = arith.addi %mul3A_306, %add3A_307 : i32
          %mul3A_309 = arith.constant 16 : i32
          %mul3A_310 = arith.muli %add3A_308, %mul3A_309 : i32
          %swap3A_311 = arith.index_cast %mul3A_310 : i32 to index
          %swap3A_312 = tpu.vector_load %arg8[%swap3A_311] {strides = array<i32>} : memref<32768xi32, #tpu.memory_space<vmem>>, vector<16xi32>,
          tpu.vector_store %arg8[%swap3A_311], %broadcast_in_dim3A_31 {strides = array<i32>} : memref<32768xi32, #tpu.memory_space<vmem>>, vector<16xi32>,
          %mul3A_313 = arith.constant 16 : i32
          %mul3A_314 = arith.muli %scan3A_287, %mul3A_313 : i32
          %add3A_315 = arith.constant 3 : i32
          %add3A_316 = arith.addi %mul3A_314, %add3A_315 : i32
          %mul3A_317 = arith.constant 16 : i32
          %mul3A_318 = arith.muli %add3A_316, %mul3A_317 : i32
          %swap3A_319 = arith.index_cast %mul3A_318 : i32 to index
          %swap3A_320 = tpu.vector_load %arg8[%swap3A_319] {strides = array<i32>} : memref<32768xi32, #tpu.memory_space<vmem>>, vector<16xi32>,
          tpu.vector_store %arg8[%swap3A_319], %broadcast_in_dim3A_31 {strides = array<i32>} : memref<32768xi32, #tpu.memory_space<vmem>>, vector<16xi32>,
          %mul3A_321 = arith.constant 16 : i32
          %mul3A_322 = arith.muli %scan3A_287, %mul3A_321 : i32
          %add3A_323 = arith.constant 4 : i32
          %add3A_324 = arith.addi %mul3A_322, %add3A_323 : i32
          %mul3A_325 = arith.constant 16 : i32
          %mul3A_326 = arith.muli %add3A_324, %mul3A_325 : i32
          %swap3A_327 = arith.index_cast %mul3A_326 : i32 to index
          %swap3A_328 = tpu.vector_load %arg8[%swap3A_327] {strides = array<i32>} : memref<32768xi32, #tpu.memory_space<vmem>>, vector<16xi32>,
          tpu.vector_store %arg8[%swap3A_327], %broadcast_in_dim3A_31 {strides = array<i32>} : memref<32768xi32, #tpu.memory_space<vmem>>, vector<16xi32>,
          %mul3A_329 = arith.constant 16 : i32
          %mul3A_330 = arith.muli %scan3A_287, %mul3A_329 : i32
          %add3A_331 = arith.constant 5 : i32
          %add3A_332 = arith.addi %mul3A_330, %add3A_331 : i32
          %mul3A_333 = arith.constant 16 : i32
          %mul3A_334 = arith.muli %add3A_332, %mul3A_333 : i32
          %swap3A_335 = arith.index_cast %mul3A_334 : i32 to index
          %swap3A_336 = tpu.vector_load %arg8[%swap3A_335] {strides = array<i32>} : memref<32768xi32, #tpu.memory_space<vmem>>, vector<16xi32>,
          tpu.vector_store %arg8[%swap3A_335], %broadcast_in_dim3A_31 {strides = array<i32>} : memref<32768xi32, #tpu.memory_space<vmem>>, vector<16xi32>,
          %mul3A_337 = arith.constant 16 : i32
          %mul3A_338 = arith.muli %scan3A_287, %mul3A_337 : i32
          %add3A_339 = arith.constant 6 : i32
          %add3A_340 = arith.addi %mul3A_338, %add3A_339 : i32
          %mul3A_341 = arith.constant 16 : i32
          %mul3A_342 = arith.muli %add3A_340, %mul3A_341 : i32
          %swap3A_343 = arith.index_cast %mul3A_342 : i32 to index
          %swap3A_344 = tpu.vector_load %arg8[%swap3A_343] {strides = array<i32>} : memref<32768xi32, #tpu.memory_space<vmem>>, vector<16xi32>,
          tpu.vector_store %arg8[%swap3A_343], %broadcast_in_dim3A_31 {strides = array<i32>} : memref<32768xi32, #tpu.memory_space<vmem>>, vector<16xi32>,
          %mul3A_345 = arith.constant 16 : i32
          %mul3A_346 = arith.muli %scan3A_287, %mul3A_345 : i32
          %add3A_347 = arith.constant 7 : i32
          %add3A_348 = arith.addi %mul3A_346, %add3A_347 : i32
          %mul3A_349 = arith.constant 16 : i32
          %mul3A_350 = arith.muli %add3A_348, %mul3A_349 : i32
          %swap3A_351 = arith.index_cast %mul3A_350 : i32 to index
          %swap3A_352 = tpu.vector_load %arg8[%swap3A_351] {strides = array<i32>} : memref<32768xi32, #tpu.memory_space<vmem>>, vector<16xi32>,
          tpu.vector_store %arg8[%swap3A_351], %broadcast_in_dim3A_31 {strides = array<i32>} : memref<32768xi32, #tpu.memory_space<vmem>>, vector<16xi32>,
          %mul3A_353 = arith.constant 16 : i32
          %mul3A_354 = arith.muli %scan3A_287, %mul3A_353 : i32
          %add3A_355 = arith.constant 8 : i32
          %add3A_356 = arith.addi %mul3A_354, %add3A_355 : i32
          %mul3A_357 = arith.constant 16 : i32
          %mul3A_358 = arith.muli %add3A_356, %mul3A_357 : i32
          %swap3A_359 = arith.index_cast %mul3A_358 : i32 to index
          %swap3A_360 = tpu.vector_load %arg8[%swap3A_359] {strides = array<i32>} : memref<32768xi32, #tpu.memory_space<vmem>>, vector<16xi32>,
          tpu.vector_store %arg8[%swap3A_359], %broadcast_in_dim3A_31 {strides = array<i32>} : memref<32768xi32, #tpu.memory_space<vmem>>, vector<16xi32>,
          %mul3A_361 = arith.constant 16 : i32
          %mul3A_362 = arith.muli %scan3A_287, %mul3A_361 : i32
          %add3A_363 = arith.constant 9 : i32
          %add3A_364 = arith.addi %mul3A_362, %add3A_363 : i32
          %mul3A_365 = arith.constant 16 : i32
          %mul3A_366 = arith.muli %add3A_364, %mul3A_365 : i32
          %swap3A_367 = arith.index_cast %mul3A_366 : i32 to index
          %swap3A_368 = tpu.vector_load %arg8[%swap3A_367] {strides = array<i32>} : memref<32768xi32, #tpu.memory_space<vmem>>, vector<16xi32>,
          tpu.vector_store %arg8[%swap3A_367], %broadcast_in_dim3A_31 {strides = array<i32>} : memref<32768xi32, #tpu.memory_space<vmem>>, vector<16xi32>,
          %mul3A_369 = arith.constant 16 : i32
          %mul3A_370 = arith.muli %scan3A_287, %mul3A_369 : i32
          %add3A_371 = arith.constant 10 : i32
          %add3A_372 = arith.addi %mul3A_370, %add3A_371 : i32
          %mul3A_373 = arith.constant 16 : i32
          %mul3A_374 = arith.muli %add3A_372, %mul3A_373 : i32
          %swap3A_375 = arith.index_cast %mul3A_374 : i32 to index
          %swap3A_376 = tpu.vector_load %arg8[%swap3A_375] {strides = array<i32>} : memref<32768xi32, #tpu.memory_space<vmem>>, vector<16xi32>,
          tpu.vector_store %arg8[%swap3A_375], %broadcast_in_dim3A_31 {strides = array<i32>} : memref<32768xi32, #tpu.memory_space<vmem>>, vector<16xi32>,
          %mul3A_377 = arith.constant 16 : i32
          %mul3A_378 = arith.muli %scan3A_287, %mul3A_377 : i32
          %add3A_379 = arith.constant 11 : i32
          %add3A_380 = arith.addi %mul3A_378, %add3A_379 : i32
          %mul3A_381 = arith.constant 16 : i32
          %mul3A_382 = arith.muli %add3A_380, %mul3A_381 : i32
          %swap3A_383 = arith.index_cast %mul3A_382 : i32 to index
          %swap3A_384 = tpu.vector_load %arg8[%swap3A_383] {strides = array<i32>} : memref<32768xi32, #tpu.memory_space<vmem>>, vector<16xi32>,
          tpu.vector_store %arg8[%swap3A_383], %broadcast_in_dim3A_31 {strides = array<i32>} : memref<32768xi32, #tpu.memory_space<vmem>>, vector<16xi32>,
          %mul3A_385 = arith.constant 16 : i32
          %mul3A_386 = arith.muli %scan3A_287, %mul3A_385 : i32
          %add3A_387 = arith.constant 12 : i32
          %add3A_388 = arith.addi %mul3A_386, %add3A_387 : i32
          %mul3A_389 = arith.constant 16 : i32
          %mul3A_390 = arith.muli %add3A_388, %mul3A_389 : i32
          %swap3A_391 = arith.index_cast %mul3A_390 : i32 to index
          %swap3A_392 = tpu.vector_load %arg8[%swap3A_391] {strides = array<i32>} : memref<32768xi32, #tpu.memory_space<vmem>>, vector<16xi32>,
          tpu.vector_store %arg8[%swap3A_391], %broadcast_in_dim3A_31 {strides = array<i32>} : memref<32768xi32, #tpu.memory_space<vmem>>, vector<16xi32>,
          %mul3A_393 = arith.constant 16 : i32
          %mul3A_394 = arith.muli %scan3A_287, %mul3A_393 : i32
          %add3A_395 = arith.constant 13 : i32
          %add3A_396 = arith.addi %mul3A_394, %add3A_395 : i32
          %mul3A_397 = arith.constant 16 : i32
          %mul3A_398 = arith.muli %add3A_396, %mul3A_397 : i32
          %swap3A_399 = arith.index_cast %mul3A_398 : i32 to index
          %swap3A_400 = tpu.vector_load %arg8[%swap3A_399] {strides = array<i32>} : memref<32768xi32, #tpu.memory_space<vmem>>, vector<16xi32>,
          tpu.vector_store %arg8[%swap3A_399], %broadcast_in_dim3A_31 {strides = array<i32>} : memref<32768xi32, #tpu.memory_space<vmem>>, vector<16xi32>,
          %mul3A_401 = arith.constant 16 : i32
          %mul3A_402 = arith.muli %scan3A_287, %mul3A_401 : i32
          %add3A_403 = arith.constant 14 : i32
          %add3A_404 = arith.addi %mul3A_402, %add3A_403 : i32
          %mul3A_405 = arith.constant 16 : i32
          %mul3A_406 = arith.muli %add3A_404, %mul3A_405 : i32
          %swap3A_407 = arith.index_cast %mul3A_406 : i32 to index
          %swap3A_408 = tpu.vector_load %arg8[%swap3A_407] {strides = array<i32>} : memref<32768xi32, #tpu.memory_space<vmem>>, vector<16xi32>,
          tpu.vector_store %arg8[%swap3A_407], %broadcast_in_dim3A_31 {strides = array<i32>} : memref<32768xi32, #tpu.memory_space<vmem>>, vector<16xi32>,
          %mul3A_409 = arith.constant 16 : i32
          %mul3A_410 = arith.muli %scan3A_287, %mul3A_409 : i32
          %add3A_411 = arith.constant 15 : i32
          %add3A_412 = arith.addi %mul3A_410, %add3A_411 : i32
          %mul3A_413 = arith.constant 16 : i32
          %mul3A_414 = arith.muli %add3A_412, %mul3A_413 : i32
          %swap3A_415 = arith.index_cast %mul3A_414 : i32 to index
          %swap3A_416 = tpu.vector_load %arg8[%swap3A_415] {strides = array<i32>} : memref<32768xi32, #tpu.memory_space<vmem>>, vector<16xi32>,
          tpu.vector_store %arg8[%swap3A_415], %broadcast_in_dim3A_31 {strides = array<i32>} : memref<32768xi32, #tpu.memory_space<vmem>>, vector<16xi32>,
          %scan3A_417 = arith.constant 0 : i32
          scf.yield %scan3A_417 : i32
        }
        %scan3A_256 = arith.constant 128 : i32
        %scan3A_257 = arith.constant 0 : i32
        %scan3A_258 = arith.constant 0 : i32
        %scan3A_259 = arith.constant 60 : i32
        %scan3A_260 = arith.addi %scan3A_258, %scan3A_259 : i32
        %scan3A_261 = arith.constant 1 : i32
        scf.for %scan3A_287 = %scan3A_258 to %scan3A_260 step %scan3A_261  : i32 {
          %mul3A_288 = arith.constant 720000 : i32
          %mul3A_289 = arith.muli %add3A, %mul3A_288 : i32
          %add3A_290 = arith.constant 0 : i32
          %add3A_291 = arith.addi %mul3A_289, %add3A_290 : i32
          %mul3A_292 = arith.constant 12000 : i32
          %mul3A_293 = arith.muli %scan3A_287, %mul3A_292 : i32
          %add3A_294 = arith.addi %add3A_291, %mul3A_293 : i32
          "tpu.region"() ({
            %run_scoped3A = tpu.sem_alloc : memref<!tpu.dma_semaphore, #tpu.memory_space<semaphore_mem>>
            %dma_start3A = tpu.memref_slice %arg2[%add3A_294] : memref<11520000xf32, #tpu.memory_space<hbm>> -> memref<12000xf32, #tpu.memory_space<hbm>>
            %dma_start3A_300 = tpu.memref_slice %arg2[%add3A_294] : memref<11520000xf32, #tpu.memory_space<hbm>> -> memref<12000xf32, #tpu.memory_space<hbm>>
            tpu.enqueue_dma source(%dma_start3A_300 : memref<12000xf32, #tpu.memory_space<hbm>>) target(%arg7 : memref<12000xf32, #tpu.memory_space<vmem>>) target_semaphore(%run_scoped3A : memref<!tpu.dma_semaphore, #tpu.memory_space<semaphore_mem>>)
            %dma_wait3A = tpu.memref_slice %arg2[%add3A_294] : memref<11520000xf32, #tpu.memory_space<hbm>> -> memref<12000xf32, #tpu.memory_space<hbm>>
            %dma_wait3A_301 = tpu.memref_slice %arg2[%add3A_294] : memref<11520000xf32, #tpu.memory_space<hbm>> -> memref<12000xf32, #tpu.memory_space<hbm>>
            tpu.wait_dma2 semaphore(%run_scoped3A : memref<!tpu.dma_semaphore, #tpu.memory_space<semaphore_mem>>) src(%dma_wait3A_301 : memref<12000xf32, #tpu.memory_space<hbm>>) dst(%arg7 : memref<12000xf32, #tpu.memory_space<vmem>>)
            tpu.yield
          }) : () -> ()
          %scan3A_295 = arith.constant 0 : i32
          %scan3A_296 = arith.constant 125 : i32
          %scan3A_297 = arith.addi %scan3A_295, %scan3A_296 : i32
          %scan3A_298 = arith.constant 1 : i32
          scf.for %scan3A_300 = %scan3A_295 to %scan3A_297 step %scan3A_298  : i32 {
            %mul3A_301 = arith.constant 6 : i32
            %mul3A_302 = arith.muli %scan3A_300, %mul3A_301 : i32
            %add3A_303 = arith.constant 0 : i32
            %add3A_304 = arith.addi %mul3A_302, %add3A_303 : i32
            %mul3A_305 = arith.constant 16 : i32
            %mul3A_306 = arith.muli %add3A_304, %mul3A_305 : i32
            %get3A_307 = arith.index_cast %mul3A_306 : i32 to index
            %get3A_308 = tpu.vector_load %arg7[%get3A_307] {strides = array<i32>} : memref<12000xf32, #tpu.memory_space<vmem>>, vector<16xf32>,
            %mul3A_309 = arith.constant 12000 : i32
            %mul3A_310 = arith.muli %scan3A_287, %mul3A_309 : i32
            %add3A_311 = arith.constant 0 : i32
            %add3A_312 = arith.addi %add3A_311, %mul3A_310 : i32
            %add3A_313 = arith.addi %add3A_312, %mul3A_306 : i32
            %bitcast_convert_type3A = tpu.bitcast %get3A_308 : vector<16xf32> -> vector<16xi32>
            %broadcast_in_dim3A_314 = arith.constant 31 : i32
            %broadcast_in_dim3A_315 = vector.broadcast %broadcast_in_dim3A_314 : i32 to vector<16xi32>
            %shift_right_arithmetic3A = arith.shrsi %bitcast_convert_type3A, %broadcast_in_dim3A_315 : vector<16xi32>
            %broadcast_in_dim3A_316 = arith.constant 2147483647 : i32
            %broadcast_in_dim3A_317 = vector.broadcast %broadcast_in_dim3A_316 : i32 to vector<16xi32>
            %and3A_318 = arith.andi %shift_right_arithmetic3A, %broadcast_in_dim3A_317 : vector<16xi32>
            %xor3A_319 = arith.xori %bitcast_convert_type3A, %and3A_318 : vector<16xi32>
            %broadcast_in_dim3A_320 = arith.constant 1023 : i32
            %broadcast_in_dim3A_321 = vector.broadcast %broadcast_in_dim3A_320 : i32 to vector<16xi32>
            %and3A_322 = arith.andi %xor3A_319, %broadcast_in_dim3A_321 : vector<16xi32>
            %broadcast_in_dim3A_323 = arith.constant 10 : i32
            %broadcast_in_dim3A_324 = vector.broadcast %broadcast_in_dim3A_323 : i32 to vector<16xi32>
            %shift_right_arithmetic3A_325 = arith.shrsi %xor3A_319, %broadcast_in_dim3A_324 : vector<16xi32>
            %eq3A_326 = arith.cmpi eq, %shift_right_arithmetic3A_325, %add3A_219 : vector<16xi32>
            %mul3A_327 = arith.constant 16 : i32
            %mul3A_328 = vector.broadcast %mul3A_327 : i32 to vector<16xi32>
            %mul3A_329 = arith.muli %and3A_322, %mul3A_328 : vector<16xi32>
            %add3A_330 = arith.addi %mul3A_329, %iota3A : vector<16xi32>
            tpu.vector_store_idx %arg8[%add3A_330], %broadcast_in_dim3A_33 masked %eq3A_326 {add = true} : memref<32768xi32, #tpu.memory_space<vmem>>[vector<16xi32>], vector<16xi32>, vector<16xi1>
            %mul3A_331 = arith.constant 6 : i32
            %mul3A_332 = arith.muli %scan3A_300, %mul3A_331 : i32
            %add3A_333 = arith.constant 1 : i32
            %add3A_334 = arith.addi %mul3A_332, %add3A_333 : i32
            %mul3A_335 = arith.constant 16 : i32
            %mul3A_336 = arith.muli %add3A_334, %mul3A_335 : i32
            %get3A_337 = arith.index_cast %mul3A_336 : i32 to index
            %get3A_338 = tpu.vector_load %arg7[%get3A_337] {strides = array<i32>} : memref<12000xf32, #tpu.memory_space<vmem>>, vector<16xf32>,
            %mul3A_339 = arith.constant 12000 : i32
            %mul3A_340 = arith.muli %scan3A_287, %mul3A_339 : i32
            %add3A_341 = arith.constant 0 : i32
            %add3A_342 = arith.addi %add3A_341, %mul3A_340 : i32
            %add3A_343 = arith.addi %add3A_342, %mul3A_336 : i32
            %bitcast_convert_type3A_344 = tpu.bitcast %get3A_338 : vector<16xf32> -> vector<16xi32>
            %broadcast_in_dim3A_345 = arith.constant 31 : i32
            %broadcast_in_dim3A_346 = vector.broadcast %broadcast_in_dim3A_345 : i32 to vector<16xi32>
            %shift_right_arithmetic3A_347 = arith.shrsi %bitcast_convert_type3A_344, %broadcast_in_dim3A_346 : vector<16xi32>
            %broadcast_in_dim3A_348 = arith.constant 2147483647 : i32
            %broadcast_in_dim3A_349 = vector.broadcast %broadcast_in_dim3A_348 : i32 to vector<16xi32>
            %and3A_350 = arith.andi %shift_right_arithmetic3A_347, %broadcast_in_dim3A_349 : vector<16xi32>
            %xor3A_351 = arith.xori %bitcast_convert_type3A_344, %and3A_350 : vector<16xi32>
            %broadcast_in_dim3A_352 = arith.constant 1023 : i32
            %broadcast_in_dim3A_353 = vector.broadcast %broadcast_in_dim3A_352 : i32 to vector<16xi32>
            %and3A_354 = arith.andi %xor3A_351, %broadcast_in_dim3A_353 : vector<16xi32>
            %broadcast_in_dim3A_355 = arith.constant 10 : i32
            %broadcast_in_dim3A_356 = vector.broadcast %broadcast_in_dim3A_355 : i32 to vector<16xi32>
            %shift_right_arithmetic3A_357 = arith.shrsi %xor3A_351, %broadcast_in_dim3A_356 : vector<16xi32>
            %eq3A_358 = arith.cmpi eq, %shift_right_arithmetic3A_357, %add3A_219 : vector<16xi32>
            %mul3A_359 = arith.constant 16 : i32
            %mul3A_360 = vector.broadcast %mul3A_359 : i32 to vector<16xi32>
            %mul3A_361 = arith.muli %and3A_354, %mul3A_360 : vector<16xi32>
            %add3A_362 = arith.addi %mul3A_361, %iota3A : vector<16xi32>
            tpu.vector_store_idx %arg8[%add3A_362], %broadcast_in_dim3A_33 masked %eq3A_358 {add = true} : memref<32768xi32, #tpu.memory_space<vmem>>[vector<16xi32>], vector<16xi32>, vector<16xi1>
            %mul3A_363 = arith.constant 6 : i32
            %mul3A_364 = arith.muli %scan3A_300, %mul3A_363 : i32
            %add3A_365 = arith.constant 2 : i32
            %add3A_366 = arith.addi %mul3A_364, %add3A_365 : i32
            %mul3A_367 = arith.constant 16 : i32
            %mul3A_368 = arith.muli %add3A_366, %mul3A_367 : i32
            %get3A_369 = arith.index_cast %mul3A_368 : i32 to index
            %get3A_370 = tpu.vector_load %arg7[%get3A_369] {strides = array<i32>} : memref<12000xf32, #tpu.memory_space<vmem>>, vector<16xf32>,
            %mul3A_371 = arith.constant 12000 : i32
            %mul3A_372 = arith.muli %scan3A_287, %mul3A_371 : i32
            %add3A_373 = arith.constant 0 : i32
            %add3A_374 = arith.addi %add3A_373, %mul3A_372 : i32
            %add3A_375 = arith.addi %add3A_374, %mul3A_368 : i32
            %bitcast_convert_type3A_376 = tpu.bitcast %get3A_370 : vector<16xf32> -> vector<16xi32>
            %broadcast_in_dim3A_377 = arith.constant 31 : i32
            %broadcast_in_dim3A_378 = vector.broadcast %broadcast_in_dim3A_377 : i32 to vector<16xi32>
            %shift_right_arithmetic3A_379 = arith.shrsi %bitcast_convert_type3A_376, %broadcast_in_dim3A_378 : vector<16xi32>
            %broadcast_in_dim3A_380 = arith.constant 2147483647 : i32
            %broadcast_in_dim3A_381 = vector.broadcast %broadcast_in_dim3A_380 : i32 to vector<16xi32>
            %and3A_382 = arith.andi %shift_right_arithmetic3A_379, %broadcast_in_dim3A_381 : vector<16xi32>
            %xor3A_383 = arith.xori %bitcast_convert_type3A_376, %and3A_382 : vector<16xi32>
            %broadcast_in_dim3A_384 = arith.constant 1023 : i32
            %broadcast_in_dim3A_385 = vector.broadcast %broadcast_in_dim3A_384 : i32 to vector<16xi32>
            %and3A_386 = arith.andi %xor3A_383, %broadcast_in_dim3A_385 : vector<16xi32>
            %broadcast_in_dim3A_387 = arith.constant 10 : i32
            %broadcast_in_dim3A_388 = vector.broadcast %broadcast_in_dim3A_387 : i32 to vector<16xi32>
            %shift_right_arithmetic3A_389 = arith.shrsi %xor3A_383, %broadcast_in_dim3A_388 : vector<16xi32>
            %eq3A_390 = arith.cmpi eq, %shift_right_arithmetic3A_389, %add3A_219 : vector<16xi32>
            %mul3A_391 = arith.constant 16 : i32
            %mul3A_392 = vector.broadcast %mul3A_391 : i32 to vector<16xi32>
            %mul3A_393 = arith.muli %and3A_386, %mul3A_392 : vector<16xi32>
            %add3A_394 = arith.addi %mul3A_393, %iota3A : vector<16xi32>
            tpu.vector_store_idx %arg8[%add3A_394], %broadcast_in_dim3A_33 masked %eq3A_390 {add = true} : memref<32768xi32, #tpu.memory_space<vmem>>[vector<16xi32>], vector<16xi32>, vector<16xi1>
            %mul3A_395 = arith.constant 6 : i32
            %mul3A_396 = arith.muli %scan3A_300, %mul3A_395 : i32
            %add3A_397 = arith.constant 3 : i32
            %add3A_398 = arith.addi %mul3A_396, %add3A_397 : i32
            %mul3A_399 = arith.constant 16 : i32
            %mul3A_400 = arith.muli %add3A_398, %mul3A_399 : i32
            %get3A_401 = arith.index_cast %mul3A_400 : i32 to index
            %get3A_402 = tpu.vector_load %arg7[%get3A_401] {strides = array<i32>} : memref<12000xf32, #tpu.memory_space<vmem>>, vector<16xf32>,
            %mul3A_403 = arith.constant 12000 : i32
            %mul3A_404 = arith.muli %scan3A_287, %mul3A_403 : i32
            %add3A_405 = arith.constant 0 : i32
            %add3A_406 = arith.addi %add3A_405, %mul3A_404 : i32
            %add3A_407 = arith.addi %add3A_406, %mul3A_400 : i32
            %bitcast_convert_type3A_408 = tpu.bitcast %get3A_402 : vector<16xf32> -> vector<16xi32>
            %broadcast_in_dim3A_409 = arith.constant 31 : i32
            %broadcast_in_dim3A_410 = vector.broadcast %broadcast_in_dim3A_409 : i32 to vector<16xi32>
            %shift_right_arithmetic3A_411 = arith.shrsi %bitcast_convert_type3A_408, %broadcast_in_dim3A_410 : vector<16xi32>
            %broadcast_in_dim3A_412 = arith.constant 2147483647 : i32
            %broadcast_in_dim3A_413 = vector.broadcast %broadcast_in_dim3A_412 : i32 to vector<16xi32>
            %and3A_414 = arith.andi %shift_right_arithmetic3A_411, %broadcast_in_dim3A_413 : vector<16xi32>
            %xor3A_415 = arith.xori %bitcast_convert_type3A_408, %and3A_414 : vector<16xi32>
            %broadcast_in_dim3A_416 = arith.constant 1023 : i32
            %broadcast_in_dim3A_417 = vector.broadcast %broadcast_in_dim3A_416 : i32 to vector<16xi32>
            %and3A_418 = arith.andi %xor3A_415, %broadcast_in_dim3A_417 : vector<16xi32>
            %broadcast_in_dim3A_419 = arith.constant 10 : i32
            %broadcast_in_dim3A_420 = vector.broadcast %broadcast_in_dim3A_419 : i32 to vector<16xi32>
            %shift_right_arithmetic3A_421 = arith.shrsi %xor3A_415, %broadcast_in_dim3A_420 : vector<16xi32>
            %eq3A_422 = arith.cmpi eq, %shift_right_arithmetic3A_421, %add3A_219 : vector<16xi32>
            %mul3A_423 = arith.constant 16 : i32
            %mul3A_424 = vector.broadcast %mul3A_423 : i32 to vector<16xi32>
            %mul3A_425 = arith.muli %and3A_418, %mul3A_424 : vector<16xi32>
            %add3A_426 = arith.addi %mul3A_425, %iota3A : vector<16xi32>
            tpu.vector_store_idx %arg8[%add3A_426], %broadcast_in_dim3A_33 masked %eq3A_422 {add = true} : memref<32768xi32, #tpu.memory_space<vmem>>[vector<16xi32>], vector<16xi32>, vector<16xi1>
            %mul3A_427 = arith.constant 6 : i32
            %mul3A_428 = arith.muli %scan3A_300, %mul3A_427 : i32
            %add3A_429 = arith.constant 4 : i32
            %add3A_430 = arith.addi %mul3A_428, %add3A_429 : i32
            %mul3A_431 = arith.constant 16 : i32
            %mul3A_432 = arith.muli %add3A_430, %mul3A_431 : i32
            %get3A_433 = arith.index_cast %mul3A_432 : i32 to index
            %get3A_434 = tpu.vector_load %arg7[%get3A_433] {strides = array<i32>} : memref<12000xf32, #tpu.memory_space<vmem>>, vector<16xf32>,
            %mul3A_435 = arith.constant 12000 : i32
            %mul3A_436 = arith.muli %scan3A_287, %mul3A_435 : i32
            %add3A_437 = arith.constant 0 : i32
            %add3A_438 = arith.addi %add3A_437, %mul3A_436 : i32
            %add3A_439 = arith.addi %add3A_438, %mul3A_432 : i32
            %bitcast_convert_type3A_440 = tpu.bitcast %get3A_434 : vector<16xf32> -> vector<16xi32>
            %broadcast_in_dim3A_441 = arith.constant 31 : i32
            %broadcast_in_dim3A_442 = vector.broadcast %broadcast_in_dim3A_441 : i32 to vector<16xi32>
            %shift_right_arithmetic3A_443 = arith.shrsi %bitcast_convert_type3A_440, %broadcast_in_dim3A_442 : vector<16xi32>
            %broadcast_in_dim3A_444 = arith.constant 2147483647 : i32
            %broadcast_in_dim3A_445 = vector.broadcast %broadcast_in_dim3A_444 : i32 to vector<16xi32>
            %and3A_446 = arith.andi %shift_right_arithmetic3A_443, %broadcast_in_dim3A_445 : vector<16xi32>
            %xor3A_447 = arith.xori %bitcast_convert_type3A_440, %and3A_446 : vector<16xi32>
            %broadcast_in_dim3A_448 = arith.constant 1023 : i32
            %broadcast_in_dim3A_449 = vector.broadcast %broadcast_in_dim3A_448 : i32 to vector<16xi32>
            %and3A_450 = arith.andi %xor3A_447, %broadcast_in_dim3A_449 : vector<16xi32>
            %broadcast_in_dim3A_451 = arith.constant 10 : i32
            %broadcast_in_dim3A_452 = vector.broadcast %broadcast_in_dim3A_451 : i32 to vector<16xi32>
            %shift_right_arithmetic3A_453 = arith.shrsi %xor3A_447, %broadcast_in_dim3A_452 : vector<16xi32>
            %eq3A_454 = arith.cmpi eq, %shift_right_arithmetic3A_453, %add3A_219 : vector<16xi32>
            %mul3A_455 = arith.constant 16 : i32
            %mul3A_456 = vector.broadcast %mul3A_455 : i32 to vector<16xi32>
            %mul3A_457 = arith.muli %and3A_450, %mul3A_456 : vector<16xi32>
            %add3A_458 = arith.addi %mul3A_457, %iota3A : vector<16xi32>
            tpu.vector_store_idx %arg8[%add3A_458], %broadcast_in_dim3A_33 masked %eq3A_454 {add = true} : memref<32768xi32, #tpu.memory_space<vmem>>[vector<16xi32>], vector<16xi32>, vector<16xi1>
            %mul3A_459 = arith.constant 6 : i32
            %mul3A_460 = arith.muli %scan3A_300, %mul3A_459 : i32
            %add3A_461 = arith.constant 5 : i32
            %add3A_462 = arith.addi %mul3A_460, %add3A_461 : i32
            %mul3A_463 = arith.constant 16 : i32
            %mul3A_464 = arith.muli %add3A_462, %mul3A_463 : i32
            %get3A_465 = arith.index_cast %mul3A_464 : i32 to index
            %get3A_466 = tpu.vector_load %arg7[%get3A_465] {strides = array<i32>} : memref<12000xf32, #tpu.memory_space<vmem>>, vector<16xf32>,
            %mul3A_467 = arith.constant 12000 : i32
            %mul3A_468 = arith.muli %scan3A_287, %mul3A_467 : i32
            %add3A_469 = arith.constant 0 : i32
            %add3A_470 = arith.addi %add3A_469, %mul3A_468 : i32
            %add3A_471 = arith.addi %add3A_470, %mul3A_464 : i32
            %bitcast_convert_type3A_472 = tpu.bitcast %get3A_466 : vector<16xf32> -> vector<16xi32>
            %broadcast_in_dim3A_473 = arith.constant 31 : i32
            %broadcast_in_dim3A_474 = vector.broadcast %broadcast_in_dim3A_473 : i32 to vector<16xi32>
            %shift_right_arithmetic3A_475 = arith.shrsi %bitcast_convert_type3A_472, %broadcast_in_dim3A_474 : vector<16xi32>
            %broadcast_in_dim3A_476 = arith.constant 2147483647 : i32
            %broadcast_in_dim3A_477 = vector.broadcast %broadcast_in_dim3A_476 : i32 to vector<16xi32>
            %and3A_478 = arith.andi %shift_right_arithmetic3A_475, %broadcast_in_dim3A_477 : vector<16xi32>
            %xor3A_479 = arith.xori %bitcast_convert_type3A_472, %and3A_478 : vector<16xi32>
            %broadcast_in_dim3A_480 = arith.constant 1023 : i32
            %broadcast_in_dim3A_481 = vector.broadcast %broadcast_in_dim3A_480 : i32 to vector<16xi32>
            %and3A_482 = arith.andi %xor3A_479, %broadcast_in_dim3A_481 : vector<16xi32>
            %broadcast_in_dim3A_483 = arith.constant 10 : i32
            %broadcast_in_dim3A_484 = vector.broadcast %broadcast_in_dim3A_483 : i32 to vector<16xi32>
            %shift_right_arithmetic3A_485 = arith.shrsi %xor3A_479, %broadcast_in_dim3A_484 : vector<16xi32>
            %eq3A_486 = arith.cmpi eq, %shift_right_arithmetic3A_485, %add3A_219 : vector<16xi32>
            %mul3A_487 = arith.constant 16 : i32
            %mul3A_488 = vector.broadcast %mul3A_487 : i32 to vector<16xi32>
            %mul3A_489 = arith.muli %and3A_482, %mul3A_488 : vector<16xi32>
            %add3A_490 = arith.addi %mul3A_489, %iota3A : vector<16xi32>
            tpu.vector_store_idx %arg8[%add3A_490], %broadcast_in_dim3A_33 masked %eq3A_486 {add = true} : memref<32768xi32, #tpu.memory_space<vmem>>[vector<16xi32>], vector<16xi32>, vector<16xi1>
          }
          %scan3A_299 = arith.constant 125 : i32
        }
        %scan3A_262 = arith.constant 60 : i32
        %scan3A_263 = arith.constant 0 : i32
        %scan3A_264 = arith.constant 0 : i32
        %scan3A_265 = arith.constant 64 : i32
        %scan3A_266 = arith.addi %scan3A_264, %scan3A_265 : i32
        %scan3A_267 = arith.constant 1 : i32
        %scan3A_268 = scf.for %scan3A_287 = %scan3A_264 to %scan3A_266 step %scan3A_267 iter_args(%scan3A_288 = %scan3A_263) -> (i32)  : i32 {
          %mul3A_289 = arith.constant 256 : i32
          %mul3A_290 = arith.muli %scan3A_287, %mul3A_289 : i32
          %mul3A_291 = arith.constant 16 : i32
          %mul3A_292 = vector.broadcast %mul3A_291 : i32 to vector<16xi32>
          %mul3A_293 = arith.muli %iota3A, %mul3A_292 : vector<16xi32>
          %add3A_294 = vector.broadcast %mul3A_290 : i32 to vector<16xi32>
          %add3A_295 = arith.addi %add3A_294, %mul3A_293 : vector<16xi32>
          %add3A_296 = arith.constant 0 : i32
          %add3A_297 = vector.broadcast %add3A_296 : i32 to vector<16xi32>
          %add3A_298 = arith.addi %add3A_295, %add3A_297 : vector<16xi32>
          %gather3A = tpu.vector_load_idx %arg8[%add3A_298] : memref<32768xi32, #tpu.memory_space<vmem>>[vector<16xi32>], vector<16xi32>,
          %add3A_299 = arith.addi %broadcast_in_dim3A_31, %gather3A : vector<16xi32>
          %mul3A_300 = arith.constant 256 : i32
          %mul3A_301 = arith.muli %scan3A_287, %mul3A_300 : i32
          %mul3A_302 = arith.constant 16 : i32
          %mul3A_303 = vector.broadcast %mul3A_302 : i32 to vector<16xi32>
          %mul3A_304 = arith.muli %iota3A, %mul3A_303 : vector<16xi32>
          %add3A_305 = vector.broadcast %mul3A_301 : i32 to vector<16xi32>
          %add3A_306 = arith.addi %add3A_305, %mul3A_304 : vector<16xi32>
          %add3A_307 = arith.constant 1 : i32
          %add3A_308 = vector.broadcast %add3A_307 : i32 to vector<16xi32>
          %add3A_309 = arith.addi %add3A_306, %add3A_308 : vector<16xi32>
          %gather3A_310 = tpu.vector_load_idx %arg8[%add3A_309] : memref<32768xi32, #tpu.memory_space<vmem>>[vector<16xi32>], vector<16xi32>,
          %add3A_311 = arith.addi %add3A_299, %gather3A_310 : vector<16xi32>
          %mul3A_312 = arith.constant 256 : i32
          %mul3A_313 = arith.muli %scan3A_287, %mul3A_312 : i32
          %mul3A_314 = arith.constant 16 : i32
          %mul3A_315 = vector.broadcast %mul3A_314 : i32 to vector<16xi32>
          %mul3A_316 = arith.muli %iota3A, %mul3A_315 : vector<16xi32>
          %add3A_317 = vector.broadcast %mul3A_313 : i32 to vector<16xi32>
          %add3A_318 = arith.addi %add3A_317, %mul3A_316 : vector<16xi32>
          %add3A_319 = arith.constant 2 : i32
          %add3A_320 = vector.broadcast %add3A_319 : i32 to vector<16xi32>
          %add3A_321 = arith.addi %add3A_318, %add3A_320 : vector<16xi32>
          %gather3A_322 = tpu.vector_load_idx %arg8[%add3A_321] : memref<32768xi32, #tpu.memory_space<vmem>>[vector<16xi32>], vector<16xi32>,
          %add3A_323 = arith.addi %add3A_311, %gather3A_322 : vector<16xi32>
          %mul3A_324 = arith.constant 256 : i32
          %mul3A_325 = arith.muli %scan3A_287, %mul3A_324 : i32
          %mul3A_326 = arith.constant 16 : i32
          %mul3A_327 = vector.broadcast %mul3A_326 : i32 to vector<16xi32>
          %mul3A_328 = arith.muli %iota3A, %mul3A_327 : vector<16xi32>
          %add3A_329 = vector.broadcast %mul3A_325 : i32 to vector<16xi32>
          %add3A_330 = arith.addi %add3A_329, %mul3A_328 : vector<16xi32>
          %add3A_331 = arith.constant 3 : i32
          %add3A_332 = vector.broadcast %add3A_331 : i32 to vector<16xi32>
          %add3A_333 = arith.addi %add3A_330, %add3A_332 : vector<16xi32>
          %gather3A_334 = tpu.vector_load_idx %arg8[%add3A_333] : memref<32768xi32, #tpu.memory_space<vmem>>[vector<16xi32>], vector<16xi32>,
          %add3A_335 = arith.addi %add3A_323, %gather3A_334 : vector<16xi32>
          %mul3A_336 = arith.constant 256 : i32
          %mul3A_337 = arith.muli %scan3A_287, %mul3A_336 : i32
          %mul3A_338 = arith.constant 16 : i32
          %mul3A_339 = vector.broadcast %mul3A_338 : i32 to vector<16xi32>
          %mul3A_340 = arith.muli %iota3A, %mul3A_339 : vector<16xi32>
          %add3A_341 = vector.broadcast %mul3A_337 : i32 to vector<16xi32>
          %add3A_342 = arith.addi %add3A_341, %mul3A_340 : vector<16xi32>
          %add3A_343 = arith.constant 4 : i32
          %add3A_344 = vector.broadcast %add3A_343 : i32 to vector<16xi32>
          %add3A_345 = arith.addi %add3A_342, %add3A_344 : vector<16xi32>
          %gather3A_346 = tpu.vector_load_idx %arg8[%add3A_345] : memref<32768xi32, #tpu.memory_space<vmem>>[vector<16xi32>], vector<16xi32>,
          %add3A_347 = arith.addi %add3A_335, %gather3A_346 : vector<16xi32>
          %mul3A_348 = arith.constant 256 : i32
          %mul3A_349 = arith.muli %scan3A_287, %mul3A_348 : i32
          %mul3A_350 = arith.constant 16 : i32
          %mul3A_351 = vector.broadcast %mul3A_350 : i32 to vector<16xi32>
          %mul3A_352 = arith.muli %iota3A, %mul3A_351 : vector<16xi32>
          %add3A_353 = vector.broadcast %mul3A_349 : i32 to vector<16xi32>
          %add3A_354 = arith.addi %add3A_353, %mul3A_352 : vector<16xi32>
          %add3A_355 = arith.constant 5 : i32
          %add3A_356 = vector.broadcast %add3A_355 : i32 to vector<16xi32>
          %add3A_357 = arith.addi %add3A_354, %add3A_356 : vector<16xi32>
          %gather3A_358 = tpu.vector_load_idx %arg8[%add3A_357] : memref<32768xi32, #tpu.memory_space<vmem>>[vector<16xi32>], vector<16xi32>,
          %add3A_359 = arith.addi %add3A_347, %gather3A_358 : vector<16xi32>
          %mul3A_360 = arith.constant 256 : i32
          %mul3A_361 = arith.muli %scan3A_287, %mul3A_360 : i32
          %mul3A_362 = arith.constant 16 : i32
          %mul3A_363 = vector.broadcast %mul3A_362 : i32 to vector<16xi32>
          %mul3A_364 = arith.muli %iota3A, %mul3A_363 : vector<16xi32>
          %add3A_365 = vector.broadcast %mul3A_361 : i32 to vector<16xi32>
          %add3A_366 = arith.addi %add3A_365, %mul3A_364 : vector<16xi32>
          %add3A_367 = arith.constant 6 : i32
          %add3A_368 = vector.broadcast %add3A_367 : i32 to vector<16xi32>
          %add3A_369 = arith.addi %add3A_366, %add3A_368 : vector<16xi32>
          %gather3A_370 = tpu.vector_load_idx %arg8[%add3A_369] : memref<32768xi32, #tpu.memory_space<vmem>>[vector<16xi32>], vector<16xi32>,
          %add3A_371 = arith.addi %add3A_359, %gather3A_370 : vector<16xi32>
          %mul3A_372 = arith.constant 256 : i32
          %mul3A_373 = arith.muli %scan3A_287, %mul3A_372 : i32
          %mul3A_374 = arith.constant 16 : i32
          %mul3A_375 = vector.broadcast %mul3A_374 : i32 to vector<16xi32>
          %mul3A_376 = arith.muli %iota3A, %mul3A_375 : vector<16xi32>
          %add3A_377 = vector.broadcast %mul3A_373 : i32 to vector<16xi32>
          %add3A_378 = arith.addi %add3A_377, %mul3A_376 : vector<16xi32>
          %add3A_379 = arith.constant 7 : i32
          %add3A_380 = vector.broadcast %add3A_379 : i32 to vector<16xi32>
          %add3A_381 = arith.addi %add3A_378, %add3A_380 : vector<16xi32>
          %gather3A_382 = tpu.vector_load_idx %arg8[%add3A_381] : memref<32768xi32, #tpu.memory_space<vmem>>[vector<16xi32>], vector<16xi32>,
          %add3A_383 = arith.addi %add3A_371, %gather3A_382 : vector<16xi32>
          %mul3A_384 = arith.constant 256 : i32
          %mul3A_385 = arith.muli %scan3A_287, %mul3A_384 : i32
          %mul3A_386 = arith.constant 16 : i32
          %mul3A_387 = vector.broadcast %mul3A_386 : i32 to vector<16xi32>
          %mul3A_388 = arith.muli %iota3A, %mul3A_387 : vector<16xi32>
          %add3A_389 = vector.broadcast %mul3A_385 : i32 to vector<16xi32>
          %add3A_390 = arith.addi %add3A_389, %mul3A_388 : vector<16xi32>
          %add3A_391 = arith.constant 8 : i32
          %add3A_392 = vector.broadcast %add3A_391 : i32 to vector<16xi32>
          %add3A_393 = arith.addi %add3A_390, %add3A_392 : vector<16xi32>
          %gather3A_394 = tpu.vector_load_idx %arg8[%add3A_393] : memref<32768xi32, #tpu.memory_space<vmem>>[vector<16xi32>], vector<16xi32>,
          %add3A_395 = arith.addi %add3A_383, %gather3A_394 : vector<16xi32>
          %mul3A_396 = arith.constant 256 : i32
          %mul3A_397 = arith.muli %scan3A_287, %mul3A_396 : i32
          %mul3A_398 = arith.constant 16 : i32
          %mul3A_399 = vector.broadcast %mul3A_398 : i32 to vector<16xi32>
          %mul3A_400 = arith.muli %iota3A, %mul3A_399 : vector<16xi32>
          %add3A_401 = vector.broadcast %mul3A_397 : i32 to vector<16xi32>
          %add3A_402 = arith.addi %add3A_401, %mul3A_400 : vector<16xi32>
          %add3A_403 = arith.constant 9 : i32
          %add3A_404 = vector.broadcast %add3A_403 : i32 to vector<16xi32>
          %add3A_405 = arith.addi %add3A_402, %add3A_404 : vector<16xi32>
          %gather3A_406 = tpu.vector_load_idx %arg8[%add3A_405] : memref<32768xi32, #tpu.memory_space<vmem>>[vector<16xi32>], vector<16xi32>,
          %add3A_407 = arith.addi %add3A_395, %gather3A_406 : vector<16xi32>
          %mul3A_408 = arith.constant 256 : i32
          %mul3A_409 = arith.muli %scan3A_287, %mul3A_408 : i32
          %mul3A_410 = arith.constant 16 : i32
          %mul3A_411 = vector.broadcast %mul3A_410 : i32 to vector<16xi32>
          %mul3A_412 = arith.muli %iota3A, %mul3A_411 : vector<16xi32>
          %add3A_413 = vector.broadcast %mul3A_409 : i32 to vector<16xi32>
          %add3A_414 = arith.addi %add3A_413, %mul3A_412 : vector<16xi32>
          %add3A_415 = arith.constant 10 : i32
          %add3A_416 = vector.broadcast %add3A_415 : i32 to vector<16xi32>
          %add3A_417 = arith.addi %add3A_414, %add3A_416 : vector<16xi32>
          %gather3A_418 = tpu.vector_load_idx %arg8[%add3A_417] : memref<32768xi32, #tpu.memory_space<vmem>>[vector<16xi32>], vector<16xi32>,
          %add3A_419 = arith.addi %add3A_407, %gather3A_418 : vector<16xi32>
          %mul3A_420 = arith.constant 256 : i32
          %mul3A_421 = arith.muli %scan3A_287, %mul3A_420 : i32
          %mul3A_422 = arith.constant 16 : i32
          %mul3A_423 = vector.broadcast %mul3A_422 : i32 to vector<16xi32>
          %mul3A_424 = arith.muli %iota3A, %mul3A_423 : vector<16xi32>
          %add3A_425 = vector.broadcast %mul3A_421 : i32 to vector<16xi32>
          %add3A_426 = arith.addi %add3A_425, %mul3A_424 : vector<16xi32>
          %add3A_427 = arith.constant 11 : i32
          %add3A_428 = vector.broadcast %add3A_427 : i32 to vector<16xi32>
          %add3A_429 = arith.addi %add3A_426, %add3A_428 : vector<16xi32>
          %gather3A_430 = tpu.vector_load_idx %arg8[%add3A_429] : memref<32768xi32, #tpu.memory_space<vmem>>[vector<16xi32>], vector<16xi32>,
          %add3A_431 = arith.addi %add3A_419, %gather3A_430 : vector<16xi32>
          %mul3A_432 = arith.constant 256 : i32
          %mul3A_433 = arith.muli %scan3A_287, %mul3A_432 : i32
          %mul3A_434 = arith.constant 16 : i32
          %mul3A_435 = vector.broadcast %mul3A_434 : i32 to vector<16xi32>
          %mul3A_436 = arith.muli %iota3A, %mul3A_435 : vector<16xi32>
          %add3A_437 = vector.broadcast %mul3A_433 : i32 to vector<16xi32>
          %add3A_438 = arith.addi %add3A_437, %mul3A_436 : vector<16xi32>
          %add3A_439 = arith.constant 12 : i32
          %add3A_440 = vector.broadcast %add3A_439 : i32 to vector<16xi32>
          %add3A_441 = arith.addi %add3A_438, %add3A_440 : vector<16xi32>
          %gather3A_442 = tpu.vector_load_idx %arg8[%add3A_441] : memref<32768xi32, #tpu.memory_space<vmem>>[vector<16xi32>], vector<16xi32>,
          %add3A_443 = arith.addi %add3A_431, %gather3A_442 : vector<16xi32>
          %mul3A_444 = arith.constant 256 : i32
          %mul3A_445 = arith.muli %scan3A_287, %mul3A_444 : i32
          %mul3A_446 = arith.constant 16 : i32
          %mul3A_447 = vector.broadcast %mul3A_446 : i32 to vector<16xi32>
          %mul3A_448 = arith.muli %iota3A, %mul3A_447 : vector<16xi32>
          %add3A_449 = vector.broadcast %mul3A_445 : i32 to vector<16xi32>
          %add3A_450 = arith.addi %add3A_449, %mul3A_448 : vector<16xi32>
          %add3A_451 = arith.constant 13 : i32
          %add3A_452 = vector.broadcast %add3A_451 : i32 to vector<16xi32>
          %add3A_453 = arith.addi %add3A_450, %add3A_452 : vector<16xi32>
          %gather3A_454 = tpu.vector_load_idx %arg8[%add3A_453] : memref<32768xi32, #tpu.memory_space<vmem>>[vector<16xi32>], vector<16xi32>,
          %add3A_455 = arith.addi %add3A_443, %gather3A_454 : vector<16xi32>
          %mul3A_456 = arith.constant 256 : i32
          %mul3A_457 = arith.muli %scan3A_287, %mul3A_456 : i32
          %mul3A_458 = arith.constant 16 : i32
          %mul3A_459 = vector.broadcast %mul3A_458 : i32 to vector<16xi32>
          %mul3A_460 = arith.muli %iota3A, %mul3A_459 : vector<16xi32>
          %add3A_461 = vector.broadcast %mul3A_457 : i32 to vector<16xi32>
          %add3A_462 = arith.addi %add3A_461, %mul3A_460 : vector<16xi32>
          %add3A_463 = arith.constant 14 : i32
          %add3A_464 = vector.broadcast %add3A_463 : i32 to vector<16xi32>
          %add3A_465 = arith.addi %add3A_462, %add3A_464 : vector<16xi32>
          %gather3A_466 = tpu.vector_load_idx %arg8[%add3A_465] : memref<32768xi32, #tpu.memory_space<vmem>>[vector<16xi32>], vector<16xi32>,
          %add3A_467 = arith.addi %add3A_455, %gather3A_466 : vector<16xi32>
          %mul3A_468 = arith.constant 256 : i32
          %mul3A_469 = arith.muli %scan3A_287, %mul3A_468 : i32
          %mul3A_470 = arith.constant 16 : i32
          %mul3A_471 = vector.broadcast %mul3A_470 : i32 to vector<16xi32>
          %mul3A_472 = arith.muli %iota3A, %mul3A_471 : vector<16xi32>
          %add3A_473 = vector.broadcast %mul3A_469 : i32 to vector<16xi32>
          %add3A_474 = arith.addi %add3A_473, %mul3A_472 : vector<16xi32>
          %add3A_475 = arith.constant 15 : i32
          %add3A_476 = vector.broadcast %add3A_475 : i32 to vector<16xi32>
          %add3A_477 = arith.addi %add3A_474, %add3A_476 : vector<16xi32>
          %gather3A_478 = tpu.vector_load_idx %arg8[%add3A_477] : memref<32768xi32, #tpu.memory_space<vmem>>[vector<16xi32>], vector<16xi32>,
          %add3A_479 = arith.addi %add3A_467, %gather3A_478 : vector<16xi32>
          %mul3A_480 = arith.constant 16 : i32
          %mul3A_481 = arith.muli %scan3A_287, %mul3A_480 : i32
          %swap3A_482 = arith.index_cast %mul3A_481 : i32 to index
          %swap3A_483 = tpu.vector_load %arg9[%swap3A_482] {strides = array<i32>} : memref<2048xi32, #tpu.memory_space<vmem>>, vector<16xi32>,
          tpu.vector_store %arg9[%swap3A_482], %add3A_479 {strides = array<i32>} : memref<2048xi32, #tpu.memory_space<vmem>>, vector<16xi32>,
          %scan3A_484 = arith.constant 0 : i32
          scf.yield %scan3A_484 : i32
        }
        %scan3A_269 = arith.constant 64 : i32
        %scan3A_270 = arith.constant 0 : i32
        %scan3A_271 = arith.constant 64 : i32
        %scan3A_272 = arith.addi %scan3A_270, %scan3A_271 : i32
        %scan3A_273 = arith.constant 1 : i32
        %scan3A_274:5 = scf.for %scan3A_287 = %scan3A_270 to %scan3A_272 step %scan3A_273 iter_args(%scan3A_288 = %broadcast_in_dim3A_31, %scan3A_289 = %broadcast_in_dim3A_31, %scan3A_290 = %broadcast_in_dim3A_31, %scan3A_291 = %broadcast_in_dim3A_31, %scan3A_292 = %broadcast_in_dim3A_31) -> (vector<16xi32>, vector<16xi32>, vector<16xi32>, vector<16xi32>, vector<16xi32>)  : i32 {
          %sub3A_293 = arith.constant 63 : i32
          %sub3A_294 = arith.subi %sub3A_293, %scan3A_287 : i32
          %mul3A_295 = arith.constant 16 : i32
          %mul3A_296 = arith.muli %sub3A_294, %mul3A_295 : i32
          %get3A_297 = arith.index_cast %mul3A_296 : i32 to index
          %get3A_298 = tpu.vector_load %arg9[%get3A_297] {strides = array<i32>} : memref<2048xi32, #tpu.memory_space<vmem>>, vector<16xi32>,
          %rev3A = arith.constant 15 : i32
          %rev3A_299 = vector.broadcast %rev3A : i32 to vector<16xi32>
          %rev3A_300 = tpu.iota {dimensions = array<i32: 0>} : vector<16xi32>
          %rev3A_301 = arith.subi %rev3A_299, %rev3A_300 : vector<16xi32>
          %rev3A_302 = tpu.dynamic_gather %get3A_298[%rev3A_301] in [0] : vector<16xi32>, vector<16xi32> -> vector<16xi32>
          %broadcast_in_dim3A_303 = arith.constant true
          %broadcast_in_dim3A_304 = vector.broadcast %broadcast_in_dim3A_303 : i1 to vector<16xi1>
          %masked_cumsum3A = tpu.scan <sum>, %rev3A_302 masked %broadcast_in_dim3A_304 : vector<16xi32>, vector<16xi1> -> vector<16xi32>
          %add3A_305 = arith.addi %masked_cumsum3A, %scan3A_292 : vector<16xi32>
          %ge3A = arith.cmpi sge, %add3A_305, %sub3A_249 : vector<16xi32>
          %eq3A_306 = arith.constant 0 : i32
          %eq3A_307 = vector.broadcast %eq3A_306 : i32 to vector<16xi32>
          %eq3A_308 = arith.cmpi eq, %scan3A_288, %eq3A_307 : vector<16xi32>
          %and3A_309 = arith.andi %ge3A, %eq3A_308 : vector<16xi1>
          %all_reduce_population_count3A = tpu.all_reduce %and3A_309 {dim = 0 : i64, kind = #tpu.reduction_kind<sum>} : vector<16xi1> -> vector<16xi32>
          %gt3A_310 = arith.constant 0 : i32
          %gt3A_311 = vector.broadcast %gt3A_310 : i32 to vector<16xi32>
          %gt3A_312 = arith.cmpi sgt, %all_reduce_population_count3A, %gt3A_311 : vector<16xi32>
          %all_reduce_ffs3A = tpu.all_reduce %and3A_309 {dim = 0 : i64, kind = #tpu.reduction_kind<find_first_set>} : vector<16xi1> -> vector<16xi32>
          %jit3A_313 = arith.constant 0 : i32
          %broadcast_in_dim3A_314 = vector.broadcast %jit3A_313 : i32 to vector<16xi32>
          %select_n3A_315 = arith.select %gt3A_312, %all_reduce_ffs3A, %broadcast_in_dim3A_314 : vector<16xi1>, vector<16xi32>
          %lt3A_316 = arith.constant 0 : i32
          %lt3A_317 = vector.broadcast %lt3A_316 : i32 to vector<16xi32>
          %lt3A_318 = arith.cmpi slt, %select_n3A_315, %lt3A_317 : vector<16xi32>
          %add3A_319 = arith.constant 16 : i32
          %add3A_320 = vector.broadcast %add3A_319 : i32 to vector<16xi32>
          %add3A_321 = arith.addi %select_n3A_315, %add3A_320 : vector<16xi32>
          %select_n3A_322 = arith.select %lt3A_318, %add3A_321, %select_n3A_315 : vector<16xi1>, vector<16xi32>
          %broadcast_in_dim3A_323 = vector.shape_cast %select_n3A_322 : vector<16xi32> to vector<16x1xi32>
          %gather3A = vector.shape_cast %broadcast_in_dim3A_323 : vector<16x1xi32> to vector<16xi32>
          %gather3A_324 = tpu.dynamic_gather %add3A_305[%gather3A] in [0] : vector<16xi32>, vector<16xi32> -> vector<16xi32>
          %lt3A_325 = arith.constant 0 : i32
          %lt3A_326 = vector.broadcast %lt3A_325 : i32 to vector<16xi32>
          %lt3A_327 = arith.cmpi slt, %select_n3A_315, %lt3A_326 : vector<16xi32>
          %add3A_328 = arith.constant 16 : i32
          %add3A_329 = vector.broadcast %add3A_328 : i32 to vector<16xi32>
          %add3A_330 = arith.addi %select_n3A_315, %add3A_329 : vector<16xi32>
          %select_n3A_331 = arith.select %lt3A_327, %add3A_330, %select_n3A_315 : vector<16xi1>, vector<16xi32>
          %broadcast_in_dim3A_332 = vector.shape_cast %select_n3A_331 : vector<16xi32> to vector<16x1xi32>
          %gather3A_333 = vector.shape_cast %broadcast_in_dim3A_332 : vector<16x1xi32> to vector<16xi32>
          %gather3A_334 = tpu.dynamic_gather %rev3A_302[%gather3A_333] in [0] : vector<16xi32>, vector<16xi32> -> vector<16xi32>
          %gt3A_335 = arith.constant 0 : i32
          %gt3A_336 = vector.broadcast %gt3A_335 : i32 to vector<16xi32>
          %gt3A_337 = arith.cmpi sgt, %all_reduce_population_count3A, %gt3A_336 : vector<16xi32>
          %mul3A_338 = arith.constant 16 : i32
          %mul3A_339 = arith.muli %sub3A_294, %mul3A_338 : i32
          %add3A_340 = arith.constant 15 : i32
          %add3A_341 = arith.addi %mul3A_339, %add3A_340 : i32
          %sub3A_342 = vector.broadcast %add3A_341 : i32 to vector<16xi32>
          %sub3A_343 = arith.subi %sub3A_342, %select_n3A_315 : vector<16xi32>
          %select_n3A_344 = arith.select %gt3A_337, %sub3A_343, %scan3A_289 : vector<16xi1>, vector<16xi32>
          %select_n3A_345 = arith.select %gt3A_337, %gather3A_324, %scan3A_290 : vector<16xi1>, vector<16xi32>
          %sub3A_346 = arith.subi %gather3A_324, %gather3A_334 : vector<16xi32>
          %select_n3A_347 = arith.select %gt3A_337, %sub3A_346, %scan3A_291 : vector<16xi1>, vector<16xi32>
          %select_n3A_348 = arith.select %gt3A_337, %broadcast_in_dim3A_33, %scan3A_288 : vector<16xi1>, vector<16xi32>
          %broadcast_in_dim3A_349 = arith.constant 15 : i32
          %broadcast_in_dim3A_350 = vector.broadcast %broadcast_in_dim3A_349 : i32 to vector<16xi32>
          %lt3A_351 = arith.constant 0 : i32
          %lt3A_352 = vector.broadcast %lt3A_351 : i32 to vector<16xi32>
          %lt3A_353 = arith.cmpi slt, %broadcast_in_dim3A_350, %lt3A_352 : vector<16xi32>
          %add3A_354 = arith.constant 16 : i32
          %add3A_355 = vector.broadcast %add3A_354 : i32 to vector<16xi32>
          %add3A_356 = arith.addi %broadcast_in_dim3A_350, %add3A_355 : vector<16xi32>
          %select_n3A_357 = arith.select %lt3A_353, %add3A_356, %broadcast_in_dim3A_350 : vector<16xi1>, vector<16xi32>
          %broadcast_in_dim3A_358 = vector.shape_cast %select_n3A_357 : vector<16xi32> to vector<16x1xi32>
          %gather3A_359 = vector.shape_cast %broadcast_in_dim3A_358 : vector<16x1xi32> to vector<16xi32>
          %gather3A_360 = tpu.dynamic_gather %add3A_305[%gather3A_359] in [0] : vector<16xi32>, vector<16xi32> -> vector<16xi32>
          scf.yield %select_n3A_348, %select_n3A_344, %select_n3A_345, %select_n3A_347, %gather3A_360 : vector<16xi32>, vector<16xi32>, vector<16xi32>, vector<16xi32>, vector<16xi32>
        }
        %scan3A_275 = arith.constant 64 : i32
        %mul3A_276 = arith.constant 1024 : i32
        %mul3A_277 = vector.broadcast %mul3A_276 : i32 to vector<16xi32>
        %mul3A_278 = arith.muli %add3A_219, %mul3A_277 : vector<16xi32>
        %add3A_279 = arith.addi %mul3A_278, %scan3A_274#1 : vector<16xi32>
        %swap3A_280 = arith.constant 0 : index
        %swap3A_281 = tpu.vector_load %arg15[%swap3A_280] {strides = array<i32>} : memref<64xi32, #tpu.memory_space<vmem>>, vector<16xi32>,
        tpu.vector_store %arg15[%swap3A_280], %add3A_279 {strides = array<i32>} : memref<64xi32, #tpu.memory_space<vmem>>, vector<16xi32>,
        %swap3A_282 = arith.constant 16 : index
        %swap3A_283 = tpu.vector_load %arg15[%swap3A_282] {strides = array<i32>} : memref<64xi32, #tpu.memory_space<vmem>>, vector<16xi32>,
        tpu.vector_store %arg15[%swap3A_282], %add3A_279 {strides = array<i32>} : memref<64xi32, #tpu.memory_space<vmem>>, vector<16xi32>,
        %sub3A_284 = arith.subi %sub3A_249, %scan3A_274#3 : vector<16xi32>
        %swap3A_285 = arith.constant 32 : index
        %swap3A_286 = tpu.vector_load %arg15[%swap3A_285] {strides = array<i32>} : memref<64xi32, #tpu.memory_space<vmem>>, vector<16xi32>,
        tpu.vector_store %arg15[%swap3A_285], %sub3A_284 {strides = array<i32>} : memref<64xi32, #tpu.memory_space<vmem>>, vector<16xi32>,
      } else {
      }
    } else {
    }
    %get3A = arith.constant 0 : index
    %get3A_96 = tpu.vector_load %arg15[%get3A] {strides = array<i32>} : memref<64xi32, #tpu.memory_space<vmem>>, vector<16xi32>,
    %get3A_97 = arith.constant 16 : index
    %get3A_98 = tpu.vector_load %arg15[%get3A_97] {strides = array<i32>} : memref<64xi32, #tpu.memory_space<vmem>>, vector<16xi32>,
    %get3A_99 = arith.constant 32 : index
    %get3A_100 = tpu.vector_load %arg15[%get3A_99] {strides = array<i32>} : memref<64xi32, #tpu.memory_space<vmem>>, vector<16xi32>,
    %mul3A_101 = arith.constant 360000 : i32
    %mul3A_102 = arith.muli %select_n3A_30, %mul3A_101 : i32
    %scan3A_103 = arith.constant 0 : i32
    %scan3A_104 = arith.constant 30 : i32
    %scan3A_105 = arith.addi %scan3A_103, %scan3A_104 : i32
    %scan3A_106 = arith.constant 1 : i32
    %scan3A_107:2 = scf.for %scan3A_186 = %scan3A_103 to %scan3A_105 step %scan3A_106 iter_args(%scan3A_187 = %broadcast_in_dim3A_31, %scan3A_188 = %broadcast_in_dim3A_31) -> (vector<16xi32>, vector<16xi32>)  : i32 {
      %mul3A_189 = arith.constant 720000 : i32
      %mul3A_190 = arith.muli %add3A, %mul3A_189 : i32
      %add3A_191 = arith.addi %mul3A_190, %mul3A_102 : i32
      %mul3A_192 = arith.constant 12000 : i32
      %mul3A_193 = arith.muli %scan3A_186, %mul3A_192 : i32
      %add3A_194 = arith.addi %add3A_191, %mul3A_193 : i32
      "tpu.region"() ({
        %run_scoped3A = tpu.sem_alloc : memref<!tpu.dma_semaphore, #tpu.memory_space<semaphore_mem>>
        %dma_start3A = tpu.memref_slice %arg2[%add3A_194] : memref<11520000xf32, #tpu.memory_space<hbm>> -> memref<12000xf32, #tpu.memory_space<hbm>>
        %dma_start3A_201 = tpu.memref_slice %arg2[%add3A_194] : memref<11520000xf32, #tpu.memory_space<hbm>> -> memref<12000xf32, #tpu.memory_space<hbm>>
        tpu.enqueue_dma source(%dma_start3A_201 : memref<12000xf32, #tpu.memory_space<hbm>>) target(%arg7 : memref<12000xf32, #tpu.memory_space<vmem>>) target_semaphore(%run_scoped3A : memref<!tpu.dma_semaphore, #tpu.memory_space<semaphore_mem>>)
        %dma_wait3A = tpu.memref_slice %arg2[%add3A_194] : memref<11520000xf32, #tpu.memory_space<hbm>> -> memref<12000xf32, #tpu.memory_space<hbm>>
        %dma_wait3A_202 = tpu.memref_slice %arg2[%add3A_194] : memref<11520000xf32, #tpu.memory_space<hbm>> -> memref<12000xf32, #tpu.memory_space<hbm>>
        tpu.wait_dma2 semaphore(%run_scoped3A : memref<!tpu.dma_semaphore, #tpu.memory_space<semaphore_mem>>) src(%dma_wait3A_202 : memref<12000xf32, #tpu.memory_space<hbm>>) dst(%arg7 : memref<12000xf32, #tpu.memory_space<vmem>>)
        tpu.yield
      }) : () -> ()
      %scan3A_195 = arith.constant 0 : i32
      %scan3A_196 = arith.constant 125 : i32
      %scan3A_197 = arith.addi %scan3A_195, %scan3A_196 : i32
      %scan3A_198 = arith.constant 1 : i32
      %scan3A_199:2 = scf.for %scan3A_201 = %scan3A_195 to %scan3A_197 step %scan3A_198 iter_args(%scan3A_202 = %scan3A_187, %scan3A_203 = %scan3A_188) -> (vector<16xi32>, vector<16xi32>)  : i32 {
        %mul3A_204 = arith.constant 6 : i32
        %mul3A_205 = arith.muli %scan3A_201, %mul3A_204 : i32
        %add3A_206 = arith.constant 0 : i32
        %add3A_207 = arith.addi %mul3A_205, %add3A_206 : i32
        %mul3A_208 = arith.constant 16 : i32
        %mul3A_209 = arith.muli %add3A_207, %mul3A_208 : i32
        %get3A_210 = arith.index_cast %mul3A_209 : i32 to index
        %get3A_211 = tpu.vector_load %arg7[%get3A_210] {strides = array<i32>} : memref<12000xf32, #tpu.memory_space<vmem>>, vector<16xf32>,
        %mul3A_212 = arith.constant 12000 : i32
        %mul3A_213 = arith.muli %scan3A_186, %mul3A_212 : i32
        %add3A_214 = arith.addi %mul3A_102, %mul3A_213 : i32
        %add3A_215 = arith.addi %add3A_214, %mul3A_209 : i32
        %bitcast_convert_type3A = tpu.bitcast %get3A_211 : vector<16xf32> -> vector<16xi32>
        %broadcast_in_dim3A_216 = arith.constant 31 : i32
        %broadcast_in_dim3A_217 = vector.broadcast %broadcast_in_dim3A_216 : i32 to vector<16xi32>
        %shift_right_arithmetic3A = arith.shrsi %bitcast_convert_type3A, %broadcast_in_dim3A_217 : vector<16xi32>
        %broadcast_in_dim3A_218 = arith.constant 2147483647 : i32
        %broadcast_in_dim3A_219 = vector.broadcast %broadcast_in_dim3A_218 : i32 to vector<16xi32>
        %and3A_220 = arith.andi %shift_right_arithmetic3A, %broadcast_in_dim3A_219 : vector<16xi32>
        %xor3A_221 = arith.xori %bitcast_convert_type3A, %and3A_220 : vector<16xi32>
        %add3A_222 = vector.broadcast %add3A_215 : i32 to vector<16xi32>
        %add3A_223 = arith.addi %add3A_222, %iota3A : vector<16xi32>
        %gt3A_224 = arith.cmpi sgt, %xor3A_221, %get3A_96 : vector<16xi32>
        %eq3A_225 = arith.cmpi eq, %xor3A_221, %get3A_98 : vector<16xi32>
        %gt3A_226 = arith.constant 0 : i32
        %gt3A_227 = vector.broadcast %gt3A_226 : i32 to vector<16xi32>
        %gt3A_228 = arith.cmpi sgt, %get3A_100, %gt3A_227 : vector<16xi32>
        %and3A_229 = arith.andi %eq3A_225, %gt3A_228 : vector<16xi1>
        %convert_element_type3A_230 = arith.extui %and3A_229 : vector<16xi1> to vector<16xi32>
        %broadcast_in_dim3A_231 = arith.constant true
        %broadcast_in_dim3A_232 = vector.broadcast %broadcast_in_dim3A_231 : i1 to vector<16xi1>
        %masked_cumsum3A = tpu.scan <sum>, %convert_element_type3A_230 masked %broadcast_in_dim3A_232 : vector<16xi32>, vector<16xi1> -> vector<16xi32>
        %add3A_233 = arith.addi %scan3A_203, %masked_cumsum3A : vector<16xi32>
        %le3A = arith.cmpi sle, %add3A_233, %get3A_100 : vector<16xi32>
        %and3A_234 = arith.andi %and3A_229, %le3A : vector<16xi1>
        %all_reduce_population_count3A = tpu.all_reduce %and3A_229 {dim = 0 : i64, kind = #tpu.reduction_kind<sum>} : vector<16xi1> -> vector<16xi32>
        %add3A_235 = arith.addi %scan3A_203, %all_reduce_population_count3A : vector<16xi32>
        %or3A = arith.ori %gt3A_224, %and3A_234 : vector<16xi1>
        %convert_element_type3A_236 = arith.extui %or3A : vector<16xi1> to vector<16xi32>
        %broadcast_in_dim3A_237 = arith.constant true
        %broadcast_in_dim3A_238 = vector.broadcast %broadcast_in_dim3A_237 : i1 to vector<16xi1>
        %masked_cumsum3A_239 = tpu.scan <sum>, %convert_element_type3A_236 masked %broadcast_in_dim3A_238 : vector<16xi32>, vector<16xi1> -> vector<16xi32>
        %add3A_240 = arith.addi %scan3A_202, %masked_cumsum3A_239 : vector<16xi32>
        %sub3A_241 = arith.subi %add3A_240, %convert_element_type3A_236 : vector<16xi32>
        tpu.vector_store_idx %arg11[%sub3A_241], %xor3A_221 masked %or3A : memref<2064xi32, #tpu.memory_space<vmem>>[vector<16xi32>], vector<16xi32>, vector<16xi1>
        tpu.vector_store_idx %arg12[%sub3A_241], %add3A_223 masked %or3A : memref<2064xi32, #tpu.memory_space<vmem>>[vector<16xi32>], vector<16xi32>, vector<16xi1>
        %all_reduce_population_count3A_242 = tpu.all_reduce %or3A {dim = 0 : i64, kind = #tpu.reduction_kind<sum>} : vector<16xi1> -> vector<16xi32>
        %add3A_243 = arith.addi %scan3A_202, %all_reduce_population_count3A_242 : vector<16xi32>
        %mul3A_244 = arith.constant 6 : i32
        %mul3A_245 = arith.muli %scan3A_201, %mul3A_244 : i32
        %add3A_246 = arith.constant 1 : i32
        %add3A_247 = arith.addi %mul3A_245, %add3A_246 : i32
        %mul3A_248 = arith.constant 16 : i32
        %mul3A_249 = arith.muli %add3A_247, %mul3A_248 : i32
        %get3A_250 = arith.index_cast %mul3A_249 : i32 to index
        %get3A_251 = tpu.vector_load %arg7[%get3A_250] {strides = array<i32>} : memref<12000xf32, #tpu.memory_space<vmem>>, vector<16xf32>,
        %mul3A_252 = arith.constant 12000 : i32
        %mul3A_253 = arith.muli %scan3A_186, %mul3A_252 : i32
        %add3A_254 = arith.addi %mul3A_102, %mul3A_253 : i32
        %add3A_255 = arith.addi %add3A_254, %mul3A_249 : i32
        %bitcast_convert_type3A_256 = tpu.bitcast %get3A_251 : vector<16xf32> -> vector<16xi32>
        %broadcast_in_dim3A_257 = arith.constant 31 : i32
        %broadcast_in_dim3A_258 = vector.broadcast %broadcast_in_dim3A_257 : i32 to vector<16xi32>
        %shift_right_arithmetic3A_259 = arith.shrsi %bitcast_convert_type3A_256, %broadcast_in_dim3A_258 : vector<16xi32>
        %broadcast_in_dim3A_260 = arith.constant 2147483647 : i32
        %broadcast_in_dim3A_261 = vector.broadcast %broadcast_in_dim3A_260 : i32 to vector<16xi32>
        %and3A_262 = arith.andi %shift_right_arithmetic3A_259, %broadcast_in_dim3A_261 : vector<16xi32>
        %xor3A_263 = arith.xori %bitcast_convert_type3A_256, %and3A_262 : vector<16xi32>
        %add3A_264 = vector.broadcast %add3A_255 : i32 to vector<16xi32>
        %add3A_265 = arith.addi %add3A_264, %iota3A : vector<16xi32>
        %gt3A_266 = arith.cmpi sgt, %xor3A_263, %get3A_96 : vector<16xi32>
        %eq3A_267 = arith.cmpi eq, %xor3A_263, %get3A_98 : vector<16xi32>
        %gt3A_268 = arith.constant 0 : i32
        %gt3A_269 = vector.broadcast %gt3A_268 : i32 to vector<16xi32>
        %gt3A_270 = arith.cmpi sgt, %get3A_100, %gt3A_269 : vector<16xi32>
        %and3A_271 = arith.andi %eq3A_267, %gt3A_270 : vector<16xi1>
        %convert_element_type3A_272 = arith.extui %and3A_271 : vector<16xi1> to vector<16xi32>
        %broadcast_in_dim3A_273 = arith.constant true
        %broadcast_in_dim3A_274 = vector.broadcast %broadcast_in_dim3A_273 : i1 to vector<16xi1>
        %masked_cumsum3A_275 = tpu.scan <sum>, %convert_element_type3A_272 masked %broadcast_in_dim3A_274 : vector<16xi32>, vector<16xi1> -> vector<16xi32>
        %add3A_276 = arith.addi %add3A_235, %masked_cumsum3A_275 : vector<16xi32>
        %le3A_277 = arith.cmpi sle, %add3A_276, %get3A_100 : vector<16xi32>
        %and3A_278 = arith.andi %and3A_271, %le3A_277 : vector<16xi1>
        %all_reduce_population_count3A_279 = tpu.all_reduce %and3A_271 {dim = 0 : i64, kind = #tpu.reduction_kind<sum>} : vector<16xi1> -> vector<16xi32>
        %add3A_280 = arith.addi %add3A_235, %all_reduce_population_count3A_279 : vector<16xi32>
        %or3A_281 = arith.ori %gt3A_266, %and3A_278 : vector<16xi1>
        %convert_element_type3A_282 = arith.extui %or3A_281 : vector<16xi1> to vector<16xi32>
        %broadcast_in_dim3A_283 = arith.constant true
        %broadcast_in_dim3A_284 = vector.broadcast %broadcast_in_dim3A_283 : i1 to vector<16xi1>
        %masked_cumsum3A_285 = tpu.scan <sum>, %convert_element_type3A_282 masked %broadcast_in_dim3A_284 : vector<16xi32>, vector<16xi1> -> vector<16xi32>
        %add3A_286 = arith.addi %add3A_243, %masked_cumsum3A_285 : vector<16xi32>
        %sub3A_287 = arith.subi %add3A_286, %convert_element_type3A_282 : vector<16xi32>
        tpu.vector_store_idx %arg11[%sub3A_287], %xor3A_263 masked %or3A_281 : memref<2064xi32, #tpu.memory_space<vmem>>[vector<16xi32>], vector<16xi32>, vector<16xi1>
        tpu.vector_store_idx %arg12[%sub3A_287], %add3A_265 masked %or3A_281 : memref<2064xi32, #tpu.memory_space<vmem>>[vector<16xi32>], vector<16xi32>, vector<16xi1>
        %all_reduce_population_count3A_288 = tpu.all_reduce %or3A_281 {dim = 0 : i64, kind = #tpu.reduction_kind<sum>} : vector<16xi1> -> vector<16xi32>
        %add3A_289 = arith.addi %add3A_243, %all_reduce_population_count3A_288 : vector<16xi32>
        %mul3A_290 = arith.constant 6 : i32
        %mul3A_291 = arith.muli %scan3A_201, %mul3A_290 : i32
        %add3A_292 = arith.constant 2 : i32
        %add3A_293 = arith.addi %mul3A_291, %add3A_292 : i32
        %mul3A_294 = arith.constant 16 : i32
        %mul3A_295 = arith.muli %add3A_293, %mul3A_294 : i32
        %get3A_296 = arith.index_cast %mul3A_295 : i32 to index
        %get3A_297 = tpu.vector_load %arg7[%get3A_296] {strides = array<i32>} : memref<12000xf32, #tpu.memory_space<vmem>>, vector<16xf32>,
        %mul3A_298 = arith.constant 12000 : i32
        %mul3A_299 = arith.muli %scan3A_186, %mul3A_298 : i32
        %add3A_300 = arith.addi %mul3A_102, %mul3A_299 : i32
        %add3A_301 = arith.addi %add3A_300, %mul3A_295 : i32
        %bitcast_convert_type3A_302 = tpu.bitcast %get3A_297 : vector<16xf32> -> vector<16xi32>
        %broadcast_in_dim3A_303 = arith.constant 31 : i32
        %broadcast_in_dim3A_304 = vector.broadcast %broadcast_in_dim3A_303 : i32 to vector<16xi32>
        %shift_right_arithmetic3A_305 = arith.shrsi %bitcast_convert_type3A_302, %broadcast_in_dim3A_304 : vector<16xi32>
        %broadcast_in_dim3A_306 = arith.constant 2147483647 : i32
        %broadcast_in_dim3A_307 = vector.broadcast %broadcast_in_dim3A_306 : i32 to vector<16xi32>
        %and3A_308 = arith.andi %shift_right_arithmetic3A_305, %broadcast_in_dim3A_307 : vector<16xi32>
        %xor3A_309 = arith.xori %bitcast_convert_type3A_302, %and3A_308 : vector<16xi32>
        %add3A_310 = vector.broadcast %add3A_301 : i32 to vector<16xi32>
        %add3A_311 = arith.addi %add3A_310, %iota3A : vector<16xi32>
        %gt3A_312 = arith.cmpi sgt, %xor3A_309, %get3A_96 : vector<16xi32>
        %eq3A_313 = arith.cmpi eq, %xor3A_309, %get3A_98 : vector<16xi32>
        %gt3A_314 = arith.constant 0 : i32
        %gt3A_315 = vector.broadcast %gt3A_314 : i32 to vector<16xi32>
        %gt3A_316 = arith.cmpi sgt, %get3A_100, %gt3A_315 : vector<16xi32>
        %and3A_317 = arith.andi %eq3A_313, %gt3A_316 : vector<16xi1>
        %convert_element_type3A_318 = arith.extui %and3A_317 : vector<16xi1> to vector<16xi32>
        %broadcast_in_dim3A_319 = arith.constant true
        %broadcast_in_dim3A_320 = vector.broadcast %broadcast_in_dim3A_319 : i1 to vector<16xi1>
        %masked_cumsum3A_321 = tpu.scan <sum>, %convert_element_type3A_318 masked %broadcast_in_dim3A_320 : vector<16xi32>, vector<16xi1> -> vector<16xi32>
        %add3A_322 = arith.addi %add3A_280, %masked_cumsum3A_321 : vector<16xi32>
        %le3A_323 = arith.cmpi sle, %add3A_322, %get3A_100 : vector<16xi32>
        %and3A_324 = arith.andi %and3A_317, %le3A_323 : vector<16xi1>
        %all_reduce_population_count3A_325 = tpu.all_reduce %and3A_317 {dim = 0 : i64, kind = #tpu.reduction_kind<sum>} : vector<16xi1> -> vector<16xi32>
        %add3A_326 = arith.addi %add3A_280, %all_reduce_population_count3A_325 : vector<16xi32>
        %or3A_327 = arith.ori %gt3A_312, %and3A_324 : vector<16xi1>
        %convert_element_type3A_328 = arith.extui %or3A_327 : vector<16xi1> to vector<16xi32>
        %broadcast_in_dim3A_329 = arith.constant true
        %broadcast_in_dim3A_330 = vector.broadcast %broadcast_in_dim3A_329 : i1 to vector<16xi1>
        %masked_cumsum3A_331 = tpu.scan <sum>, %convert_element_type3A_328 masked %broadcast_in_dim3A_330 : vector<16xi32>, vector<16xi1> -> vector<16xi32>
        %add3A_332 = arith.addi %add3A_289, %masked_cumsum3A_331 : vector<16xi32>
        %sub3A_333 = arith.subi %add3A_332, %convert_element_type3A_328 : vector<16xi32>
        tpu.vector_store_idx %arg11[%sub3A_333], %xor3A_309 masked %or3A_327 : memref<2064xi32, #tpu.memory_space<vmem>>[vector<16xi32>], vector<16xi32>, vector<16xi1>
        tpu.vector_store_idx %arg12[%sub3A_333], %add3A_311 masked %or3A_327 : memref<2064xi32, #tpu.memory_space<vmem>>[vector<16xi32>], vector<16xi32>, vector<16xi1>
        %all_reduce_population_count3A_334 = tpu.all_reduce %or3A_327 {dim = 0 : i64, kind = #tpu.reduction_kind<sum>} : vector<16xi1> -> vector<16xi32>
        %add3A_335 = arith.addi %add3A_289, %all_reduce_population_count3A_334 : vector<16xi32>
        %mul3A_336 = arith.constant 6 : i32
        %mul3A_337 = arith.muli %scan3A_201, %mul3A_336 : i32
        %add3A_338 = arith.constant 3 : i32
        %add3A_339 = arith.addi %mul3A_337, %add3A_338 : i32
        %mul3A_340 = arith.constant 16 : i32
        %mul3A_341 = arith.muli %add3A_339, %mul3A_340 : i32
        %get3A_342 = arith.index_cast %mul3A_341 : i32 to index
        %get3A_343 = tpu.vector_load %arg7[%get3A_342] {strides = array<i32>} : memref<12000xf32, #tpu.memory_space<vmem>>, vector<16xf32>,
        %mul3A_344 = arith.constant 12000 : i32
        %mul3A_345 = arith.muli %scan3A_186, %mul3A_344 : i32
        %add3A_346 = arith.addi %mul3A_102, %mul3A_345 : i32
        %add3A_347 = arith.addi %add3A_346, %mul3A_341 : i32
        %bitcast_convert_type3A_348 = tpu.bitcast %get3A_343 : vector<16xf32> -> vector<16xi32>
        %broadcast_in_dim3A_349 = arith.constant 31 : i32
        %broadcast_in_dim3A_350 = vector.broadcast %broadcast_in_dim3A_349 : i32 to vector<16xi32>
        %shift_right_arithmetic3A_351 = arith.shrsi %bitcast_convert_type3A_348, %broadcast_in_dim3A_350 : vector<16xi32>
        %broadcast_in_dim3A_352 = arith.constant 2147483647 : i32
        %broadcast_in_dim3A_353 = vector.broadcast %broadcast_in_dim3A_352 : i32 to vector<16xi32>
        %and3A_354 = arith.andi %shift_right_arithmetic3A_351, %broadcast_in_dim3A_353 : vector<16xi32>
        %xor3A_355 = arith.xori %bitcast_convert_type3A_348, %and3A_354 : vector<16xi32>
        %add3A_356 = vector.broadcast %add3A_347 : i32 to vector<16xi32>
        %add3A_357 = arith.addi %add3A_356, %iota3A : vector<16xi32>
        %gt3A_358 = arith.cmpi sgt, %xor3A_355, %get3A_96 : vector<16xi32>
        %eq3A_359 = arith.cmpi eq, %xor3A_355, %get3A_98 : vector<16xi32>
        %gt3A_360 = arith.constant 0 : i32
        %gt3A_361 = vector.broadcast %gt3A_360 : i32 to vector<16xi32>
        %gt3A_362 = arith.cmpi sgt, %get3A_100, %gt3A_361 : vector<16xi32>
        %and3A_363 = arith.andi %eq3A_359, %gt3A_362 : vector<16xi1>
        %convert_element_type3A_364 = arith.extui %and3A_363 : vector<16xi1> to vector<16xi32>
        %broadcast_in_dim3A_365 = arith.constant true
        %broadcast_in_dim3A_366 = vector.broadcast %broadcast_in_dim3A_365 : i1 to vector<16xi1>
        %masked_cumsum3A_367 = tpu.scan <sum>, %convert_element_type3A_364 masked %broadcast_in_dim3A_366 : vector<16xi32>, vector<16xi1> -> vector<16xi32>
        %add3A_368 = arith.addi %add3A_326, %masked_cumsum3A_367 : vector<16xi32>
        %le3A_369 = arith.cmpi sle, %add3A_368, %get3A_100 : vector<16xi32>
        %and3A_370 = arith.andi %and3A_363, %le3A_369 : vector<16xi1>
        %all_reduce_population_count3A_371 = tpu.all_reduce %and3A_363 {dim = 0 : i64, kind = #tpu.reduction_kind<sum>} : vector<16xi1> -> vector<16xi32>
        %add3A_372 = arith.addi %add3A_326, %all_reduce_population_count3A_371 : vector<16xi32>
        %or3A_373 = arith.ori %gt3A_358, %and3A_370 : vector<16xi1>
        %convert_element_type3A_374 = arith.extui %or3A_373 : vector<16xi1> to vector<16xi32>
        %broadcast_in_dim3A_375 = arith.constant true
        %broadcast_in_dim3A_376 = vector.broadcast %broadcast_in_dim3A_375 : i1 to vector<16xi1>
        %masked_cumsum3A_377 = tpu.scan <sum>, %convert_element_type3A_374 masked %broadcast_in_dim3A_376 : vector<16xi32>, vector<16xi1> -> vector<16xi32>
        %add3A_378 = arith.addi %add3A_335, %masked_cumsum3A_377 : vector<16xi32>
        %sub3A_379 = arith.subi %add3A_378, %convert_element_type3A_374 : vector<16xi32>
        tpu.vector_store_idx %arg11[%sub3A_379], %xor3A_355 masked %or3A_373 : memref<2064xi32, #tpu.memory_space<vmem>>[vector<16xi32>], vector<16xi32>, vector<16xi1>
        tpu.vector_store_idx %arg12[%sub3A_379], %add3A_357 masked %or3A_373 : memref<2064xi32, #tpu.memory_space<vmem>>[vector<16xi32>], vector<16xi32>, vector<16xi1>
        %all_reduce_population_count3A_380 = tpu.all_reduce %or3A_373 {dim = 0 : i64, kind = #tpu.reduction_kind<sum>} : vector<16xi1> -> vector<16xi32>
        %add3A_381 = arith.addi %add3A_335, %all_reduce_population_count3A_380 : vector<16xi32>
        %mul3A_382 = arith.constant 6 : i32
        %mul3A_383 = arith.muli %scan3A_201, %mul3A_382 : i32
        %add3A_384 = arith.constant 4 : i32
        %add3A_385 = arith.addi %mul3A_383, %add3A_384 : i32
        %mul3A_386 = arith.constant 16 : i32
        %mul3A_387 = arith.muli %add3A_385, %mul3A_386 : i32
        %get3A_388 = arith.index_cast %mul3A_387 : i32 to index
        %get3A_389 = tpu.vector_load %arg7[%get3A_388] {strides = array<i32>} : memref<12000xf32, #tpu.memory_space<vmem>>, vector<16xf32>,
        %mul3A_390 = arith.constant 12000 : i32
        %mul3A_391 = arith.muli %scan3A_186, %mul3A_390 : i32
        %add3A_392 = arith.addi %mul3A_102, %mul3A_391 : i32
        %add3A_393 = arith.addi %add3A_392, %mul3A_387 : i32
        %bitcast_convert_type3A_394 = tpu.bitcast %get3A_389 : vector<16xf32> -> vector<16xi32>
        %broadcast_in_dim3A_395 = arith.constant 31 : i32
        %broadcast_in_dim3A_396 = vector.broadcast %broadcast_in_dim3A_395 : i32 to vector<16xi32>
        %shift_right_arithmetic3A_397 = arith.shrsi %bitcast_convert_type3A_394, %broadcast_in_dim3A_396 : vector<16xi32>
        %broadcast_in_dim3A_398 = arith.constant 2147483647 : i32
        %broadcast_in_dim3A_399 = vector.broadcast %broadcast_in_dim3A_398 : i32 to vector<16xi32>
        %and3A_400 = arith.andi %shift_right_arithmetic3A_397, %broadcast_in_dim3A_399 : vector<16xi32>
        %xor3A_401 = arith.xori %bitcast_convert_type3A_394, %and3A_400 : vector<16xi32>
        %add3A_402 = vector.broadcast %add3A_393 : i32 to vector<16xi32>
        %add3A_403 = arith.addi %add3A_402, %iota3A : vector<16xi32>
        %gt3A_404 = arith.cmpi sgt, %xor3A_401, %get3A_96 : vector<16xi32>
        %eq3A_405 = arith.cmpi eq, %xor3A_401, %get3A_98 : vector<16xi32>
        %gt3A_406 = arith.constant 0 : i32
        %gt3A_407 = vector.broadcast %gt3A_406 : i32 to vector<16xi32>
        %gt3A_408 = arith.cmpi sgt, %get3A_100, %gt3A_407 : vector<16xi32>
        %and3A_409 = arith.andi %eq3A_405, %gt3A_408 : vector<16xi1>
        %convert_element_type3A_410 = arith.extui %and3A_409 : vector<16xi1> to vector<16xi32>
        %broadcast_in_dim3A_411 = arith.constant true
        %broadcast_in_dim3A_412 = vector.broadcast %broadcast_in_dim3A_411 : i1 to vector<16xi1>
        %masked_cumsum3A_413 = tpu.scan <sum>, %convert_element_type3A_410 masked %broadcast_in_dim3A_412 : vector<16xi32>, vector<16xi1> -> vector<16xi32>
        %add3A_414 = arith.addi %add3A_372, %masked_cumsum3A_413 : vector<16xi32>
        %le3A_415 = arith.cmpi sle, %add3A_414, %get3A_100 : vector<16xi32>
        %and3A_416 = arith.andi %and3A_409, %le3A_415 : vector<16xi1>
        %all_reduce_population_count3A_417 = tpu.all_reduce %and3A_409 {dim = 0 : i64, kind = #tpu.reduction_kind<sum>} : vector<16xi1> -> vector<16xi32>
        %add3A_418 = arith.addi %add3A_372, %all_reduce_population_count3A_417 : vector<16xi32>
        %or3A_419 = arith.ori %gt3A_404, %and3A_416 : vector<16xi1>
        %convert_element_type3A_420 = arith.extui %or3A_419 : vector<16xi1> to vector<16xi32>
        %broadcast_in_dim3A_421 = arith.constant true
        %broadcast_in_dim3A_422 = vector.broadcast %broadcast_in_dim3A_421 : i1 to vector<16xi1>
        %masked_cumsum3A_423 = tpu.scan <sum>, %convert_element_type3A_420 masked %broadcast_in_dim3A_422 : vector<16xi32>, vector<16xi1> -> vector<16xi32>
        %add3A_424 = arith.addi %add3A_381, %masked_cumsum3A_423 : vector<16xi32>
        %sub3A_425 = arith.subi %add3A_424, %convert_element_type3A_420 : vector<16xi32>
        tpu.vector_store_idx %arg11[%sub3A_425], %xor3A_401 masked %or3A_419 : memref<2064xi32, #tpu.memory_space<vmem>>[vector<16xi32>], vector<16xi32>, vector<16xi1>
        tpu.vector_store_idx %arg12[%sub3A_425], %add3A_403 masked %or3A_419 : memref<2064xi32, #tpu.memory_space<vmem>>[vector<16xi32>], vector<16xi32>, vector<16xi1>
        %all_reduce_population_count3A_426 = tpu.all_reduce %or3A_419 {dim = 0 : i64, kind = #tpu.reduction_kind<sum>} : vector<16xi1> -> vector<16xi32>
        %add3A_427 = arith.addi %add3A_381, %all_reduce_population_count3A_426 : vector<16xi32>
        %mul3A_428 = arith.constant 6 : i32
        %mul3A_429 = arith.muli %scan3A_201, %mul3A_428 : i32
        %add3A_430 = arith.constant 5 : i32
        %add3A_431 = arith.addi %mul3A_429, %add3A_430 : i32
        %mul3A_432 = arith.constant 16 : i32
        %mul3A_433 = arith.muli %add3A_431, %mul3A_432 : i32
        %get3A_434 = arith.index_cast %mul3A_433 : i32 to index
        %get3A_435 = tpu.vector_load %arg7[%get3A_434] {strides = array<i32>} : memref<12000xf32, #tpu.memory_space<vmem>>, vector<16xf32>,
        %mul3A_436 = arith.constant 12000 : i32
        %mul3A_437 = arith.muli %scan3A_186, %mul3A_436 : i32
        %add3A_438 = arith.addi %mul3A_102, %mul3A_437 : i32
        %add3A_439 = arith.addi %add3A_438, %mul3A_433 : i32
        %bitcast_convert_type3A_440 = tpu.bitcast %get3A_435 : vector<16xf32> -> vector<16xi32>
        %broadcast_in_dim3A_441 = arith.constant 31 : i32
        %broadcast_in_dim3A_442 = vector.broadcast %broadcast_in_dim3A_441 : i32 to vector<16xi32>
        %shift_right_arithmetic3A_443 = arith.shrsi %bitcast_convert_type3A_440, %broadcast_in_dim3A_442 : vector<16xi32>
        %broadcast_in_dim3A_444 = arith.constant 2147483647 : i32
        %broadcast_in_dim3A_445 = vector.broadcast %broadcast_in_dim3A_444 : i32 to vector<16xi32>
        %and3A_446 = arith.andi %shift_right_arithmetic3A_443, %broadcast_in_dim3A_445 : vector<16xi32>
        %xor3A_447 = arith.xori %bitcast_convert_type3A_440, %and3A_446 : vector<16xi32>
        %add3A_448 = vector.broadcast %add3A_439 : i32 to vector<16xi32>
        %add3A_449 = arith.addi %add3A_448, %iota3A : vector<16xi32>
        %gt3A_450 = arith.cmpi sgt, %xor3A_447, %get3A_96 : vector<16xi32>
        %eq3A_451 = arith.cmpi eq, %xor3A_447, %get3A_98 : vector<16xi32>
        %gt3A_452 = arith.constant 0 : i32
        %gt3A_453 = vector.broadcast %gt3A_452 : i32 to vector<16xi32>
        %gt3A_454 = arith.cmpi sgt, %get3A_100, %gt3A_453 : vector<16xi32>
        %and3A_455 = arith.andi %eq3A_451, %gt3A_454 : vector<16xi1>
        %convert_element_type3A_456 = arith.extui %and3A_455 : vector<16xi1> to vector<16xi32>
        %broadcast_in_dim3A_457 = arith.constant true
        %broadcast_in_dim3A_458 = vector.broadcast %broadcast_in_dim3A_457 : i1 to vector<16xi1>
        %masked_cumsum3A_459 = tpu.scan <sum>, %convert_element_type3A_456 masked %broadcast_in_dim3A_458 : vector<16xi32>, vector<16xi1> -> vector<16xi32>
        %add3A_460 = arith.addi %add3A_418, %masked_cumsum3A_459 : vector<16xi32>
        %le3A_461 = arith.cmpi sle, %add3A_460, %get3A_100 : vector<16xi32>
        %and3A_462 = arith.andi %and3A_455, %le3A_461 : vector<16xi1>
        %all_reduce_population_count3A_463 = tpu.all_reduce %and3A_455 {dim = 0 : i64, kind = #tpu.reduction_kind<sum>} : vector<16xi1> -> vector<16xi32>
        %add3A_464 = arith.addi %add3A_418, %all_reduce_population_count3A_463 : vector<16xi32>
        %or3A_465 = arith.ori %gt3A_450, %and3A_462 : vector<16xi1>
        %convert_element_type3A_466 = arith.extui %or3A_465 : vector<16xi1> to vector<16xi32>
        %broadcast_in_dim3A_467 = arith.constant true
        %broadcast_in_dim3A_468 = vector.broadcast %broadcast_in_dim3A_467 : i1 to vector<16xi1>
        %masked_cumsum3A_469 = tpu.scan <sum>, %convert_element_type3A_466 masked %broadcast_in_dim3A_468 : vector<16xi32>, vector<16xi1> -> vector<16xi32>
        %add3A_470 = arith.addi %add3A_427, %masked_cumsum3A_469 : vector<16xi32>
        %sub3A_471 = arith.subi %add3A_470, %convert_element_type3A_466 : vector<16xi32>
        tpu.vector_store_idx %arg11[%sub3A_471], %xor3A_447 masked %or3A_465 : memref<2064xi32, #tpu.memory_space<vmem>>[vector<16xi32>], vector<16xi32>, vector<16xi1>
        tpu.vector_store_idx %arg12[%sub3A_471], %add3A_449 masked %or3A_465 : memref<2064xi32, #tpu.memory_space<vmem>>[vector<16xi32>], vector<16xi32>, vector<16xi1>
        %all_reduce_population_count3A_472 = tpu.all_reduce %or3A_465 {dim = 0 : i64, kind = #tpu.reduction_kind<sum>} : vector<16xi1> -> vector<16xi32>
        %add3A_473 = arith.addi %add3A_427, %all_reduce_population_count3A_472 : vector<16xi32>
        scf.yield %add3A_473, %add3A_464 : vector<16xi32>, vector<16xi32>
      }
      %scan3A_200 = arith.constant 125 : i32
      scf.yield %scan3A_199#0, %scan3A_199#1 : vector<16xi32>, vector<16xi32>
    }
    %scan3A_108 = arith.constant 30 : i32
    %swap3A_109 = arith.constant 48 : index
    %swap3A_110 = tpu.vector_load %arg15[%swap3A_109] {strides = array<i32>} : memref<64xi32, #tpu.memory_space<vmem>>, vector<16xi32>,
    tpu.vector_store %arg15[%swap3A_109], %scan3A_107#0 {strides = array<i32>} : memref<64xi32, #tpu.memory_space<vmem>>, vector<16xi32>,
    "tpu.region"() ({
      %run_scoped3A = tpu.sem_alloc : memref<!tpu.dma_semaphore, #tpu.memory_space<semaphore_mem>>
      %dma_start3A = arith.constant 0 : i32
      %dma_start3A_186 = tpu.memref_slice %arg27[%arg1, %dma_start3A] : memref<16x2064xi32, #tpu.memory_space<vmem_shared>> -> memref<1x2064xi32, #tpu.memory_space<vmem_shared>>
      %dma_start3A_187 = tpu.memref_squeeze %dma_start3A_186 : memref<1x2064xi32, #tpu.memory_space<vmem_shared>> -> memref<2064xi32, #tpu.memory_space<vmem_shared>>
      %dma_start3A_188 = arith.constant 0 : i32
      %dma_start3A_189 = tpu.memref_slice %arg27[%arg1, %dma_start3A_188] : memref<16x2064xi32, #tpu.memory_space<vmem_shared>> -> memref<1x2064xi32, #tpu.memory_space<vmem_shared>>
      %dma_start3A_190 = tpu.memref_squeeze %dma_start3A_189 : memref<1x2064xi32, #tpu.memory_space<vmem_shared>> -> memref<2064xi32, #tpu.memory_space<vmem_shared>>
      tpu.enqueue_dma source(%arg11 : memref<2064xi32, #tpu.memory_space<vmem>>) target(%dma_start3A_190 : memref<2064xi32, #tpu.memory_space<vmem_shared>>) target_semaphore(%run_scoped3A : memref<!tpu.dma_semaphore, #tpu.memory_space<semaphore_mem>>)
      %dma_wait3A = arith.constant 0 : i32
      %dma_wait3A_191 = tpu.memref_slice %arg27[%arg1, %dma_wait3A] : memref<16x2064xi32, #tpu.memory_space<vmem_shared>> -> memref<1x2064xi32, #tpu.memory_space<vmem_shared>>
      %dma_wait3A_192 = tpu.memref_squeeze %dma_wait3A_191 : memref<1x2064xi32, #tpu.memory_space<vmem_shared>> -> memref<2064xi32, #tpu.memory_space<vmem_shared>>
      %dma_wait3A_193 = arith.constant 0 : i32
      %dma_wait3A_194 = tpu.memref_slice %arg27[%arg1, %dma_wait3A_193] : memref<16x2064xi32, #tpu.memory_space<vmem_shared>> -> memref<1x2064xi32, #tpu.memory_space<vmem_shared>>
      %dma_wait3A_195 = tpu.memref_squeeze %dma_wait3A_194 : memref<1x2064xi32, #tpu.memory_space<vmem_shared>> -> memref<2064xi32, #tpu.memory_space<vmem_shared>>
      tpu.wait_dma2 semaphore(%run_scoped3A : memref<!tpu.dma_semaphore, #tpu.memory_space<semaphore_mem>>) src(%arg11 : memref<2064xi32, #tpu.memory_space<vmem>>) dst(%dma_wait3A_195 : memref<2064xi32, #tpu.memory_space<vmem_shared>>)
      tpu.yield
    }) : () -> ()
    "tpu.region"() ({
      %run_scoped3A = tpu.sem_alloc : memref<!tpu.dma_semaphore, #tpu.memory_space<semaphore_mem>>
      %dma_start3A = arith.constant 0 : i32
      %dma_start3A_186 = tpu.memref_slice %arg28[%arg1, %dma_start3A] : memref<16x2064xi32, #tpu.memory_space<vmem_shared>> -> memref<1x2064xi32, #tpu.memory_space<vmem_shared>>
      %dma_start3A_187 = tpu.memref_squeeze %dma_start3A_186 : memref<1x2064xi32, #tpu.memory_space<vmem_shared>> -> memref<2064xi32, #tpu.memory_space<vmem_shared>>
      %dma_start3A_188 = arith.constant 0 : i32
      %dma_start3A_189 = tpu.memref_slice %arg28[%arg1, %dma_start3A_188] : memref<16x2064xi32, #tpu.memory_space<vmem_shared>> -> memref<1x2064xi32, #tpu.memory_space<vmem_shared>>
      %dma_start3A_190 = tpu.memref_squeeze %dma_start3A_189 : memref<1x2064xi32, #tpu.memory_space<vmem_shared>> -> memref<2064xi32, #tpu.memory_space<vmem_shared>>
      tpu.enqueue_dma source(%arg12 : memref<2064xi32, #tpu.memory_space<vmem>>) target(%dma_start3A_190 : memref<2064xi32, #tpu.memory_space<vmem_shared>>) target_semaphore(%run_scoped3A : memref<!tpu.dma_semaphore, #tpu.memory_space<semaphore_mem>>)
      %dma_wait3A = arith.constant 0 : i32
      %dma_wait3A_191 = tpu.memref_slice %arg28[%arg1, %dma_wait3A] : memref<16x2064xi32, #tpu.memory_space<vmem_shared>> -> memref<1x2064xi32, #tpu.memory_space<vmem_shared>>
      %dma_wait3A_192 = tpu.memref_squeeze %dma_wait3A_191 : memref<1x2064xi32, #tpu.memory_space<vmem_shared>> -> memref<2064xi32, #tpu.memory_space<vmem_shared>>
      %dma_wait3A_193 = arith.constant 0 : i32
      %dma_wait3A_194 = tpu.memref_slice %arg28[%arg1, %dma_wait3A_193] : memref<16x2064xi32, #tpu.memory_space<vmem_shared>> -> memref<1x2064xi32, #tpu.memory_space<vmem_shared>>
      %dma_wait3A_195 = tpu.memref_squeeze %dma_wait3A_194 : memref<1x2064xi32, #tpu.memory_space<vmem_shared>> -> memref<2064xi32, #tpu.memory_space<vmem_shared>>
      tpu.wait_dma2 semaphore(%run_scoped3A : memref<!tpu.dma_semaphore, #tpu.memory_space<semaphore_mem>>) src(%arg12 : memref<2064xi32, #tpu.memory_space<vmem>>) dst(%dma_wait3A_195 : memref<2064xi32, #tpu.memory_space<vmem_shared>>)
      tpu.yield
    }) : () -> ()
    "tpu.region"() ({
      %run_scoped3A = tpu.sem_alloc : memref<!tpu.dma_semaphore, #tpu.memory_space<semaphore_mem>>
      %dma_start3A = arith.constant 48 : i32
      %dma_start3A_186 = tpu.memref_slice %arg15[%dma_start3A] : memref<64xi32, #tpu.memory_space<vmem>> -> memref<16xi32, #tpu.memory_space<vmem>>
      %dma_start3A_187 = arith.constant 0 : i32
      %dma_start3A_188 = tpu.memref_slice %arg29[%arg1, %dma_start3A_187] : memref<16x16xi32, #tpu.memory_space<vmem_shared>> -> memref<1x16xi32, #tpu.memory_space<vmem_shared>>
      %dma_start3A_189 = tpu.memref_squeeze %dma_start3A_188 : memref<1x16xi32, #tpu.memory_space<vmem_shared>> -> memref<16xi32, #tpu.memory_space<vmem_shared>>
      %dma_start3A_190 = arith.constant 0 : i32
      %dma_start3A_191 = tpu.memref_slice %arg29[%arg1, %dma_start3A_190] : memref<16x16xi32, #tpu.memory_space<vmem_shared>> -> memref<1x16xi32, #tpu.memory_space<vmem_shared>>
      %dma_start3A_192 = tpu.memref_squeeze %dma_start3A_191 : memref<1x16xi32, #tpu.memory_space<vmem_shared>> -> memref<16xi32, #tpu.memory_space<vmem_shared>>
      %dma_start3A_193 = arith.constant 48 : i32
      %dma_start3A_194 = tpu.memref_slice %arg15[%dma_start3A_193] : memref<64xi32, #tpu.memory_space<vmem>> -> memref<16xi32, #tpu.memory_space<vmem>>
      tpu.enqueue_dma source(%dma_start3A_194 : memref<16xi32, #tpu.memory_space<vmem>>) target(%dma_start3A_192 : memref<16xi32, #tpu.memory_space<vmem_shared>>) target_semaphore(%run_scoped3A : memref<!tpu.dma_semaphore, #tpu.memory_space<semaphore_mem>>)
      %dma_wait3A = arith.constant 48 : i32
      %dma_wait3A_195 = tpu.memref_slice %arg15[%dma_wait3A] : memref<64xi32, #tpu.memory_space<vmem>> -> memref<16xi32, #tpu.memory_space<vmem>>
      %dma_wait3A_196 = arith.constant 0 : i32
      %dma_wait3A_197 = tpu.memref_slice %arg29[%arg1, %dma_wait3A_196] : memref<16x16xi32, #tpu.memory_space<vmem_shared>> -> memref<1x16xi32, #tpu.memory_space<vmem_shared>>
      %dma_wait3A_198 = tpu.memref_squeeze %dma_wait3A_197 : memref<1x16xi32, #tpu.memory_space<vmem_shared>> -> memref<16xi32, #tpu.memory_space<vmem_shared>>
      %dma_wait3A_199 = arith.constant 0 : i32
      %dma_wait3A_200 = tpu.memref_slice %arg29[%arg1, %dma_wait3A_199] : memref<16x16xi32, #tpu.memory_space<vmem_shared>> -> memref<1x16xi32, #tpu.memory_space<vmem_shared>>
      %dma_wait3A_201 = tpu.memref_squeeze %dma_wait3A_200 : memref<1x16xi32, #tpu.memory_space<vmem_shared>> -> memref<16xi32, #tpu.memory_space<vmem_shared>>
      %dma_wait3A_202 = arith.constant 48 : i32
      %dma_wait3A_203 = tpu.memref_slice %arg15[%dma_wait3A_202] : memref<64xi32, #tpu.memory_space<vmem>> -> memref<16xi32, #tpu.memory_space<vmem>>
      tpu.wait_dma2 semaphore(%run_scoped3A : memref<!tpu.dma_semaphore, #tpu.memory_space<semaphore_mem>>) src(%dma_wait3A_203 : memref<16xi32, #tpu.memory_space<vmem>>) dst(%dma_wait3A_201 : memref<16xi32, #tpu.memory_space<vmem_shared>>)
      tpu.yield
    }) : () -> ()
    %barrier3A_111 = arith.constant 0 : index
    tpu.barrier barrier_id(%barrier3A_111)
    %xor3A_112 = arith.constant 1 : i32
    %xor3A_113 = arith.xori %arg1, %xor3A_112 : i32
    "tpu.region"() ({
      %run_scoped3A = tpu.sem_alloc : memref<!tpu.dma_semaphore, #tpu.memory_space<semaphore_mem>>
      %dma_start3A = arith.constant 0 : i32
      %dma_start3A_186 = tpu.memref_slice %arg27[%xor3A_113, %dma_start3A] : memref<16x2064xi32, #tpu.memory_space<vmem_shared>> -> memref<1x2064xi32, #tpu.memory_space<vmem_shared>>
      %dma_start3A_187 = tpu.memref_squeeze %dma_start3A_186 : memref<1x2064xi32, #tpu.memory_space<vmem_shared>> -> memref<2064xi32, #tpu.memory_space<vmem_shared>>
      %dma_start3A_188 = arith.constant 0 : i32
      %dma_start3A_189 = tpu.memref_slice %arg27[%xor3A_113, %dma_start3A_188] : memref<16x2064xi32, #tpu.memory_space<vmem_shared>> -> memref<1x2064xi32, #tpu.memory_space<vmem_shared>>
      %dma_start3A_190 = tpu.memref_squeeze %dma_start3A_189 : memref<1x2064xi32, #tpu.memory_space<vmem_shared>> -> memref<2064xi32, #tpu.memory_space<vmem_shared>>
      tpu.enqueue_dma source(%dma_start3A_190 : memref<2064xi32, #tpu.memory_space<vmem_shared>>) target(%arg13 : memref<2064xi32, #tpu.memory_space<vmem>>) target_semaphore(%run_scoped3A : memref<!tpu.dma_semaphore, #tpu.memory_space<semaphore_mem>>)
      %dma_wait3A = arith.constant 0 : i32
      %dma_wait3A_191 = tpu.memref_slice %arg27[%xor3A_113, %dma_wait3A] : memref<16x2064xi32, #tpu.memory_space<vmem_shared>> -> memref<1x2064xi32, #tpu.memory_space<vmem_shared>>
      %dma_wait3A_192 = tpu.memref_squeeze %dma_wait3A_191 : memref<1x2064xi32, #tpu.memory_space<vmem_shared>> -> memref<2064xi32, #tpu.memory_space<vmem_shared>>
      %dma_wait3A_193 = arith.constant 0 : i32
      %dma_wait3A_194 = tpu.memref_slice %arg27[%xor3A_113, %dma_wait3A_193] : memref<16x2064xi32, #tpu.memory_space<vmem_shared>> -> memref<1x2064xi32, #tpu.memory_space<vmem_shared>>
      %dma_wait3A_195 = tpu.memref_squeeze %dma_wait3A_194 : memref<1x2064xi32, #tpu.memory_space<vmem_shared>> -> memref<2064xi32, #tpu.memory_space<vmem_shared>>
      tpu.wait_dma2 semaphore(%run_scoped3A : memref<!tpu.dma_semaphore, #tpu.memory_space<semaphore_mem>>) src(%dma_wait3A_195 : memref<2064xi32, #tpu.memory_space<vmem_shared>>) dst(%arg13 : memref<2064xi32, #tpu.memory_space<vmem>>)
      tpu.yield
    }) : () -> ()
    %xor3A_114 = arith.constant 1 : i32
    %xor3A_115 = arith.xori %arg1, %xor3A_114 : i32
    "tpu.region"() ({
      %run_scoped3A = tpu.sem_alloc : memref<!tpu.dma_semaphore, #tpu.memory_space<semaphore_mem>>
      %dma_start3A = arith.constant 0 : i32
      %dma_start3A_186 = tpu.memref_slice %arg28[%xor3A_115, %dma_start3A] : memref<16x2064xi32, #tpu.memory_space<vmem_shared>> -> memref<1x2064xi32, #tpu.memory_space<vmem_shared>>
      %dma_start3A_187 = tpu.memref_squeeze %dma_start3A_186 : memref<1x2064xi32, #tpu.memory_space<vmem_shared>> -> memref<2064xi32, #tpu.memory_space<vmem_shared>>
      %dma_start3A_188 = arith.constant 0 : i32
      %dma_start3A_189 = tpu.memref_slice %arg28[%xor3A_115, %dma_start3A_188] : memref<16x2064xi32, #tpu.memory_space<vmem_shared>> -> memref<1x2064xi32, #tpu.memory_space<vmem_shared>>
      %dma_start3A_190 = tpu.memref_squeeze %dma_start3A_189 : memref<1x2064xi32, #tpu.memory_space<vmem_shared>> -> memref<2064xi32, #tpu.memory_space<vmem_shared>>
      tpu.enqueue_dma source(%dma_start3A_190 : memref<2064xi32, #tpu.memory_space<vmem_shared>>) target(%arg14 : memref<2064xi32, #tpu.memory_space<vmem>>) target_semaphore(%run_scoped3A : memref<!tpu.dma_semaphore, #tpu.memory_space<semaphore_mem>>)
      %dma_wait3A = arith.constant 0 : i32
      %dma_wait3A_191 = tpu.memref_slice %arg28[%xor3A_115, %dma_wait3A] : memref<16x2064xi32, #tpu.memory_space<vmem_shared>> -> memref<1x2064xi32, #tpu.memory_space<vmem_shared>>
      %dma_wait3A_192 = tpu.memref_squeeze %dma_wait3A_191 : memref<1x2064xi32, #tpu.memory_space<vmem_shared>> -> memref<2064xi32, #tpu.memory_space<vmem_shared>>
      %dma_wait3A_193 = arith.constant 0 : i32
      %dma_wait3A_194 = tpu.memref_slice %arg28[%xor3A_115, %dma_wait3A_193] : memref<16x2064xi32, #tpu.memory_space<vmem_shared>> -> memref<1x2064xi32, #tpu.memory_space<vmem_shared>>
      %dma_wait3A_195 = tpu.memref_squeeze %dma_wait3A_194 : memref<1x2064xi32, #tpu.memory_space<vmem_shared>> -> memref<2064xi32, #tpu.memory_space<vmem_shared>>
      tpu.wait_dma2 semaphore(%run_scoped3A : memref<!tpu.dma_semaphore, #tpu.memory_space<semaphore_mem>>) src(%dma_wait3A_195 : memref<2064xi32, #tpu.memory_space<vmem_shared>>) dst(%arg14 : memref<2064xi32, #tpu.memory_space<vmem>>)
      tpu.yield
    }) : () -> ()
    %xor3A_116 = arith.constant 1 : i32
    %xor3A_117 = arith.xori %arg1, %xor3A_116 : i32
    "tpu.region"() ({
      %run_scoped3A = tpu.sem_alloc : memref<!tpu.dma_semaphore, #tpu.memory_space<semaphore_mem>>
      %dma_start3A = arith.constant 48 : i32
      %dma_start3A_186 = tpu.memref_slice %arg15[%dma_start3A] : memref<64xi32, #tpu.memory_space<vmem>> -> memref<16xi32, #tpu.memory_space<vmem>>
      %dma_start3A_187 = arith.constant 0 : i32
      %dma_start3A_188 = tpu.memref_slice %arg29[%xor3A_117, %dma_start3A_187] : memref<16x16xi32, #tpu.memory_space<vmem_shared>> -> memref<1x16xi32, #tpu.memory_space<vmem_shared>>
      %dma_start3A_189 = tpu.memref_squeeze %dma_start3A_188 : memref<1x16xi32, #tpu.memory_space<vmem_shared>> -> memref<16xi32, #tpu.memory_space<vmem_shared>>
      %dma_start3A_190 = arith.constant 48 : i32
      %dma_start3A_191 = tpu.memref_slice %arg15[%dma_start3A_190] : memref<64xi32, #tpu.memory_space<vmem>> -> memref<16xi32, #tpu.memory_space<vmem>>
      %dma_start3A_192 = arith.constant 0 : i32
      %dma_start3A_193 = tpu.memref_slice %arg29[%xor3A_117, %dma_start3A_192] : memref<16x16xi32, #tpu.memory_space<vmem_shared>> -> memref<1x16xi32, #tpu.memory_space<vmem_shared>>
      %dma_start3A_194 = tpu.memref_squeeze %dma_start3A_193 : memref<1x16xi32, #tpu.memory_space<vmem_shared>> -> memref<16xi32, #tpu.memory_space<vmem_shared>>
      tpu.enqueue_dma source(%dma_start3A_194 : memref<16xi32, #tpu.memory_space<vmem_shared>>) target(%dma_start3A_191 : memref<16xi32, #tpu.memory_space<vmem>>) target_semaphore(%run_scoped3A : memref<!tpu.dma_semaphore, #tpu.memory_space<semaphore_mem>>)
      %dma_wait3A = arith.constant 48 : i32
      %dma_wait3A_195 = tpu.memref_slice %arg15[%dma_wait3A] : memref<64xi32, #tpu.memory_space<vmem>> -> memref<16xi32, #tpu.memory_space<vmem>>
      %dma_wait3A_196 = arith.constant 0 : i32
      %dma_wait3A_197 = tpu.memref_slice %arg29[%xor3A_117, %dma_wait3A_196] : memref<16x16xi32, #tpu.memory_space<vmem_shared>> -> memref<1x16xi32, #tpu.memory_space<vmem_shared>>
      %dma_wait3A_198 = tpu.memref_squeeze %dma_wait3A_197 : memref<1x16xi32, #tpu.memory_space<vmem_shared>> -> memref<16xi32, #tpu.memory_space<vmem_shared>>
      %dma_wait3A_199 = arith.constant 48 : i32
      %dma_wait3A_200 = tpu.memref_slice %arg15[%dma_wait3A_199] : memref<64xi32, #tpu.memory_space<vmem>> -> memref<16xi32, #tpu.memory_space<vmem>>
      %dma_wait3A_201 = arith.constant 0 : i32
      %dma_wait3A_202 = tpu.memref_slice %arg29[%xor3A_117, %dma_wait3A_201] : memref<16x16xi32, #tpu.memory_space<vmem_shared>> -> memref<1x16xi32, #tpu.memory_space<vmem_shared>>
      %dma_wait3A_203 = tpu.memref_squeeze %dma_wait3A_202 : memref<1x16xi32, #tpu.memory_space<vmem_shared>> -> memref<16xi32, #tpu.memory_space<vmem_shared>>
      tpu.wait_dma2 semaphore(%run_scoped3A : memref<!tpu.dma_semaphore, #tpu.memory_space<semaphore_mem>>) src(%dma_wait3A_203 : memref<16xi32, #tpu.memory_space<vmem_shared>>) dst(%dma_wait3A_200 : memref<16xi32, #tpu.memory_space<vmem>>)
      tpu.yield
    }) : () -> ()
    %get3A_118 = arith.constant 48 : index
    %get3A_119 = tpu.vector_load %arg15[%get3A_118] {strides = array<i32>} : memref<64xi32, #tpu.memory_space<vmem>>, vector<16xi32>,
    %reduce_max3A_120 = arith.constant true
    %reduce_max3A_121 = vector.broadcast %reduce_max3A_120 : i1 to vector<16xi1>
    %reduce_max3A_122 = arith.constant -2147483648 : i32
    %reduce_max3A_123 = vector.broadcast %reduce_max3A_122 : i32 to vector<16xi32>
    %reduce_max3A_124 = arith.xori %scan3A_107#0, %reduce_max3A_123 : vector<16xi32>
    %reduce_max3A_125 = tpu.scan <max>, %reduce_max3A_124 masked %reduce_max3A_121 : vector<16xi32>, vector<16xi1> -> vector<16xi32>
    %reduce_max3A_126 = arith.xori %reduce_max3A_125, %reduce_max3A_123 : vector<16xi32>
    %reduce_max3A_127 = vector.extract %reduce_max3A_126[15] : i32 from vector<16xi32>
    %reduce_max3A_128 = arith.constant true
    %reduce_max3A_129 = vector.broadcast %reduce_max3A_128 : i1 to vector<16xi1>
    %reduce_max3A_130 = arith.constant -2147483648 : i32
    %reduce_max3A_131 = vector.broadcast %reduce_max3A_130 : i32 to vector<16xi32>
    %reduce_max3A_132 = arith.xori %get3A_119, %reduce_max3A_131 : vector<16xi32>
    %reduce_max3A_133 = tpu.scan <max>, %reduce_max3A_132 masked %reduce_max3A_129 : vector<16xi32>, vector<16xi1> -> vector<16xi32>
    %reduce_max3A_134 = arith.xori %reduce_max3A_133, %reduce_max3A_131 : vector<16xi32>
    %reduce_max3A_135 = vector.extract %reduce_max3A_134[15] : i32 from vector<16xi32>
    %add3A_136 = arith.constant 15 : i32
    %add3A_137 = arith.addi %reduce_max3A_127, %add3A_136 : i32
    %jit3A_138 = arith.constant 16 : i32
    %div3A_139 = arith.divsi %add3A_137, %jit3A_138 : i32
    %sign3A_140 = arith.constant 0 : i32
    %sign3A_141 = arith.cmpi sgt, %add3A_137, %sign3A_140 : i32
    %sign3A_142 = arith.extui %sign3A_141 : i1 to i32
    %sign3A_143 = arith.constant 0 : i32
    %sign3A_144 = arith.cmpi slt, %add3A_137, %sign3A_143 : i32
    %sign3A_145 = arith.extui %sign3A_144 : i1 to i32
    %sign3A_146 = arith.subi %sign3A_142, %sign3A_145 : i32
    %sign3A_147 = arith.constant 0 : i32
    %sign3A_148 = arith.cmpi sgt, %jit3A_138, %sign3A_147 : i32
    %sign3A_149 = arith.extui %sign3A_148 : i1 to i32
    %sign3A_150 = arith.constant 0 : i32
    %sign3A_151 = arith.cmpi slt, %jit3A_138, %sign3A_150 : i32
    %sign3A_152 = arith.extui %sign3A_151 : i1 to i32
    %sign3A_153 = arith.subi %sign3A_149, %sign3A_152 : i32
    %ne3A_154 = arith.cmpi ne, %sign3A_146, %sign3A_153 : i32
    %rem3A_155 = arith.remsi %add3A_137, %jit3A_138 : i32
    %ne3A_156 = arith.constant 0 : i32
    %ne3A_157 = arith.cmpi ne, %rem3A_155, %ne3A_156 : i32
    %and3A_158 = arith.andi %ne3A_154, %ne3A_157 : i1
    %sub3A_159 = arith.constant 1 : i32
    %sub3A_160 = arith.subi %div3A_139, %sub3A_159 : i32
    %select_n3A_161 = arith.select %and3A_158, %sub3A_160, %div3A_139 : i32
    %scan3A_162 = arith.constant 0 : i32
    %scan3A_163 = arith.constant 0 : i32
    %scan3A_164 = arith.constant 24 : i32
    %scan3A_165 = arith.addi %scan3A_163, %scan3A_164 : i32
    %scan3A_166 = arith.constant 1 : i32
    %scan3A_167 = scf.for %scan3A_186 = %scan3A_163 to %scan3A_165 step %scan3A_166 iter_args(%scan3A_187 = %scan3A_162) -> (i32)  : i32 {
      %mul3A_188 = arith.constant 16 : i32
      %mul3A_189 = arith.muli %scan3A_186, %mul3A_188 : i32
      %swap3A_190 = arith.index_cast %mul3A_189 : i32 to index
      %swap3A_191 = tpu.vector_load %arg19[%swap3A_190] {strides = array<i32>} : memref<384xi32, #tpu.memory_space<vmem>>, vector<16xi32>,
      tpu.vector_store %arg19[%swap3A_190], %broadcast_in_dim3A_31 {strides = array<i32>} : memref<384xi32, #tpu.memory_space<vmem>>, vector<16xi32>,
      %mul3A_192 = arith.constant 16 : i32
      %mul3A_193 = arith.muli %scan3A_186, %mul3A_192 : i32
      %swap3A_194 = arith.index_cast %mul3A_193 : i32 to index
      %swap3A_195 = tpu.vector_load %arg18[%swap3A_194] {strides = array<i32>} : memref<384xi32, #tpu.memory_space<vmem>>, vector<16xi32>,
      tpu.vector_store %arg18[%swap3A_194], %broadcast_in_dim3A_31 {strides = array<i32>} : memref<384xi32, #tpu.memory_space<vmem>>, vector<16xi32>,
      %scan3A_196 = arith.constant 0 : i32
      scf.yield %scan3A_196 : i32
    }
    %scan3A_168 = arith.constant 24 : i32
    %while3A = arith.constant 0 : i32
    %while3A_169 = arith.constant 0 : i32
    %while3A_170 = arith.subi %select_n3A_161, %while3A : i32
    %while3A_171 = arith.addi %while3A, %while3A_170 : i32
    %while3A_172 = arith.constant 1 : i32
    %while3A_173 = arith.divsi %while3A_170, %while3A_172 : i32
    %while3A_174 = arith.muli %while3A_173, %while3A_172 : i32
    %while3A_175 = arith.addi %while3A, %while3A_174 : i32
    %while3A_176 = arith.constant 1 : i32
    %while3A_177 = scf.for %while3A_186 = %while3A to %while3A_175 step %while3A_176 iter_args(%while3A_187 = %while3A_169) -> (i32)  : i32 {
      %mul3A_188 = arith.constant 16 : i32
      %mul3A_189 = arith.muli %while3A_186, %mul3A_188 : i32
      %get3A_190 = arith.index_cast %mul3A_189 : i32 to index
      %get3A_191 = tpu.vector_load %arg11[%get3A_190] {strides = array<i32>} : memref<2064xi32, #tpu.memory_space<vmem>>, vector<16xi32>,
      %get3A_192 = arith.index_cast %mul3A_189 : i32 to index
      %get3A_193 = tpu.vector_load %arg12[%get3A_192] {strides = array<i32>} : memref<2064xi32, #tpu.memory_space<vmem>>, vector<16xi32>,
      %add3A_194 = vector.broadcast %mul3A_189 : i32 to vector<16xi32>
      %add3A_195 = arith.addi %add3A_194, %iota3A : vector<16xi32>
      %lt3A_196 = arith.cmpi slt, %add3A_195, %scan3A_107#0 : vector<16xi32>
      %while3A_197 = arith.constant 0 : i32
      %while3A_198 = arith.subi %reduce_max3A_127, %while3A_197 : i32
      %while3A_199 = arith.addi %while3A_197, %while3A_198 : i32
      %while3A_200 = arith.constant 1 : i32
      %while3A_201 = arith.divsi %while3A_198, %while3A_200 : i32
      %while3A_202 = arith.muli %while3A_201, %while3A_200 : i32
      %while3A_203 = arith.addi %while3A_197, %while3A_202 : i32
      %while3A_204 = arith.constant 1 : i32
      %while3A_205 = scf.for %while3A_275 = %while3A_197 to %while3A_203 step %while3A_204 iter_args(%while3A_276 = %broadcast_in_dim3A_31) -> (vector<16xi32>)  : i32 {
        %broadcast_in_dim3A_277 = vector.broadcast %while3A_275 : i32 to vector<16xi32>
        %gather3A = tpu.vector_load_idx %arg11[%broadcast_in_dim3A_277] : memref<2064xi32, #tpu.memory_space<vmem>>[vector<16xi32>], vector<16xi32>,
        %gather3A_278 = tpu.vector_load_idx %arg12[%broadcast_in_dim3A_277] : memref<2064xi32, #tpu.memory_space<vmem>>[vector<16xi32>], vector<16xi32>,
        %gt3A_279 = arith.cmpi sgt, %gather3A, %get3A_191 : vector<16xi32>
        %eq3A_280 = arith.cmpi eq, %gather3A, %get3A_191 : vector<16xi32>
        %lt3A_281 = arith.cmpi slt, %gather3A_278, %get3A_193 : vector<16xi32>
        %and3A_282 = arith.andi %eq3A_280, %lt3A_281 : vector<16xi1>
        %or3A = arith.ori %gt3A_279, %and3A_282 : vector<16xi1>
        %convert_element_type3A_283 = arith.extui %or3A : vector<16xi1> to vector<16xi32>
        %add3A_284 = arith.addi %while3A_276, %convert_element_type3A_283 : vector<16xi32>
        scf.yield %add3A_284 : vector<16xi32>
      }
      %while3A_206 = arith.constant 1 : i32
      %while3A_207 = scf.for %while3A_275 = %while3A_203 to %while3A_199 step %while3A_206 iter_args(%while3A_276 = %while3A_205) -> (vector<16xi32>)  : i32 {
        %broadcast_in_dim3A_277 = vector.broadcast %while3A_275 : i32 to vector<16xi32>
        %gather3A = tpu.vector_load_idx %arg11[%broadcast_in_dim3A_277] : memref<2064xi32, #tpu.memory_space<vmem>>[vector<16xi32>], vector<16xi32>,
        %gather3A_278 = tpu.vector_load_idx %arg12[%broadcast_in_dim3A_277] : memref<2064xi32, #tpu.memory_space<vmem>>[vector<16xi32>], vector<16xi32>,
        %gt3A_279 = arith.cmpi sgt, %gather3A, %get3A_191 : vector<16xi32>
        %eq3A_280 = arith.cmpi eq, %gather3A, %get3A_191 : vector<16xi32>
        %lt3A_281 = arith.cmpi slt, %gather3A_278, %get3A_193 : vector<16xi32>
        %and3A_282 = arith.andi %eq3A_280, %lt3A_281 : vector<16xi1>
        %or3A = arith.ori %gt3A_279, %and3A_282 : vector<16xi1>
        %convert_element_type3A_283 = arith.extui %or3A : vector<16xi1> to vector<16xi32>
        %add3A_284 = arith.addi %while3A_276, %convert_element_type3A_283 : vector<16xi32>
        scf.yield %add3A_284 : vector<16xi32>
      }
      %while3A_208 = arith.constant 0 : i32
      %while3A_209 = arith.subi %reduce_max3A_135, %while3A_208 : i32
      %while3A_210 = arith.addi %while3A_208, %while3A_209 : i32
      %while3A_211 = arith.constant 1 : i32
      %while3A_212 = arith.divsi %while3A_209, %while3A_211 : i32
      %while3A_213 = arith.muli %while3A_212, %while3A_211 : i32
      %while3A_214 = arith.addi %while3A_208, %while3A_213 : i32
      %while3A_215 = arith.constant 1 : i32
      %while3A_216 = scf.for %while3A_275 = %while3A_208 to %while3A_214 step %while3A_215 iter_args(%while3A_276 = %while3A_207) -> (vector<16xi32>)  : i32 {
        %broadcast_in_dim3A_277 = vector.broadcast %while3A_275 : i32 to vector<16xi32>
        %gather3A = tpu.vector_load_idx %arg13[%broadcast_in_dim3A_277] : memref<2064xi32, #tpu.memory_space<vmem>>[vector<16xi32>], vector<16xi32>,
        %gather3A_278 = tpu.vector_load_idx %arg14[%broadcast_in_dim3A_277] : memref<2064xi32, #tpu.memory_space<vmem>>[vector<16xi32>], vector<16xi32>,
        %gt3A_279 = arith.cmpi sgt, %gather3A, %get3A_191 : vector<16xi32>
        %eq3A_280 = arith.cmpi eq, %gather3A, %get3A_191 : vector<16xi32>
        %lt3A_281 = arith.cmpi slt, %gather3A_278, %get3A_193 : vector<16xi32>
        %and3A_282 = arith.andi %eq3A_280, %lt3A_281 : vector<16xi1>
        %or3A = arith.ori %gt3A_279, %and3A_282 : vector<16xi1>
        %convert_element_type3A_283 = arith.extui %or3A : vector<16xi1> to vector<16xi32>
        %add3A_284 = arith.addi %while3A_276, %convert_element_type3A_283 : vector<16xi32>
        scf.yield %add3A_284 : vector<16xi32>
      }
      %while3A_217 = arith.constant 1 : i32
      %while3A_218 = scf.for %while3A_275 = %while3A_214 to %while3A_210 step %while3A_217 iter_args(%while3A_276 = %while3A_216) -> (vector<16xi32>)  : i32 {
        %broadcast_in_dim3A_277 = vector.broadcast %while3A_275 : i32 to vector<16xi32>
        %gather3A = tpu.vector_load_idx %arg13[%broadcast_in_dim3A_277] : memref<2064xi32, #tpu.memory_space<vmem>>[vector<16xi32>], vector<16xi32>,
        %gather3A_278 = tpu.vector_load_idx %arg14[%broadcast_in_dim3A_277] : memref<2064xi32, #tpu.memory_space<vmem>>[vector<16xi32>], vector<16xi32>,
        %gt3A_279 = arith.cmpi sgt, %gather3A, %get3A_191 : vector<16xi32>
        %eq3A_280 = arith.cmpi eq, %gather3A, %get3A_191 : vector<16xi32>
        %lt3A_281 = arith.cmpi slt, %gather3A_278, %get3A_193 : vector<16xi32>
        %and3A_282 = arith.andi %eq3A_280, %lt3A_281 : vector<16xi1>
        %or3A = arith.ori %gt3A_279, %and3A_282 : vector<16xi1>
        %convert_element_type3A_283 = arith.extui %or3A : vector<16xi1> to vector<16xi32>
        %add3A_284 = arith.addi %while3A_276, %convert_element_type3A_283 : vector<16xi32>
        scf.yield %add3A_284 : vector<16xi32>
      }
      %lt3A_219 = arith.cmpi slt, %while3A_218, %broadcast_in_dim3A_35 : vector<16xi32>
      %and3A_220 = arith.andi %lt3A_196, %lt3A_219 : vector<16xi1>
      %broadcast_in_dim3A_221 = arith.constant 31 : i32
      %broadcast_in_dim3A_222 = vector.broadcast %broadcast_in_dim3A_221 : i32 to vector<16xi32>
      %shift_right_arithmetic3A = arith.shrsi %get3A_191, %broadcast_in_dim3A_222 : vector<16xi32>
      %broadcast_in_dim3A_223 = arith.constant 2147483647 : i32
      %broadcast_in_dim3A_224 = vector.broadcast %broadcast_in_dim3A_223 : i32 to vector<16xi32>
      %and3A_225 = arith.andi %shift_right_arithmetic3A, %broadcast_in_dim3A_224 : vector<16xi32>
      %xor3A_226 = arith.xori %get3A_191, %and3A_225 : vector<16xi32>
      %bitcast_convert_type3A = tpu.bitcast %xor3A_226 : vector<16xi32> -> vector<16xf32>
      %neg3A = arith.constant 0.000000e+00 : f32
      %neg3A_227 = vector.broadcast %neg3A : f32 to vector<16xf32>
      %neg3A_228 = arith.subf %neg3A_227, %bitcast_convert_type3A : vector<16xf32>
      %exp3A = math.exp %neg3A_228 : vector<16xf32>
      %add3A_229 = arith.constant 1.000000e+00 : f32
      %add3A_230 = vector.broadcast %add3A_229 : f32 to vector<16xf32>
      %add3A_231 = arith.addf %add3A_230, %exp3A : vector<16xf32>
      %div3A_232 = arith.constant 1.000000e+00 : f32
      %div3A_233 = vector.broadcast %div3A_232 : f32 to vector<16xf32>
      %div3A_234 = arith.divf %div3A_233, %add3A_231 : vector<16xf32>
      %jit3A_235 = arith.constant 36 : i32
      %div3A_236 = vector.broadcast %jit3A_235 : i32 to vector<16xi32>
      %div3A_237 = arith.divsi %get3A_193, %div3A_236 : vector<16xi32>
      %sign3A_238 = arith.constant 0 : i32
      %sign3A_239 = vector.broadcast %sign3A_238 : i32 to vector<16xi32>
      %sign3A_240 = arith.cmpi sgt, %get3A_193, %sign3A_239 : vector<16xi32>
      %sign3A_241 = arith.extui %sign3A_240 : vector<16xi1> to vector<16xi32>
      %sign3A_242 = arith.constant 0 : i32
      %sign3A_243 = vector.broadcast %sign3A_242 : i32 to vector<16xi32>
      %sign3A_244 = arith.cmpi slt, %get3A_193, %sign3A_243 : vector<16xi32>
      %sign3A_245 = arith.extui %sign3A_244 : vector<16xi1> to vector<16xi32>
      %sign3A_246 = arith.subi %sign3A_241, %sign3A_245 : vector<16xi32>
      %sign3A_247 = arith.constant 0 : i32
      %sign3A_248 = arith.cmpi sgt, %jit3A_235, %sign3A_247 : i32
      %sign3A_249 = arith.extui %sign3A_248 : i1 to i32
      %sign3A_250 = arith.constant 0 : i32
      %sign3A_251 = arith.cmpi slt, %jit3A_235, %sign3A_250 : i32
      %sign3A_252 = arith.extui %sign3A_251 : i1 to i32
      %sign3A_253 = arith.subi %sign3A_249, %sign3A_252 : i32
      %ne3A_254 = vector.broadcast %sign3A_253 : i32 to vector<16xi32>
      %ne3A_255 = arith.cmpi ne, %sign3A_246, %ne3A_254 : vector<16xi32>
      %rem3A_256 = vector.broadcast %jit3A_235 : i32 to vector<16xi32>
      %rem3A_257 = arith.remsi %get3A_193, %rem3A_256 : vector<16xi32>
      %ne3A_258 = arith.constant 0 : i32
      %ne3A_259 = vector.broadcast %ne3A_258 : i32 to vector<16xi32>
      %ne3A_260 = arith.cmpi ne, %rem3A_257, %ne3A_259 : vector<16xi32>
      %and3A_261 = arith.andi %ne3A_255, %ne3A_260 : vector<16xi1>
      %sub3A_262 = arith.constant 1 : i32
      %sub3A_263 = vector.broadcast %sub3A_262 : i32 to vector<16xi32>
      %sub3A_264 = arith.subi %div3A_237, %sub3A_263 : vector<16xi32>
      %select_n3A_265 = arith.select %and3A_261, %sub3A_264, %div3A_237 : vector<16xi1>, vector<16xi32>
      %mul3A_266 = arith.constant 36 : i32
      %mul3A_267 = vector.broadcast %mul3A_266 : i32 to vector<16xi32>
      %mul3A_268 = arith.muli %select_n3A_265, %mul3A_267 : vector<16xi32>
      %sub3A_269 = arith.subi %get3A_193, %mul3A_268 : vector<16xi32>
      tpu.vector_store_idx %arg16[%while3A_218], %div3A_234 masked %and3A_220 : memref<384xf32, #tpu.memory_space<vmem>>[vector<16xi32>], vector<16xf32>, vector<16xi1>
      tpu.vector_store_idx %arg17[%while3A_218], %sub3A_269 masked %and3A_220 : memref<384xi32, #tpu.memory_space<vmem>>[vector<16xi32>], vector<16xi32>, vector<16xi1>
      %mul3A_270 = arith.constant 20000 : i32
      %mul3A_271 = arith.muli %add3A, %mul3A_270 : i32
      %add3A_272 = vector.broadcast %mul3A_271 : i32 to vector<16xi32>
      %add3A_273 = arith.addi %add3A_272, %select_n3A_265 : vector<16xi32>
      tpu.vector_store_idx %arg18[%while3A_218], %add3A_273 masked %and3A_220 : memref<384xi32, #tpu.memory_space<vmem>>[vector<16xi32>], vector<16xi32>, vector<16xi1>
      tpu.vector_store_idx %arg19[%while3A_218], %broadcast_in_dim3A_33 masked %and3A_220 : memref<384xi32, #tpu.memory_space<vmem>>[vector<16xi32>], vector<16xi32>, vector<16xi1>
      %while3A_274 = arith.constant 0 : i32
      scf.yield %while3A_274 : i32
    }
    %while3A_178 = arith.constant 1 : i32
    %while3A_179 = scf.for %while3A_186 = %while3A_175 to %while3A_171 step %while3A_178 iter_args(%while3A_187 = %while3A_177) -> (i32)  : i32 {
      %mul3A_188 = arith.constant 16 : i32
      %mul3A_189 = arith.muli %while3A_186, %mul3A_188 : i32
      %get3A_190 = arith.index_cast %mul3A_189 : i32 to index
      %get3A_191 = tpu.vector_load %arg11[%get3A_190] {strides = array<i32>} : memref<2064xi32, #tpu.memory_space<vmem>>, vector<16xi32>,
      %get3A_192 = arith.index_cast %mul3A_189 : i32 to index
      %get3A_193 = tpu.vector_load %arg12[%get3A_192] {strides = array<i32>} : memref<2064xi32, #tpu.memory_space<vmem>>, vector<16xi32>,
      %add3A_194 = vector.broadcast %mul3A_189 : i32 to vector<16xi32>
      %add3A_195 = arith.addi %add3A_194, %iota3A : vector<16xi32>
      %lt3A_196 = arith.cmpi slt, %add3A_195, %scan3A_107#0 : vector<16xi32>
      %while3A_197 = arith.constant 0 : i32
      %while3A_198 = arith.subi %reduce_max3A_127, %while3A_197 : i32
      %while3A_199 = arith.addi %while3A_197, %while3A_198 : i32
      %while3A_200 = arith.constant 1 : i32
      %while3A_201 = arith.divsi %while3A_198, %while3A_200 : i32
      %while3A_202 = arith.muli %while3A_201, %while3A_200 : i32
      %while3A_203 = arith.addi %while3A_197, %while3A_202 : i32
      %while3A_204 = arith.constant 1 : i32
      %while3A_205 = scf.for %while3A_275 = %while3A_197 to %while3A_203 step %while3A_204 iter_args(%while3A_276 = %broadcast_in_dim3A_31) -> (vector<16xi32>)  : i32 {
        %broadcast_in_dim3A_277 = vector.broadcast %while3A_275 : i32 to vector<16xi32>
        %gather3A = tpu.vector_load_idx %arg11[%broadcast_in_dim3A_277] : memref<2064xi32, #tpu.memory_space<vmem>>[vector<16xi32>], vector<16xi32>,
        %gather3A_278 = tpu.vector_load_idx %arg12[%broadcast_in_dim3A_277] : memref<2064xi32, #tpu.memory_space<vmem>>[vector<16xi32>], vector<16xi32>,
        %gt3A_279 = arith.cmpi sgt, %gather3A, %get3A_191 : vector<16xi32>
        %eq3A_280 = arith.cmpi eq, %gather3A, %get3A_191 : vector<16xi32>
        %lt3A_281 = arith.cmpi slt, %gather3A_278, %get3A_193 : vector<16xi32>
        %and3A_282 = arith.andi %eq3A_280, %lt3A_281 : vector<16xi1>
        %or3A = arith.ori %gt3A_279, %and3A_282 : vector<16xi1>
        %convert_element_type3A_283 = arith.extui %or3A : vector<16xi1> to vector<16xi32>
        %add3A_284 = arith.addi %while3A_276, %convert_element_type3A_283 : vector<16xi32>
        scf.yield %add3A_284 : vector<16xi32>
      }
      %while3A_206 = arith.constant 1 : i32
      %while3A_207 = scf.for %while3A_275 = %while3A_203 to %while3A_199 step %while3A_206 iter_args(%while3A_276 = %while3A_205) -> (vector<16xi32>)  : i32 {
        %broadcast_in_dim3A_277 = vector.broadcast %while3A_275 : i32 to vector<16xi32>
        %gather3A = tpu.vector_load_idx %arg11[%broadcast_in_dim3A_277] : memref<2064xi32, #tpu.memory_space<vmem>>[vector<16xi32>], vector<16xi32>,
        %gather3A_278 = tpu.vector_load_idx %arg12[%broadcast_in_dim3A_277] : memref<2064xi32, #tpu.memory_space<vmem>>[vector<16xi32>], vector<16xi32>,
        %gt3A_279 = arith.cmpi sgt, %gather3A, %get3A_191 : vector<16xi32>
        %eq3A_280 = arith.cmpi eq, %gather3A, %get3A_191 : vector<16xi32>
        %lt3A_281 = arith.cmpi slt, %gather3A_278, %get3A_193 : vector<16xi32>
        %and3A_282 = arith.andi %eq3A_280, %lt3A_281 : vector<16xi1>
        %or3A = arith.ori %gt3A_279, %and3A_282 : vector<16xi1>
        %convert_element_type3A_283 = arith.extui %or3A : vector<16xi1> to vector<16xi32>
        %add3A_284 = arith.addi %while3A_276, %convert_element_type3A_283 : vector<16xi32>
        scf.yield %add3A_284 : vector<16xi32>
      }
      %while3A_208 = arith.constant 0 : i32
      %while3A_209 = arith.subi %reduce_max3A_135, %while3A_208 : i32
      %while3A_210 = arith.addi %while3A_208, %while3A_209 : i32
      %while3A_211 = arith.constant 1 : i32
      %while3A_212 = arith.divsi %while3A_209, %while3A_211 : i32
      %while3A_213 = arith.muli %while3A_212, %while3A_211 : i32
      %while3A_214 = arith.addi %while3A_208, %while3A_213 : i32
      %while3A_215 = arith.constant 1 : i32
      %while3A_216 = scf.for %while3A_275 = %while3A_208 to %while3A_214 step %while3A_215 iter_args(%while3A_276 = %while3A_207) -> (vector<16xi32>)  : i32 {
        %broadcast_in_dim3A_277 = vector.broadcast %while3A_275 : i32 to vector<16xi32>
        %gather3A = tpu.vector_load_idx %arg13[%broadcast_in_dim3A_277] : memref<2064xi32, #tpu.memory_space<vmem>>[vector<16xi32>], vector<16xi32>,
        %gather3A_278 = tpu.vector_load_idx %arg14[%broadcast_in_dim3A_277] : memref<2064xi32, #tpu.memory_space<vmem>>[vector<16xi32>], vector<16xi32>,
        %gt3A_279 = arith.cmpi sgt, %gather3A, %get3A_191 : vector<16xi32>
        %eq3A_280 = arith.cmpi eq, %gather3A, %get3A_191 : vector<16xi32>
        %lt3A_281 = arith.cmpi slt, %gather3A_278, %get3A_193 : vector<16xi32>
        %and3A_282 = arith.andi %eq3A_280, %lt3A_281 : vector<16xi1>
        %or3A = arith.ori %gt3A_279, %and3A_282 : vector<16xi1>
        %convert_element_type3A_283 = arith.extui %or3A : vector<16xi1> to vector<16xi32>
        %add3A_284 = arith.addi %while3A_276, %convert_element_type3A_283 : vector<16xi32>
        scf.yield %add3A_284 : vector<16xi32>
      }
      %while3A_217 = arith.constant 1 : i32
      %while3A_218 = scf.for %while3A_275 = %while3A_214 to %while3A_210 step %while3A_217 iter_args(%while3A_276 = %while3A_216) -> (vector<16xi32>)  : i32 {
        %broadcast_in_dim3A_277 = vector.broadcast %while3A_275 : i32 to vector<16xi32>
        %gather3A = tpu.vector_load_idx %arg13[%broadcast_in_dim3A_277] : memref<2064xi32, #tpu.memory_space<vmem>>[vector<16xi32>], vector<16xi32>,
        %gather3A_278 = tpu.vector_load_idx %arg14[%broadcast_in_dim3A_277] : memref<2064xi32, #tpu.memory_space<vmem>>[vector<16xi32>], vector<16xi32>,
        %gt3A_279 = arith.cmpi sgt, %gather3A, %get3A_191 : vector<16xi32>
        %eq3A_280 = arith.cmpi eq, %gather3A, %get3A_191 : vector<16xi32>
        %lt3A_281 = arith.cmpi slt, %gather3A_278, %get3A_193 : vector<16xi32>
        %and3A_282 = arith.andi %eq3A_280, %lt3A_281 : vector<16xi1>
        %or3A = arith.ori %gt3A_279, %and3A_282 : vector<16xi1>
        %convert_element_type3A_283 = arith.extui %or3A : vector<16xi1> to vector<16xi32>
        %add3A_284 = arith.addi %while3A_276, %convert_element_type3A_283 : vector<16xi32>
        scf.yield %add3A_284 : vector<16xi32>
      }
      %lt3A_219 = arith.cmpi slt, %while3A_218, %broadcast_in_dim3A_35 : vector<16xi32>
      %and3A_220 = arith.andi %lt3A_196, %lt3A_219 : vector<16xi1>
      %broadcast_in_dim3A_221 = arith.constant 31 : i32
      %broadcast_in_dim3A_222 = vector.broadcast %broadcast_in_dim3A_221 : i32 to vector<16xi32>
      %shift_right_arithmetic3A = arith.shrsi %get3A_191, %broadcast_in_dim3A_222 : vector<16xi32>
      %broadcast_in_dim3A_223 = arith.constant 2147483647 : i32
      %broadcast_in_dim3A_224 = vector.broadcast %broadcast_in_dim3A_223 : i32 to vector<16xi32>
      %and3A_225 = arith.andi %shift_right_arithmetic3A, %broadcast_in_dim3A_224 : vector<16xi32>
      %xor3A_226 = arith.xori %get3A_191, %and3A_225 : vector<16xi32>
      %bitcast_convert_type3A = tpu.bitcast %xor3A_226 : vector<16xi32> -> vector<16xf32>
      %neg3A = arith.constant 0.000000e+00 : f32
      %neg3A_227 = vector.broadcast %neg3A : f32 to vector<16xf32>
      %neg3A_228 = arith.subf %neg3A_227, %bitcast_convert_type3A : vector<16xf32>
      %exp3A = math.exp %neg3A_228 : vector<16xf32>
      %add3A_229 = arith.constant 1.000000e+00 : f32
      %add3A_230 = vector.broadcast %add3A_229 : f32 to vector<16xf32>
      %add3A_231 = arith.addf %add3A_230, %exp3A : vector<16xf32>
      %div3A_232 = arith.constant 1.000000e+00 : f32
      %div3A_233 = vector.broadcast %div3A_232 : f32 to vector<16xf32>
      %div3A_234 = arith.divf %div3A_233, %add3A_231 : vector<16xf32>
      %jit3A_235 = arith.constant 36 : i32
      %div3A_236 = vector.broadcast %jit3A_235 : i32 to vector<16xi32>
      %div3A_237 = arith.divsi %get3A_193, %div3A_236 : vector<16xi32>
      %sign3A_238 = arith.constant 0 : i32
      %sign3A_239 = vector.broadcast %sign3A_238 : i32 to vector<16xi32>
      %sign3A_240 = arith.cmpi sgt, %get3A_193, %sign3A_239 : vector<16xi32>
      %sign3A_241 = arith.extui %sign3A_240 : vector<16xi1> to vector<16xi32>
      %sign3A_242 = arith.constant 0 : i32
      %sign3A_243 = vector.broadcast %sign3A_242 : i32 to vector<16xi32>
      %sign3A_244 = arith.cmpi slt, %get3A_193, %sign3A_243 : vector<16xi32>
      %sign3A_245 = arith.extui %sign3A_244 : vector<16xi1> to vector<16xi32>
      %sign3A_246 = arith.subi %sign3A_241, %sign3A_245 : vector<16xi32>
      %sign3A_247 = arith.constant 0 : i32
      %sign3A_248 = arith.cmpi sgt, %jit3A_235, %sign3A_247 : i32
      %sign3A_249 = arith.extui %sign3A_248 : i1 to i32
      %sign3A_250 = arith.constant 0 : i32
      %sign3A_251 = arith.cmpi slt, %jit3A_235, %sign3A_250 : i32
      %sign3A_252 = arith.extui %sign3A_251 : i1 to i32
      %sign3A_253 = arith.subi %sign3A_249, %sign3A_252 : i32
      %ne3A_254 = vector.broadcast %sign3A_253 : i32 to vector<16xi32>
      %ne3A_255 = arith.cmpi ne, %sign3A_246, %ne3A_254 : vector<16xi32>
      %rem3A_256 = vector.broadcast %jit3A_235 : i32 to vector<16xi32>
      %rem3A_257 = arith.remsi %get3A_193, %rem3A_256 : vector<16xi32>
      %ne3A_258 = arith.constant 0 : i32
      %ne3A_259 = vector.broadcast %ne3A_258 : i32 to vector<16xi32>
      %ne3A_260 = arith.cmpi ne, %rem3A_257, %ne3A_259 : vector<16xi32>
      %and3A_261 = arith.andi %ne3A_255, %ne3A_260 : vector<16xi1>
      %sub3A_262 = arith.constant 1 : i32
      %sub3A_263 = vector.broadcast %sub3A_262 : i32 to vector<16xi32>
      %sub3A_264 = arith.subi %div3A_237, %sub3A_263 : vector<16xi32>
      %select_n3A_265 = arith.select %and3A_261, %sub3A_264, %div3A_237 : vector<16xi1>, vector<16xi32>
      %mul3A_266 = arith.constant 36 : i32
      %mul3A_267 = vector.broadcast %mul3A_266 : i32 to vector<16xi32>
      %mul3A_268 = arith.muli %select_n3A_265, %mul3A_267 : vector<16xi32>
      %sub3A_269 = arith.subi %get3A_193, %mul3A_268 : vector<16xi32>
      tpu.vector_store_idx %arg16[%while3A_218], %div3A_234 masked %and3A_220 : memref<384xf32, #tpu.memory_space<vmem>>[vector<16xi32>], vector<16xf32>, vector<16xi1>
      tpu.vector_store_idx %arg17[%while3A_218], %sub3A_269 masked %and3A_220 : memref<384xi32, #tpu.memory_space<vmem>>[vector<16xi32>], vector<16xi32>, vector<16xi1>
      %mul3A_270 = arith.constant 20000 : i32
      %mul3A_271 = arith.muli %add3A, %mul3A_270 : i32
      %add3A_272 = vector.broadcast %mul3A_271 : i32 to vector<16xi32>
      %add3A_273 = arith.addi %add3A_272, %select_n3A_265 : vector<16xi32>
      tpu.vector_store_idx %arg18[%while3A_218], %add3A_273 masked %and3A_220 : memref<384xi32, #tpu.memory_space<vmem>>[vector<16xi32>], vector<16xi32>, vector<16xi1>
      tpu.vector_store_idx %arg19[%while3A_218], %broadcast_in_dim3A_33 masked %and3A_220 : memref<384xi32, #tpu.memory_space<vmem>>[vector<16xi32>], vector<16xi32>, vector<16xi1>
      %while3A_274 = arith.constant 0 : i32
      scf.yield %while3A_274 : i32
    }
    "tpu.region"() ({
      %run_scoped3A = tpu.sem_alloc : memref<!tpu.dma_semaphore, #tpu.memory_space<semaphore_mem>>
      %dma_start3A = arith.constant 0 : i32
      %dma_start3A_186 = tpu.memref_slice %arg30[%arg1, %dma_start3A] : memref<16x384xf32, #tpu.memory_space<vmem_shared>> -> memref<1x384xf32, #tpu.memory_space<vmem_shared>>
      %dma_start3A_187 = tpu.memref_squeeze %dma_start3A_186 : memref<1x384xf32, #tpu.memory_space<vmem_shared>> -> memref<384xf32, #tpu.memory_space<vmem_shared>>
      %dma_start3A_188 = arith.constant 0 : i32
      %dma_start3A_189 = tpu.memref_slice %arg30[%arg1, %dma_start3A_188] : memref<16x384xf32, #tpu.memory_space<vmem_shared>> -> memref<1x384xf32, #tpu.memory_space<vmem_shared>>
      %dma_start3A_190 = tpu.memref_squeeze %dma_start3A_189 : memref<1x384xf32, #tpu.memory_space<vmem_shared>> -> memref<384xf32, #tpu.memory_space<vmem_shared>>
      tpu.enqueue_dma source(%arg16 : memref<384xf32, #tpu.memory_space<vmem>>) target(%dma_start3A_190 : memref<384xf32, #tpu.memory_space<vmem_shared>>) target_semaphore(%run_scoped3A : memref<!tpu.dma_semaphore, #tpu.memory_space<semaphore_mem>>)
      %dma_wait3A = arith.constant 0 : i32
      %dma_wait3A_191 = tpu.memref_slice %arg30[%arg1, %dma_wait3A] : memref<16x384xf32, #tpu.memory_space<vmem_shared>> -> memref<1x384xf32, #tpu.memory_space<vmem_shared>>
      %dma_wait3A_192 = tpu.memref_squeeze %dma_wait3A_191 : memref<1x384xf32, #tpu.memory_space<vmem_shared>> -> memref<384xf32, #tpu.memory_space<vmem_shared>>
      %dma_wait3A_193 = arith.constant 0 : i32
      %dma_wait3A_194 = tpu.memref_slice %arg30[%arg1, %dma_wait3A_193] : memref<16x384xf32, #tpu.memory_space<vmem_shared>> -> memref<1x384xf32, #tpu.memory_space<vmem_shared>>
      %dma_wait3A_195 = tpu.memref_squeeze %dma_wait3A_194 : memref<1x384xf32, #tpu.memory_space<vmem_shared>> -> memref<384xf32, #tpu.memory_space<vmem_shared>>
      tpu.wait_dma2 semaphore(%run_scoped3A : memref<!tpu.dma_semaphore, #tpu.memory_space<semaphore_mem>>) src(%arg16 : memref<384xf32, #tpu.memory_space<vmem>>) dst(%dma_wait3A_195 : memref<384xf32, #tpu.memory_space<vmem_shared>>)
      tpu.yield
    }) : () -> ()
    "tpu.region"() ({
      %run_scoped3A = tpu.sem_alloc : memref<!tpu.dma_semaphore, #tpu.memory_space<semaphore_mem>>
      %dma_start3A = arith.constant 0 : i32
      %dma_start3A_186 = tpu.memref_slice %arg31[%arg1, %dma_start3A] : memref<16x384xi32, #tpu.memory_space<vmem_shared>> -> memref<1x384xi32, #tpu.memory_space<vmem_shared>>
      %dma_start3A_187 = tpu.memref_squeeze %dma_start3A_186 : memref<1x384xi32, #tpu.memory_space<vmem_shared>> -> memref<384xi32, #tpu.memory_space<vmem_shared>>
      %dma_start3A_188 = arith.constant 0 : i32
      %dma_start3A_189 = tpu.memref_slice %arg31[%arg1, %dma_start3A_188] : memref<16x384xi32, #tpu.memory_space<vmem_shared>> -> memref<1x384xi32, #tpu.memory_space<vmem_shared>>
      %dma_start3A_190 = tpu.memref_squeeze %dma_start3A_189 : memref<1x384xi32, #tpu.memory_space<vmem_shared>> -> memref<384xi32, #tpu.memory_space<vmem_shared>>
      tpu.enqueue_dma source(%arg17 : memref<384xi32, #tpu.memory_space<vmem>>) target(%dma_start3A_190 : memref<384xi32, #tpu.memory_space<vmem_shared>>) target_semaphore(%run_scoped3A : memref<!tpu.dma_semaphore, #tpu.memory_space<semaphore_mem>>)
      %dma_wait3A = arith.constant 0 : i32
      %dma_wait3A_191 = tpu.memref_slice %arg31[%arg1, %dma_wait3A] : memref<16x384xi32, #tpu.memory_space<vmem_shared>> -> memref<1x384xi32, #tpu.memory_space<vmem_shared>>
      %dma_wait3A_192 = tpu.memref_squeeze %dma_wait3A_191 : memref<1x384xi32, #tpu.memory_space<vmem_shared>> -> memref<384xi32, #tpu.memory_space<vmem_shared>>
      %dma_wait3A_193 = arith.constant 0 : i32
      %dma_wait3A_194 = tpu.memref_slice %arg31[%arg1, %dma_wait3A_193] : memref<16x384xi32, #tpu.memory_space<vmem_shared>> -> memref<1x384xi32, #tpu.memory_space<vmem_shared>>
      %dma_wait3A_195 = tpu.memref_squeeze %dma_wait3A_194 : memref<1x384xi32, #tpu.memory_space<vmem_shared>> -> memref<384xi32, #tpu.memory_space<vmem_shared>>
      tpu.wait_dma2 semaphore(%run_scoped3A : memref<!tpu.dma_semaphore, #tpu.memory_space<semaphore_mem>>) src(%arg17 : memref<384xi32, #tpu.memory_space<vmem>>) dst(%dma_wait3A_195 : memref<384xi32, #tpu.memory_space<vmem_shared>>)
      tpu.yield
    }) : () -> ()
    "tpu.region"() ({
      %run_scoped3A = tpu.sem_alloc : memref<!tpu.dma_semaphore, #tpu.memory_space<semaphore_mem>>
      %dma_start3A = arith.constant 0 : i32
      %dma_start3A_186 = tpu.memref_slice %arg32[%arg1, %dma_start3A] : memref<16x384xi32, #tpu.memory_space<vmem_shared>> -> memref<1x384xi32, #tpu.memory_space<vmem_shared>>
      %dma_start3A_187 = tpu.memref_squeeze %dma_start3A_186 : memref<1x384xi32, #tpu.memory_space<vmem_shared>> -> memref<384xi32, #tpu.memory_space<vmem_shared>>
      %dma_start3A_188 = arith.constant 0 : i32
      %dma_start3A_189 = tpu.memref_slice %arg32[%arg1, %dma_start3A_188] : memref<16x384xi32, #tpu.memory_space<vmem_shared>> -> memref<1x384xi32, #tpu.memory_space<vmem_shared>>
      %dma_start3A_190 = tpu.memref_squeeze %dma_start3A_189 : memref<1x384xi32, #tpu.memory_space<vmem_shared>> -> memref<384xi32, #tpu.memory_space<vmem_shared>>
      tpu.enqueue_dma source(%arg18 : memref<384xi32, #tpu.memory_space<vmem>>) target(%dma_start3A_190 : memref<384xi32, #tpu.memory_space<vmem_shared>>) target_semaphore(%run_scoped3A : memref<!tpu.dma_semaphore, #tpu.memory_space<semaphore_mem>>)
      %dma_wait3A = arith.constant 0 : i32
      %dma_wait3A_191 = tpu.memref_slice %arg32[%arg1, %dma_wait3A] : memref<16x384xi32, #tpu.memory_space<vmem_shared>> -> memref<1x384xi32, #tpu.memory_space<vmem_shared>>
      %dma_wait3A_192 = tpu.memref_squeeze %dma_wait3A_191 : memref<1x384xi32, #tpu.memory_space<vmem_shared>> -> memref<384xi32, #tpu.memory_space<vmem_shared>>
      %dma_wait3A_193 = arith.constant 0 : i32
      %dma_wait3A_194 = tpu.memref_slice %arg32[%arg1, %dma_wait3A_193] : memref<16x384xi32, #tpu.memory_space<vmem_shared>> -> memref<1x384xi32, #tpu.memory_space<vmem_shared>>
      %dma_wait3A_195 = tpu.memref_squeeze %dma_wait3A_194 : memref<1x384xi32, #tpu.memory_space<vmem_shared>> -> memref<384xi32, #tpu.memory_space<vmem_shared>>
      tpu.wait_dma2 semaphore(%run_scoped3A : memref<!tpu.dma_semaphore, #tpu.memory_space<semaphore_mem>>) src(%arg18 : memref<384xi32, #tpu.memory_space<vmem>>) dst(%dma_wait3A_195 : memref<384xi32, #tpu.memory_space<vmem_shared>>)
      tpu.yield
    }) : () -> ()
    "tpu.region"() ({
      %run_scoped3A = tpu.sem_alloc : memref<!tpu.dma_semaphore, #tpu.memory_space<semaphore_mem>>
      %dma_start3A = arith.constant 0 : i32
      %dma_start3A_186 = tpu.memref_slice %arg33[%arg1, %dma_start3A] : memref<16x384xi32, #tpu.memory_space<vmem_shared>> -> memref<1x384xi32, #tpu.memory_space<vmem_shared>>
      %dma_start3A_187 = tpu.memref_squeeze %dma_start3A_186 : memref<1x384xi32, #tpu.memory_space<vmem_shared>> -> memref<384xi32, #tpu.memory_space<vmem_shared>>
      %dma_start3A_188 = arith.constant 0 : i32
      %dma_start3A_189 = tpu.memref_slice %arg33[%arg1, %dma_start3A_188] : memref<16x384xi32, #tpu.memory_space<vmem_shared>> -> memref<1x384xi32, #tpu.memory_space<vmem_shared>>
      %dma_start3A_190 = tpu.memref_squeeze %dma_start3A_189 : memref<1x384xi32, #tpu.memory_space<vmem_shared>> -> memref<384xi32, #tpu.memory_space<vmem_shared>>
      tpu.enqueue_dma source(%arg19 : memref<384xi32, #tpu.memory_space<vmem>>) target(%dma_start3A_190 : memref<384xi32, #tpu.memory_space<vmem_shared>>) target_semaphore(%run_scoped3A : memref<!tpu.dma_semaphore, #tpu.memory_space<semaphore_mem>>)
      %dma_wait3A = arith.constant 0 : i32
      %dma_wait3A_191 = tpu.memref_slice %arg33[%arg1, %dma_wait3A] : memref<16x384xi32, #tpu.memory_space<vmem_shared>> -> memref<1x384xi32, #tpu.memory_space<vmem_shared>>
      %dma_wait3A_192 = tpu.memref_squeeze %dma_wait3A_191 : memref<1x384xi32, #tpu.memory_space<vmem_shared>> -> memref<384xi32, #tpu.memory_space<vmem_shared>>
      %dma_wait3A_193 = arith.constant 0 : i32
      %dma_wait3A_194 = tpu.memref_slice %arg33[%arg1, %dma_wait3A_193] : memref<16x384xi32, #tpu.memory_space<vmem_shared>> -> memref<1x384xi32, #tpu.memory_space<vmem_shared>>
      %dma_wait3A_195 = tpu.memref_squeeze %dma_wait3A_194 : memref<1x384xi32, #tpu.memory_space<vmem_shared>> -> memref<384xi32, #tpu.memory_space<vmem_shared>>
      tpu.wait_dma2 semaphore(%run_scoped3A : memref<!tpu.dma_semaphore, #tpu.memory_space<semaphore_mem>>) src(%arg19 : memref<384xi32, #tpu.memory_space<vmem>>) dst(%dma_wait3A_195 : memref<384xi32, #tpu.memory_space<vmem_shared>>)
      tpu.yield
    }) : () -> ()
    %barrier3A_180 = arith.constant 0 : index
    tpu.barrier barrier_id(%barrier3A_180)
    %eq3A_181 = arith.constant 0 : i32
    %eq3A_182 = arith.cmpi eq, %select_n3A_30, %eq3A_181 : i32
    %convert_element_type3A_183 = arith.extui %eq3A_182 : i1 to i32
    %cond3A_184 = arith.constant 0 : i32
    %cond3A_185 = arith.cmpi ne, %convert_element_type3A_183, %cond3A_184 : i32
    scf.if %cond3A_185 {
      %add3A_186 = arith.constant 1 : i32
      %add3A_187 = arith.addi %arg1, %add3A_186 : i32
      "tpu.region"() ({
        %run_scoped3A = tpu.sem_alloc : memref<!tpu.dma_semaphore, #tpu.memory_space<semaphore_mem>>
        %dma_start3A_337 = arith.constant 0 : i32
        %dma_start3A_338 = tpu.memref_slice %arg30[%add3A_187, %dma_start3A_337] : memref<16x384xf32, #tpu.memory_space<vmem_shared>> -> memref<1x384xf32, #tpu.memory_space<vmem_shared>>
        %dma_start3A_339 = tpu.memref_squeeze %dma_start3A_338 : memref<1x384xf32, #tpu.memory_space<vmem_shared>> -> memref<384xf32, #tpu.memory_space<vmem_shared>>
        %dma_start3A_340 = arith.constant 0 : i32
        %dma_start3A_341 = tpu.memref_slice %arg30[%add3A_187, %dma_start3A_340] : memref<16x384xf32, #tpu.memory_space<vmem_shared>> -> memref<1x384xf32, #tpu.memory_space<vmem_shared>>
        %dma_start3A_342 = tpu.memref_squeeze %dma_start3A_341 : memref<1x384xf32, #tpu.memory_space<vmem_shared>> -> memref<384xf32, #tpu.memory_space<vmem_shared>>
        tpu.enqueue_dma source(%dma_start3A_342 : memref<384xf32, #tpu.memory_space<vmem_shared>>) target(%arg20 : memref<384xf32, #tpu.memory_space<vmem>>) target_semaphore(%run_scoped3A : memref<!tpu.dma_semaphore, #tpu.memory_space<semaphore_mem>>)
        %dma_wait3A_343 = arith.constant 0 : i32
        %dma_wait3A_344 = tpu.memref_slice %arg30[%add3A_187, %dma_wait3A_343] : memref<16x384xf32, #tpu.memory_space<vmem_shared>> -> memref<1x384xf32, #tpu.memory_space<vmem_shared>>
        %dma_wait3A_345 = tpu.memref_squeeze %dma_wait3A_344 : memref<1x384xf32, #tpu.memory_space<vmem_shared>> -> memref<384xf32, #tpu.memory_space<vmem_shared>>
        %dma_wait3A_346 = arith.constant 0 : i32
        %dma_wait3A_347 = tpu.memref_slice %arg30[%add3A_187, %dma_wait3A_346] : memref<16x384xf32, #tpu.memory_space<vmem_shared>> -> memref<1x384xf32, #tpu.memory_space<vmem_shared>>
        %dma_wait3A_348 = tpu.memref_squeeze %dma_wait3A_347 : memref<1x384xf32, #tpu.memory_space<vmem_shared>> -> memref<384xf32, #tpu.memory_space<vmem_shared>>
        tpu.wait_dma2 semaphore(%run_scoped3A : memref<!tpu.dma_semaphore, #tpu.memory_space<semaphore_mem>>) src(%dma_wait3A_348 : memref<384xf32, #tpu.memory_space<vmem_shared>>) dst(%arg20 : memref<384xf32, #tpu.memory_space<vmem>>)
        tpu.yield
      }) : () -> ()
      %add3A_188 = arith.constant 1 : i32
      %add3A_189 = arith.addi %arg1, %add3A_188 : i32
      "tpu.region"() ({
        %run_scoped3A = tpu.sem_alloc : memref<!tpu.dma_semaphore, #tpu.memory_space<semaphore_mem>>
        %dma_start3A_337 = arith.constant 0 : i32
        %dma_start3A_338 = tpu.memref_slice %arg31[%add3A_189, %dma_start3A_337] : memref<16x384xi32, #tpu.memory_space<vmem_shared>> -> memref<1x384xi32, #tpu.memory_space<vmem_shared>>
        %dma_start3A_339 = tpu.memref_squeeze %dma_start3A_338 : memref<1x384xi32, #tpu.memory_space<vmem_shared>> -> memref<384xi32, #tpu.memory_space<vmem_shared>>
        %dma_start3A_340 = arith.constant 0 : i32
        %dma_start3A_341 = tpu.memref_slice %arg31[%add3A_189, %dma_start3A_340] : memref<16x384xi32, #tpu.memory_space<vmem_shared>> -> memref<1x384xi32, #tpu.memory_space<vmem_shared>>
        %dma_start3A_342 = tpu.memref_squeeze %dma_start3A_341 : memref<1x384xi32, #tpu.memory_space<vmem_shared>> -> memref<384xi32, #tpu.memory_space<vmem_shared>>
        tpu.enqueue_dma source(%dma_start3A_342 : memref<384xi32, #tpu.memory_space<vmem_shared>>) target(%arg21 : memref<384xi32, #tpu.memory_space<vmem>>) target_semaphore(%run_scoped3A : memref<!tpu.dma_semaphore, #tpu.memory_space<semaphore_mem>>)
        %dma_wait3A_343 = arith.constant 0 : i32
        %dma_wait3A_344 = tpu.memref_slice %arg31[%add3A_189, %dma_wait3A_343] : memref<16x384xi32, #tpu.memory_space<vmem_shared>> -> memref<1x384xi32, #tpu.memory_space<vmem_shared>>
        %dma_wait3A_345 = tpu.memref_squeeze %dma_wait3A_344 : memref<1x384xi32, #tpu.memory_space<vmem_shared>> -> memref<384xi32, #tpu.memory_space<vmem_shared>>
        %dma_wait3A_346 = arith.constant 0 : i32
        %dma_wait3A_347 = tpu.memref_slice %arg31[%add3A_189, %dma_wait3A_346] : memref<16x384xi32, #tpu.memory_space<vmem_shared>> -> memref<1x384xi32, #tpu.memory_space<vmem_shared>>
        %dma_wait3A_348 = tpu.memref_squeeze %dma_wait3A_347 : memref<1x384xi32, #tpu.memory_space<vmem_shared>> -> memref<384xi32, #tpu.memory_space<vmem_shared>>
        tpu.wait_dma2 semaphore(%run_scoped3A : memref<!tpu.dma_semaphore, #tpu.memory_space<semaphore_mem>>) src(%dma_wait3A_348 : memref<384xi32, #tpu.memory_space<vmem_shared>>) dst(%arg21 : memref<384xi32, #tpu.memory_space<vmem>>)
        tpu.yield
      }) : () -> ()
      %add3A_190 = arith.constant 1 : i32
      %add3A_191 = arith.addi %arg1, %add3A_190 : i32
      "tpu.region"() ({
        %run_scoped3A = tpu.sem_alloc : memref<!tpu.dma_semaphore, #tpu.memory_space<semaphore_mem>>
        %dma_start3A_337 = arith.constant 0 : i32
        %dma_start3A_338 = tpu.memref_slice %arg32[%add3A_191, %dma_start3A_337] : memref<16x384xi32, #tpu.memory_space<vmem_shared>> -> memref<1x384xi32, #tpu.memory_space<vmem_shared>>
        %dma_start3A_339 = tpu.memref_squeeze %dma_start3A_338 : memref<1x384xi32, #tpu.memory_space<vmem_shared>> -> memref<384xi32, #tpu.memory_space<vmem_shared>>
        %dma_start3A_340 = arith.constant 0 : i32
        %dma_start3A_341 = tpu.memref_slice %arg32[%add3A_191, %dma_start3A_340] : memref<16x384xi32, #tpu.memory_space<vmem_shared>> -> memref<1x384xi32, #tpu.memory_space<vmem_shared>>
        %dma_start3A_342 = tpu.memref_squeeze %dma_start3A_341 : memref<1x384xi32, #tpu.memory_space<vmem_shared>> -> memref<384xi32, #tpu.memory_space<vmem_shared>>
        tpu.enqueue_dma source(%dma_start3A_342 : memref<384xi32, #tpu.memory_space<vmem_shared>>) target(%arg22 : memref<384xi32, #tpu.memory_space<vmem>>) target_semaphore(%run_scoped3A : memref<!tpu.dma_semaphore, #tpu.memory_space<semaphore_mem>>)
        %dma_wait3A_343 = arith.constant 0 : i32
        %dma_wait3A_344 = tpu.memref_slice %arg32[%add3A_191, %dma_wait3A_343] : memref<16x384xi32, #tpu.memory_space<vmem_shared>> -> memref<1x384xi32, #tpu.memory_space<vmem_shared>>
        %dma_wait3A_345 = tpu.memref_squeeze %dma_wait3A_344 : memref<1x384xi32, #tpu.memory_space<vmem_shared>> -> memref<384xi32, #tpu.memory_space<vmem_shared>>
        %dma_wait3A_346 = arith.constant 0 : i32
        %dma_wait3A_347 = tpu.memref_slice %arg32[%add3A_191, %dma_wait3A_346] : memref<16x384xi32, #tpu.memory_space<vmem_shared>> -> memref<1x384xi32, #tpu.memory_space<vmem_shared>>
        %dma_wait3A_348 = tpu.memref_squeeze %dma_wait3A_347 : memref<1x384xi32, #tpu.memory_space<vmem_shared>> -> memref<384xi32, #tpu.memory_space<vmem_shared>>
        tpu.wait_dma2 semaphore(%run_scoped3A : memref<!tpu.dma_semaphore, #tpu.memory_space<semaphore_mem>>) src(%dma_wait3A_348 : memref<384xi32, #tpu.memory_space<vmem_shared>>) dst(%arg22 : memref<384xi32, #tpu.memory_space<vmem>>)
        tpu.yield
      }) : () -> ()
      %add3A_192 = arith.constant 1 : i32
      %add3A_193 = arith.addi %arg1, %add3A_192 : i32
      "tpu.region"() ({
        %run_scoped3A = tpu.sem_alloc : memref<!tpu.dma_semaphore, #tpu.memory_space<semaphore_mem>>
        %dma_start3A_337 = arith.constant 0 : i32
        %dma_start3A_338 = tpu.memref_slice %arg33[%add3A_193, %dma_start3A_337] : memref<16x384xi32, #tpu.memory_space<vmem_shared>> -> memref<1x384xi32, #tpu.memory_space<vmem_shared>>
        %dma_start3A_339 = tpu.memref_squeeze %dma_start3A_338 : memref<1x384xi32, #tpu.memory_space<vmem_shared>> -> memref<384xi32, #tpu.memory_space<vmem_shared>>
        %dma_start3A_340 = arith.constant 0 : i32
        %dma_start3A_341 = tpu.memref_slice %arg33[%add3A_193, %dma_start3A_340] : memref<16x384xi32, #tpu.memory_space<vmem_shared>> -> memref<1x384xi32, #tpu.memory_space<vmem_shared>>
        %dma_start3A_342 = tpu.memref_squeeze %dma_start3A_341 : memref<1x384xi32, #tpu.memory_space<vmem_shared>> -> memref<384xi32, #tpu.memory_space<vmem_shared>>
        tpu.enqueue_dma source(%dma_start3A_342 : memref<384xi32, #tpu.memory_space<vmem_shared>>) target(%arg23 : memref<384xi32, #tpu.memory_space<vmem>>) target_semaphore(%run_scoped3A : memref<!tpu.dma_semaphore, #tpu.memory_space<semaphore_mem>>)
        %dma_wait3A_343 = arith.constant 0 : i32
        %dma_wait3A_344 = tpu.memref_slice %arg33[%add3A_193, %dma_wait3A_343] : memref<16x384xi32, #tpu.memory_space<vmem_shared>> -> memref<1x384xi32, #tpu.memory_space<vmem_shared>>
        %dma_wait3A_345 = tpu.memref_squeeze %dma_wait3A_344 : memref<1x384xi32, #tpu.memory_space<vmem_shared>> -> memref<384xi32, #tpu.memory_space<vmem_shared>>
        %dma_wait3A_346 = arith.constant 0 : i32
        %dma_wait3A_347 = tpu.memref_slice %arg33[%add3A_193, %dma_wait3A_346] : memref<16x384xi32, #tpu.memory_space<vmem_shared>> -> memref<1x384xi32, #tpu.memory_space<vmem_shared>>
        %dma_wait3A_348 = tpu.memref_squeeze %dma_wait3A_347 : memref<1x384xi32, #tpu.memory_space<vmem_shared>> -> memref<384xi32, #tpu.memory_space<vmem_shared>>
        tpu.wait_dma2 semaphore(%run_scoped3A : memref<!tpu.dma_semaphore, #tpu.memory_space<semaphore_mem>>) src(%dma_wait3A_348 : memref<384xi32, #tpu.memory_space<vmem_shared>>) dst(%arg23 : memref<384xi32, #tpu.memory_space<vmem>>)
        tpu.yield
      }) : () -> ()
      %scan3A_194 = arith.constant 0 : i32
      %scan3A_195 = arith.constant 0 : i32
      %scan3A_196 = arith.constant 24 : i32
      %scan3A_197 = arith.addi %scan3A_195, %scan3A_196 : i32
      %scan3A_198 = arith.constant 1 : i32
      %scan3A_199 = scf.for %scan3A_337 = %scan3A_195 to %scan3A_197 step %scan3A_198 iter_args(%scan3A_338 = %scan3A_194) -> (i32)  : i32 {
        %mul3A_339 = arith.constant 16 : i32
        %mul3A_340 = arith.muli %scan3A_337, %mul3A_339 : i32
        %get3A_341 = arith.index_cast %mul3A_340 : i32 to index
        %get3A_342 = tpu.vector_load %arg23[%get3A_341] {strides = array<i32>} : memref<384xi32, #tpu.memory_space<vmem>>, vector<16xi32>,
        %gt3A_343 = arith.constant 0 : i32
        %gt3A_344 = vector.broadcast %gt3A_343 : i32 to vector<16xi32>
        %gt3A_345 = arith.cmpi sgt, %get3A_342, %gt3A_344 : vector<16xi32>
        %get3A_346 = arith.index_cast %mul3A_340 : i32 to index
        %get3A_347 = tpu.vector_load %arg20[%get3A_346] {strides = array<i32>} : memref<384xf32, #tpu.memory_space<vmem>>, vector<16xf32>,
        %get3A_348 = arith.index_cast %mul3A_340 : i32 to index
        %get3A_349 = tpu.vector_load %arg16[%get3A_348] {strides = array<i32>} : memref<384xf32, #tpu.memory_space<vmem>>, vector<16xf32>,
        %select_n3A_350 = arith.select %gt3A_345, %get3A_347, %get3A_349 : vector<16xi1>, vector<16xf32>
        %swap3A_351 = arith.index_cast %mul3A_340 : i32 to index
        %swap3A_352 = tpu.vector_load %arg16[%swap3A_351] {strides = array<i32>} : memref<384xf32, #tpu.memory_space<vmem>>, vector<16xf32>,
        tpu.vector_store %arg16[%swap3A_351], %select_n3A_350 {strides = array<i32>} : memref<384xf32, #tpu.memory_space<vmem>>, vector<16xf32>,
        %get3A_353 = arith.index_cast %mul3A_340 : i32 to index
        %get3A_354 = tpu.vector_load %arg21[%get3A_353] {strides = array<i32>} : memref<384xi32, #tpu.memory_space<vmem>>, vector<16xi32>,
        %get3A_355 = arith.index_cast %mul3A_340 : i32 to index
        %get3A_356 = tpu.vector_load %arg17[%get3A_355] {strides = array<i32>} : memref<384xi32, #tpu.memory_space<vmem>>, vector<16xi32>,
        %select_n3A_357 = arith.select %gt3A_345, %get3A_354, %get3A_356 : vector<16xi1>, vector<16xi32>
        %swap3A_358 = arith.index_cast %mul3A_340 : i32 to index
        %swap3A_359 = tpu.vector_load %arg17[%swap3A_358] {strides = array<i32>} : memref<384xi32, #tpu.memory_space<vmem>>, vector<16xi32>,
        tpu.vector_store %arg17[%swap3A_358], %select_n3A_357 {strides = array<i32>} : memref<384xi32, #tpu.memory_space<vmem>>, vector<16xi32>,
        %get3A_360 = arith.index_cast %mul3A_340 : i32 to index
        %get3A_361 = tpu.vector_load %arg22[%get3A_360] {strides = array<i32>} : memref<384xi32, #tpu.memory_space<vmem>>, vector<16xi32>,
        %get3A_362 = arith.index_cast %mul3A_340 : i32 to index
        %get3A_363 = tpu.vector_load %arg18[%get3A_362] {strides = array<i32>} : memref<384xi32, #tpu.memory_space<vmem>>, vector<16xi32>,
        %select_n3A_364 = arith.select %gt3A_345, %get3A_361, %get3A_363 : vector<16xi1>, vector<16xi32>
        %swap3A_365 = arith.index_cast %mul3A_340 : i32 to index
        %swap3A_366 = tpu.vector_load %arg18[%swap3A_365] {strides = array<i32>} : memref<384xi32, #tpu.memory_space<vmem>>, vector<16xi32>,
        tpu.vector_store %arg18[%swap3A_365], %select_n3A_364 {strides = array<i32>} : memref<384xi32, #tpu.memory_space<vmem>>, vector<16xi32>,
        %scan3A_367 = arith.constant 0 : i32
        scf.yield %scan3A_367 : i32
      }
      %scan3A_200 = arith.constant 24 : i32
      %mul3A_201 = arith.constant 512 : i32
      %mul3A_202 = arith.muli %add3A, %mul3A_201 : i32
      "tpu.region"() ({
        %run_scoped3A = tpu.sem_alloc : memref<!tpu.dma_semaphore, #tpu.memory_space<semaphore_mem>>
        %dma_start3A_337 = tpu.memref_slice %arg4[%mul3A_202] : memref<8192xf32, #tpu.memory_space<hbm>> -> memref<384xf32, #tpu.memory_space<hbm>>
        %dma_start3A_338 = tpu.memref_slice %arg4[%mul3A_202] : memref<8192xf32, #tpu.memory_space<hbm>> -> memref<384xf32, #tpu.memory_space<hbm>>
        tpu.enqueue_dma source(%arg16 : memref<384xf32, #tpu.memory_space<vmem>>) target(%dma_start3A_338 : memref<384xf32, #tpu.memory_space<hbm>>) target_semaphore(%run_scoped3A : memref<!tpu.dma_semaphore, #tpu.memory_space<semaphore_mem>>)
        %dma_wait3A_339 = tpu.memref_slice %arg4[%mul3A_202] : memref<8192xf32, #tpu.memory_space<hbm>> -> memref<384xf32, #tpu.memory_space<hbm>>
        %dma_wait3A_340 = tpu.memref_slice %arg4[%mul3A_202] : memref<8192xf32, #tpu.memory_space<hbm>> -> memref<384xf32, #tpu.memory_space<hbm>>
        tpu.wait_dma2 semaphore(%run_scoped3A : memref<!tpu.dma_semaphore, #tpu.memory_space<semaphore_mem>>) src(%arg16 : memref<384xf32, #tpu.memory_space<vmem>>) dst(%dma_wait3A_340 : memref<384xf32, #tpu.memory_space<hbm>>)
        tpu.yield
      }) : () -> ()
      %mul3A_203 = arith.constant 512 : i32
      %mul3A_204 = arith.muli %add3A, %mul3A_203 : i32
      "tpu.region"() ({
        %run_scoped3A = tpu.sem_alloc : memref<!tpu.dma_semaphore, #tpu.memory_space<semaphore_mem>>
        %dma_start3A_337 = tpu.memref_slice %arg5[%mul3A_204] : memref<8192xi32, #tpu.memory_space<hbm>> -> memref<384xi32, #tpu.memory_space<hbm>>
        %dma_start3A_338 = tpu.memref_slice %arg5[%mul3A_204] : memref<8192xi32, #tpu.memory_space<hbm>> -> memref<384xi32, #tpu.memory_space<hbm>>
        tpu.enqueue_dma source(%arg17 : memref<384xi32, #tpu.memory_space<vmem>>) target(%dma_start3A_338 : memref<384xi32, #tpu.memory_space<hbm>>) target_semaphore(%run_scoped3A : memref<!tpu.dma_semaphore, #tpu.memory_space<semaphore_mem>>)
        %dma_wait3A_339 = tpu.memref_slice %arg5[%mul3A_204] : memref<8192xi32, #tpu.memory_space<hbm>> -> memref<384xi32, #tpu.memory_space<hbm>>
        %dma_wait3A_340 = tpu.memref_slice %arg5[%mul3A_204] : memref<8192xi32, #tpu.memory_space<hbm>> -> memref<384xi32, #tpu.memory_space<hbm>>
        tpu.wait_dma2 semaphore(%run_scoped3A : memref<!tpu.dma_semaphore, #tpu.memory_space<semaphore_mem>>) src(%arg17 : memref<384xi32, #tpu.memory_space<vmem>>) dst(%dma_wait3A_340 : memref<384xi32, #tpu.memory_space<hbm>>)
        tpu.yield
      }) : () -> ()
      %get3A_205 = arith.constant 0 : index
      %get3A_206 = tpu.vector_load %arg18[%get3A_205] {strides = array<i32>} : memref<384xi32, #tpu.memory_space<vmem>>, vector<16xi32>,
      %swap3A_207 = arith.constant 0 : index
      %swap3A_208 = tpu.vector_load %arg24[%swap3A_207] {strides = array<i32>} : memref<128xi32, #tpu.memory_space<vmem>>, vector<16xi32>,
      tpu.vector_store %arg24[%swap3A_207], %get3A_206 {strides = array<i32>} : memref<128xi32, #tpu.memory_space<vmem>>, vector<16xi32>,
      %get3A_209 = arith.constant 16 : index
      %get3A_210 = tpu.vector_load %arg18[%get3A_209] {strides = array<i32>} : memref<384xi32, #tpu.memory_space<vmem>>, vector<16xi32>,
      %swap3A_211 = arith.constant 16 : index
      %swap3A_212 = tpu.vector_load %arg24[%swap3A_211] {strides = array<i32>} : memref<128xi32, #tpu.memory_space<vmem>>, vector<16xi32>,
      tpu.vector_store %arg24[%swap3A_211], %get3A_210 {strides = array<i32>} : memref<128xi32, #tpu.memory_space<vmem>>, vector<16xi32>,
      %get3A_213 = arith.constant 32 : index
      %get3A_214 = tpu.vector_load %arg18[%get3A_213] {strides = array<i32>} : memref<384xi32, #tpu.memory_space<vmem>>, vector<16xi32>,
      %swap3A_215 = arith.constant 32 : index
      %swap3A_216 = tpu.vector_load %arg24[%swap3A_215] {strides = array<i32>} : memref<128xi32, #tpu.memory_space<vmem>>, vector<16xi32>,
      tpu.vector_store %arg24[%swap3A_215], %get3A_214 {strides = array<i32>} : memref<128xi32, #tpu.memory_space<vmem>>, vector<16xi32>,
      %get3A_217 = arith.constant 48 : index
      %get3A_218 = tpu.vector_load %arg18[%get3A_217] {strides = array<i32>} : memref<384xi32, #tpu.memory_space<vmem>>, vector<16xi32>,
      %swap3A_219 = arith.constant 48 : index
      %swap3A_220 = tpu.vector_load %arg24[%swap3A_219] {strides = array<i32>} : memref<128xi32, #tpu.memory_space<vmem>>, vector<16xi32>,
      tpu.vector_store %arg24[%swap3A_219], %get3A_218 {strides = array<i32>} : memref<128xi32, #tpu.memory_space<vmem>>, vector<16xi32>,
      %get3A_221 = arith.constant 64 : index
      %get3A_222 = tpu.vector_load %arg18[%get3A_221] {strides = array<i32>} : memref<384xi32, #tpu.memory_space<vmem>>, vector<16xi32>,
      %swap3A_223 = arith.constant 64 : index
      %swap3A_224 = tpu.vector_load %arg24[%swap3A_223] {strides = array<i32>} : memref<128xi32, #tpu.memory_space<vmem>>, vector<16xi32>,
      tpu.vector_store %arg24[%swap3A_223], %get3A_222 {strides = array<i32>} : memref<128xi32, #tpu.memory_space<vmem>>, vector<16xi32>,
      %get3A_225 = arith.constant 80 : index
      %get3A_226 = tpu.vector_load %arg18[%get3A_225] {strides = array<i32>} : memref<384xi32, #tpu.memory_space<vmem>>, vector<16xi32>,
      %swap3A_227 = arith.constant 80 : index
      %swap3A_228 = tpu.vector_load %arg24[%swap3A_227] {strides = array<i32>} : memref<128xi32, #tpu.memory_space<vmem>>, vector<16xi32>,
      tpu.vector_store %arg24[%swap3A_227], %get3A_226 {strides = array<i32>} : memref<128xi32, #tpu.memory_space<vmem>>, vector<16xi32>,
      %get3A_229 = arith.constant 96 : index
      %get3A_230 = tpu.vector_load %arg18[%get3A_229] {strides = array<i32>} : memref<384xi32, #tpu.memory_space<vmem>>, vector<16xi32>,
      %swap3A_231 = arith.constant 96 : index
      %swap3A_232 = tpu.vector_load %arg24[%swap3A_231] {strides = array<i32>} : memref<128xi32, #tpu.memory_space<vmem>>, vector<16xi32>,
      tpu.vector_store %arg24[%swap3A_231], %get3A_230 {strides = array<i32>} : memref<128xi32, #tpu.memory_space<vmem>>, vector<16xi32>,
      %get3A_233 = arith.constant 112 : index
      %get3A_234 = tpu.vector_load %arg18[%get3A_233] {strides = array<i32>} : memref<384xi32, #tpu.memory_space<vmem>>, vector<16xi32>,
      %swap3A_235 = arith.constant 112 : index
      %swap3A_236 = tpu.vector_load %arg24[%swap3A_235] {strides = array<i32>} : memref<128xi32, #tpu.memory_space<vmem>>, vector<16xi32>,
      tpu.vector_store %arg24[%swap3A_235], %get3A_234 {strides = array<i32>} : memref<128xi32, #tpu.memory_space<vmem>>, vector<16xi32>,
      %dma_start3A = arith.constant 0 : i32
      %dma_start3A_237 = arith.constant 0 : i32
      %dma_start3A_238 = tpu.memref_slice %arg25[%dma_start3A, %dma_start3A_237] : memref<384x8xf32, #tpu.memory_space<vmem>> -> memref<128x8xf32, #tpu.memory_space<vmem>>
      %dma_start3A_239 = arith.constant 0 : i32
      %dma_start3A_240 = arith.constant 0 : i32
      %dma_start3A_241 = tpu.memref_slice %arg3[%dma_start3A_239, %dma_start3A_240] : memref<320000x8xf32, #tpu.memory_space<hbm>> -> memref<320000x8xf32, #tpu.memory_space<hbm>>
      tpu.enqueue_indirect_dma source(%dma_start3A_241 : memref<320000x8xf32, #tpu.memory_space<hbm>>) target(%dma_start3A_238 : memref<128x8xf32, #tpu.memory_space<vmem>>) offsets(%arg24 : memref<128xi32, #tpu.memory_space<vmem>>) semaphore(%arg34 : memref<!tpu.dma_semaphore, #tpu.memory_space<semaphore_mem>>)
      %dma_wait3A = arith.constant 0 : i32
      %dma_wait3A_242 = arith.constant 0 : i32
      %dma_wait3A_243 = tpu.memref_slice %arg25[%dma_wait3A, %dma_wait3A_242] : memref<384x8xf32, #tpu.memory_space<vmem>> -> memref<128x8xf32, #tpu.memory_space<vmem>>
      %dma_wait3A_244 = arith.constant 0 : i32
      %dma_wait3A_245 = arith.constant 0 : i32
      %dma_wait3A_246 = tpu.memref_slice %arg3[%dma_wait3A_244, %dma_wait3A_245] : memref<320000x8xf32, #tpu.memory_space<hbm>> -> memref<320000x8xf32, #tpu.memory_space<hbm>>
      tpu.wait_indirect_dma semaphore(%arg34 : memref<!tpu.dma_semaphore, #tpu.memory_space<semaphore_mem>>) src(%dma_wait3A_246 : memref<320000x8xf32, #tpu.memory_space<hbm>>) dst(%dma_wait3A_243 : memref<128x8xf32, #tpu.memory_space<vmem>>)
      %get3A_247 = arith.constant 128 : index
      %get3A_248 = tpu.vector_load %arg18[%get3A_247] {strides = array<i32>} : memref<384xi32, #tpu.memory_space<vmem>>, vector<16xi32>,
      %swap3A_249 = arith.constant 0 : index
      %swap3A_250 = tpu.vector_load %arg24[%swap3A_249] {strides = array<i32>} : memref<128xi32, #tpu.memory_space<vmem>>, vector<16xi32>,
      tpu.vector_store %arg24[%swap3A_249], %get3A_248 {strides = array<i32>} : memref<128xi32, #tpu.memory_space<vmem>>, vector<16xi32>,
      %get3A_251 = arith.constant 144 : index
      %get3A_252 = tpu.vector_load %arg18[%get3A_251] {strides = array<i32>} : memref<384xi32, #tpu.memory_space<vmem>>, vector<16xi32>,
      %swap3A_253 = arith.constant 16 : index
      %swap3A_254 = tpu.vector_load %arg24[%swap3A_253] {strides = array<i32>} : memref<128xi32, #tpu.memory_space<vmem>>, vector<16xi32>,
      tpu.vector_store %arg24[%swap3A_253], %get3A_252 {strides = array<i32>} : memref<128xi32, #tpu.memory_space<vmem>>, vector<16xi32>,
      %get3A_255 = arith.constant 160 : index
      %get3A_256 = tpu.vector_load %arg18[%get3A_255] {strides = array<i32>} : memref<384xi32, #tpu.memory_space<vmem>>, vector<16xi32>,
      %swap3A_257 = arith.constant 32 : index
      %swap3A_258 = tpu.vector_load %arg24[%swap3A_257] {strides = array<i32>} : memref<128xi32, #tpu.memory_space<vmem>>, vector<16xi32>,
      tpu.vector_store %arg24[%swap3A_257], %get3A_256 {strides = array<i32>} : memref<128xi32, #tpu.memory_space<vmem>>, vector<16xi32>,
      %get3A_259 = arith.constant 176 : index
      %get3A_260 = tpu.vector_load %arg18[%get3A_259] {strides = array<i32>} : memref<384xi32, #tpu.memory_space<vmem>>, vector<16xi32>,
      %swap3A_261 = arith.constant 48 : index
      %swap3A_262 = tpu.vector_load %arg24[%swap3A_261] {strides = array<i32>} : memref<128xi32, #tpu.memory_space<vmem>>, vector<16xi32>,
      tpu.vector_store %arg24[%swap3A_261], %get3A_260 {strides = array<i32>} : memref<128xi32, #tpu.memory_space<vmem>>, vector<16xi32>,
      %get3A_263 = arith.constant 192 : index
      %get3A_264 = tpu.vector_load %arg18[%get3A_263] {strides = array<i32>} : memref<384xi32, #tpu.memory_space<vmem>>, vector<16xi32>,
      %swap3A_265 = arith.constant 64 : index
      %swap3A_266 = tpu.vector_load %arg24[%swap3A_265] {strides = array<i32>} : memref<128xi32, #tpu.memory_space<vmem>>, vector<16xi32>,
      tpu.vector_store %arg24[%swap3A_265], %get3A_264 {strides = array<i32>} : memref<128xi32, #tpu.memory_space<vmem>>, vector<16xi32>,
      %get3A_267 = arith.constant 208 : index
      %get3A_268 = tpu.vector_load %arg18[%get3A_267] {strides = array<i32>} : memref<384xi32, #tpu.memory_space<vmem>>, vector<16xi32>,
      %swap3A_269 = arith.constant 80 : index
      %swap3A_270 = tpu.vector_load %arg24[%swap3A_269] {strides = array<i32>} : memref<128xi32, #tpu.memory_space<vmem>>, vector<16xi32>,
      tpu.vector_store %arg24[%swap3A_269], %get3A_268 {strides = array<i32>} : memref<128xi32, #tpu.memory_space<vmem>>, vector<16xi32>,
      %get3A_271 = arith.constant 224 : index
      %get3A_272 = tpu.vector_load %arg18[%get3A_271] {strides = array<i32>} : memref<384xi32, #tpu.memory_space<vmem>>, vector<16xi32>,
      %swap3A_273 = arith.constant 96 : index
      %swap3A_274 = tpu.vector_load %arg24[%swap3A_273] {strides = array<i32>} : memref<128xi32, #tpu.memory_space<vmem>>, vector<16xi32>,
      tpu.vector_store %arg24[%swap3A_273], %get3A_272 {strides = array<i32>} : memref<128xi32, #tpu.memory_space<vmem>>, vector<16xi32>,
      %get3A_275 = arith.constant 240 : index
      %get3A_276 = tpu.vector_load %arg18[%get3A_275] {strides = array<i32>} : memref<384xi32, #tpu.memory_space<vmem>>, vector<16xi32>,
      %swap3A_277 = arith.constant 112 : index
      %swap3A_278 = tpu.vector_load %arg24[%swap3A_277] {strides = array<i32>} : memref<128xi32, #tpu.memory_space<vmem>>, vector<16xi32>,
      tpu.vector_store %arg24[%swap3A_277], %get3A_276 {strides = array<i32>} : memref<128xi32, #tpu.memory_space<vmem>>, vector<16xi32>,
      %dma_start3A_279 = arith.constant 128 : i32
      %dma_start3A_280 = arith.constant 0 : i32
      %dma_start3A_281 = tpu.memref_slice %arg25[%dma_start3A_279, %dma_start3A_280] : memref<384x8xf32, #tpu.memory_space<vmem>> -> memref<128x8xf32, #tpu.memory_space<vmem>>
      %dma_start3A_282 = arith.constant 0 : i32
      %dma_start3A_283 = arith.constant 0 : i32
      %dma_start3A_284 = tpu.memref_slice %arg3[%dma_start3A_282, %dma_start3A_283] : memref<320000x8xf32, #tpu.memory_space<hbm>> -> memref<320000x8xf32, #tpu.memory_space<hbm>>
      tpu.enqueue_indirect_dma source(%dma_start3A_284 : memref<320000x8xf32, #tpu.memory_space<hbm>>) target(%dma_start3A_281 : memref<128x8xf32, #tpu.memory_space<vmem>>) offsets(%arg24 : memref<128xi32, #tpu.memory_space<vmem>>) semaphore(%arg34 : memref<!tpu.dma_semaphore, #tpu.memory_space<semaphore_mem>>)
      %dma_wait3A_285 = arith.constant 128 : i32
      %dma_wait3A_286 = arith.constant 0 : i32
      %dma_wait3A_287 = tpu.memref_slice %arg25[%dma_wait3A_285, %dma_wait3A_286] : memref<384x8xf32, #tpu.memory_space<vmem>> -> memref<128x8xf32, #tpu.memory_space<vmem>>
      %dma_wait3A_288 = arith.constant 0 : i32
      %dma_wait3A_289 = arith.constant 0 : i32
      %dma_wait3A_290 = tpu.memref_slice %arg3[%dma_wait3A_288, %dma_wait3A_289] : memref<320000x8xf32, #tpu.memory_space<hbm>> -> memref<320000x8xf32, #tpu.memory_space<hbm>>
      tpu.wait_indirect_dma semaphore(%arg34 : memref<!tpu.dma_semaphore, #tpu.memory_space<semaphore_mem>>) src(%dma_wait3A_290 : memref<320000x8xf32, #tpu.memory_space<hbm>>) dst(%dma_wait3A_287 : memref<128x8xf32, #tpu.memory_space<vmem>>)
      %get3A_291 = arith.constant 256 : index
      %get3A_292 = tpu.vector_load %arg18[%get3A_291] {strides = array<i32>} : memref<384xi32, #tpu.memory_space<vmem>>, vector<16xi32>,
      %swap3A_293 = arith.constant 0 : index
      %swap3A_294 = tpu.vector_load %arg24[%swap3A_293] {strides = array<i32>} : memref<128xi32, #tpu.memory_space<vmem>>, vector<16xi32>,
      tpu.vector_store %arg24[%swap3A_293], %get3A_292 {strides = array<i32>} : memref<128xi32, #tpu.memory_space<vmem>>, vector<16xi32>,
      %get3A_295 = arith.constant 272 : index
      %get3A_296 = tpu.vector_load %arg18[%get3A_295] {strides = array<i32>} : memref<384xi32, #tpu.memory_space<vmem>>, vector<16xi32>,
      %swap3A_297 = arith.constant 16 : index
      %swap3A_298 = tpu.vector_load %arg24[%swap3A_297] {strides = array<i32>} : memref<128xi32, #tpu.memory_space<vmem>>, vector<16xi32>,
      tpu.vector_store %arg24[%swap3A_297], %get3A_296 {strides = array<i32>} : memref<128xi32, #tpu.memory_space<vmem>>, vector<16xi32>,
      %get3A_299 = arith.constant 288 : index
      %get3A_300 = tpu.vector_load %arg18[%get3A_299] {strides = array<i32>} : memref<384xi32, #tpu.memory_space<vmem>>, vector<16xi32>,
      %swap3A_301 = arith.constant 32 : index
      %swap3A_302 = tpu.vector_load %arg24[%swap3A_301] {strides = array<i32>} : memref<128xi32, #tpu.memory_space<vmem>>, vector<16xi32>,
      tpu.vector_store %arg24[%swap3A_301], %get3A_300 {strides = array<i32>} : memref<128xi32, #tpu.memory_space<vmem>>, vector<16xi32>,
      %get3A_303 = arith.constant 304 : index
      %get3A_304 = tpu.vector_load %arg18[%get3A_303] {strides = array<i32>} : memref<384xi32, #tpu.memory_space<vmem>>, vector<16xi32>,
      %swap3A_305 = arith.constant 48 : index
      %swap3A_306 = tpu.vector_load %arg24[%swap3A_305] {strides = array<i32>} : memref<128xi32, #tpu.memory_space<vmem>>, vector<16xi32>,
      tpu.vector_store %arg24[%swap3A_305], %get3A_304 {strides = array<i32>} : memref<128xi32, #tpu.memory_space<vmem>>, vector<16xi32>,
      %get3A_307 = arith.constant 320 : index
      %get3A_308 = tpu.vector_load %arg18[%get3A_307] {strides = array<i32>} : memref<384xi32, #tpu.memory_space<vmem>>, vector<16xi32>,
      %swap3A_309 = arith.constant 64 : index
      %swap3A_310 = tpu.vector_load %arg24[%swap3A_309] {strides = array<i32>} : memref<128xi32, #tpu.memory_space<vmem>>, vector<16xi32>,
      tpu.vector_store %arg24[%swap3A_309], %get3A_308 {strides = array<i32>} : memref<128xi32, #tpu.memory_space<vmem>>, vector<16xi32>,
      %get3A_311 = arith.constant 336 : index
      %get3A_312 = tpu.vector_load %arg18[%get3A_311] {strides = array<i32>} : memref<384xi32, #tpu.memory_space<vmem>>, vector<16xi32>,
      %swap3A_313 = arith.constant 80 : index
      %swap3A_314 = tpu.vector_load %arg24[%swap3A_313] {strides = array<i32>} : memref<128xi32, #tpu.memory_space<vmem>>, vector<16xi32>,
      tpu.vector_store %arg24[%swap3A_313], %get3A_312 {strides = array<i32>} : memref<128xi32, #tpu.memory_space<vmem>>, vector<16xi32>,
      %get3A_315 = arith.constant 352 : index
      %get3A_316 = tpu.vector_load %arg18[%get3A_315] {strides = array<i32>} : memref<384xi32, #tpu.memory_space<vmem>>, vector<16xi32>,
      %swap3A_317 = arith.constant 96 : index
      %swap3A_318 = tpu.vector_load %arg24[%swap3A_317] {strides = array<i32>} : memref<128xi32, #tpu.memory_space<vmem>>, vector<16xi32>,
      tpu.vector_store %arg24[%swap3A_317], %get3A_316 {strides = array<i32>} : memref<128xi32, #tpu.memory_space<vmem>>, vector<16xi32>,
      %get3A_319 = arith.constant 368 : index
      %get3A_320 = tpu.vector_load %arg18[%get3A_319] {strides = array<i32>} : memref<384xi32, #tpu.memory_space<vmem>>, vector<16xi32>,
      %swap3A_321 = arith.constant 112 : index
      %swap3A_322 = tpu.vector_load %arg24[%swap3A_321] {strides = array<i32>} : memref<128xi32, #tpu.memory_space<vmem>>, vector<16xi32>,
      tpu.vector_store %arg24[%swap3A_321], %get3A_320 {strides = array<i32>} : memref<128xi32, #tpu.memory_space<vmem>>, vector<16xi32>,
      %dma_start3A_323 = arith.constant 256 : i32
      %dma_start3A_324 = arith.constant 0 : i32
      %dma_start3A_325 = tpu.memref_slice %arg25[%dma_start3A_323, %dma_start3A_324] : memref<384x8xf32, #tpu.memory_space<vmem>> -> memref<128x8xf32, #tpu.memory_space<vmem>>
      %dma_start3A_326 = arith.constant 0 : i32
      %dma_start3A_327 = arith.constant 0 : i32
      %dma_start3A_328 = tpu.memref_slice %arg3[%dma_start3A_326, %dma_start3A_327] : memref<320000x8xf32, #tpu.memory_space<hbm>> -> memref<320000x8xf32, #tpu.memory_space<hbm>>
      tpu.enqueue_indirect_dma source(%dma_start3A_328 : memref<320000x8xf32, #tpu.memory_space<hbm>>) target(%dma_start3A_325 : memref<128x8xf32, #tpu.memory_space<vmem>>) offsets(%arg24 : memref<128xi32, #tpu.memory_space<vmem>>) semaphore(%arg34 : memref<!tpu.dma_semaphore, #tpu.memory_space<semaphore_mem>>)
      %dma_wait3A_329 = arith.constant 256 : i32
      %dma_wait3A_330 = arith.constant 0 : i32
      %dma_wait3A_331 = tpu.memref_slice %arg25[%dma_wait3A_329, %dma_wait3A_330] : memref<384x8xf32, #tpu.memory_space<vmem>> -> memref<128x8xf32, #tpu.memory_space<vmem>>
      %dma_wait3A_332 = arith.constant 0 : i32
      %dma_wait3A_333 = arith.constant 0 : i32
      %dma_wait3A_334 = tpu.memref_slice %arg3[%dma_wait3A_332, %dma_wait3A_333] : memref<320000x8xf32, #tpu.memory_space<hbm>> -> memref<320000x8xf32, #tpu.memory_space<hbm>>
      tpu.wait_indirect_dma semaphore(%arg34 : memref<!tpu.dma_semaphore, #tpu.memory_space<semaphore_mem>>) src(%dma_wait3A_334 : memref<320000x8xf32, #tpu.memory_space<hbm>>) dst(%dma_wait3A_331 : memref<128x8xf32, #tpu.memory_space<vmem>>)
      %mul3A_335 = arith.constant 512 : i32
      %mul3A_336 = arith.muli %add3A, %mul3A_335 : i32
      "tpu.region"() ({
        %run_scoped3A = tpu.sem_alloc : memref<!tpu.dma_semaphore, #tpu.memory_space<semaphore_mem>>
        %dma_start3A_337 = arith.constant 0 : i32
        %dma_start3A_338 = tpu.memref_slice %arg6[%mul3A_336, %dma_start3A_337] : memref<8192x8xf32, #tpu.memory_space<hbm>> -> memref<384x8xf32, #tpu.memory_space<hbm>>
        %dma_start3A_339 = arith.constant 0 : i32
        %dma_start3A_340 = tpu.memref_slice %arg6[%mul3A_336, %dma_start3A_339] : memref<8192x8xf32, #tpu.memory_space<hbm>> -> memref<384x8xf32, #tpu.memory_space<hbm>>
        tpu.enqueue_dma source(%arg25 : memref<384x8xf32, #tpu.memory_space<vmem>>) target(%dma_start3A_340 : memref<384x8xf32, #tpu.memory_space<hbm>>) target_semaphore(%run_scoped3A : memref<!tpu.dma_semaphore, #tpu.memory_space<semaphore_mem>>)
        %dma_wait3A_341 = arith.constant 0 : i32
        %dma_wait3A_342 = tpu.memref_slice %arg6[%mul3A_336, %dma_wait3A_341] : memref<8192x8xf32, #tpu.memory_space<hbm>> -> memref<384x8xf32, #tpu.memory_space<hbm>>
        %dma_wait3A_343 = arith.constant 0 : i32
        %dma_wait3A_344 = tpu.memref_slice %arg6[%mul3A_336, %dma_wait3A_343] : memref<8192x8xf32, #tpu.memory_space<hbm>> -> memref<384x8xf32, #tpu.memory_space<hbm>>
        tpu.wait_dma2 semaphore(%run_scoped3A : memref<!tpu.dma_semaphore, #tpu.memory_space<semaphore_mem>>) src(%arg25 : memref<384x8xf32, #tpu.memory_space<vmem>>) dst(%dma_wait3A_344 : memref<384x8xf32, #tpu.memory_space<hbm>>)
        tpu.yield
      }) : () -> ()
    } else {
    }
    return
  }
}

</mosaic_0001>

<sc_bundles>
// kernel: _sc_topk.3.cloned.1.call-start
scs
__scs_entry_jumppad:
0x0: {  	(pc) =	sbr.rel $0x88, $3  }
0x1: {  	(tag) =	ssettag $0x0;
	lr =	simm.s32 $0x1  }
0x2: {  	[smem:$0x3F9F] =	sst lr;
	_ =	strace $0xD0000000  }
0x3: {  	_ = 	snop  }
0x4: {  	_ = 	snop  }
0x5: {  	_ = 	snop  }
0x6: {  	_ = 	snop  }
0x7: {  	_ = 	snop  }
__scs_overlays_trampoline_lowered:
0x8: {  	[smem:$0x3FAE] =	sst s0  }
0x9: {  	[smem:$0x3FAF] =	sst s1  }
0xa: {  	[smem:$0x3FB0] =	sst s2  }
0xb: {  	[smem:$0x3FB1] =	sst s3  }
0xc: {  	[smem:$0x3FB2] =	sst s4  }
0xd: {  	[smem:$0x3FB3] =	sst s5  }
0xe: {  	[smem:$0x3FB4] =	sst s6  }
0xf: {  	[smem:$0x3FB5] =	sst s7  }
0x10: {  	[smem:$0x3FB6] =	sst s8  }
0x11: {  	[smem:$0x3FB7] =	sst s9;
	s0 =	simm.s32 @!p0 $0x0  }
0x12: {  	s1 =	sld [smem:$0x3F9D];
	s0 =	simm.s32 @p0 $0x1  }
0x13: {  	[smem:$0x3FB8] =	sst s0;
	s0 =	simm.s32 @!p1 $0x0  }
0x14: {  	s2 =	sld [smem:$0x3F9C];
	s0 =	simm.s32 @p1 $0x1  }
0x15: {  	[smem:$0x3FB9] =	sst s0;
	s0 =	simm.s32 @!p2 $0x0  }
0x16: {  	s3 =	sld [smem:$0x3FDB];
	s0 =	simm.s32 @p2 $0x1  }
0x17: {  	s4 =	simm.s32 $0x1BF5;
	[smem:$0x3FBB] =	sst s0  }
0x18: {  	s0 =	sld [smem:$0x3F9E];
	_ =	swait.ge [sflag:s4], $0x0  }
0x19: {  	s7 =	sld [smem:$0x3F9F]  }
0x1a: {  	s8 =	sadd.s32 $0xFFFFE003, lr  }
0x1b: {  	s9 =	sadd.s32 $0xFFFFFEF7, lr;
	s5 =	simm.s32 $0xFFFFFFFF;
	p2 =	slt.u32 s8, $0xFFFFF086  }
0x1c: {  	p1 =	slt.u32 s9, $0xF7A;
	s5 =	simm.s32 @!p2 $0x0  }
0x1d: {  	s5 =	simm.s32 @p1 $0x1;
	p0 =	seq.s32 s7, s2  }
0x1e: {  	s7 =	smul.u32 @!p0 $0xF7A, s2;
	p2 =	seq.s32 @!p0 s5, $0x0  }
0x1f: {  	s9 =	smul.u32 $0xF7A, s1;
	s8 =	simm.s32 @!p0 $0x1BF5;
	p2 =	por !p2, p0  }
0x20: {  	[sflag:s8] =	ssyncset.s32 @!p0 $0xFFFFF086;
	s6 =	sadd.s32 @!p0 s3, s7;
	s7 =	simm.s32 @!p0 $0x108  }
0x21: {  	s3 =	sadd.s32 s3, s9;
	s6 =	sadd.s32 @!p0 $0x88, s6;
	s7 =	simm.s32 @p2 $0x1082  }
0x22: {  	[simem:s7], [sflag:s8] =	dma.local @!p0 [hbm:s6], $0xF7A  }
0x23: {  	s9 =	sor.u32 $0xD0000000, s2;
	s6 =	simm.s32 $0x108;
	_ =	swait.ge @!p0 [sflag:s8], $0x0  }
0x24: {  	s3 =	sadd.s32 $0x88, s3;
	s6 =	simm.s32 @!p1 $0x1082;
	[sflag:s4] =	ssyncset.s32 $0xFFFFF086  }
0x25: {  	[simem:s6], [sflag:s4] =	dma.local [hbm:s3], $0xF7A  }
0x26: {  	[smem:$0x3F9F] =	sst s1;
	(tag) =	ssettag s2;
	_ =	strace s9  }
0x27: {  	s1 =	sld [smem:$0x3FAF]  }
0x28: {  	s2 =	sld [smem:$0x3FB0]  }
0x29: {  	s4 =	sld [smem:$0x3FB2]  }
0x2a: {  	p0 =	seq.s32 s5, $0x0;
	s5 =	sld [smem:$0x3FB3]  }
0x2b: {  	s6 =	sld [smem:$0x3FB4]  }
0x2c: {  	s7 =	sld [smem:$0x3FB5]  }
0x2d: {  	s3 =	simm.s32 $0x108;
	s8 =	sld [smem:$0x3FB6]  }
0x2e: {  	s3 =	simm.s32 @!p0 $0x1082;
	s9 =	sld [smem:$0x3FB7]  }
0x2f: {  	lr =	sadd.s32 s0, s3;
	s0 =	sld [smem:$0x3FAE]  }
0x30: {  	s3 =	sld [smem:$0x3FB1]  }
0x31: {  	[smem:$0x3FBA] =	sst s10  }
0x32: {  	s10 =	sld [smem:$0x3FB8];
	_ =	sdelay $0x3  }
0x33: {  	p0 =	seq.s32 s10, $0x1;
	s10 =	sld [smem:$0x3FBA];
	_ =	sdelay $0x3  }
0x34: {  	[smem:$0x3FBA] =	sst s10  }
0x35: {  	s10 =	sld [smem:$0x3FB9];
	_ =	sdelay $0x3  }
0x36: {  	p1 =	seq.s32 s10, $0x1;
	s10 =	sld [smem:$0x3FBA];
	_ =	sdelay $0x3  }
0x37: {  	[smem:$0x3FBA] =	sst s10  }
0x38: {  	s10 =	sld [smem:$0x3FBB]  }
0x39: {  	_ = 	snop;
	(pc) =	sbr.ind lr, $3  }
0x3a: {  	_ = 	snop  }
0x3b: {  	_ = 	snop  }
0x3c: {  	p2 =	seq.s32 s10, $0x1;
	s10 =	sld [smem:$0x3FBA]  }
0x3d: {  	_ =	shalt  }
0x3e: {  	_ =	shalt  }
0x3f: {  	_ =	shalt  }
0x40: {  	_ =	shalt  }
0x41: {  	_ =	shalt  }
0x42: {  	_ =	shalt  }
0x43: {  	_ =	shalt  }
0x44: {  	_ =	shalt  }
0x45: {  	_ =	shalt  }
0x46: {  	_ =	shalt  }
0x47: {  	_ =	shalt  }
0x48: {  	_ =	shalt  }
0x49: {  	_ =	shalt  }
0x4a: {  	_ =	shalt  }
0x4b: {  	_ =	shalt  }
0x4c: {  	_ =	shalt  }
0x4d: {  	_ =	shalt  }
0x4e: {  	_ =	shalt  }
0x4f: {  	_ =	shalt  }
0x50: {  	_ =	shalt  }
0x51: {  	_ =	shalt  }
0x52: {  	_ =	shalt  }
0x53: {  	_ =	shalt  }
0x54: {  	_ =	shalt  }
0x55: {  	_ =	shalt  }
0x56: {  	_ =	shalt  }
0x57: {  	_ =	shalt  }
0x58: {  	_ =	shalt  }
0x59: {  	_ =	shalt  }
0x5a: {  	_ =	shalt  }
0x5b: {  	_ =	shalt  }
0x5c: {  	_ =	shalt  }
0x5d: {  	_ =	shalt  }
0x5e: {  	_ =	shalt  }
0x5f: {  	_ =	shalt  }
0x60: {  	_ =	shalt  }
0x61: {  	_ =	shalt  }
0x62: {  	_ =	shalt  }
0x63: {  	_ =	shalt  }
0x64: {  	_ =	shalt  }
0x65: {  	_ =	shalt  }
0x66: {  	_ =	shalt  }
0x67: {  	_ =	shalt  }
0x68: {  	_ =	shalt  }
0x69: {  	_ =	shalt  }
0x6a: {  	_ =	shalt  }
0x6b: {  	_ =	shalt  }
0x6c: {  	_ =	shalt  }
0x6d: {  	_ =	shalt  }
0x6e: {  	_ =	shalt  }
0x6f: {  	_ =	shalt  }
0x70: {  	_ =	shalt  }
0x71: {  	_ =	shalt  }
0x72: {  	_ =	shalt  }
0x73: {  	_ =	shalt  }
0x74: {  	_ =	shalt  }
0x75: {  	_ =	shalt  }
0x76: {  	_ =	shalt  }
0x77: {  	_ =	shalt  }
0x78: {  	_ =	shalt  }
0x79: {  	_ =	shalt  }
0x7a: {  	_ =	shalt  }
0x7b: {  	_ =	shalt  }
0x7c: {  	_ =	shalt  }
0x7d: {  	_ =	shalt  }
0x7e: {  	_ =	shalt  }
0x7f: {  	_ =	shalt  }
0x80: {  	_ =	shalt  }
0x81: {  	_ =	shalt  }
0x82: {  	_ =	shalt  }
0x83: {  	_ =	shalt  }
0x84: {  	_ =	shalt  }
0x85: {  	_ =	shalt  }
0x86: {  	_ =	shalt  }
0x87: {  	_ =	shalt  }
.Lfunc_end0:
.L_simem_size_0:
called_computation_lowered:
.L_overlay_start_0:
0x88: {  	s2 =	sld [smem:$0x3FD9]  }
0x89: {  	s3 =	sld [smem:$0x3FFE];
	_ =	sdelay $0x1  }
0x8a: {  	s1 =	srdreg.scid  }
0x8b: {  	s0 =	sand.u32 $0x1, s1  }
0x8c: {  	s14 =	sshll.u32 s0, $0xA;
	s2 =	sadd.s32 s3, s2  }
0x8d: {  	s2 =	sadd.s32 s2, s14  }
0x8e: {  	[smem:$0x3FC6] =	sst s2  }
0x8f: {  	_ = 	snop  }
0x90: {  	s2 =	sld [smem:$0x3FD0];
	_ =	sdelay $0x2  }
0x91: {  	s4 =	simm.s32 $0xA;
	s5 =	simm.s32 $0x10;
	s15 =	sld [smem:$0x3FC9]  }
0x92: {  	[smem:s5], [sflag:s4] =	dma.local [hbm:s2], $0x1  }
0x93: {  	_ =	swait.eq [sflag:s4], $0x1  }
0x94: {  	s16 =	sld [smem:$0x10];
	[sflag:s4] =	ssyncset.done $0x0  }
0x95: {  	s17 =	sld [smem:$0x11];
	[sflag:s4] =	ssyncadd.s32 $0xFFFFFFFF  }
0x96: {  	s18 =	sld [smem:$0x12];
	(tm) =	ssettm $0x1  }
0x97: {  	s6 =	sld [smem:$0x3FFB];
	_ =	sdelay $0x3  }
0x98: {  	_ =	strace s6  }
0x99: {  	s6 =	sld [smem:$0x3FFC];
	_ =	sdelay $0x3  }
0x9a: {  	_ =	strace s6  }
0x9b: {  	s6 =	sld [smem:$0x3FFD];
	_ =	sdelay $0x3  }
0x9c: {  	_ =	strace s6  }
0x9d: {  	_ =	strace $0x8FFFFFFF  }
0x9e: {  	s19 =	sld [smem:$0x3FDB];
	_ =	sdelay $0x1  }
0x9f: {  	s7 =	simm.s32 $_scs_section_size  }
0xa0: {  	s8 =	simm.s32 $_size__tile_overlayer_lowered;
	s9 =	simm.s32 $_tile_overlayer_lowered  }
0xa1: {  	s22 =	simm.s32 $0x1BFF;
	s21 =	sshll.u32 s9, $0x1;
	s6 =	sadd.s32 s7, s19  }
0xa2: {  	s10 =	simm.s32 $0x0;
	s20 =	sshll.u32 s8, $0x1;
	s8 =	sadd.s32 s21, s6  }
0xa3: {  	[timem:s10], [sflag:s22] =	dma.local [hbm:s8], s20  }
0xa4: {  	_ =	swait.ge [sflag:s22], s20  }
0xa5: {  	s7 =	ssub.s32 $0x0, s20;
	[sflag:s22] =	ssyncset.done $0x0  }
0xa6: {  	[sflag:s22] =	ssyncadd.s32 s7;
	_ =	sdelay $0x1  }
0xa7: {  	s23 =	simm.s32 $0x1B8B  }
0xa8: {  	_ =	swait.ge [sflag:s23], $0x1  }
0xa9: {  	[sflag:s23] =	ssyncset.done $0x0  }
0xaa: {  	s25 =	simm.s32 $0x1B8E;
	s24 =	sld [smem:$0x3FFE];
	[sflag:s23] =	ssyncadd.s32 $0xFFFFFFFF  }
0xab: {  	s26 =	simm.s32 $execute0_lowered;
	[smem:$0x3FD2] =	sst s25  }
0xac: {  	s8 =	sshll.u32 s26, $0x1;
	_ =	strace $0x80000046;
	[dreg:$0x1] =	wrdreg $0xFFFFFFFF  }
0xad: {  	s28 =	simm.s32 $_size_execute0_lowered;
	s6 =	sadd.s32 s6, s8;
	[dreg:$0x0] =	wrdreg $0x0  }
0xae: {  	s8 =	sshll.u32 s28, $0x1;
	[dreg:$0x2] =	wrdreg s6  }
0xaf: {  	[dreg:$0x3] =	wrdreg s8  }
0xb0: {  	[dreg:$0x4] =	wrdreg $0xC0  }
0xb1: {  	_ =	task [dreg:s10], $0x5FFFF  }
0xb2: {  	[dreg:$0x1] =	wrdreg $0xFFFFFFFF  }
0xb3: {  	[dreg:$0x0] =	wrdreg $0x60  }
0xb4: {  	[dreg:$0x2] =	wrdreg s15  }
0xb5: {  	[dreg:$0x3] =	wrdreg s24  }
0xb6: {  	[dreg:$0x4] =	wrdreg s16  }
0xb7: {  	[dreg:$0x5] =	wrdreg s17  }
0xb8: {  	[dreg:$0x6] =	wrdreg s18  }
0xb9: {  	[dreg:$0x7] =	wrdreg $0xF7E00  }
0xba: {  	[dreg:$0x8] =	wrdreg $0xFFE00  }
0xbb: {  	[dreg:$0x9] =	wrdreg $0x107F00  }
0xbc: {  	[dreg:$0xa] =	wrdreg $0x110000  }
0xbd: {  	[dreg:$0xb] =	wrdreg $0x110100  }
0xbe: {  	[dreg:$0xc] =	wrdreg $0x111900  }
0xbf: {  	[dreg:$0xd] =	wrdreg $0x113100  }
0xc0: {  	[dreg:$0xe] =	wrdreg $0x114900  }
0xc1: {  	[dreg:$0xf] =	wrdreg $0x9  }
0xc2: {  	_ =	task.clear_ibuf [dreg:s10], $0x10FFFF;
	_ =	strace $0x90000046  }
0xc3: {  	s29 =	simm.s32 $0x9;
	_ =	strace $0x80000048  }
0xc4: {  	_ =	swait.ge [sflag:s29], $0x1  }
0xc5: {  	[sflag:s29] =	ssyncadd.s32 $0xFFFFFFFF  }
0xc6: {  	_ =	strace $0x90000048  }
0xc7: {  	_ =	sfence  }
0xc8: {  	s30 =	sld [smem:$0x0];
	_ =	sdelay $0x2  }
0xc9: {  	s31 =	sshll.u32 s1, $0xD;
	s1 =	sshrl.u32 s1, $0x2  }
0xca: {  	s3 =	sand.u32 $0x4000, s31;
	s1 =	sadd.s32 s1, s30  }
0xcb: {  	s0 =	sor.u32 s3, s0;
	s1 =	sshll.u32 s1, $0x11  }
0xcc: {  	s0 =	sor.u32 s1, s0  }
0xcd: {  	s0 =	sadd.s32 $0x8F2B, s0  }
0xce: {  	[sflag:s0] =	ssyncadd.remote.s32 $0x1  }
0xcf: {  	_ =	sfence.sel $0xFFFF  }
0xd0: {  	[dreg:$0x0] =	wrdreg $0xFFFFFFFF;
	(pc) =	sbr.abs _section_cstart, $3  }
0xd1: {  	[dreg:$0x1] =	wrdreg $0xFFFFFFFF  }
0xd2: {  	_ =	task.clear_ibuf [dreg:s10], $0x2FFFF;
	_ =	strace $0x9FFFFFFF  }
0xd3: {  	(tm) =	ssettm $0x7FFFFFFF  }
tec
execute0_lowered:
.L_overlay_start_1:
0x0: {  	(tag) =	ssettag $0x1  }
0x1: {  	s0 =	rddreg [dreg:$0x0]  }
0x2: {  	s1 =	rddreg [dreg:$0x1]  }
0x3: {  	s3 =	rddreg [dreg:$0x2]  }
0x4: {  	s4 =	rddreg [dreg:$0x3]  }
0x5: {  	s2 =	rddreg [dreg:$0x4]  }
0x6: {  	s5 =	rddreg [dreg:$0x5]  }
0x7: {  	s6 =	rddreg [dreg:$0x6]  }
0x8: {  	s7 =	rddreg [dreg:$0x7]  }
0x9: {  	s8 =	rddreg [dreg:$0x8]  }
0xa: {  	s10 =	rddreg [dreg:$0x9]  }
0xb: {  	s11 =	rddreg [dreg:$0xa]  }
0xc: {  	s9 =	srdreg.scid;
	s13 =	rddreg [dreg:$0xb]  }
0xd: {  	s15 =	rddreg [dreg:$0xc];
	s20 =	stileid.u32  }
0xe: {  	s9 =	sand.u32 $0x1, s9;
	s29 =	sshrl.u32 s20, $0x1;
	s16 =	sxor.u32 $0x1, s20  }
0xf: {  	s17 =	sshll.u32 s20, $0xB;
	s19 =	smul.u32 $0x810, s20;
	s21 =	sshll.u32 s20, $0x4  }
0x10: {  	s24 =	smul.u32 $0x180, s20;
	s18 =	sshll.u32 s16, $0xB;
	s17 =	sadd.s32 s17, s5  }
0x11: {  	s12 =	ssub.s32 $0x2, s9;
	[dreg:$0xe] =	wrdreg s17;
	s5 =	sadd.s32 s18, s5  }
0x12: {  	s9 =	sshll.u32 s9, $0x3;
	s18 =	sadd.s32 s19, s6;
	[dreg:$0xf] =	wrdreg s5  }
0x13: {  	s22 =	smul.u32 $0x810, s16;
	s23 =	sadd.s32 s19, s7;
	[dreg:$0x10] =	wrdreg s18  }
0x14: {  	s9 =	sor.u32 s29, s9;
	s29 =	sadd.s32 s24, s10;
	[dreg:$0x11] =	wrdreg s23  }
0x15: {  	s26 =	sshll.u32 s16, $0x4;
	s5 =	sadd.s32 s21, s8;
	[dreg:$0x16] =	wrdreg s29  }
0x16: {  	s14 =	sshrl.u32 s12, $0x1;
	s6 =	sadd.s32 s22, s6;
	[dreg:$0x12] =	wrdreg s5  }
0x17: {  	s16 =	sadd.s32 $0x180, s24;
	s25 =	sadd.s32 s22, s7;
	[dreg:$0x13] =	wrdreg s6  }
0x18: {  	s12 =	ssub.s32 s12, s14;
	s14 =	sadd.s32 s24, s13;
	[dreg:$0x14] =	wrdreg s25  }
0x19: {  	s17 =	sadd.s32 s16, s10;
	[dreg:$0x18] =	wrdreg s14  }
0x1a: {  	s19 =	sadd.s32 s16, s11;
	[dreg:$0x1a] =	wrdreg s17  }
0x1b: {  	s21 =	sadd.s32 s16, s13;
	[dreg:$0x1b] =	wrdreg s19  }
0x1c: {  	s23 =	sadd.s32 s16, s15;
	[dreg:$0x1c] =	wrdreg s21  }
0x1d: {  	v0 =	vlaneseq.u32;
	v3 =	vimm.s32 $0x0;
	v6 =	vimm.s32 $0x1;
	s30 =	simm.s32 $0x2EE0;
	s18 =	simm.s32 $0x0;
	[dreg:$0x1d] =	wrdreg s23  }
0x1e: {  	v23 =	vimm.s32 $0xECA86420;
	s31 =	simm.s32 $0xC6F0;
	vm0 =	vcmask $0xB08;
	vm1 =	vcmask $0x1310;
	s6 =	sadd.s32 s26, s8;
	[smem:$0x7FF] =	sst s18  }
0x1f: {  	vm2 =	vcmask $0x1B18;
	vm3 =	vcmask $0x300;
	vm4 =	vcmask $0x2320;
	s1 =	sadd.s32 $0x4E2800, s1;
	s8 =	sadd.s32 s24, s11;
	[dreg:$0x15] =	wrdreg s6  }
0x20: {  	vm5 =	vcmask $0x2B28;
	vm6 =	vcmask $0x3330;
	vm7 =	vcmask $0x3B38;
	s22 =	sshll.u32 s9, $0x6;
	s5 =	sadd.s32 s24, s15;
	[dreg:$0x17] =	wrdreg s8  }
0x21: {  	vm13 =	vcmask $0x2F2C;
	vm14 =	vcmask $0x3734;
	v1 =	vmul.u32 $0x10, v0;
	s28 =	smul.u32 $0x4E20, s9;
	s3 =	sadd.s32 s3, s22;
	[dreg:$0x19] =	wrdreg s5  }
0x22: {  	v4 =	vor.u32 $0x4000, v0;
	v5 =	vand.u32 $0x7, v0;
	v22 =	vmul.u32 $0xFFFFFFFF, v0;
	s24 =	sadd.s32 s4, s22;
	s26 =	sshll.u32 s9, $0x9;
	[dreg:$0x1e] =	wrdreg s3  }
0x23: {  	v25 =	vunpack.c.l.s4.s8 v23;
	v23 =	vimm.s32 $0xF;
	v24 =	vor.u32 $0x3FF8, v0;
	s25 =	sand.u32 $0x1, s20;
	[dreg:$0x1f] =	wrdreg s24;
	s2 =	sadd.s32 s2, s26  }
0x24: {  	v7 =	vor.u32 $0x1, v1;
	v8 =	vor.u32 $0x2, v1;
	s29 =	smax.u32 s12, $0x1;
	v2 =	vmov s28;
	s28 =	smul.u32 $0x57E40, s25;
	[smem:$0x7F8] =	sst s2  }
.Ltmp0:
0x25: {  	v9 =	vor.u32 $0x3, v1;
	v10 =	vor.u32 $0x4, v1;
	v11 =	vor.u32 $0x5, v1;
	_ =	strace $0x80000047;
	[smem:$0x7F9] =	sst s1;
	(pc) =	sbr.rel .LBB2_1-.Ltmp0, $4  }
0x26: {  	v12 =	vor.u32 $0x6, v1;
	v13 =	vor.u32 $0x7, v1;
	v14 =	vor.u32 $0x8, v1;
	s10 =	simm.s32 $0x2;
	s8 =	smul.u32 $0xAFC80, s9;
	[smem:$0x7FA] =	sst s29  }
0x27: {  	v15 =	vor.u32 $0x9, v1;
	v16 =	vor.u32 $0xA, v1;
	v17 =	vor.u32 $0xB, v1;
	s16 =	simm.s32 $0xD710;
	s14 =	simm.s32 $0xCF00;
	[smem:$0x7FB] =	sst s28  }
0x28: {  	v18 =	vor.u32 $0xC, v1;
	v19 =	vor.u32 $0xD, v1;
	v20 =	vor.u32 $0xE, v1;
	p0 =	sne.s32 s25, $0x0;
	s9 =	sadd.s32 s28, s8;
	[smem:$0x7FD] =	sst s8  }
0x29: {  	v21 =	vor.u32 $0xF, v1;
	v22 =	vadd.s32 $0xF, v22;
	v25 =	vunpack.c.0.s8.s32 v25;
	s3 =	simm.s32 $0x0;
	s1 =	simm.s32 $0xBEE0;
	[smem:$0x7FC] =	sst s9  }
.LBB2_67:
0x2a: {  	s2 =	sld [smem:$0x7FA];
	_ =	sdelay $0x1  }
0x2b: {  	s3 =	sadd.s32 $0x1, s3  }
0x2c: {  	p1 =	sne.s32 s3, s2  }
.Ltmp1:
0x2d: {  	_ = 	snop;
	(pc) =	sbr.rel @!p1 .LBB2_68-.Ltmp1, $1  }
0x2e: {  	_ =	sdelay $0x3  }
.LBB2_1:
0x2f: {  	[smem:$0x7F7] =	sst s3;
	s3 =	simm.s32 $0x0;
	s2 =	simm.s32 $0x400  }
.LBB2_2:
0x30: {  	p1 =	sne.s32 s2, $0x1FC00;
	[tilespmem:s3+$0x2FD0] =	vst v3  }
0x31: {  	[tilespmem:s3+$0x2EE0] =	vst v3  }
0x32: {  	[tilespmem:s3+$0x2EF0] =	vst v3  }
0x33: {  	[tilespmem:s3+$0x2F00] =	vst v3  }
0x34: {  	[tilespmem:s3+$0x2F10] =	vst v3  }
0x35: {  	[tilespmem:s3+$0x2F20] =	vst v3  }
0x36: {  	[tilespmem:s3+$0x2F30] =	vst v3  }
0x37: {  	[tilespmem:s3+$0x2F40] =	vst v3  }
0x38: {  	[tilespmem:s3+$0x2F50] =	vst v3  }
0x39: {  	[tilespmem:s3+$0x2F60] =	vst v3  }
0x3a: {  	[tilespmem:s3+$0x2F70] =	vst v3  }
.Ltmp2:
0x3b: {  	[tilespmem:s3+$0x2F80] =	vst v3;
	(pc) =	sbr.rel @p1 .LBB2_2-.Ltmp2, $4  }
0x3c: {  	[tilespmem:s3+$0x2F90] =	vst v3  }
0x3d: {  	[tilespmem:s3+$0x2FA0] =	vst v3  }
0x3e: {  	[tilespmem:s3+$0x2FB0] =	vst v3  }
0x3f: {  	[tilespmem:s3+$0x2FC0] =	vst v3;
	s3 =	sshra.s32 s2, $0x2;
	s2 =	sadd.s32 $0x400, s2  }
0x40: {  	[tilespmem:s3+$0x2FD0] =	vst v3  }
0x41: {  	[tilespmem:s3+$0x2EE0] =	vst v3  }
0x42: {  	[tilespmem:s3+$0x2EF0] =	vst v3  }
0x43: {  	[tilespmem:s3+$0x2F00] =	vst v3  }
0x44: {  	[tilespmem:s3+$0x2F10] =	vst v3  }
0x45: {  	[tilespmem:s3+$0x2F20] =	vst v3  }
0x46: {  	[tilespmem:s3+$0x2F30] =	vst v3  }
0x47: {  	[tilespmem:s3+$0x2F40] =	vst v3  }
0x48: {  	[tilespmem:s3+$0x2F50] =	vst v3  }
0x49: {  	[tilespmem:s3+$0x2F60] =	vst v3  }
0x4a: {  	[tilespmem:s3+$0x2F70] =	vst v3  }
0x4b: {  	[tilespmem:s3+$0x2F80] =	vst v3  }
0x4c: {  	[tilespmem:s3+$0x2F90] =	vst v3  }
0x4d: {  	[tilespmem:s3+$0x2FA0] =	vst v3  }
0x4e: {  	[tilespmem:s3+$0x2FB0] =	vst v3  }
0x4f: {  	s2 =	simm.s32 $0x0;
	[tilespmem:s3+$0x2FC0] =	vst v3;
	s3 =	simm.s32 $0x0  }
.LBB2_4:
0x50: {  	s4 =	smul.u32 $0x2EE0, s3;
	_ =	sdelay $0x1  }
0x51: {  	s4 =	sadd.s32 s4, s9  }
0x52: {  	s4 =	sshrl.u32 s4, $0x3  }
0x53: {  	s4 =	sadd.s32 s0, s4  }
0x54: {  	[tilespmem:s2], [sflag:$0x2] =	stream.linear.gather [hbm4b:s4+s2], $0x2EE0, $0x38;
	[tilespmem:$0x11610] =	vst v63  }
0x55: {  	_ =	swait.ge [sflag:s10], $0x2EE0  }
0x56: {  	[sflag:s10] =	ssyncset.done $0x0  }
0x57: {  	s4 =	simm.s32 $0x0;
	[sflag:s10] =	ssyncadd.s32 $0xFFFFD120  }
.LBB2_5:
0x58: {  	s5 =	sshra.s32 s4, $0x2  }
0x59: {  	v26 =	vld [tilespmem:s5+$0x0];
	_ =	sdelay $0x4  }
0x5a: {  	v27 =	vshra.s32 v26, $0x1F  }
0x5b: {  	v27 =	vand.u32 $0x7FE00000, v27  }
0x5c: {  	v26 =	vxor.u32 v26, v27  }
0x5d: {  	v26 =	vshra.s32 v26, $0x11  }
0x5e: {  	v26 =	vand.u32 $0xFFFFFFF0, v26  }
0x5f: {  	v26 =	vadd.s32 v4, v26  }
0x60: {  	v26 =	vand.u32 $0xFFFFFFF8, v26  }
0x61: {  	v26 =	vor.u32 v5, v26;
	_ =	sdelay $0x4  }
0x62: {  	[tilespmem:v26+s30+$0x0] =	vst.idx.add.s32.msk $0xffff, v6  }
0x63: {  	v26 =	vld [tilespmem:s5+$0x10];
	_ =	sdelay $0x4  }
0x64: {  	v27 =	vshra.s32 v26, $0x1F  }
0x65: {  	v27 =	vand.u32 $0x7FE00000, v27  }
0x66: {  	v26 =	vxor.u32 v26, v27  }
0x67: {  	v26 =	vshra.s32 v26, $0x11  }
0x68: {  	v26 =	vand.u32 $0xFFFFFFF0, v26  }
0x69: {  	v26 =	vadd.s32 v4, v26  }
0x6a: {  	v26 =	vand.u32 $0xFFFFFFF8, v26  }
0x6b: {  	v26 =	vor.u32 v5, v26;
	_ =	sdelay $0x4  }
0x6c: {  	[tilespmem:v26+s30+$0x0] =	vst.idx.add.s32.msk $0xffff, v6  }
0x6d: {  	v26 =	vld [tilespmem:s5+$0x20];
	_ =	sdelay $0x4  }
0x6e: {  	v27 =	vshra.s32 v26, $0x1F  }
0x6f: {  	v27 =	vand.u32 $0x7FE00000, v27  }
0x70: {  	v26 =	vxor.u32 v26, v27  }
0x71: {  	v26 =	vshra.s32 v26, $0x11  }
0x72: {  	v26 =	vand.u32 $0xFFFFFFF0, v26  }
0x73: {  	v26 =	vadd.s32 v4, v26  }
0x74: {  	v26 =	vand.u32 $0xFFFFFFF8, v26  }
0x75: {  	v26 =	vor.u32 v5, v26;
	_ =	sdelay $0x4  }
0x76: {  	[tilespmem:v26+s30+$0x0] =	vst.idx.add.s32.msk $0xffff, v6  }
0x77: {  	v26 =	vld [tilespmem:s5+$0x30];
	_ =	sdelay $0x4  }
0x78: {  	v27 =	vshra.s32 v26, $0x1F  }
0x79: {  	v27 =	vand.u32 $0x7FE00000, v27  }
0x7a: {  	v26 =	vxor.u32 v26, v27  }
0x7b: {  	v26 =	vshra.s32 v26, $0x11  }
0x7c: {  	v26 =	vand.u32 $0xFFFFFFF0, v26  }
0x7d: {  	v26 =	vadd.s32 v4, v26  }
0x7e: {  	v26 =	vand.u32 $0xFFFFFFF8, v26  }
0x7f: {  	v26 =	vor.u32 v5, v26;
	_ =	sdelay $0x4  }
0x80: {  	[tilespmem:v26+s30+$0x0] =	vst.idx.add.s32.msk $0xffff, v6  }
0x81: {  	v26 =	vld [tilespmem:s5+$0x40];
	_ =	sdelay $0x4  }
0x82: {  	v27 =	vshra.s32 v26, $0x1F  }
0x83: {  	v27 =	vand.u32 $0x7FE00000, v27  }
0x84: {  	v26 =	vxor.u32 v26, v27  }
0x85: {  	v26 =	vshra.s32 v26, $0x11  }
0x86: {  	v26 =	vand.u32 $0xFFFFFFF0, v26  }
0x87: {  	v26 =	vadd.s32 v4, v26  }
0x88: {  	v26 =	vand.u32 $0xFFFFFFF8, v26  }
0x89: {  	v26 =	vor.u32 v5, v26;
	_ =	sdelay $0x4  }
0x8a: {  	[tilespmem:v26+s30+$0x0] =	vst.idx.add.s32.msk $0xffff, v6  }
0x8b: {  	v26 =	vld [tilespmem:s5+$0x50];
	_ =	sdelay $0x4  }
0x8c: {  	v27 =	vshra.s32 v26, $0x1F  }
0x8d: {  	v27 =	vand.u32 $0x7FE00000, v27  }
0x8e: {  	v26 =	vxor.u32 v26, v27  }
0x8f: {  	v26 =	vshra.s32 v26, $0x11  }
0x90: {  	v26 =	vand.u32 $0xFFFFFFF0, v26  }
0x91: {  	v26 =	vadd.s32 v4, v26  }
0x92: {  	v26 =	vand.u32 $0xFFFFFFF8, v26  }
0x93: {  	p1 =	sne.s32 s4, $0xBA00;
	v26 =	vor.u32 v5, v26  }
.Ltmp3:
0x94: {  	_ = 	snop;
	(pc) =	sbr.rel @p1 .LBB2_5-.Ltmp3, $2  }
0x95: {  	_ =	sdelay $0x2  }
0x96: {  	s4 =	sadd.s32 $0x180, s4;
	[tilespmem:v26+s30+$0x0] =	vst.idx.add.s32.msk $0xffff, v6  }
0x97: {  	s3 =	sadd.s32 $0x1, s3  }
0x98: {  	p1 =	sne.s32 s3, $0x1E  }
.Ltmp4:
0x99: {  	_ = 	snop;
	(pc) =	sbr.rel @p1 .LBB2_4-.Ltmp4, $1  }
0x9a: {  	_ =	sdelay $0x3  }
0x9b: {  	s2 =	simm.s32 $0x0  }
0x9c: {  	v26 =	vor.u32 s2, v7  }
0x9d: {  	v27 =	vor.u32 s2, v1  }
0x9e: {  	v28 =	vor.u32 s2, v8  }
0x9f: {  	v29 =	vor.u32 s2, v9  }
0xa0: {  	v30 =	vor.u32 s2, v10  }
0xa1: {  	v31 =	vor.u32 s2, v11;
	v26 =	vld.idx.msk [tilespmem:v26+s30+$0x0], $0xffff  }
0xa2: {  	v32 =	vor.u32 s2, v12;
	v27 =	vld.idx.msk [tilespmem:v27+s30+$0x0], $0xffff  }
0xa3: {  	v33 =	vor.u32 s2, v13;
	v28 =	vld.idx.msk [tilespmem:v28+s30+$0x0], $0xffff  }
0xa4: {  	v34 =	vor.u32 s2, v14;
	v29 =	vld.idx.msk [tilespmem:v29+s30+$0x0], $0xffff  }
0xa5: {  	v35 =	vor.u32 s2, v15;
	v30 =	vld.idx.msk [tilespmem:v30+s30+$0x0], $0xffff  }
0xa6: {  	v36 =	vor.u32 s2, v16;
	v31 =	vld.idx.msk [tilespmem:v31+s30+$0x0], $0xffff  }
0xa7: {  	v37 =	vor.u32 s2, v17;
	v32 =	vld.idx.msk [tilespmem:v32+s30+$0x0], $0xffff;
	v26 =	vadd.s32 v27, v26  }
0xa8: {  	v50 =	vor.u32 s2, v18;
	v27 =	vld.idx.msk [tilespmem:v33+s30+$0x0], $0xffff;
	v26 =	vadd.s32 v28, v26  }
0xa9: {  	v51 =	vor.u32 s2, v19;
	v28 =	vld.idx.msk [tilespmem:v34+s30+$0x0], $0xffff;
	v26 =	vadd.s32 v29, v26  }
0xaa: {  	v52 =	vor.u32 s2, v20;
	v29 =	vld.idx.msk [tilespmem:v35+s30+$0x0], $0xffff;
	v26 =	vadd.s32 v30, v26  }
0xab: {  	v53 =	vor.u32 s2, v21;
	v30 =	vld.idx.msk [tilespmem:v36+s30+$0x0], $0xffff;
	v26 =	vadd.s32 v31, v26  }
0xac: {  	v31 =	vld.idx.msk [tilespmem:v37+s30+$0x0], $0xffff;
	v26 =	vadd.s32 v32, v26  }
0xad: {  	v54 =	vld.idx.msk [tilespmem:v50+s30+$0x0], $0xffff;
	v26 =	vadd.s32 v27, v26  }
0xae: {  	v27 =	vld.idx.msk [tilespmem:v51+s30+$0x0], $0xffff;
	v26 =	vadd.s32 v28, v26  }
0xaf: {  	v28 =	vld.idx.msk [tilespmem:v52+s30+$0x0], $0xffff;
	v26 =	vadd.s32 v29, v26  }
0xb0: {  	v29 =	vld.idx.msk [tilespmem:v53+s30+$0x0], $0xffff;
	v26 =	vadd.s32 v30, v26  }
0xb1: {  	s3 =	simm.s32 $0x100;
	v26 =	vadd.s32 v31, v26  }
0xb2: {  	v30 =	vor.u32 s3, v7;
	v26 =	vadd.s32 v54, v26  }
0xb3: {  	v31 =	vor.u32 s3, v1;
	v26 =	vadd.s32 v27, v26  }
0xb4: {  	v27 =	vor.u32 s3, v8;
	v26 =	vadd.s32 v28, v26  }
0xb5: {  	s2 =	simm.s32 $0xAEE0;
	v28 =	vor.u32 s3, v9;
	v26 =	vadd.s32 v29, v26  }
0xb6: {  	v29 =	vor.u32 s3, v10;
	[tilespmem:s2+$0x0] =	vst v26  }
0xb7: {  	v26 =	vld.idx.msk [tilespmem:v30+s30+$0x0], $0xffff;
	v30 =	vor.u32 s3, v11  }
0xb8: {  	v55 =	vor.u32 s3, v12;
	v31 =	vld.idx.msk [tilespmem:v31+s30+$0x0], $0xffff  }
0xb9: {  	v56 =	vor.u32 s3, v13;
	v27 =	vld.idx.msk [tilespmem:v27+s30+$0x0], $0xffff  }
0xba: {  	v28 =	vld.idx.msk [tilespmem:v28+s30+$0x0], $0xffff  }
0xbb: {  	v29 =	vld.idx.msk [tilespmem:v29+s30+$0x0], $0xffff  }
0xbc: {  	v57 =	vor.u32 s3, v14;
	v30 =	vld.idx.msk [tilespmem:v30+s30+$0x0], $0xffff  }
0xbd: {  	v58 =	vor.u32 s3, v15;
	v32 =	vld.idx.msk [tilespmem:v55+s30+$0x0], $0xffff;
	v26 =	vadd.s32 v31, v26  }
0xbe: {  	v59 =	vor.u32 s3, v16;
	v31 =	vld.idx.msk [tilespmem:v56+s30+$0x0], $0xffff;
	v26 =	vadd.s32 v27, v26  }
0xbf: {  	v60 =	vor.u32 s3, v17;
	v26 =	vadd.s32 v28, v26  }
0xc0: {  	v61 =	vor.u32 s3, v18;
	v26 =	vadd.s32 v29, v26  }
0xc1: {  	v62 =	vor.u32 s3, v19;
	v27 =	vld.idx.msk [tilespmem:v57+s30+$0x0], $0xffff;
	v26 =	vadd.s32 v30, v26  }
0xc2: {  	v63 =	vor.u32 s3, v20;
	v28 =	vld.idx.msk [tilespmem:v58+s30+$0x0], $0xffff;
	v26 =	vadd.s32 v32, v26  }
0xc3: {  	v29 =	vld.idx.msk [tilespmem:v59+s30+$0x0], $0xffff;
	v26 =	vadd.s32 v31, v26;
	v31 =	vor.u32 s3, v21  }
0xc4: {  	v30 =	vld.idx.msk [tilespmem:v60+s30+$0x0], $0xffff  }
0xc5: {  	v33 =	vld.idx.msk [tilespmem:v61+s30+$0x0], $0xffff  }
0xc6: {  	v34 =	vld.idx.msk [tilespmem:v62+s30+$0x0], $0xffff;
	v26 =	vadd.s32 v27, v26  }
0xc7: {  	v26 =	vadd.s32 v28, v26;
	v28 =	vld.idx.msk [tilespmem:v63+s30+$0x0], $0xffff  }
0xc8: {  	v26 =	vadd.s32 v29, v26;
	v29 =	vld.idx.msk [tilespmem:v31+s30+$0x0], $0xffff  }
0xc9: {  	s3 =	simm.s32 $0x200;
	v26 =	vadd.s32 v30, v26  }
0xca: {  	v27 =	vor.u32 s3, v7;
	v30 =	vadd.s32 v33, v26  }
0xcb: {  	s4 =	simm.s32 $0x300;
	v26 =	vor.u32 s3, v1;
	v30 =	vadd.s32 v34, v30  }
.LBB2_8:
0xcc: {  	p1 =	sne.s32 s4, $0x7F00;
	v31 =	vor.u32 s3, v8;
	v28 =	vadd.s32 v28, v30  }
0xcd: {  	v30 =	vor.u32 s3, v9;
	s2 =	sadd.s32 $0x10, s2;
	v28 =	vadd.s32 v29, v28  }
0xce: {  	v29 =	vor.u32 s3, v10;
	[tilespmem:s2+$0x0] =	vst v28  }
0xcf: {  	v28 =	vor.u32 s3, v11;
	v27 =	vld.idx.msk [tilespmem:v27+s30+$0x0], $0xffff  }
0xd0: {  	v32 =	vor.u32 s3, v12;
	v26 =	vld.idx.msk [tilespmem:v26+s30+$0x0], $0xffff  }
0xd1: {  	v33 =	vor.u32 s3, v13;
	v31 =	vld.idx.msk [tilespmem:v31+s30+$0x0], $0xffff  }
0xd2: {  	v34 =	vor.u32 s3, v14;
	v30 =	vld.idx.msk [tilespmem:v30+s30+$0x0], $0xffff  }
0xd3: {  	v35 =	vor.u32 s3, v15;
	v29 =	vld.idx.msk [tilespmem:v29+s30+$0x0], $0xffff  }
0xd4: {  	v36 =	vor.u32 s3, v16;
	v28 =	vld.idx.msk [tilespmem:v28+s30+$0x0], $0xffff  }
0xd5: {  	v37 =	vor.u32 s3, v17;
	v32 =	vld.idx.msk [tilespmem:v32+s30+$0x0], $0xffff  }
0xd6: {  	v26 =	vadd.s32 v26, v27;
	v27 =	vld.idx.msk [tilespmem:v33+s30+$0x0], $0xffff;
	v33 =	vor.u32 s3, v18  }
0xd7: {  	v26 =	vadd.s32 v31, v26;
	v31 =	vld.idx.msk [tilespmem:v34+s30+$0x0], $0xffff;
	v34 =	vor.u32 s3, v19  }
0xd8: {  	v26 =	vadd.s32 v30, v26;
	v30 =	vld.idx.msk [tilespmem:v35+s30+$0x0], $0xffff;
	v35 =	vor.u32 s3, v20  }
0xd9: {  	v26 =	vadd.s32 v29, v26;
	v29 =	vor.u32 s3, v21;
	s3 =	smov.u32 s4;
	v36 =	vld.idx.msk [tilespmem:v36+s30+$0x0], $0xffff  }
0xda: {  	v26 =	vadd.s32 v28, v26;
	v37 =	vld.idx.msk [tilespmem:v37+s30+$0x0], $0xffff  }
0xdb: {  	v26 =	vadd.s32 v32, v26;
	v32 =	vld.idx.msk [tilespmem:v33+s30+$0x0], $0xffff  }
0xdc: {  	v26 =	vadd.s32 v27, v26;
	v33 =	vld.idx.msk [tilespmem:v34+s30+$0x0], $0xffff  }
0xdd: {  	v26 =	vadd.s32 v31, v26;
	v28 =	vld.idx.msk [tilespmem:v35+s30+$0x0], $0xffff  }
.Ltmp5:
0xde: {  	v26 =	vadd.s32 v30, v26;
	v29 =	vld.idx.msk [tilespmem:v29+s30+$0x0], $0xffff;
	(pc) =	sbr.rel @p1 .LBB2_8-.Ltmp5, $4  }
0xdf: {  	v26 =	vadd.s32 v36, v26  }
0xe0: {  	v26 =	vadd.s32 v37, v26  }
0xe1: {  	v27 =	vor.u32 s4, v7;
	v30 =	vadd.s32 v32, v26  }
0xe2: {  	s4 =	sadd.s32 $0x100, s4;
	v26 =	vor.u32 s3, v1;
	v30 =	vadd.s32 v33, v30  }
0xe3: {  	_ = 	snop  }
0xe4: {  	v31 =	vor.u32 s3, v8;
	v28 =	vadd.s32 v28, v30  }
0xe5: {  	v30 =	vor.u32 s3, v9;
	s2 =	sadd.s32 $0x10, s2;
	v28 =	vadd.s32 v29, v28  }
0xe6: {  	v29 =	vor.u32 s3, v10;
	[tilespmem:s2+$0x0] =	vst v28  }
0xe7: {  	v28 =	vor.u32 s3, v11;
	v27 =	vld.idx.msk [tilespmem:v27+s30+$0x0], $0xffff  }
0xe8: {  	v32 =	vor.u32 s3, v12;
	v26 =	vld.idx.msk [tilespmem:v26+s30+$0x0], $0xffff  }
0xe9: {  	v33 =	vor.u32 s3, v13;
	v31 =	vld.idx.msk [tilespmem:v31+s30+$0x0], $0xffff  }
0xea: {  	v34 =	vor.u32 s3, v14;
	v30 =	vld.idx.msk [tilespmem:v30+s30+$0x0], $0xffff  }
0xeb: {  	v35 =	vor.u32 s3, v15;
	v29 =	vld.idx.msk [tilespmem:v29+s30+$0x0], $0xffff  }
0xec: {  	v36 =	vor.u32 s3, v16;
	v28 =	vld.idx.msk [tilespmem:v28+s30+$0x0], $0xffff  }
0xed: {  	v37 =	vor.u32 s3, v17;
	v32 =	vld.idx.msk [tilespmem:v32+s30+$0x0], $0xffff;
	v26 =	vadd.s32 v26, v27  }
0xee: {  	v59 =	vor.u32 s3, v18;
	v27 =	vld.idx.msk [tilespmem:v33+s30+$0x0], $0xffff;
	v26 =	vadd.s32 v31, v26  }
0xef: {  	v60 =	vor.u32 s3, v19;
	v31 =	vld.idx.msk [tilespmem:v34+s30+$0x0], $0xffff;
	v26 =	vadd.s32 v30, v26  }
0xf0: {  	v61 =	vor.u32 s3, v20;
	v30 =	vld.idx.msk [tilespmem:v35+s30+$0x0], $0xffff;
	v26 =	vadd.s32 v29, v26  }
0xf1: {  	v62 =	vor.u32 s3, v21;
	v29 =	vld.idx.msk [tilespmem:v36+s30+$0x0], $0xffff;
	v26 =	vadd.s32 v28, v26  }
0xf2: {  	v28 =	vld.idx.msk [tilespmem:v37+s30+$0x0], $0xffff;
	v26 =	vadd.s32 v32, v26  }
0xf3: {  	v63 =	vld.idx.msk [tilespmem:v59+s30+$0x0], $0xffff;
	v26 =	vadd.s32 v27, v26  }
0xf4: {  	v27 =	vld.idx.msk [tilespmem:v60+s30+$0x0], $0xffff;
	v26 =	vadd.s32 v31, v26  }
0xf5: {  	v31 =	vld.idx.msk [tilespmem:v61+s30+$0x0], $0xffff;
	v26 =	vadd.s32 v30, v26  }
0xf6: {  	v30 =	vld.idx.msk [tilespmem:v62+s30+$0x0], $0xffff;
	v26 =	vadd.s32 v29, v26  }
0xf7: {  	v26 =	vadd.s32 v28, v26  }
0xf8: {  	v26 =	vadd.s32 v63, v26  }
0xf9: {  	v26 =	vadd.s32 v27, v26  }
0xfa: {  	v26 =	vadd.s32 v31, v26  }
0xfb: {  	s2 =	sadd.s32 $0x10, s2;
	v26 =	vadd.s32 v30, v26  }
0xfc: {  	s25 =	rddreg [dreg:$0xe];
	s26 =	simm.s32 $0xAEE0;
	[tilespmem:s2+$0x0] =	vst v26  }
0xfd: {  	[spmem:s25] =	stream.linear.scatter [tilespmem:s26], [sflag:$0x2], $0x800, $0x38;
	[tilespmem:$0x11610] =	vst v63  }
0xfe: {  	_ =	swait.ge [sflag:s10], $0x800  }
0xff: {  	[sflag:s10] =	ssyncset.done $0x0  }
0x100: {  	[sflag:s10] =	ssyncadd.s32 $0xFFFFF800  }
0x101: {  	[bflag:$0x0] =	sbarrier.arrive $0xFFFF  }
0x102: {  	s29 =	simm.s32 $0xB6E0;
	s28 =	rddreg [dreg:$0xf]  }
0x103: {  	[tilespmem:s29], [sflag:$0x2] =	stream.linear.gather [spmem:s28], $0x800, $0x38;
	[tilespmem:$0x11610] =	vst v63  }
0x104: {  	_ =	swait.ge [sflag:s10], $0x800  }
0x105: {  	[sflag:s10] =	ssyncset.done $0x0  }
0x106: {  	s2 =	simm.s32 $0x0;
	[sflag:s10] =	ssyncadd.s32 $0xFFFFF800  }
0x107: {  	v31 =	vld [tilespmem:s2+$0xB6E0]  }
0x108: {  	v32 =	vld [tilespmem:s2+$0xB6F0]  }
0x109: {  	v26 =	vld [tilespmem:s2+$0xB700]  }
0x10a: {  	v27 =	vld [tilespmem:s2+$0xB710]  }
0x10b: {  	v30 =	vld [tilespmem:s2+$0xAEE0]  }
0x10c: {  	v28 =	vld [tilespmem:s2+$0xAEF0]  }
0x10d: {  	s3 =	simm.s32 $0x100;
	v29 =	vld [tilespmem:s2+$0xAF00]  }
.LBB2_10:
0x10e: {  	s4 =	sshra.s32 s3, $0x2;
	p1 =	sne.s32 s3, $0x1F00;
	v33 =	vld [tilespmem:s2+$0xAF10];
	v34 =	vmov v26  }
0x10f: {  	v35 =	vld [tilespmem:s4+$0xB6E0];
	v36 =	vmov v27  }
0x110: {  	v37 =	vld [tilespmem:s4+$0xB6F0];
	v27 =	vadd.s32 v30, v31  }
.Ltmp6:
0x111: {  	v26 =	vld [tilespmem:s4+$0xB700];
	[tilespmem:s2+$0xAEE0] =	vst v27;
	v28 =	vadd.s32 v28, v32;
	(pc) =	sbr.rel @p1 .LBB2_10-.Ltmp6, $4  }
0x112: {  	v27 =	vld [tilespmem:s4+$0xB710];
	[tilespmem:s2+$0xAEF0] =	vst v28;
	v28 =	vadd.s32 v29, v34  }
0x113: {  	v30 =	vld [tilespmem:s4+$0xAEE0];
	[tilespmem:s2+$0xAF00] =	vst v28;
	v29 =	vadd.s32 v33, v36  }
0x114: {  	v28 =	vld [tilespmem:s4+$0xAEF0];
	[tilespmem:s2+$0xAF10] =	vst v29;
	v31 =	vmov v35;
	s2 =	smov.u32 s4  }
0x115: {  	s3 =	sadd.s32 $0x100, s3;
	v29 =	vld [tilespmem:s2+$0xAF00];
	v32 =	vmov v37  }
0x116: {  	v33 =	vld [tilespmem:s2+$0xAF10];
	_ =	sdelay $0x1  }
0x117: {  	v30 =	vadd.s32 v30, v31  }
0x118: {  	[tilespmem:s2+$0xAEE0] =	vst v30;
	v28 =	vadd.s32 v28, v32  }
0x119: {  	[tilespmem:s2+$0xAEF0] =	vst v28;
	v26 =	vadd.s32 v29, v26  }
0x11a: {  	[tilespmem:s2+$0xAF00] =	vst v26;
	v26 =	vadd.s32 v33, v27  }
0x11b: {  	s24 =	simm.s32 $0xB6D0;
	[tilespmem:s2+$0xAF10] =	vst v26  }
0x11c: {  	v26 =	vld [tilespmem:s24+$0x0];
	_ =	sdelay $0x4  }
0x11d: {  	v62 =	vperm.xlane v26, v22;
	_ =	sdelay $0x1  }
0x11e: {  	s25 =	simm.s32 $0xB6C0;
	(xrf0) =	vadd.scan.msk.s32 $0xffff, v62  }
0x11f: {  	v26 =	vld [tilespmem:s25+$0x0];
	_ =	sdelay $0x4  }
0x120: {  	v28 =	vimm.s32 $0x0;
	v26 =	vperm.xlane v26, v22;
	v27, _, _ =	vpop (xrf0)  }
0x121: {  	s26 =	simm.s32 $0xB6B0;
	v30 =	vadd.s32 v28, v27  }
0x122: {  	s28 =	simm.s32 $0xB6A0;
	vm15 =	veq.s32 v28, $0x0;
	(xrf0) =	vadd.scan.msk.s32 $0xffff, v26;
	v27 =	vld [tilespmem:s26+$0x0];
	vm8 =	vgt.s32 v30, $0x12B  }
0x123: {  	v34 =	vld [tilespmem:s28+$0x0];
	vm8 =	vmand vm15, vm8  }
0x124: {  	v29 =	vmpcnt.ones.xlane vm8;
	_ =	sdelay $0x1  }
0x125: {  	v31 =	vperm.xlane v30, v23  }
0x126: {  	v63 =	vmctz.xlane vm8;
	v27 =	vperm.xlane v27, v22  }
0x127: {  	v32 =	vimm.s32 $0x0;
	v33 =	vperm.xlane v34, v22;
	vm8 =	vgt.s32 v29, $0x0;
	v29, _, _ =	vpop (xrf0)  }
0x128: {  	v36 =	vnsel vm8, $0x0, v63;
	v35 =	vsel vm8, $0x1, v28;
	(xrf0) =	vadd.scan.msk.s32 $0xffff, v27;
	v31 =	vadd.s32 v31, v29  }
0x129: {  	s29 =	simm.s32 $0x7FF;
	vm9 =	veq.s32 v35, $0x0;
	v29 =	vshrl.u32 v36, $0x1B;
	vm15 =	vgt.s32 v31, $0x12B  }
0x12a: {  	v38 =	vsub.s32 s29, v63;
	v29 =	vand.u32 $0x10, v29;
	vm9 =	vmand vm9, vm15  }
0x12b: {  	vm15 =	vmmov vm8;
	v36 =	vadd.s32 v36, v29;
	v37 =	vmpcnt.ones.xlane vm9  }
0x12c: {  	s4 =	simm.s32 $0x7EF;
	s3 =	simm.s32 $0x7CF;
	v29 =	vmctz.xlane vm9;
	v34 =	vperm.xlane v30, v36;
	v30 =	vsel vm15, v38, v28  }
0x12d: {  	s5 =	simm.s32 $0x7BF;
	s6 =	simm.s32 $0xB690;
	s2 =	simm.s32 $0x7DF;
	v36 =	vperm.xlane v62, v36;
	vm8 =	vgt.s32 v37, $0x0;
	v37 =	vperm.xlane v31, v23  }
.LBB2_12:
0x12e: {  	v39, _, _ =	vpop (xrf0);
	v40 =	vnsel vm8, $0x0, v29;
	v35 =	vsel vm8, $0x1, v35  }
0x12f: {  	v38 =	vld [tilespmem:s6+$0x0];
	p1 =	sne.s32 s5, $0xF;
	v28 =	vsel vm15, v34, v28;
	v41 =	vmovc v33;
	vm9 =	vmmov vm15;
	vm15 =	vmmov vm8;
	s7 =	smov.u32 s5;
	s5 =	sadd.s32 $0xFFFFFFF0, s5  }
0x130: {  	(xrf0) =	vadd.scan.msk.s32 $0xffff, v41;
	v37 =	vadd.s32 v37, v39;
	v33 =	vshrl.u32 v40, $0x1B;
	v34 =	vsub.s32 v34, v36  }
.Ltmp7:
0x131: {  	vm10 =	veq.s32 v35, $0x0;
	vm8 =	vgt.s32 v37, $0x12B;
	v33 =	vand.u32 $0x10, v33;
	(pc) =	sbr.rel @p1 .LBB2_12-.Ltmp7, $4  }
0x132: {  	v32 =	vsel vm9, v34, v32;
	vm8 =	vmand vm10, vm8;
	v36 =	vadd.s32 v40, v33  }
0x133: {  	v40 =	vsub.s32 s4, v29;
	s4 =	smov.u32 s2;
	s2 =	smov.u32 s3;
	s3 =	smov.u32 s7;
	v39 =	vmpcnt.ones.xlane vm8;
	v29 =	vmctz.xlane vm8  }
0x134: {  	v34 =	vperm.xlane v31, v36;
	v30 =	vsel vm15, v40, v30;
	v31 =	vmovc v37;
	v33 =	vperm.xlane v38, v22  }
0x135: {  	s6 =	sadd.s32 $0xFFFFFFF0, s6;
	v36 =	vperm.xlane v26, v36;
	v26 =	vmovc v27;
	v27 =	vmovc v41;
	v37 =	vperm.xlane v31, v23;
	vm8 =	vgt.s32 v39, $0x0  }
0x136: {  	v38, _, _ =	vpop (xrf0);
	(xrf0) =	vadd.scan.msk.s32 $0xffff, v33  }
0x137: {  	v35 =	vsel vm8, $0x1, v35;
	v37 =	vadd.s32 v37, v38  }
0x138: {  	vm10 =	veq.s32 v35, $0x0;
	vm9 =	vgt.s32 v37, $0x12B  }
0x139: {  	vm9 =	vmand vm10, vm9  }
0x13a: {  	v56 =	vmpcnt.ones.xlane vm9  }
0x13b: {  	v39 =	vperm.xlane v37, v23  }
0x13c: {  	vm10 =	vgt.s32 v56, $0x0;
	v57, _, _ =	vpop (xrf0)  }
0x13d: {  	v35 =	vsel vm10, $0x1, v35;
	v38 =	vadd.s32 v39, v57  }
0x13e: {  	vm11 =	vgt.s32 v38, $0x12B;
	vm12 =	veq.s32 v35, $0x0  }
0x13f: {  	vm11 =	vmand vm12, vm11  }
0x140: {  	v59 =	vmctz.xlane vm9;
	v58 =	vmpcnt.ones.xlane vm11  }
0x141: {  	v41 =	vnsel vm8, $0x0, v29;
	v28 =	vsel vm15, v34, v28;
	v40 =	vmctz.xlane vm11  }
0x142: {  	v60 =	vshrl.u32 v41, $0x1B;
	v42 =	vnsel vm10, $0x0, v59;
	vm9 =	vgt.s32 v58, $0x0  }
0x143: {  	v35 =	vand.u32 $0x10, v60;
	v44 =	vshrl.u32 v42, $0x1B;
	v43 =	vnsel vm9, $0x0, v40  }
0x144: {  	v35 =	vadd.s32 v41, v35;
	v61 =	vand.u32 $0x10, v44;
	v45 =	vshrl.u32 v43, $0x1B  }
0x145: {  	v41 =	vadd.s32 v42, v61;
	v31 =	vperm.xlane v31, v35;
	v62 =	vand.u32 $0x10, v45  }
0x146: {  	vm8 =	vmmov vm8;
	v37 =	vperm.xlane v37, v41;
	v63 =	vadd.s32 v43, v62  }
0x147: {  	vm10 =	vmmov vm10;
	v28 =	vsel vm8, v31, v28;
	v38 =	vperm.xlane v38, v63  }
0x148: {  	v28 =	vsel vm10, v37, v28;
	vm9 =	vmmov vm9  }
0x149: {  	v28 =	vsel vm9, v38, v28  }
0x14a: {  	v28 =	vxor.u32 $0x80000000, v28  }
0x14b: {  	(xrf0) =	vmax.scan.msk.u32 $0xffff, v28;
	_ =	sdelay $0x5  }
0x14c: {  	v28, _, _ =	vpop (xrf0)  }
0x14d: {  	(v2sf) =	vpush v28, $0xF;
	_ =	sdelay $0xa  }
0x14e: {  	v29 =	vsub.s32 s4, v29  }
0x14f: {  	v29 =	vsel vm8, v29, v30;
	v30 =	vsub.s32 s2, v59  }
0x150: {  	v29 =	vsel vm10, v30, v29;
	v26 =	vperm.xlane v26, v35;
	v27 =	vperm.xlane v27, v41  }
0x151: {  	vm11 =	vmmov vm15;
	v30 =	vsub.s32 s3, v40;
	vm8 =	vmmov vm8  }
0x152: {  	v26 =	vsub.s32 v31, v26;
	v27 =	vsub.s32 v37, v27;
	v28 =	vsub.s32 v34, v36;
	s29 =	spop (v2sf)  }
0x153: {  	v31 =	vperm.xlane v33, v63;
	v32 =	vsel vm11, v28, v32;
	v28 =	vsel vm9, v30, v29;
	p1 =	slt.u32 s29, $0x80000801  }
.Ltmp8:
0x154: {  	v28 =	vadd.s32 $0xFFFFFC00, v28;
	v26 =	vsel vm8, v26, v32;
	vm8 =	vmmov vm10;
	(pc) =	sbr.rel @p1 .LBB2_36-.Ltmp8, $4  }
0x155: {  	v29 =	vshll.u32 v28, $0x15;
	v27 =	vsel vm8, v27, v26;
	v26 =	vimm.s32 $0x0  }
0x156: {  	v30 =	vadd.s32 $0xFFFFFFFF, v29;
	[tilespmem:$0xDF40] =	vst v26  }
0x157: {  	vm8 =	vmmov vm9;
	v29 =	vsub.s32 v38, v31;
	[tilespmem:$0xDF20] =	vst v30  }
0x158: {  	s2 =	simm.s32 $0x0;
	v31 =	vimm.s32 $0x0;
	[tilespmem:$0xDF30] =	vst v30;
	v29 =	vsel vm8, v29, v27  }
0x159: {  	s3 =	sshra.s32 s2, $0x2;
	s4 =	sadd.s32 $0x400, s2  }
.LBB2_15:
0x15a: {  	p1 =	sne.s32 s4, $0x1FC00;
	[tilespmem:s3+$0x2FD0] =	vst v3  }
0x15b: {  	[tilespmem:s3+$0x2EE0] =	vst v3  }
0x15c: {  	[tilespmem:s3+$0x2EF0] =	vst v3  }
0x15d: {  	[tilespmem:s3+$0x2F00] =	vst v3  }
0x15e: {  	[tilespmem:s3+$0x2F10] =	vst v3  }
0x15f: {  	[tilespmem:s3+$0x2F20] =	vst v3  }
0x160: {  	[tilespmem:s3+$0x2F30] =	vst v3  }
0x161: {  	[tilespmem:s3+$0x2F40] =	vst v3  }
0x162: {  	[tilespmem:s3+$0x2F50] =	vst v3  }
0x163: {  	[tilespmem:s3+$0x2F60] =	vst v3  }
0x164: {  	[tilespmem:s3+$0x2F70] =	vst v3  }
.Ltmp9:
0x165: {  	[tilespmem:s3+$0x2F80] =	vst v3;
	(pc) =	sbr.rel @p1 .LBB2_15-.Ltmp9, $4  }
0x166: {  	[tilespmem:s3+$0x2F90] =	vst v3  }
0x167: {  	[tilespmem:s3+$0x2FA0] =	vst v3  }
0x168: {  	[tilespmem:s3+$0x2FB0] =	vst v3  }
0x169: {  	[tilespmem:s3+$0x2FC0] =	vst v3;
	s3 =	sshra.s32 s4, $0x2;
	s4 =	sadd.s32 $0x400, s4  }
0x16a: {  	[tilespmem:s3+$0x2FD0] =	vst v3  }
0x16b: {  	[tilespmem:s3+$0x2EE0] =	vst v3  }
0x16c: {  	[tilespmem:s3+$0x2EF0] =	vst v3  }
0x16d: {  	[tilespmem:s3+$0x2F00] =	vst v3  }
0x16e: {  	[tilespmem:s3+$0x2F10] =	vst v3  }
0x16f: {  	[tilespmem:s3+$0x2F20] =	vst v3  }
0x170: {  	[tilespmem:s3+$0x2F30] =	vst v3  }
0x171: {  	[tilespmem:s3+$0x2F40] =	vst v3  }
0x172: {  	[tilespmem:s3+$0x2F50] =	vst v3  }
0x173: {  	[tilespmem:s3+$0x2F60] =	vst v3  }
0x174: {  	[tilespmem:s3+$0x2F70] =	vst v3  }
0x175: {  	[tilespmem:s3+$0x2F80] =	vst v3  }
0x176: {  	[tilespmem:s3+$0x2F90] =	vst v3  }
0x177: {  	[tilespmem:s3+$0x2FA0] =	vst v3  }
0x178: {  	[tilespmem:s3+$0x2FB0] =	vst v3  }
0x179: {  	[tilespmem:s3+$0x2FC0] =	vst v3  }
.LBB2_17:
0x17a: {  	s3 =	smul.u32 $0x2EE0, s2;
	_ =	sdelay $0x1  }
0x17b: {  	s3 =	sadd.s32 s8, s3  }
0x17c: {  	s3 =	sshrl.u32 s3, $0x3  }
0x17d: {  	s4 =	sadd.s32 s0, s3;
	s3 =	simm.s32 $0x0  }
0x17e: {  	[tilespmem:s3], [sflag:$0x2] =	stream.linear.gather [hbm4b:s4+s3], $0x2EE0, $0x38;
	[tilespmem:$0x11610] =	vst v63  }
0x17f: {  	_ =	swait.ge [sflag:s10], $0x2EE0  }
0x180: {  	[sflag:s10] =	ssyncset.done $0x0  }
0x181: {  	[sflag:s10] =	ssyncadd.s32 $0xFFFFD120  }
.LBB2_18:
0x182: {  	s4 =	sshra.s32 s3, $0x2  }
0x183: {  	v27 =	vld [tilespmem:s4+$0x0];
	_ =	sdelay $0x4  }
0x184: {  	v30 =	vshra.s32 v27, $0x1F  }
0x185: {  	v30 =	vand.u32 $0x7FFFFFFF, v30  }
0x186: {  	v27 =	vxor.u32 v27, v30  }
0x187: {  	v30 =	vshra.s32 v27, $0x15;
	v27 =	vshrl.u32 v27, $0x6  }
0x188: {  	vm8 =	veq.s32 v30, v28;
	v27 =	vand.u32 $0x7FF0, v27  }
0x189: {  	v27 =	vor.u32 v0, v27;
	_ =	sdelay $0x4  }
0x18a: {  	[tilespmem:v27+s30+$0x0] =	vst.idx.add.s32.msk vm8, v6  }
0x18b: {  	v27 =	vld [tilespmem:s4+$0x10];
	_ =	sdelay $0x4  }
0x18c: {  	v30 =	vshra.s32 v27, $0x1F  }
0x18d: {  	v30 =	vand.u32 $0x7FFFFFFF, v30  }
0x18e: {  	v27 =	vxor.u32 v27, v30  }
0x18f: {  	v30 =	vshra.s32 v27, $0x15;
	v27 =	vshrl.u32 v27, $0x6  }
0x190: {  	vm8 =	veq.s32 v30, v28;
	v27 =	vand.u32 $0x7FF0, v27  }
0x191: {  	v27 =	vor.u32 v0, v27;
	_ =	sdelay $0x4  }
0x192: {  	[tilespmem:v27+s30+$0x0] =	vst.idx.add.s32.msk vm8, v6  }
0x193: {  	v27 =	vld [tilespmem:s4+$0x20];
	_ =	sdelay $0x4  }
0x194: {  	v30 =	vshra.s32 v27, $0x1F  }
0x195: {  	v30 =	vand.u32 $0x7FFFFFFF, v30  }
0x196: {  	v27 =	vxor.u32 v27, v30  }
0x197: {  	v30 =	vshra.s32 v27, $0x15;
	v27 =	vshrl.u32 v27, $0x6  }
0x198: {  	vm8 =	veq.s32 v30, v28;
	v27 =	vand.u32 $0x7FF0, v27  }
0x199: {  	v27 =	vor.u32 v0, v27;
	_ =	sdelay $0x4  }
0x19a: {  	[tilespmem:v27+s30+$0x0] =	vst.idx.add.s32.msk vm8, v6  }
0x19b: {  	v27 =	vld [tilespmem:s4+$0x30];
	_ =	sdelay $0x4  }
0x19c: {  	v30 =	vshra.s32 v27, $0x1F  }
0x19d: {  	v30 =	vand.u32 $0x7FFFFFFF, v30  }
0x19e: {  	v27 =	vxor.u32 v27, v30  }
0x19f: {  	v30 =	vshra.s32 v27, $0x15;
	v27 =	vshrl.u32 v27, $0x6  }
0x1a0: {  	vm8 =	veq.s32 v30, v28;
	v27 =	vand.u32 $0x7FF0, v27  }
0x1a1: {  	v27 =	vor.u32 v0, v27;
	_ =	sdelay $0x4  }
0x1a2: {  	[tilespmem:v27+s30+$0x0] =	vst.idx.add.s32.msk vm8, v6  }
0x1a3: {  	v27 =	vld [tilespmem:s4+$0x40];
	_ =	sdelay $0x4  }
0x1a4: {  	v30 =	vshra.s32 v27, $0x1F  }
0x1a5: {  	v30 =	vand.u32 $0x7FFFFFFF, v30  }
0x1a6: {  	v27 =	vxor.u32 v27, v30  }
0x1a7: {  	v30 =	vshra.s32 v27, $0x15;
	v27 =	vshrl.u32 v27, $0x6  }
0x1a8: {  	vm8 =	veq.s32 v30, v28;
	v27 =	vand.u32 $0x7FF0, v27  }
0x1a9: {  	v27 =	vor.u32 v0, v27;
	_ =	sdelay $0x4  }
0x1aa: {  	[tilespmem:v27+s30+$0x0] =	vst.idx.add.s32.msk vm8, v6  }
0x1ab: {  	v27 =	vld [tilespmem:s4+$0x50];
	_ =	sdelay $0x4  }
0x1ac: {  	v30 =	vshra.s32 v27, $0x1F  }
0x1ad: {  	v30 =	vand.u32 $0x7FFFFFFF, v30  }
0x1ae: {  	v27 =	vxor.u32 v27, v30  }
0x1af: {  	v30 =	vshra.s32 v27, $0x15;
	v27 =	vshrl.u32 v27, $0x6  }
0x1b0: {  	vm8 =	veq.s32 v30, v28;
	v27 =	vand.u32 $0x7FF0, v27  }
0x1b1: {  	p1 =	sne.s32 s3, $0xBA00;
	v27 =	vor.u32 v0, v27  }
.Ltmp10:
0x1b2: {  	_ = 	snop;
	(pc) =	sbr.rel @p1 .LBB2_18-.Ltmp10, $2  }
0x1b3: {  	_ =	sdelay $0x2  }
0x1b4: {  	s3 =	sadd.s32 $0x180, s3;
	[tilespmem:v27+s30+$0x0] =	vst.idx.add.s32.msk vm8, v6  }
0x1b5: {  	s2 =	sadd.s32 $0x1, s2  }
0x1b6: {  	p1 =	sne.s32 s2, $0x3C  }
.Ltmp11:
0x1b7: {  	_ = 	snop;
	(pc) =	sbr.rel @p1 .LBB2_17-.Ltmp11, $1  }
0x1b8: {  	_ =	sdelay $0x3  }
0x1b9: {  	s2 =	simm.s32 $0x0  }
0x1ba: {  	v27 =	vor.u32 s2, v7  }
0x1bb: {  	v30 =	vor.u32 s2, v1  }
0x1bc: {  	v31 =	vor.u32 s2, v8  }
0x1bd: {  	v32 =	vor.u32 s2, v9  }
0x1be: {  	v33 =	vor.u32 s2, v10  }
0x1bf: {  	v34 =	vor.u32 s2, v11;
	v27 =	vld.idx.msk [tilespmem:v27+s30+$0x0], $0xffff  }
0x1c0: {  	v35 =	vor.u32 s2, v12;
	v30 =	vld.idx.msk [tilespmem:v30+s30+$0x0], $0xffff  }
0x1c1: {  	v36 =	vor.u32 s2, v13;
	v31 =	vld.idx.msk [tilespmem:v31+s30+$0x0], $0xffff  }
0x1c2: {  	v37 =	vor.u32 s2, v14;
	v32 =	vld.idx.msk [tilespmem:v32+s30+$0x0], $0xffff  }
0x1c3: {  	v38 =	vor.u32 s2, v15;
	v33 =	vld.idx.msk [tilespmem:v33+s30+$0x0], $0xffff  }
0x1c4: {  	v39 =	vor.u32 s2, v16;
	v34 =	vld.idx.msk [tilespmem:v34+s30+$0x0], $0xffff  }
0x1c5: {  	v40 =	vor.u32 s2, v17;
	v35 =	vld.idx.msk [tilespmem:v35+s30+$0x0], $0xffff;
	v27 =	vadd.s32 v30, v27  }
0x1c6: {  	v60 =	vor.u32 s2, v18;
	v30 =	vld.idx.msk [tilespmem:v36+s30+$0x0], $0xffff;
	v27 =	vadd.s32 v31, v27  }
0x1c7: {  	v61 =	vor.u32 s2, v19;
	v31 =	vld.idx.msk [tilespmem:v37+s30+$0x0], $0xffff;
	v27 =	vadd.s32 v32, v27  }
0x1c8: {  	v63 =	vor.u32 s2, v20;
	v62 =	vld.idx.msk [tilespmem:v38+s30+$0x0], $0xffff;
	v27 =	vadd.s32 v33, v27  }
0x1c9: {  	v43 =	vor.u32 s2, v21;
	v42 =	vld.idx.msk [tilespmem:v39+s30+$0x0], $0xffff;
	v27 =	vadd.s32 v34, v27  }
0x1ca: {  	v44 =	vld.idx.msk [tilespmem:v40+s30+$0x0], $0xffff;
	v27 =	vadd.s32 v35, v27  }
0x1cb: {  	v45 =	vld.idx.msk [tilespmem:v60+s30+$0x0], $0xffff;
	v27 =	vadd.s32 v30, v27  }
0x1cc: {  	v30 =	vld.idx.msk [tilespmem:v61+s30+$0x0], $0xffff;
	v27 =	vadd.s32 v31, v27  }
0x1cd: {  	v31 =	vld.idx.msk [tilespmem:v63+s30+$0x0], $0xffff;
	v27 =	vadd.s32 v62, v27  }
0x1ce: {  	v46 =	vld.idx.msk [tilespmem:v43+s30+$0x0], $0xffff;
	v27 =	vadd.s32 v42, v27  }
0x1cf: {  	s3 =	simm.s32 $0x100;
	v27 =	vadd.s32 v44, v27  }
0x1d0: {  	v47 =	vor.u32 s3, v7;
	v27 =	vadd.s32 v45, v27  }
0x1d1: {  	v48 =	vor.u32 s3, v1;
	v27 =	vadd.s32 v30, v27  }
0x1d2: {  	v30 =	vor.u32 s3, v8;
	v27 =	vadd.s32 v31, v27  }
0x1d3: {  	s2 =	simm.s32 $0xAEE0;
	v31 =	vor.u32 s3, v9;
	v27 =	vadd.s32 v46, v27  }
0x1d4: {  	v49 =	vor.u32 s3, v10;
	[tilespmem:s2+$0x0] =	vst v27  }
0x1d5: {  	v50 =	vor.u32 s3, v11;
	v27 =	vld.idx.msk [tilespmem:v47+s30+$0x0], $0xffff  }
0x1d6: {  	v51 =	vor.u32 s3, v12;
	v34 =	vld.idx.msk [tilespmem:v48+s30+$0x0], $0xffff  }
0x1d7: {  	v52 =	vor.u32 s3, v13;
	v30 =	vld.idx.msk [tilespmem:v30+s30+$0x0], $0xffff  }
0x1d8: {  	v53 =	vor.u32 s3, v14;
	v31 =	vld.idx.msk [tilespmem:v31+s30+$0x0], $0xffff  }
0x1d9: {  	v54 =	vor.u32 s3, v15;
	v32 =	vld.idx.msk [tilespmem:v49+s30+$0x0], $0xffff  }
0x1da: {  	v55 =	vor.u32 s3, v16;
	v33 =	vld.idx.msk [tilespmem:v50+s30+$0x0], $0xffff  }
0x1db: {  	v56 =	vor.u32 s3, v17;
	v35 =	vld.idx.msk [tilespmem:v51+s30+$0x0], $0xffff;
	v27 =	vadd.s32 v34, v27  }
0x1dc: {  	v58 =	vor.u32 s3, v18;
	v57 =	vld.idx.msk [tilespmem:v52+s30+$0x0], $0xffff;
	v27 =	vadd.s32 v30, v27  }
0x1dd: {  	v59 =	vor.u32 s3, v19;
	v30 =	vld.idx.msk [tilespmem:v53+s30+$0x0], $0xffff;
	v27 =	vadd.s32 v31, v27  }
0x1de: {  	v62 =	vor.u32 s3, v20;
	v31 =	vld.idx.msk [tilespmem:v54+s30+$0x0], $0xffff;
	v27 =	vadd.s32 v32, v27  }
0x1df: {  	v63 =	vor.u32 s3, v21;
	v60 =	vld.idx.msk [tilespmem:v55+s30+$0x0], $0xffff;
	v27 =	vadd.s32 v33, v27  }
0x1e0: {  	v61 =	vld.idx.msk [tilespmem:v56+s30+$0x0], $0xffff;
	v27 =	vadd.s32 v35, v27  }
0x1e1: {  	v36 =	vld.idx.msk [tilespmem:v58+s30+$0x0], $0xffff;
	v27 =	vadd.s32 v57, v27  }
0x1e2: {  	v37 =	vld.idx.msk [tilespmem:v59+s30+$0x0], $0xffff;
	v27 =	vadd.s32 v30, v27  }
0x1e3: {  	v27 =	vadd.s32 v31, v27;
	v31 =	vld.idx.msk [tilespmem:v62+s30+$0x0], $0xffff  }
0x1e4: {  	v32 =	vld.idx.msk [tilespmem:v63+s30+$0x0], $0xffff;
	v27 =	vadd.s32 v60, v27  }
0x1e5: {  	s3 =	simm.s32 $0x200;
	v27 =	vadd.s32 v61, v27  }
0x1e6: {  	v30 =	vor.u32 s3, v7;
	v33 =	vadd.s32 v36, v27  }
0x1e7: {  	s4 =	simm.s32 $0x300;
	v27 =	vor.u32 s3, v1;
	v33 =	vadd.s32 v37, v33  }
.LBB2_21:
0x1e8: {  	p1 =	sne.s32 s4, $0x7F00;
	v34 =	vor.u32 s3, v8;
	v31 =	vadd.s32 v31, v33  }
0x1e9: {  	v33 =	vor.u32 s3, v9;
	s2 =	sadd.s32 $0x10, s2;
	v31 =	vadd.s32 v32, v31  }
0x1ea: {  	v32 =	vor.u32 s3, v10;
	[tilespmem:s2+$0x0] =	vst v31  }
0x1eb: {  	v31 =	vor.u32 s3, v11;
	v30 =	vld.idx.msk [tilespmem:v30+s30+$0x0], $0xffff  }
0x1ec: {  	v35 =	vor.u32 s3, v12;
	v27 =	vld.idx.msk [tilespmem:v27+s30+$0x0], $0xffff  }
0x1ed: {  	v36 =	vor.u32 s3, v13;
	v34 =	vld.idx.msk [tilespmem:v34+s30+$0x0], $0xffff  }
0x1ee: {  	v37 =	vor.u32 s3, v14;
	v33 =	vld.idx.msk [tilespmem:v33+s30+$0x0], $0xffff  }
0x1ef: {  	v38 =	vor.u32 s3, v15;
	v32 =	vld.idx.msk [tilespmem:v32+s30+$0x0], $0xffff  }
0x1f0: {  	v39 =	vor.u32 s3, v16;
	v31 =	vld.idx.msk [tilespmem:v31+s30+$0x0], $0xffff  }
0x1f1: {  	v40 =	vor.u32 s3, v17;
	v35 =	vld.idx.msk [tilespmem:v35+s30+$0x0], $0xffff  }
0x1f2: {  	v27 =	vadd.s32 v27, v30;
	v30 =	vld.idx.msk [tilespmem:v36+s30+$0x0], $0xffff;
	v36 =	vor.u32 s3, v18  }
0x1f3: {  	v27 =	vadd.s32 v34, v27;
	v34 =	vld.idx.msk [tilespmem:v37+s30+$0x0], $0xffff;
	v37 =	vor.u32 s3, v19  }
0x1f4: {  	v27 =	vadd.s32 v33, v27;
	v33 =	vld.idx.msk [tilespmem:v38+s30+$0x0], $0xffff;
	v38 =	vor.u32 s3, v20  }
0x1f5: {  	v27 =	vadd.s32 v32, v27;
	v32 =	vor.u32 s3, v21;
	s3 =	smov.u32 s4;
	v39 =	vld.idx.msk [tilespmem:v39+s30+$0x0], $0xffff  }
0x1f6: {  	v27 =	vadd.s32 v31, v27;
	v40 =	vld.idx.msk [tilespmem:v40+s30+$0x0], $0xffff  }
0x1f7: {  	v27 =	vadd.s32 v35, v27;
	v35 =	vld.idx.msk [tilespmem:v36+s30+$0x0], $0xffff  }
0x1f8: {  	v27 =	vadd.s32 v30, v27;
	v36 =	vld.idx.msk [tilespmem:v37+s30+$0x0], $0xffff  }
0x1f9: {  	v27 =	vadd.s32 v34, v27;
	v31 =	vld.idx.msk [tilespmem:v38+s30+$0x0], $0xffff  }
.Ltmp12:
0x1fa: {  	v27 =	vadd.s32 v33, v27;
	v32 =	vld.idx.msk [tilespmem:v32+s30+$0x0], $0xffff;
	(pc) =	sbr.rel @p1 .LBB2_21-.Ltmp12, $4  }
0x1fb: {  	v27 =	vadd.s32 v39, v27  }
0x1fc: {  	v27 =	vadd.s32 v40, v27  }
0x1fd: {  	v30 =	vor.u32 s4, v7;
	v33 =	vadd.s32 v35, v27  }
0x1fe: {  	s4 =	sadd.s32 $0x100, s4;
	v27 =	vor.u32 s3, v1;
	v33 =	vadd.s32 v36, v33  }
0x1ff: {  	_ = 	snop  }
0x200: {  	v34 =	vor.u32 s3, v8;
	v31 =	vadd.s32 v31, v33  }
0x201: {  	v43 =	vor.u32 s3, v9;
	s2 =	sadd.s32 $0x10, s2;
	v31 =	vadd.s32 v32, v31  }
0x202: {  	v44 =	vor.u32 s3, v10;
	[tilespmem:s2+$0x0] =	vst v31  }
0x203: {  	v31 =	vor.u32 s3, v11;
	v30 =	vld.idx.msk [tilespmem:v30+s30+$0x0], $0xffff  }
0x204: {  	v35 =	vor.u32 s3, v12;
	v27 =	vld.idx.msk [tilespmem:v27+s30+$0x0], $0xffff  }
0x205: {  	v36 =	vor.u32 s3, v13;
	v34 =	vld.idx.msk [tilespmem:v34+s30+$0x0], $0xffff  }
0x206: {  	v37 =	vor.u32 s3, v14;
	v33 =	vld.idx.msk [tilespmem:v43+s30+$0x0], $0xffff  }
0x207: {  	v38 =	vor.u32 s3, v15;
	v32 =	vld.idx.msk [tilespmem:v44+s30+$0x0], $0xffff  }
0x208: {  	v39 =	vor.u32 s3, v16;
	v31 =	vld.idx.msk [tilespmem:v31+s30+$0x0], $0xffff  }
0x209: {  	v40 =	vor.u32 s3, v17;
	v35 =	vld.idx.msk [tilespmem:v35+s30+$0x0], $0xffff;
	v27 =	vadd.s32 v27, v30  }
0x20a: {  	v45 =	vor.u32 s3, v18;
	v30 =	vld.idx.msk [tilespmem:v36+s30+$0x0], $0xffff;
	v27 =	vadd.s32 v34, v27  }
0x20b: {  	v47 =	vor.u32 s3, v19;
	v46 =	vld.idx.msk [tilespmem:v37+s30+$0x0], $0xffff;
	v27 =	vadd.s32 v33, v27  }
0x20c: {  	v49 =	vor.u32 s3, v20;
	v48 =	vld.idx.msk [tilespmem:v38+s30+$0x0], $0xffff;
	v27 =	vadd.s32 v32, v27  }
0x20d: {  	v51 =	vor.u32 s3, v21;
	v50 =	vld.idx.msk [tilespmem:v39+s30+$0x0], $0xffff;
	v27 =	vadd.s32 v31, v27  }
0x20e: {  	v31 =	vld.idx.msk [tilespmem:v40+s30+$0x0], $0xffff;
	v27 =	vadd.s32 v35, v27  }
0x20f: {  	v52 =	vld.idx.msk [tilespmem:v45+s30+$0x0], $0xffff;
	v27 =	vadd.s32 v30, v27  }
0x210: {  	v30 =	vld.idx.msk [tilespmem:v47+s30+$0x0], $0xffff;
	v27 =	vadd.s32 v46, v27  }
0x211: {  	v53 =	vld.idx.msk [tilespmem:v49+s30+$0x0], $0xffff;
	v27 =	vadd.s32 v48, v27  }
0x212: {  	v54 =	vld.idx.msk [tilespmem:v51+s30+$0x0], $0xffff;
	v27 =	vadd.s32 v50, v27  }
0x213: {  	v27 =	vadd.s32 v31, v27  }
0x214: {  	v27 =	vadd.s32 v52, v27  }
0x215: {  	v27 =	vadd.s32 v30, v27  }
0x216: {  	v27 =	vadd.s32 v53, v27  }
0x217: {  	s2 =	sadd.s32 $0x10, s2;
	v27 =	vadd.s32 v54, v27  }
0x218: {  	s24 =	simm.s32 $0xB6D0;
	[tilespmem:s2+$0x0] =	vst v27  }
0x219: {  	v27 =	vld [tilespmem:s24+$0x0];
	_ =	sdelay $0x4  }
0x21a: {  	v55 =	vperm.xlane v27, v22  }
0x21b: {  	s25 =	simm.s32 $0xB6C0  }
0x21c: {  	v27 =	vld [tilespmem:s25+$0x0];
	(xrf0) =	vadd.scan.msk.s32 $0xffff, v55;
	_ =	sdelay $0x4  }
0x21d: {  	v30 =	vperm.xlane v27, v22  }
0x21e: {  	s26 =	simm.s32 $0xB6B0;
	v32 =	vimm.s32 $0x0;
	v31, _, _ =	vpop (xrf0)  }
0x21f: {  	s28 =	simm.s32 $0xB6A0;
	(xrf0) =	vadd.scan.msk.s32 $0xffff, v30;
	v56 =	vadd.s32 v32, v31;
	v31 =	vld [tilespmem:s26+$0x0]  }
0x220: {  	v60 =	vld [tilespmem:s28+$0x0];
	v27 =	vsub.s32 $0x12C, v29  }
0x221: {  	vm9 =	veq.s32 v32, $0x0;
	vm8 =	vge.s32 v56, v27  }
0x222: {  	vm8 =	vmand vm9, vm8  }
0x223: {  	v59 =	vperm.xlane v56, v23;
	v57 =	vmpcnt.ones.xlane vm8  }
0x224: {  	v58 =	vmctz.xlane vm8;
	v31 =	vperm.xlane v31, v22  }
0x225: {  	v37 =	vimm.s32 $0x0;
	v36 =	vperm.xlane v60, v22;
	vm8 =	vgt.s32 v57, $0x0;
	v61, _, _ =	vpop (xrf0)  }
0x226: {  	v62 =	vnsel vm8, $0x0, v58;
	v39 =	vsel vm8, $0x1, v32;
	v35 =	vadd.s32 v59, v61;
	(xrf0) =	vadd.scan.msk.s32 $0xffff, v31  }
0x227: {  	s29 =	simm.s32 $0x7FF;
	v63 =	vshrl.u32 v62, $0x1B;
	vm9 =	vge.s32 v35, v27;
	vm10 =	veq.s32 v39, $0x0  }
0x228: {  	v42 =	vsub.s32 s29, v58;
	v33 =	vand.u32 $0x10, v63;
	vm9 =	vmand vm10, vm9  }
0x229: {  	vm15 =	vmmov vm8;
	v40 =	vadd.s32 v62, v33;
	v41 =	vmpcnt.ones.xlane vm9  }
0x22a: {  	s4 =	simm.s32 $0x7EF;
	s5 =	simm.s32 $0x7BF;
	v34 =	vsel vm15, v42, v32;
	v33 =	vmctz.xlane vm9;
	v38 =	vperm.xlane v56, v40  }
0x22b: {  	s6 =	simm.s32 $0xB690;
	s3 =	simm.s32 $0x7CF;
	s2 =	simm.s32 $0x7DF;
	v40 =	vperm.xlane v55, v40;
	vm8 =	vgt.s32 v41, $0x0;
	v41 =	vperm.xlane v35, v23  }
.LBB2_23:
0x22c: {  	v43, _, _ =	vpop (xrf0);
	v44 =	vnsel vm8, $0x0, v33;
	v39 =	vsel vm8, $0x1, v39  }
0x22d: {  	v42 =	vld [tilespmem:s6+$0x0];
	p1 =	sne.s32 s5, $0xF;
	v32 =	vsel vm15, v38, v32;
	v45 =	vmovc v36;
	vm9 =	vmmov vm15;
	vm15 =	vmmov vm8;
	s7 =	smov.u32 s5;
	s5 =	sadd.s32 $0xFFFFFFF0, s5  }
0x22e: {  	(xrf0) =	vadd.scan.msk.s32 $0xffff, v45;
	v41 =	vadd.s32 v41, v43;
	v36 =	vshrl.u32 v44, $0x1B;
	v38 =	vsub.s32 v38, v40  }
.Ltmp13:
0x22f: {  	vm10 =	veq.s32 v39, $0x0;
	vm8 =	vge.s32 v41, v27;
	v36 =	vand.u32 $0x10, v36;
	(pc) =	sbr.rel @p1 .LBB2_23-.Ltmp13, $4  }
0x230: {  	v37 =	vsel vm9, v38, v37;
	vm8 =	vmand vm10, vm8;
	v40 =	vadd.s32 v44, v36  }
0x231: {  	v44 =	vsub.s32 s4, v33;
	s4 =	smov.u32 s2;
	s2 =	smov.u32 s3;
	s3 =	smov.u32 s7;
	v43 =	vmpcnt.ones.xlane vm8;
	v33 =	vmctz.xlane vm8  }
0x232: {  	v38 =	vperm.xlane v35, v40;
	v34 =	vsel vm15, v44, v34;
	v35 =	vmovc v41;
	v36 =	vperm.xlane v42, v22  }
0x233: {  	s6 =	sadd.s32 $0xFFFFFFF0, s6;
	v40 =	vperm.xlane v30, v40;
	v30 =	vmovc v31;
	v31 =	vmovc v45;
	v41 =	vperm.xlane v35, v23;
	vm8 =	vgt.s32 v43, $0x0  }
0x234: {  	v42, _, _ =	vpop (xrf0);
	(xrf0) =	vadd.scan.msk.s32 $0xffff, v36  }
0x235: {  	v39 =	vsel vm8, $0x1, v39;
	v41 =	vadd.s32 v41, v42  }
0x236: {  	vm10 =	veq.s32 v39, $0x0;
	vm9 =	vge.s32 v41, v27  }
0x237: {  	vm9 =	vmand vm10, vm9  }
0x238: {  	v52 =	vmpcnt.ones.xlane vm9  }
0x239: {  	v43 =	vperm.xlane v41, v23  }
0x23a: {  	vm10 =	vgt.s32 v52, $0x0;
	v53, _, _ =	vpop (xrf0)  }
0x23b: {  	v39 =	vsel vm10, $0x1, v39;
	v42 =	vadd.s32 v43, v53  }
0x23c: {  	vm11 =	vge.s32 v42, v27;
	vm12 =	veq.s32 v39, $0x0  }
0x23d: {  	vm11 =	vmand vm12, vm11  }
0x23e: {  	v55 =	vmctz.xlane vm9;
	v54 =	vmpcnt.ones.xlane vm11  }
0x23f: {  	v45 =	vnsel vm8, $0x0, v33;
	v32 =	vsel vm15, v38, v32;
	v44 =	vmctz.xlane vm11  }
0x240: {  	v56 =	vshrl.u32 v45, $0x1B;
	v46 =	vnsel vm10, $0x0, v55;
	vm9 =	vgt.s32 v54, $0x0  }
0x241: {  	v39 =	vand.u32 $0x10, v56;
	v48 =	vshrl.u32 v46, $0x1B;
	v47 =	vnsel vm9, $0x0, v44  }
0x242: {  	v39 =	vadd.s32 v45, v39;
	v57 =	vand.u32 $0x10, v48;
	v49 =	vshrl.u32 v47, $0x1B  }
0x243: {  	v45 =	vadd.s32 v46, v57;
	v35 =	vperm.xlane v35, v39;
	v58 =	vand.u32 $0x10, v49  }
0x244: {  	vm8 =	vmmov vm8;
	v41 =	vperm.xlane v41, v45;
	v59 =	vadd.s32 v47, v58  }
0x245: {  	vm10 =	vmmov vm10;
	v32 =	vsel vm8, v35, v32;
	v42 =	vperm.xlane v42, v59  }
0x246: {  	v32 =	vsel vm10, v41, v32;
	vm9 =	vmmov vm9  }
0x247: {  	v32 =	vsel vm9, v42, v32  }
0x248: {  	v29 =	vadd.s32 v29, v32  }
0x249: {  	v29 =	vxor.u32 $0x80000000, v29  }
0x24a: {  	(xrf0) =	vmax.scan.msk.u32 $0xffff, v29;
	_ =	sdelay $0x5  }
0x24b: {  	v29, _, _ =	vpop (xrf0)  }
0x24c: {  	(v2sf) =	vpush v29, $0xF;
	_ =	sdelay $0xb  }
0x24d: {  	v60 =	vsub.s32 s4, v33;
	v28 =	vshll.u32 v28, $0xB  }
0x24e: {  	v61 =	vsub.s32 s2, v55;
	v30 =	vperm.xlane v30, v39;
	v32 =	vsel vm8, v60, v34  }
0x24f: {  	vm11 =	vmmov vm15;
	v62 =	vsub.s32 s3, v44;
	v32 =	vsel vm10, v61, v32  }
0x250: {  	v31 =	vperm.xlane v31, v45;
	v30 =	vsub.s32 v35, v30;
	v32 =	vsel vm9, v62, v32;
	s29 =	spop (v2sf)  }
0x251: {  	v63 =	vperm.xlane v36, v59;
	v32 =	vadd.s32 v28, v32;
	v29 =	vsub.s32 v38, v40;
	p1 =	slt.u32 s29, $0x80000801  }
.Ltmp14:
0x252: {  	vm8 =	vmmov vm8;
	v28 =	vshll.u32 v32, $0xA;
	v29 =	vsel vm11, v29, v37;
	(pc) =	sbr.rel @p1 .LBB2_36-.Ltmp14, $4  }
0x253: {  	v29 =	vsel vm8, v30, v29;
	v30 =	vadd.s32 $0xFFFFFFFF, v28  }
0x254: {  	v31 =	vsub.s32 v41, v31;
	v33 =	vsub.s32 v42, v63;
	vm8 =	vmmov vm10;
	[tilespmem:$0xDF20] =	vst v30  }
0x255: {  	v29 =	vsel vm8, v31, v29;
	vm8 =	vmmov vm9;
	[tilespmem:$0xDF30] =	vst v30;
	v31 =	vimm.s32 $0x0  }
0x256: {  	s2 =	simm.s32 $0x0;
	v29 =	vsel vm8, v33, v29;
	[tilespmem:$0xDF40] =	vst v31  }
0x257: {  	s3 =	sshra.s32 s2, $0x2;
	s4 =	sadd.s32 $0x400, s2  }
.LBB2_26:
0x258: {  	p1 =	sne.s32 s4, $0x1FC00;
	[tilespmem:s3+$0x2FD0] =	vst v3  }
0x259: {  	[tilespmem:s3+$0x2EE0] =	vst v3  }
0x25a: {  	[tilespmem:s3+$0x2EF0] =	vst v3  }
0x25b: {  	[tilespmem:s3+$0x2F00] =	vst v3  }
0x25c: {  	[tilespmem:s3+$0x2F10] =	vst v3  }
0x25d: {  	[tilespmem:s3+$0x2F20] =	vst v3  }
0x25e: {  	[tilespmem:s3+$0x2F30] =	vst v3  }
0x25f: {  	[tilespmem:s3+$0x2F40] =	vst v3  }
0x260: {  	[tilespmem:s3+$0x2F50] =	vst v3  }
0x261: {  	[tilespmem:s3+$0x2F60] =	vst v3  }
0x262: {  	[tilespmem:s3+$0x2F70] =	vst v3  }
.Ltmp15:
0x263: {  	[tilespmem:s3+$0x2F80] =	vst v3;
	(pc) =	sbr.rel @p1 .LBB2_26-.Ltmp15, $4  }
0x264: {  	[tilespmem:s3+$0x2F90] =	vst v3  }
0x265: {  	[tilespmem:s3+$0x2FA0] =	vst v3  }
0x266: {  	[tilespmem:s3+$0x2FB0] =	vst v3  }
0x267: {  	[tilespmem:s3+$0x2FC0] =	vst v3;
	s3 =	sshra.s32 s4, $0x2;
	s4 =	sadd.s32 $0x400, s4  }
0x268: {  	[tilespmem:s3+$0x2FD0] =	vst v3  }
0x269: {  	[tilespmem:s3+$0x2EE0] =	vst v3  }
0x26a: {  	[tilespmem:s3+$0x2EF0] =	vst v3  }
0x26b: {  	[tilespmem:s3+$0x2F00] =	vst v3  }
0x26c: {  	[tilespmem:s3+$0x2F10] =	vst v3  }
0x26d: {  	[tilespmem:s3+$0x2F20] =	vst v3  }
0x26e: {  	[tilespmem:s3+$0x2F30] =	vst v3  }
0x26f: {  	[tilespmem:s3+$0x2F40] =	vst v3  }
0x270: {  	[tilespmem:s3+$0x2F50] =	vst v3  }
0x271: {  	[tilespmem:s3+$0x2F60] =	vst v3  }
0x272: {  	[tilespmem:s3+$0x2F70] =	vst v3  }
0x273: {  	[tilespmem:s3+$0x2F80] =	vst v3  }
0x274: {  	[tilespmem:s3+$0x2F90] =	vst v3  }
0x275: {  	[tilespmem:s3+$0x2FA0] =	vst v3  }
0x276: {  	[tilespmem:s3+$0x2FB0] =	vst v3  }
0x277: {  	[tilespmem:s3+$0x2FC0] =	vst v3  }
.LBB2_28:
0x278: {  	s3 =	smul.u32 $0x2EE0, s2;
	_ =	sdelay $0x1  }
0x279: {  	s3 =	sadd.s32 s8, s3  }
0x27a: {  	s3 =	sshrl.u32 s3, $0x3  }
0x27b: {  	s4 =	sadd.s32 s0, s3;
	s3 =	simm.s32 $0x0  }
0x27c: {  	[tilespmem:s3], [sflag:$0x2] =	stream.linear.gather [hbm4b:s4+s3], $0x2EE0, $0x38;
	[tilespmem:$0x11610] =	vst v63  }
0x27d: {  	_ =	swait.ge [sflag:s10], $0x2EE0  }
0x27e: {  	[sflag:s10] =	ssyncset.done $0x0  }
0x27f: {  	[sflag:s10] =	ssyncadd.s32 $0xFFFFD120  }
.LBB2_29:
0x280: {  	s4 =	sshra.s32 s3, $0x2  }
0x281: {  	v30 =	vld [tilespmem:s4+$0x0];
	_ =	sdelay $0x4  }
0x282: {  	v31 =	vshra.s32 v30, $0x1F  }
0x283: {  	v31 =	vand.u32 $0x7FFFFFFF, v31  }
0x284: {  	v30 =	vxor.u32 v30, v31  }
0x285: {  	v31 =	vshra.s32 v30, $0xA;
	v30 =	vshll.u32 v30, $0x4  }
0x286: {  	vm8 =	veq.s32 v31, v32;
	v30 =	vor.u32 v0, v30  }
0x287: {  	v30 =	vand.u32 v24, v30;
	_ =	sdelay $0x4  }
0x288: {  	[tilespmem:v30+s30+$0x0] =	vst.idx.add.s32.msk vm8, v6  }
0x289: {  	v30 =	vld [tilespmem:s4+$0x10];
	_ =	sdelay $0x4  }
0x28a: {  	v31 =	vshra.s32 v30, $0x1F  }
0x28b: {  	v31 =	vand.u32 $0x7FFFFFFF, v31  }
0x28c: {  	v30 =	vxor.u32 v30, v31  }
0x28d: {  	v31 =	vshra.s32 v30, $0xA;
	v30 =	vshll.u32 v30, $0x4  }
0x28e: {  	vm8 =	veq.s32 v31, v32;
	v30 =	vor.u32 v0, v30  }
0x28f: {  	v30 =	vand.u32 v24, v30;
	_ =	sdelay $0x4  }
0x290: {  	[tilespmem:v30+s30+$0x0] =	vst.idx.add.s32.msk vm8, v6  }
0x291: {  	v30 =	vld [tilespmem:s4+$0x20];
	_ =	sdelay $0x4  }
0x292: {  	v31 =	vshra.s32 v30, $0x1F  }
0x293: {  	v31 =	vand.u32 $0x7FFFFFFF, v31  }
0x294: {  	v30 =	vxor.u32 v30, v31  }
0x295: {  	v31 =	vshra.s32 v30, $0xA;
	v30 =	vshll.u32 v30, $0x4  }
0x296: {  	vm8 =	veq.s32 v31, v32;
	v30 =	vor.u32 v0, v30  }
0x297: {  	v30 =	vand.u32 v24, v30;
	_ =	sdelay $0x4  }
0x298: {  	[tilespmem:v30+s30+$0x0] =	vst.idx.add.s32.msk vm8, v6  }
0x299: {  	v30 =	vld [tilespmem:s4+$0x30];
	_ =	sdelay $0x4  }
0x29a: {  	v31 =	vshra.s32 v30, $0x1F  }
0x29b: {  	v31 =	vand.u32 $0x7FFFFFFF, v31  }
0x29c: {  	v30 =	vxor.u32 v30, v31  }
0x29d: {  	v31 =	vshra.s32 v30, $0xA;
	v30 =	vshll.u32 v30, $0x4  }
0x29e: {  	vm8 =	veq.s32 v31, v32;
	v30 =	vor.u32 v0, v30  }
0x29f: {  	v30 =	vand.u32 v24, v30;
	_ =	sdelay $0x4  }
0x2a0: {  	[tilespmem:v30+s30+$0x0] =	vst.idx.add.s32.msk vm8, v6  }
0x2a1: {  	v30 =	vld [tilespmem:s4+$0x40];
	_ =	sdelay $0x4  }
0x2a2: {  	v31 =	vshra.s32 v30, $0x1F  }
0x2a3: {  	v31 =	vand.u32 $0x7FFFFFFF, v31  }
0x2a4: {  	v30 =	vxor.u32 v30, v31  }
0x2a5: {  	v31 =	vshra.s32 v30, $0xA;
	v30 =	vshll.u32 v30, $0x4  }
0x2a6: {  	vm8 =	veq.s32 v31, v32;
	v30 =	vor.u32 v0, v30  }
0x2a7: {  	v30 =	vand.u32 v24, v30;
	_ =	sdelay $0x4  }
0x2a8: {  	[tilespmem:v30+s30+$0x0] =	vst.idx.add.s32.msk vm8, v6  }
0x2a9: {  	v30 =	vld [tilespmem:s4+$0x50];
	_ =	sdelay $0x4  }
0x2aa: {  	v31 =	vshra.s32 v30, $0x1F  }
0x2ab: {  	v31 =	vand.u32 $0x7FFFFFFF, v31  }
0x2ac: {  	v30 =	vxor.u32 v30, v31  }
0x2ad: {  	v31 =	vshra.s32 v30, $0xA;
	v30 =	vshll.u32 v30, $0x4  }
0x2ae: {  	vm8 =	veq.s32 v31, v32;
	v30 =	vor.u32 v0, v30  }
0x2af: {  	p1 =	sne.s32 s3, $0xBA00;
	v30 =	vand.u32 v24, v30  }
.Ltmp16:
0x2b0: {  	_ = 	snop;
	(pc) =	sbr.rel @p1 .LBB2_29-.Ltmp16, $2  }
0x2b1: {  	_ =	sdelay $0x2  }
0x2b2: {  	s3 =	sadd.s32 $0x180, s3;
	[tilespmem:v30+s30+$0x0] =	vst.idx.add.s32.msk vm8, v6  }
0x2b3: {  	s2 =	sadd.s32 $0x1, s2  }
0x2b4: {  	p1 =	sne.s32 s2, $0x3C  }
.Ltmp17:
0x2b5: {  	_ = 	snop;
	(pc) =	sbr.rel @p1 .LBB2_28-.Ltmp17, $1  }
0x2b6: {  	_ =	sdelay $0x3  }
0x2b7: {  	s2 =	simm.s32 $0x0  }
0x2b8: {  	v30 =	vor.u32 s2, v7  }
0x2b9: {  	v31 =	vor.u32 s2, v1  }
0x2ba: {  	v32 =	vor.u32 s2, v8  }
0x2bb: {  	v33 =	vor.u32 s2, v9  }
0x2bc: {  	v34 =	vor.u32 s2, v10  }
0x2bd: {  	v35 =	vor.u32 s2, v11;
	v30 =	vld.idx.msk [tilespmem:v30+s30+$0x0], $0xffff  }
0x2be: {  	v36 =	vor.u32 s2, v12;
	v31 =	vld.idx.msk [tilespmem:v31+s30+$0x0], $0xffff  }
0x2bf: {  	v37 =	vor.u32 s2, v13;
	v32 =	vld.idx.msk [tilespmem:v32+s30+$0x0], $0xffff  }
0x2c0: {  	v38 =	vor.u32 s2, v14;
	v33 =	vld.idx.msk [tilespmem:v33+s30+$0x0], $0xffff  }
0x2c1: {  	v39 =	vor.u32 s2, v15;
	v34 =	vld.idx.msk [tilespmem:v34+s30+$0x0], $0xffff  }
0x2c2: {  	v40 =	vor.u32 s2, v16;
	v35 =	vld.idx.msk [tilespmem:v35+s30+$0x0], $0xffff  }
0x2c3: {  	v41 =	vor.u32 s2, v17;
	v36 =	vld.idx.msk [tilespmem:v36+s30+$0x0], $0xffff;
	v30 =	vadd.s32 v31, v30  }
0x2c4: {  	v57 =	vor.u32 s2, v18;
	v31 =	vld.idx.msk [tilespmem:v37+s30+$0x0], $0xffff;
	v30 =	vadd.s32 v32, v30  }
0x2c5: {  	v59 =	vor.u32 s2, v19;
	v58 =	vld.idx.msk [tilespmem:v38+s30+$0x0], $0xffff;
	v30 =	vadd.s32 v33, v30  }
0x2c6: {  	v61 =	vor.u32 s2, v20;
	v60 =	vld.idx.msk [tilespmem:v39+s30+$0x0], $0xffff;
	v30 =	vadd.s32 v34, v30  }
0x2c7: {  	v63 =	vor.u32 s2, v21;
	v62 =	vld.idx.msk [tilespmem:v40+s30+$0x0], $0xffff;
	v30 =	vadd.s32 v35, v30  }
0x2c8: {  	v41 =	vld.idx.msk [tilespmem:v41+s30+$0x0], $0xffff;
	v30 =	vadd.s32 v36, v30  }
0x2c9: {  	v42 =	vld.idx.msk [tilespmem:v57+s30+$0x0], $0xffff;
	v30 =	vadd.s32 v31, v30  }
0x2ca: {  	v31 =	vld.idx.msk [tilespmem:v59+s30+$0x0], $0xffff;
	v30 =	vadd.s32 v58, v30  }
0x2cb: {  	v43 =	vld.idx.msk [tilespmem:v61+s30+$0x0], $0xffff;
	v30 =	vadd.s32 v60, v30  }
0x2cc: {  	v44 =	vld.idx.msk [tilespmem:v63+s30+$0x0], $0xffff;
	v30 =	vadd.s32 v62, v30  }
0x2cd: {  	s3 =	simm.s32 $0x100;
	v30 =	vadd.s32 v41, v30  }
0x2ce: {  	v45 =	vor.u32 s3, v7;
	v30 =	vadd.s32 v42, v30  }
0x2cf: {  	v46 =	vor.u32 s3, v1;
	v30 =	vadd.s32 v31, v30  }
0x2d0: {  	v31 =	vor.u32 s3, v8;
	v30 =	vadd.s32 v43, v30  }
0x2d1: {  	s2 =	simm.s32 $0xAEE0;
	v47 =	vor.u32 s3, v9;
	v30 =	vadd.s32 v44, v30  }
0x2d2: {  	v48 =	vor.u32 s3, v10;
	[tilespmem:s2+$0x0] =	vst v30  }
0x2d3: {  	v49 =	vor.u32 s3, v11;
	v30 =	vld.idx.msk [tilespmem:v45+s30+$0x0], $0xffff  }
0x2d4: {  	v50 =	vor.u32 s3, v12;
	v35 =	vld.idx.msk [tilespmem:v46+s30+$0x0], $0xffff  }
0x2d5: {  	v51 =	vor.u32 s3, v13;
	v31 =	vld.idx.msk [tilespmem:v31+s30+$0x0], $0xffff  }
0x2d6: {  	v52 =	vor.u32 s3, v14;
	v32 =	vld.idx.msk [tilespmem:v47+s30+$0x0], $0xffff  }
0x2d7: {  	v53 =	vor.u32 s3, v15;
	v33 =	vld.idx.msk [tilespmem:v48+s30+$0x0], $0xffff  }
0x2d8: {  	v54 =	vor.u32 s3, v16;
	v34 =	vld.idx.msk [tilespmem:v49+s30+$0x0], $0xffff  }
0x2d9: {  	v55 =	vor.u32 s3, v17;
	v36 =	vld.idx.msk [tilespmem:v50+s30+$0x0], $0xffff;
	v30 =	vadd.s32 v35, v30  }
0x2da: {  	v57 =	vor.u32 s3, v18;
	v56 =	vld.idx.msk [tilespmem:v51+s30+$0x0], $0xffff;
	v30 =	vadd.s32 v31, v30  }
0x2db: {  	v58 =	vor.u32 s3, v19;
	v31 =	vld.idx.msk [tilespmem:v52+s30+$0x0], $0xffff;
	v30 =	vadd.s32 v32, v30  }
0x2dc: {  	v62 =	vor.u32 s3, v20;
	v59 =	vld.idx.msk [tilespmem:v53+s30+$0x0], $0xffff;
	v30 =	vadd.s32 v33, v30  }
0x2dd: {  	v63 =	vor.u32 s3, v21;
	v60 =	vld.idx.msk [tilespmem:v54+s30+$0x0], $0xffff;
	v30 =	vadd.s32 v34, v30  }
0x2de: {  	v61 =	vld.idx.msk [tilespmem:v55+s30+$0x0], $0xffff;
	v30 =	vadd.s32 v36, v30  }
0x2df: {  	v37 =	vld.idx.msk [tilespmem:v57+s30+$0x0], $0xffff;
	v30 =	vadd.s32 v56, v30  }
0x2e0: {  	v38 =	vld.idx.msk [tilespmem:v58+s30+$0x0], $0xffff;
	v30 =	vadd.s32 v31, v30  }
0x2e1: {  	v32 =	vld.idx.msk [tilespmem:v62+s30+$0x0], $0xffff;
	v30 =	vadd.s32 v59, v30  }
0x2e2: {  	v33 =	vld.idx.msk [tilespmem:v63+s30+$0x0], $0xffff;
	v30 =	vadd.s32 v60, v30  }
0x2e3: {  	s3 =	simm.s32 $0x200;
	v30 =	vadd.s32 v61, v30  }
0x2e4: {  	v31 =	vor.u32 s3, v7;
	v34 =	vadd.s32 v37, v30  }
0x2e5: {  	s4 =	simm.s32 $0x300;
	v30 =	vor.u32 s3, v1;
	v34 =	vadd.s32 v38, v34  }
.LBB2_32:
0x2e6: {  	p1 =	sne.s32 s4, $0x3F00;
	v35 =	vor.u32 s3, v8;
	v32 =	vadd.s32 v32, v34  }
0x2e7: {  	v34 =	vor.u32 s3, v9;
	s2 =	sadd.s32 $0x10, s2;
	v32 =	vadd.s32 v33, v32  }
0x2e8: {  	v33 =	vor.u32 s3, v10;
	[tilespmem:s2+$0x0] =	vst v32  }
0x2e9: {  	v32 =	vor.u32 s3, v11;
	v31 =	vld.idx.msk [tilespmem:v31+s30+$0x0], $0xffff  }
0x2ea: {  	v36 =	vor.u32 s3, v12;
	v30 =	vld.idx.msk [tilespmem:v30+s30+$0x0], $0xffff  }
0x2eb: {  	v37 =	vor.u32 s3, v13;
	v35 =	vld.idx.msk [tilespmem:v35+s30+$0x0], $0xffff  }
0x2ec: {  	v38 =	vor.u32 s3, v14;
	v34 =	vld.idx.msk [tilespmem:v34+s30+$0x0], $0xffff  }
0x2ed: {  	v39 =	vor.u32 s3, v15;
	v33 =	vld.idx.msk [tilespmem:v33+s30+$0x0], $0xffff  }
0x2ee: {  	v40 =	vor.u32 s3, v16;
	v32 =	vld.idx.msk [tilespmem:v32+s30+$0x0], $0xffff  }
0x2ef: {  	v41 =	vor.u32 s3, v17;
	v36 =	vld.idx.msk [tilespmem:v36+s30+$0x0], $0xffff  }
0x2f0: {  	v30 =	vadd.s32 v30, v31;
	v31 =	vld.idx.msk [tilespmem:v37+s30+$0x0], $0xffff;
	v37 =	vor.u32 s3, v18  }
0x2f1: {  	v30 =	vadd.s32 v35, v30;
	v35 =	vld.idx.msk [tilespmem:v38+s30+$0x0], $0xffff;
	v38 =	vor.u32 s3, v19  }
0x2f2: {  	v30 =	vadd.s32 v34, v30;
	v34 =	vld.idx.msk [tilespmem:v39+s30+$0x0], $0xffff;
	v39 =	vor.u32 s3, v20  }
0x2f3: {  	v30 =	vadd.s32 v33, v30;
	v33 =	vor.u32 s3, v21;
	s3 =	smov.u32 s4;
	v40 =	vld.idx.msk [tilespmem:v40+s30+$0x0], $0xffff  }
0x2f4: {  	v30 =	vadd.s32 v32, v30;
	v41 =	vld.idx.msk [tilespmem:v41+s30+$0x0], $0xffff  }
0x2f5: {  	v30 =	vadd.s32 v36, v30;
	v36 =	vld.idx.msk [tilespmem:v37+s30+$0x0], $0xffff  }
0x2f6: {  	v30 =	vadd.s32 v31, v30;
	v37 =	vld.idx.msk [tilespmem:v38+s30+$0x0], $0xffff  }
0x2f7: {  	v30 =	vadd.s32 v35, v30;
	v32 =	vld.idx.msk [tilespmem:v39+s30+$0x0], $0xffff  }
.Ltmp18:
0x2f8: {  	v30 =	vadd.s32 v34, v30;
	v33 =	vld.idx.msk [tilespmem:v33+s30+$0x0], $0xffff;
	(pc) =	sbr.rel @p1 .LBB2_32-.Ltmp18, $4  }
0x2f9: {  	v30 =	vadd.s32 v40, v30  }
0x2fa: {  	v30 =	vadd.s32 v41, v30  }
0x2fb: {  	v31 =	vor.u32 s4, v7;
	v34 =	vadd.s32 v36, v30  }
0x2fc: {  	s4 =	sadd.s32 $0x100, s4;
	v30 =	vor.u32 s3, v1;
	v34 =	vadd.s32 v37, v34  }
0x2fd: {  	_ = 	snop  }
0x2fe: {  	v35 =	vor.u32 s3, v8;
	v32 =	vadd.s32 v32, v34  }
0x2ff: {  	v58 =	vor.u32 s3, v9;
	s2 =	sadd.s32 $0x10, s2;
	v32 =	vadd.s32 v33, v32  }
0x300: {  	v59 =	vor.u32 s3, v10;
	[tilespmem:s2+$0x0] =	vst v32  }
0x301: {  	v60 =	vor.u32 s3, v11;
	v31 =	vld.idx.msk [tilespmem:v31+s30+$0x0], $0xffff  }
0x302: {  	v36 =	vor.u32 s3, v12;
	v30 =	vld.idx.msk [tilespmem:v30+s30+$0x0], $0xffff  }
0x303: {  	v37 =	vor.u32 s3, v13;
	v35 =	vld.idx.msk [tilespmem:v35+s30+$0x0], $0xffff  }
0x304: {  	v38 =	vor.u32 s3, v14;
	v34 =	vld.idx.msk [tilespmem:v58+s30+$0x0], $0xffff  }
0x305: {  	v39 =	vor.u32 s3, v15;
	v33 =	vld.idx.msk [tilespmem:v59+s30+$0x0], $0xffff  }
0x306: {  	v40 =	vor.u32 s3, v16;
	v32 =	vld.idx.msk [tilespmem:v60+s30+$0x0], $0xffff  }
0x307: {  	v41 =	vor.u32 s3, v17;
	v36 =	vld.idx.msk [tilespmem:v36+s30+$0x0], $0xffff;
	v30 =	vadd.s32 v30, v31  }
0x308: {  	v61 =	vor.u32 s3, v18;
	v31 =	vld.idx.msk [tilespmem:v37+s30+$0x0], $0xffff;
	v30 =	vadd.s32 v35, v30  }
0x309: {  	v63 =	vor.u32 s3, v19;
	v62 =	vld.idx.msk [tilespmem:v38+s30+$0x0], $0xffff;
	v30 =	vadd.s32 v34, v30  }
0x30a: {  	v45 =	vor.u32 s3, v20;
	v44 =	vld.idx.msk [tilespmem:v39+s30+$0x0], $0xffff;
	v30 =	vadd.s32 v33, v30  }
0x30b: {  	v47 =	vor.u32 s3, v21;
	v46 =	vld.idx.msk [tilespmem:v40+s30+$0x0], $0xffff;
	v30 =	vadd.s32 v32, v30  }
0x30c: {  	v48 =	vld.idx.msk [tilespmem:v41+s30+$0x0], $0xffff;
	v30 =	vadd.s32 v36, v30  }
0x30d: {  	v49 =	vld.idx.msk [tilespmem:v61+s30+$0x0], $0xffff;
	v30 =	vadd.s32 v31, v30  }
0x30e: {  	v31 =	vld.idx.msk [tilespmem:v63+s30+$0x0], $0xffff;
	v30 =	vadd.s32 v62, v30  }
0x30f: {  	v50 =	vld.idx.msk [tilespmem:v45+s30+$0x0], $0xffff;
	v30 =	vadd.s32 v44, v30  }
0x310: {  	v51 =	vld.idx.msk [tilespmem:v47+s30+$0x0], $0xffff;
	v30 =	vadd.s32 v46, v30  }
0x311: {  	v30 =	vadd.s32 v48, v30  }
0x312: {  	v30 =	vadd.s32 v49, v30  }
0x313: {  	v30 =	vadd.s32 v31, v30  }
0x314: {  	v30 =	vadd.s32 v50, v30  }
0x315: {  	s2 =	sadd.s32 $0x10, s2;
	v30 =	vadd.s32 v51, v30  }
0x316: {  	s24 =	simm.s32 $0xB2D0;
	[tilespmem:s2+$0x0] =	vst v30  }
0x317: {  	v30 =	vld [tilespmem:s24+$0x0];
	_ =	sdelay $0x4  }
0x318: {  	s25 =	simm.s32 $0xB2C0;
	v52 =	vperm.xlane v30, v22  }
0x319: {  	v30 =	vld [tilespmem:s25+$0x0]  }
0x31a: {  	(xrf0) =	vadd.scan.msk.s32 $0xffff, v52;
	_ =	sdelay $0x3  }
0x31b: {  	v30 =	vperm.xlane v30, v22;
	_ =	sdelay $0x1  }
0x31c: {  	s26 =	simm.s32 $0xB2B0;
	v31 =	vimm.s32 $0x0;
	v53, _, _ =	vpop (xrf0);
	(xrf0) =	vadd.scan.msk.s32 $0xffff, v30  }
0x31d: {  	v27 =	vsub.s32 v27, v29;
	v29 =	vld [tilespmem:s26+$0x0];
	v54 =	vadd.s32 v31, v53  }
0x31e: {  	vm9 =	veq.s32 v31, $0x0;
	vm8 =	vge.s32 v54, v27  }
0x31f: {  	vm8 =	vmand vm9, vm8  }
0x320: {  	v55 =	vmpcnt.ones.xlane vm8;
	v56 =	vmctz.xlane vm8  }
0x321: {  	s28 =	simm.s32 $0xB2A0;
	s29 =	simm.s32 $0x3FF;
	v57 =	vperm.xlane v54, v23  }
0x322: {  	v58 =	vld [tilespmem:s28+$0x0];
	v29 =	vperm.xlane v29, v22;
	vm8 =	vgt.s32 v55, $0x0;
	v59, _, _ =	vpop (xrf0);
	v33 =	vsub.s32 s29, v56  }
0x323: {  	v60 =	vnsel vm8, $0x0, v56;
	v35 =	vsel vm8, $0x1, v31;
	v32 =	vadd.s32 v57, v59  }
0x324: {  	(xrf0) =	vadd.scan.msk.s32 $0xffff, v29;
	v61 =	vshrl.u32 v60, $0x1B;
	vm9 =	vge.s32 v32, v27;
	vm10 =	veq.s32 v35, $0x0  }
0x325: {  	v39 =	vperm.xlane v32, v23;
	v34 =	vand.u32 $0x10, v61;
	vm9 =	vmand vm10, vm9  }
0x326: {  	v62 =	vadd.s32 v60, v34;
	v63 =	vmpcnt.ones.xlane vm9;
	v36 =	vmctz.xlane vm9  }
0x327: {  	s4 =	simm.s32 $0x3EF;
	s3 =	simm.s32 $0x3DF;
	v34 =	vsel vm8, v33, v31;
	v33 =	vperm.xlane v58, v22;
	vm8 =	vmmov vm8  }
0x328: {  	s5 =	simm.s32 $0x3BF;
	s6 =	simm.s32 $0xB290;
	s2 =	simm.s32 $0x3CF;
	v37 =	vperm.xlane v54, v62;
	v38 =	vperm.xlane v52, v62;
	vm15 =	vgt.s32 v63, $0x0  }
.LBB2_34:
0x329: {  	p1 =	sne.s32 s5, $0xF;
	v43 =	vsub.s32 s4, v36;
	s4 =	smov.u32 s3  }
0x32a: {  	v40 =	vld [tilespmem:s6+$0x0];
	v41, _, _ =	vpop (xrf0);
	v42 =	vnsel vm15, $0x0, v36;
	v35 =	vsel vm15, $0x1, v35;
	v44 =	vmov v33;
	s3 =	smov.u32 s2;
	s2 =	smov.u32 s5;
	s5 =	sadd.s32 $0xFFFFFFF0, s5  }
0x32b: {  	(xrf0) =	vadd.scan.msk.s32 $0xffff, v44;
	v39 =	vadd.s32 v39, v41;
	v33 =	vshrl.u32 v42, $0x1B;
	v36 =	vsub.s32 v37, v38  }
.Ltmp19:
0x32c: {  	vm10 =	veq.s32 v35, $0x0;
	vm9 =	vge.s32 v39, v27;
	v33 =	vand.u32 $0x10, v33;
	(pc) =	sbr.rel @p1 .LBB2_34-.Ltmp19, $4  }
0x32d: {  	v31 =	vsel vm8, v36, v31;
	vm9 =	vmand vm10, vm9;
	v38 =	vadd.s32 v42, v33  }
0x32e: {  	v34 =	vsel vm15, v43, v34;
	v41 =	vmpcnt.ones.xlane vm9;
	v36 =	vmctz.xlane vm9  }
0x32f: {  	vm8 =	vmmov vm15;
	v37 =	vperm.xlane v32, v38;
	v32 =	vmovc v39;
	v33 =	vperm.xlane v40, v22  }
0x330: {  	s6 =	sadd.s32 $0xFFFFFFF0, s6;
	v38 =	vperm.xlane v30, v38;
	v30 =	vmovc v29;
	v29 =	vmovc v44;
	v39 =	vperm.xlane v32, v23;
	vm15 =	vgt.s32 v41, $0x0  }
0x331: {  	v40, _, _ =	vpop (xrf0);
	(xrf0) =	vadd.scan.msk.s32 $0xffff, v33  }
0x332: {  	v35 =	vsel vm15, $0x1, v35;
	v39 =	vadd.s32 v39, v40  }
0x333: {  	vm10 =	veq.s32 v35, $0x0;
	vm9 =	vge.s32 v39, v27  }
0x334: {  	vm9 =	vmand vm10, vm9  }
0x335: {  	v48 =	vnsel vm15, $0x0, v36;
	v51 =	vsub.s32 s4, v36;
	v49 =	vmpcnt.ones.xlane vm9  }
0x336: {  	v37 =	vsub.s32 v37, v38;
	v41 =	vshrl.u32 v48, $0x1B;
	v50 =	vperm.xlane v39, v23  }
0x337: {  	v31 =	vsel vm8, v37, v31;
	v41 =	vand.u32 $0x10, v41;
	vm8 =	vgt.s32 v49, $0x0;
	v52, _, _ =	vpop (xrf0)  }
0x338: {  	v40 =	vadd.s32 v48, v41;
	v35 =	vsel vm8, $0x1, v35;
	v37 =	vadd.s32 v50, v52  }
0x339: {  	v53 =	vmctz.xlane vm9;
	vm9 =	vge.s32 v37, v27;
	vm10 =	veq.s32 v35, $0x0  }
0x33a: {  	v34 =	vsel vm15, v51, v34;
	v32 =	vperm.xlane v32, v40;
	vm9 =	vmand vm10, vm9  }
0x33b: {  	v30 =	vperm.xlane v30, v40;
	v54 =	vnsel vm8, $0x0, v53;
	v55 =	vmpcnt.ones.xlane vm9  }
0x33c: {  	v38 =	vsub.s32 s3, v53;
	v56 =	vshrl.u32 v54, $0x1B;
	v57 =	vmctz.xlane vm9  }
0x33d: {  	v30 =	vsub.s32 v32, v30;
	v40 =	vand.u32 $0x10, v56;
	vm9 =	vgt.s32 v55, $0x0  }
0x33e: {  	vm10 =	vmmov vm15;
	v58 =	vadd.s32 v54, v40;
	v59 =	vnsel vm9, $0x0, v57  }
0x33f: {  	v30 =	vsel vm10, v30, v31;
	v31 =	vsel vm8, v38, v34;
	v60 =	vshrl.u32 v59, $0x1B  }
0x340: {  	v61 =	vperm.xlane v39, v58;
	v29 =	vperm.xlane v29, v58;
	v62 =	vand.u32 $0x10, v60  }
0x341: {  	vm8 =	vmmov vm8;
	v63 =	vsub.s32 s2, v57;
	v32 =	vadd.s32 v59, v62  }
0x342: {  	v29 =	vsub.s32 v61, v29;
	v35 =	vperm.xlane v37, v32;
	v32 =	vperm.xlane v33, v32  }
0x343: {  	v29 =	vsel vm8, v29, v30;
	v30 =	vsel vm9, v63, v31  }
0x344: {  	vm8 =	vmmov vm9;
	v30 =	vadd.s32 v28, v30;
	v31 =	vsub.s32 v35, v32  }
0x345: {  	[tilespmem:$0xDF20] =	vst v30;
	v28 =	vsel vm8, v31, v29  }
0x346: {  	[tilespmem:$0xDF30] =	vst v30;
	v31 =	vsub.s32 v27, v28  }
0x347: {  	[tilespmem:$0xDF40] =	vst v31  }
.LBB2_36:
0x348: {  	s2 =	simm.s32 $0x0;
	s3 =	sld [smem:$0x7FB];
	v27 =	vimm.s32 $0x0;
	s4 =	simm.s32 $0x0  }
.LBB2_37:
0x349: {  	s5 =	smul.u32 $0x2EE0, s4;
	_ =	sdelay $0x1  }
0x34a: {  	s5 =	sadd.s32 s9, s5  }
0x34b: {  	s5 =	sshrl.u32 s5, $0x3  }
0x34c: {  	s5 =	sadd.s32 s0, s5  }
0x34d: {  	[tilespmem:s2], [sflag:$0x2] =	stream.linear.gather [hbm4b:s5+s2], $0x2EE0, $0x38;
	[tilespmem:$0x11610] =	vst v63  }
0x34e: {  	_ =	swait.ge [sflag:s10], $0x2EE0  }
0x34f: {  	[sflag:s10] =	ssyncset.done $0x0  }
0x350: {  	s6 =	simm.s32 $0x0;
	s5 =	simm.s32 $0x30;
	[sflag:s10] =	ssyncadd.s32 $0xFFFFD120  }
.LBB2_38:
0x351: {  	v28 =	vld [tilespmem:s5+$0xFFFFFFD0];
	_ =	sdelay $0x4  }
0x352: {  	v29 =	vshra.s32 v28, $0x1F  }
0x353: {  	v29 =	vand.u32 $0x7FFFFFFF, v29  }
0x354: {  	v28 =	vxor.u32 v28, v29  }
0x355: {  	vm15 =	vgt.s32 v31, $0x0;
	vm8 =	veq.s32 v28, v30  }
0x356: {  	vm8 =	vmand vm15, vm8  }
0x357: {  	v29 =	vsel vm8, $0x1, v3  }
0x358: {  	(xrf0) =	vadd.scan.msk.s32 $0xffff, v29;
	_ =	sdelay $0x5  }
0x359: {  	v29, _, _ =	vpop (xrf0)  }
0x35a: {  	v29 =	vadd.s32 v26, v29  }
0x35b: {  	vm9 =	vle.s32 v29, v31  }
0x35c: {  	vm10 =	vgt.s32 v28, v30;
	vm9 =	vmand vm8, vm9  }
0x35d: {  	vm9 =	vmor vm10, vm9  }
0x35e: {  	v29 =	vsel vm9, $0x1, v3  }
0x35f: {  	(xrf0) =	vadd.scan.msk.s32 $0xffff, v29;
	_ =	sdelay $0x4  }
0x360: {  	v29 =	vsel vm9, $0xFFFFFFFF, v3  }
0x361: {  	v29 =	vadd.s32 v29, v27;
	v32, _, _ =	vpop (xrf0)  }
0x362: {  	v29 =	vadd.s32 v32, v29;
	_ =	sdelay $0x3  }
0x363: {  	s7 =	sadd.s32 s6, s3  }
0x364: {  	v53 =	vor.u32 s7, v0;
	[tilespmem:v29+s1+$0x0] =	vst.idx.msk vm9, v28  }
0x365: {  	[tilespmem:v29+s31+$0x0] =	vst.idx.msk vm9, v53  }
0x366: {  	v28 =	vld [tilespmem:s5+$0xFFFFFFE0];
	_ =	sdelay $0x4  }
0x367: {  	v29 =	vshra.s32 v28, $0x1F  }
0x368: {  	v29 =	vand.u32 $0x7FFFFFFF, v29  }
0x369: {  	v28 =	vxor.u32 v28, v29  }
0x36a: {  	vm10 =	veq.s32 v28, v30  }
0x36b: {  	vm10 =	vmand vm15, vm10  }
0x36c: {  	v29 =	vsel vm10, $0x1, v3  }
0x36d: {  	(xrf0) =	vadd.scan.msk.s32 $0xffff, v29;
	_ =	sdelay $0x1  }
0x36e: {  	v29 =	vmpcnt.ones.xlane vm8;
	_ =	sdelay $0x3  }
0x36f: {  	v26 =	vadd.s32 v26, v29;
	v29, _, _ =	vpop (xrf0)  }
0x370: {  	v29 =	vadd.s32 v26, v29  }
0x371: {  	vm8 =	vle.s32 v29, v31  }
0x372: {  	vm11 =	vgt.s32 v28, v30;
	vm8 =	vmand vm10, vm8  }
0x373: {  	vm8 =	vmor vm11, vm8  }
0x374: {  	v29 =	vsel vm8, $0x1, v3  }
0x375: {  	(xrf0) =	vadd.scan.msk.s32 $0xffff, v29;
	_ =	sdelay $0x2  }
0x376: {  	v29 =	vmpcnt.ones.xlane vm9;
	_ =	sdelay $0x1  }
0x377: {  	v27 =	vadd.s32 v27, v29;
	v29 =	vsel vm8, $0xFFFFFFFF, v3  }
0x378: {  	v29 =	vadd.s32 v29, v27;
	v54, _, _ =	vpop (xrf0)  }
0x379: {  	v29 =	vadd.s32 v54, v29;
	_ =	sdelay $0x3  }
0x37a: {  	s8 =	sadd.s32 $0x10, s7  }
0x37b: {  	v55 =	vor.u32 s8, v0;
	[tilespmem:v29+s1+$0x0] =	vst.idx.msk vm8, v28  }
0x37c: {  	[tilespmem:v29+s31+$0x0] =	vst.idx.msk vm8, v55  }
0x37d: {  	v28 =	vld [tilespmem:s5+$0xFFFFFFF0];
	_ =	sdelay $0x4  }
0x37e: {  	v29 =	vshra.s32 v28, $0x1F  }
0x37f: {  	v29 =	vand.u32 $0x7FFFFFFF, v29  }
0x380: {  	v28 =	vxor.u32 v28, v29  }
0x381: {  	vm9 =	veq.s32 v28, v30  }
0x382: {  	vm9 =	vmand vm15, vm9  }
0x383: {  	v29 =	vsel vm9, $0x1, v3  }
0x384: {  	(xrf0) =	vadd.scan.msk.s32 $0xffff, v29;
	_ =	sdelay $0x1  }
0x385: {  	v29 =	vmpcnt.ones.xlane vm10;
	_ =	sdelay $0x3  }
0x386: {  	v26 =	vadd.s32 v26, v29;
	v29, _, _ =	vpop (xrf0)  }
0x387: {  	v29 =	vadd.s32 v26, v29  }
0x388: {  	vm10 =	vle.s32 v29, v31  }
0x389: {  	vm11 =	vgt.s32 v28, v30;
	vm10 =	vmand vm9, vm10  }
0x38a: {  	vm10 =	vmor vm11, vm10  }
0x38b: {  	v29 =	vsel vm10, $0x1, v3  }
0x38c: {  	(xrf0) =	vadd.scan.msk.s32 $0xffff, v29;
	_ =	sdelay $0x2  }
0x38d: {  	v29 =	vmpcnt.ones.xlane vm8;
	_ =	sdelay $0x1  }
0x38e: {  	v27 =	vadd.s32 v27, v29;
	v29 =	vsel vm10, $0xFFFFFFFF, v3  }
0x38f: {  	v29 =	vadd.s32 v29, v27;
	v56, _, _ =	vpop (xrf0)  }
0x390: {  	v29 =	vadd.s32 v56, v29;
	_ =	sdelay $0x3  }
0x391: {  	s26 =	sadd.s32 $0x20, s7  }
0x392: {  	v57 =	vor.u32 s26, v0;
	[tilespmem:v29+s1+$0x0] =	vst.idx.msk vm10, v28  }
0x393: {  	[tilespmem:v29+s31+$0x0] =	vst.idx.msk vm10, v57  }
0x394: {  	v28 =	vld [tilespmem:s5+$0x0];
	_ =	sdelay $0x4  }
0x395: {  	v29 =	vshra.s32 v28, $0x1F  }
0x396: {  	v29 =	vand.u32 $0x7FFFFFFF, v29  }
0x397: {  	v28 =	vxor.u32 v28, v29  }
0x398: {  	vm8 =	veq.s32 v28, v30  }
0x399: {  	vm8 =	vmand vm15, vm8  }
0x39a: {  	v29 =	vsel vm8, $0x1, v3  }
0x39b: {  	(xrf0) =	vadd.scan.msk.s32 $0xffff, v29;
	_ =	sdelay $0x1  }
0x39c: {  	v29 =	vmpcnt.ones.xlane vm9;
	_ =	sdelay $0x3  }
0x39d: {  	v26 =	vadd.s32 v26, v29;
	v29, _, _ =	vpop (xrf0)  }
0x39e: {  	v29 =	vadd.s32 v26, v29  }
0x39f: {  	vm9 =	vle.s32 v29, v31  }
0x3a0: {  	vm11 =	vgt.s32 v28, v30;
	vm9 =	vmand vm8, vm9  }
0x3a1: {  	vm9 =	vmor vm11, vm9  }
0x3a2: {  	v29 =	vsel vm9, $0x1, v3  }
0x3a3: {  	(xrf0) =	vadd.scan.msk.s32 $0xffff, v29;
	_ =	sdelay $0x2  }
0x3a4: {  	v29 =	vmpcnt.ones.xlane vm10;
	_ =	sdelay $0x1  }
0x3a5: {  	v27 =	vadd.s32 v27, v29;
	v29 =	vsel vm9, $0xFFFFFFFF, v3  }
0x3a6: {  	v29 =	vadd.s32 v29, v27;
	v58, _, _ =	vpop (xrf0)  }
0x3a7: {  	v29 =	vadd.s32 v58, v29;
	_ =	sdelay $0x3  }
0x3a8: {  	s28 =	sadd.s32 $0x30, s7  }
0x3a9: {  	v59 =	vor.u32 s28, v0;
	[tilespmem:v29+s1+$0x0] =	vst.idx.msk vm9, v28  }
0x3aa: {  	[tilespmem:v29+s31+$0x0] =	vst.idx.msk vm9, v59  }
0x3ab: {  	v28 =	vld [tilespmem:s5+$0x10];
	_ =	sdelay $0x4  }
0x3ac: {  	v29 =	vshra.s32 v28, $0x1F  }
0x3ad: {  	v29 =	vand.u32 $0x7FFFFFFF, v29  }
0x3ae: {  	v28 =	vxor.u32 v28, v29  }
0x3af: {  	vm10 =	veq.s32 v28, v30  }
0x3b0: {  	vm10 =	vmand vm15, vm10  }
0x3b1: {  	v29 =	vsel vm10, $0x1, v3  }
0x3b2: {  	(xrf0) =	vadd.scan.msk.s32 $0xffff, v29;
	_ =	sdelay $0x1  }
0x3b3: {  	v29 =	vmpcnt.ones.xlane vm8;
	_ =	sdelay $0x3  }
0x3b4: {  	v26 =	vadd.s32 v26, v29;
	v29, _, _ =	vpop (xrf0)  }
0x3b5: {  	v29 =	vadd.s32 v26, v29  }
0x3b6: {  	vm8 =	vle.s32 v29, v31  }
0x3b7: {  	vm11 =	vgt.s32 v28, v30;
	vm8 =	vmand vm10, vm8  }
0x3b8: {  	vm8 =	vmor vm11, vm8  }
0x3b9: {  	v29 =	vsel vm8, $0x1, v3  }
0x3ba: {  	(xrf0) =	vadd.scan.msk.s32 $0xffff, v29;
	_ =	sdelay $0x2  }
0x3bb: {  	v29 =	vmpcnt.ones.xlane vm9;
	_ =	sdelay $0x1  }
0x3bc: {  	v27 =	vadd.s32 v27, v29;
	v29 =	vsel vm8, $0xFFFFFFFF, v3  }
0x3bd: {  	v29 =	vadd.s32 v29, v27;
	v60, _, _ =	vpop (xrf0)  }
0x3be: {  	v29 =	vadd.s32 v60, v29;
	_ =	sdelay $0x3  }
0x3bf: {  	s29 =	sadd.s32 $0x40, s7  }
0x3c0: {  	v61 =	vor.u32 s29, v0;
	[tilespmem:v29+s1+$0x0] =	vst.idx.msk vm8, v28  }
0x3c1: {  	[tilespmem:v29+s31+$0x0] =	vst.idx.msk vm8, v61  }
0x3c2: {  	v28 =	vld [tilespmem:s5+$0x20];
	_ =	sdelay $0x4  }
0x3c3: {  	v29 =	vshra.s32 v28, $0x1F  }
0x3c4: {  	v29 =	vand.u32 $0x7FFFFFFF, v29  }
0x3c5: {  	v28 =	vxor.u32 v28, v29  }
0x3c6: {  	vm9 =	veq.s32 v28, v30  }
0x3c7: {  	vm9 =	vmand vm15, vm9  }
0x3c8: {  	v29 =	vsel vm9, $0x1, v3  }
0x3c9: {  	(xrf0) =	vadd.scan.msk.s32 $0xffff, v29;
	_ =	sdelay $0x1  }
0x3ca: {  	v29 =	vmpcnt.ones.xlane vm10;
	_ =	sdelay $0x3  }
0x3cb: {  	v26 =	vadd.s32 v26, v29;
	v29, _, _ =	vpop (xrf0)  }
0x3cc: {  	v29 =	vadd.s32 v26, v29  }
0x3cd: {  	vm10 =	vle.s32 v29, v31  }
0x3ce: {  	vm11 =	vgt.s32 v28, v30;
	vm10 =	vmand vm9, vm10  }
0x3cf: {  	vm10 =	vmor vm11, vm10  }
0x3d0: {  	v29 =	vsel vm10, $0x1, v3  }
0x3d1: {  	(xrf0) =	vadd.scan.msk.s32 $0xffff, v29;
	_ =	sdelay $0x2  }
0x3d2: {  	v29 =	vmpcnt.ones.xlane vm8;
	_ =	sdelay $0x1  }
0x3d3: {  	v27 =	vadd.s32 v27, v29;
	v29 =	vsel vm10, $0xFFFFFFFF, v3  }
0x3d4: {  	v29 =	vadd.s32 v29, v27;
	v62, _, _ =	vpop (xrf0)  }
0x3d5: {  	v29 =	vadd.s32 v62, v29  }
0x3d6: {  	p1 =	sne.s32 s6, $0x2E80  }
.Ltmp20:
0x3d7: {  	_ = 	snop;
	(pc) =	sbr.rel @p1 .LBB2_38-.Ltmp20, $4  }
0x3d8: {  	_ = 	snop  }
0x3d9: {  	s7 =	sadd.s32 $0x50, s7;
	v63 =	vmpcnt.ones.xlane vm9;
	v33 =	vmpcnt.ones.xlane vm10  }
0x3da: {  	[tilespmem:v29+s1+$0x0] =	vst.idx.msk vm10, v28;
	v28 =	vor.u32 s7, v0  }
0x3db: {  	s6 =	sadd.s32 $0x60, s6;
	s5 =	sadd.s32 $0x60, s5;
	v26 =	vadd.s32 v26, v63;
	v27 =	vadd.s32 v27, v33;
	[tilespmem:v29+s31+$0x0] =	vst.idx.msk vm10, v28  }
0x3dc: {  	s4 =	sadd.s32 $0x1, s4  }
0x3dd: {  	p1 =	sne.s32 s4, $0x1E  }
.Ltmp21:
0x3de: {  	_ = 	snop;
	(pc) =	sbr.rel @p1 .LBB2_37-.Ltmp21, $2  }
0x3df: {  	_ =	sdelay $0x2  }
0x3e0: {  	s3 =	sadd.s32 $0x2EE0, s3  }
0x3e1: {  	[tilespmem:$0xDF50] =	vst v27;
	s2 =	rddreg [dreg:$0x10]  }
0x3e2: {  	[spmem:s2] =	stream.linear.scatter [tilespmem:s1], [sflag:$0x2], $0x810, $0x38;
	[tilespmem:$0x11610] =	vst v63  }
0x3e3: {  	_ =	swait.ge [sflag:s10], $0x810  }
0x3e4: {  	[sflag:s10] =	ssyncset.done $0x0  }
0x3e5: {  	s22 =	rddreg [dreg:$0x11];
	[sflag:s10] =	ssyncadd.s32 $0xFFFFF7F0  }
0x3e6: {  	[spmem:s22] =	stream.linear.scatter [tilespmem:s31], [sflag:$0x2], $0x810, $0x38;
	[tilespmem:$0x11610] =	vst v63  }
0x3e7: {  	_ =	swait.ge [sflag:s10], $0x810  }
0x3e8: {  	[sflag:s10] =	ssyncset.done $0x0  }
0x3e9: {  	s3 =	simm.s32 $0xDF50;
	s23 =	rddreg [dreg:$0x12];
	[sflag:s10] =	ssyncadd.s32 $0xFFFFF7F0  }
0x3ea: {  	[spmem:s23] =	stream.linear.scatter [tilespmem:s3], [sflag:$0x2], $0x10, $0x38;
	[tilespmem:$0x11610] =	vst v63  }
0x3eb: {  	_ =	swait.ge [sflag:s10], $0x10  }
0x3ec: {  	[sflag:s10] =	ssyncset.done $0x0  }
0x3ed: {  	[sflag:s10] =	ssyncadd.s32 $0xFFFFFFF0  }
0x3ee: {  	[bflag:$0x0] =	sbarrier.arrive $0xFFFF  }
0x3ef: {  	s24 =	rddreg [dreg:$0x13]  }
0x3f0: {  	[tilespmem:s14], [sflag:$0x2] =	stream.linear.gather [spmem:s24], $0x810, $0x38;
	[tilespmem:$0x11610] =	vst v63  }
0x3f1: {  	_ =	swait.ge [sflag:s10], $0x810  }
0x3f2: {  	[sflag:s10] =	ssyncset.done $0x0  }
0x3f3: {  	s25 =	rddreg [dreg:$0x14];
	[sflag:s10] =	ssyncadd.s32 $0xFFFFF7F0  }
0x3f4: {  	[tilespmem:s16], [sflag:$0x2] =	stream.linear.gather [spmem:s25], $0x810, $0x38;
	[tilespmem:$0x11610] =	vst v63  }
0x3f5: {  	_ =	swait.ge [sflag:s10], $0x810  }
0x3f6: {  	[sflag:s10] =	ssyncset.done $0x0  }
0x3f7: {  	s26 =	rddreg [dreg:$0x15];
	[sflag:s10] =	ssyncadd.s32 $0xFFFFF7F0  }
0x3f8: {  	[tilespmem:s3], [sflag:$0x2] =	stream.linear.gather [spmem:s26], $0x10, $0x38;
	[tilespmem:$0x11610] =	vst v63  }
0x3f9: {  	_ =	swait.ge [sflag:s10], $0x10  }
0x3fa: {  	[sflag:s10] =	ssyncset.done $0x0  }
0x3fb: {  	[sflag:s10] =	ssyncadd.s32 $0xFFFFFFF0  }
0x3fc: {  	[tilespmem:$0xE3E0] =	vst v3  }
0x3fd: {  	[tilespmem:$0xE260] =	vst v3  }
0x3fe: {  	[tilespmem:$0xE3F0] =	vst v3  }
0x3ff: {  	[tilespmem:$0xE270] =	vst v3  }
0x400: {  	[tilespmem:$0xE400] =	vst v3  }
0x401: {  	[tilespmem:$0xE280] =	vst v3  }
0x402: {  	[tilespmem:$0xE410] =	vst v3  }
0x403: {  	[tilespmem:$0xE290] =	vst v3  }
0x404: {  	[tilespmem:$0xE420] =	vst v3  }
0x405: {  	[tilespmem:$0xE2A0] =	vst v3  }
0x406: {  	[tilespmem:$0xE430] =	vst v3  }
0x407: {  	v26 =	vxor.u32 $0x80000000, v27;
	[tilespmem:$0xE2B0] =	vst v3  }
0x408: {  	(xrf0) =	vmax.scan.msk.u32 $0xffff, v26;
	[tilespmem:$0xE440] =	vst v3  }
0x409: {  	[tilespmem:$0xE2C0] =	vst v3  }
0x40a: {  	[tilespmem:$0xE450] =	vst v3  }
0x40b: {  	[tilespmem:$0xE2D0] =	vst v3  }
0x40c: {  	[tilespmem:$0xE460] =	vst v3  }
0x40d: {  	[tilespmem:$0xE2E0] =	vst v3  }
0x40e: {  	[tilespmem:$0xE470] =	vst v3;
	v28, _, _ =	vpop (xrf0)  }
0x40f: {  	v26 =	vld [tilespmem:$0xDF50];
	[tilespmem:$0xE2F0] =	vst v3;
	(v2sf) =	vpush v28, $0xF  }
0x410: {  	[tilespmem:$0xE480] =	vst v3  }
0x411: {  	[tilespmem:$0xE300] =	vst v3  }
0x412: {  	[tilespmem:$0xE490] =	vst v3  }
0x413: {  	[tilespmem:$0xE310] =	vst v3  }
0x414: {  	[tilespmem:$0xE4A0] =	vst v3;
	v26 =	vxor.u32 $0x80000000, v26  }
0x415: {  	[tilespmem:$0xE320] =	vst v3;
	(xrf0) =	vmax.scan.msk.u32 $0xffff, v26  }
0x416: {  	[tilespmem:$0xE4B0] =	vst v3  }
0x417: {  	[tilespmem:$0xE330] =	vst v3  }
0x418: {  	[tilespmem:$0xE4C0] =	vst v3  }
0x419: {  	[tilespmem:$0xE340] =	vst v3  }
0x41a: {  	[tilespmem:$0xE4D0] =	vst v3  }
0x41b: {  	[tilespmem:$0xE350] =	vst v3;
	v26, _, _ =	vpop (xrf0)  }
0x41c: {  	[tilespmem:$0xE4E0] =	vst v3;
	(v2sf) =	vpush v26, $0xF  }
0x41d: {  	[tilespmem:$0xE360] =	vst v3  }
0x41e: {  	[tilespmem:$0xE4F0] =	vst v3;
	s3 =	spop (v2sf)  }
0x41f: {  	[tilespmem:$0xE370] =	vst v3;
	s28 =	sadd.s32 $0x8000000F, s3  }
0x420: {  	[tilespmem:$0xE500] =	vst v3;
	s4 =	sand.u32 $0xF, s28  }
0x421: {  	[tilespmem:$0xE380] =	vst v3;
	s5 =	sshra.s32 s28, $0x1F;
	p1 =	slt.s32 s28, $0x1;
	p2 =	sne.s32 s4, $0x0  }
0x422: {  	[tilespmem:$0xE510] =	vst v3;
	s29 =	sshrl.u32 s5, $0x1C;
	p1 =	por !p1, !p2  }
0x423: {  	[tilespmem:$0xE390] =	vst v3;
	s4 =	simm.s32 $0x1;
	s2 =	sadd.s32 s29, s28;
	p1 =	por !p1, !p1  }
0x424: {  	[tilespmem:$0xE520] =	vst v3;
	s2 =	sshra.s32 s2, $0x4;
	s4 =	simm.s32 @!p1 $0x0  }
0x425: {  	[tilespmem:$0xE3A0] =	vst v3;
	s2 =	ssub.s32 s2, s4  }
0x426: {  	[tilespmem:$0xE530] =	vst v3;
	p1 =	slt.s32 s2, $0x1  }
.Ltmp22:
0x427: {  	[tilespmem:$0xE3B0] =	vst v3;
	(pc) =	sbr.rel @p1 .LBB2_63-.Ltmp22, $4  }
0x428: {  	[tilespmem:$0xE540] =	vst v3  }
0x429: {  	[tilespmem:$0xE3C0] =	vst v3  }
0x42a: {  	[tilespmem:$0xE550] =	vst v3  }
0x42b: {  	vm11 =	vcmask $0x704;
	vm12 =	vcmask $0xF0C;
	vm15 =	vcmask $0x1714;
	[tilespmem:$0xE3D0] =	vst v3;
	[smem:$0x7F6] =	sst s2;
	s4 =	spop (v2sf)  }
.Ltmp23:
0x42c: {  	(pc) =	sbr.rel .LBB2_42-.Ltmp23, $2  }
0x42d: {  	_ =	sdelay $0x2  }
0x42e: {  	s3 =	sxor.u32 $0x80000000, s3;
	s4 =	sxor.u32 $0x80000000, s4;
	s2 =	simm.s32 $0x0  }
.LBB2_45:
0x42f: {  	v31 =	vmov v26  }
.LBB2_61:
0x430: {  	_ =	sdelay $0x3  }
0x431: {  	v32 =	vld.idx.msk [tilespmem:v30+s14+$0x0], $0xffff  }
0x432: {  	v30 =	vld.idx.msk [tilespmem:v30+s16+$0x0], $0xffff;
	_ =	sdelay $0x1  }
0x433: {  	vm9 =	veq.s32 @p1 v34, v29;
	vm10 =	vlt.s32 @p1 v33, v28;
	v33 =	vsel @p2 vm8, $0x1, v3  }
0x434: {  	vm9 =	vmand @p1 vm9, vm10;
	vm10 =	vgt.s32 @p1 v34, v29;
	v31 =	vadd.s32 @p2 v33, v31  }
0x435: {  	vm8 =	vmor @p1 vm10, vm9;
	v31 =	vpsel p2, v31, v26  }
0x436: {  	vm8 =	vmmov @p1 vm8;
	vm9 =	veq.s32 v32, v29;
	vm10 =	vlt.s32 v30, v28  }
0x437: {  	v30 =	vsel @p1 vm8, $0x1, v3;
	vm8 =	vgt.s32 v32, v29;
	vm9 =	vmand vm9, vm10  }
0x438: {  	v30 =	vadd.s32 @p1 v30, v31;
	vm8 =	vmor vm8, vm9  }
0x439: {  	v26 =	vpsel p1, v30, v26;
	v30 =	vsel vm8, $0x1, v3  }
0x43a: {  	v26 =	vadd.s32 v30, v26  }
.LBB2_62:
0x43b: {  	(v2sf) =	vpush v28, $0xD;
	_ =	sdelay $0x1  }
0x43c: {  	(v2sf) =	vpush v28, $0xC;
	_ =	sdelay $0x1  }
0x43d: {  	(v2sf) =	vpush v28, $0xE;
	_ =	sdelay $0x1  }
0x43e: {  	(v2sf) =	vpush v28, $0xF;
	_ =	sdelay $0x1  }
0x43f: {  	(v2sf) =	vpush v28, $0x9;
	_ =	sdelay $0x1  }
0x440: {  	(v2sf) =	vpush v28, $0x8;
	_ =	sdelay $0x1  }
0x441: {  	(v2sf) =	vpush v28, $0xA;
	_ =	sdelay $0x1  }
0x442: {  	(v2sf) =	vpush v28, $0xB  }
0x443: {  	s8 =	spop (v2sf)  }
0x444: {  	(v2sf) =	vpush v28, $0x0;
	s9 =	smulhi.u32 $0x38E38E39, s8;
	s8 =	sshra.s32 s8, $0x1F  }
0x445: {  	s10 =	spop (v2sf);
	s8 =	smul.u32 $0x38E38E39, s8  }
0x446: {  	(v2sf) =	vpush v28, $0x1;
	s11 =	smulhi.u32 $0x38E38E39, s10;
	s10 =	sshra.s32 s10, $0x1F  }
0x447: {  	s12 =	spop (v2sf);
	s13 =	smul.u32 $0x38E38E39, s10  }
0x448: {  	(v2sf) =	vpush v28, $0x2;
	s21 =	smulhi.u32 $0x38E38E39, s12;
	s28 =	sshra.s32 s12, $0x1F  }
0x449: {  	(v2sf) =	vpush v28, $0x3;
	s29 =	spop (v2sf);
	s23 =	smul.u32 $0x38E38E39, s28  }
0x44a: {  	s26 =	smulhi.u32 $0x38E38E39, s29;
	s12 =	sshra.s32 s29, $0x1F  }
0x44b: {  	(v2sf) =	vpush v28, $0x4;
	s0 =	spop (v2sf);
	s17 =	smul.u32 $0x38E38E39, s12  }
0x44c: {  	(v2sf) =	vpush v28, $0x5;
	s15 =	smulhi.u32 $0x38E38E39, s0;
	s10 =	sshra.s32 s0, $0x1F  }
0x44d: {  	(v2sf) =	vpush v28, $0x6;
	s25 =	spop (v2sf);
	s24 =	smul.u32 $0x38E38E39, s10  }
0x44e: {  	(v2sf) =	vpush v28, $0x7;
	s19 =	smulhi.u32 $0x38E38E39, s25;
	s6 =	sshra.s32 s25, $0x1F  }
0x44f: {  	s2 =	spop (v2sf);
	s5 =	smul.u32 $0x38E38E39, s6  }
0x450: {  	s28 =	smulhi.u32 $0x38E38E39, s2;
	s7 =	sshra.s32 s2, $0x1F  }
0x451: {  	s20 =	spop (v2sf);
	s29 =	smul.u32 $0x38E38E39, s7  }
0x452: {  	s6 =	smulhi.u32 $0x38E38E39, s20;
	s12 =	sshra.s32 s20, $0x1F  }
0x453: {  	s10 =	sadd.s32 s8, s9;
	s18 =	spop (v2sf);
	s12 =	smul.u32 $0x38E38E39, s12  }
0x454: {  	s17 =	sadd.s32 s17, s26;
	s8 =	smulhi.u32 $0x38E38E39, s18;
	s9 =	sshra.s32 s18, $0x1F  }
0x455: {  	s22 =	spop (v2sf);
	s18 =	sadd.s32 s13, s11;
	s11 =	smul.u32 $0x38E38E39, s9  }
0x456: {  	s9 =	sadd.s32 s23, s21;
	s13 =	smulhi.u32 $0x38E38E39, s22;
	s23 =	sshra.s32 s22, $0x1F  }
0x457: {  	s0 =	spop (v2sf);
	s22 =	sshrl.u32 s10, $0x1F;
	s26 =	smul.u32 $0x38E38E39, s23  }
0x458: {  	s21 =	sadd.s32 s24, s15;
	s2 =	spop (v2sf);
	s15 =	smulhi.u32 $0x38E38E39, s0  }
0x459: {  	s0 =	sshra.s32 s0, $0x1F;
	s23 =	sadd.s32 s5, s19;
	s19 =	sshrl.u32 s18, $0x1F  }
0x45a: {  	s5 =	sadd.s32 s29, s28;
	s24 =	smul.u32 $0x38E38E39, s0;
	s7 =	spop (v2sf)  }
0x45b: {  	s28 =	smulhi.u32 $0x38E38E39, s2;
	s2 =	sshra.s32 s2, $0x1F;
	s20 =	spop (v2sf)  }
0x45c: {  	s0 =	sadd.s32 s12, s6;
	s2 =	smul.u32 $0x38E38E39, s2;
	s25 =	spop (v2sf)  }
0x45d: {  	s15 =	sadd.s32 s24, s15;
	s24 =	smulhi.u32 $0x38E38E39, s7;
	s12 =	spop (v2sf)  }
0x45e: {  	s8 =	sadd.s32 s11, s8;
	s29 =	smulhi.u32 $0x38E38E39, s12;
	s6 =	sshra.s32 s12, $0x1F  }
0x45f: {  	v31 =	vshra.s32 v29, $0x1F;
	s11 =	sshrl.u32 s21, $0x1F;
	s7 =	sshra.s32 s7, $0x1F;
	s6 =	smul.u32 $0x38E38E39, s6  }
0x460: {  	v31 =	vand.u32 $0x7FFFFFFF, v31;
	s2 =	sadd.s32 s2, s28;
	s28 =	sshra.s32 s8, $0x3;
	s7 =	smul.u32 $0x38E38E39, s7  }
0x461: {  	v29 =	vxor.u32 v29, v31;
	v30 =	vmov s19;
	s12 =	sadd.s32 s26, s13;
	s13 =	sshrl.u32 s9, $0x1F;
	s26 =	sadd.s32 s6, s29  }
0x462: {  	v29 =	vsub.f32 $0.0e+00, v29;
	v30 =	vsel vm0, s22, v30;
	s7 =	sadd.s32 s7, s24;
	s24 =	sshrl.u32 s23, $0x1F;
	s22 =	sshra.s32 s26, $0x1F  }
0x463: {  	s19 =	smulhi.u32 $0x38E38E39, s25;
	v30 =	vsel vm1, s13, v30;
	v33 =	vmov s24;
	s24 =	sshrl.u32 s5, $0x1F;
	s29 =	sshrl.u32 s17, $0x1F;
	v32 =	vmov s22  }
0x464: {  	v29 =	vmul.f32 $1.442695020e+00, v29;
	s6 =	smulhi.u32 $0x38E38E39, s20;
	s20 =	sshra.s32 s20, $0x1F;
	v30 =	vsel vm2, s29, v30;
	s29 =	sshra.s32 s8, $0x1F;
	v32 =	vsel vm3, s28, v32  }
0x465: {  	vm8 =	vcmask $0x1F1C;
	v55 =	vmul.u32 $0x2, v0;
	s8 =	sshrl.u32 s8, $0x1F;
	s20 =	smul.u32 $0x38E38E39, s20;
	s22 =	sshra.s32 s12, $0x3;
	v52 =	vsel vm11, s29, v32  }
0x466: {  	(erf) = vpow2.f32 v29;
	s13 =	sshra.s32 s15, $0x3;
	v53 =	vmov s8;
	s28 =	sshrl.u32 s12, $0x1F;
	s12 =	sshra.s32 s12, $0x1F;
	v31 =	vsel vm0, s22, v52  }
0x467: {  	v33 =	vsel vm0, s11, v33;
	s6 =	sadd.s32 s20, s6;
	s20 =	sshra.s32 s25, $0x1F;
	v32 =	vnsel vm3, $0x0, v53;
	s29 =	sshrl.u32 s15, $0x1F;
	v31 =	vsel vm12, s12, v31  }
0x468: {  	v33 =	vsel vm1, s24, v33;
	s15 =	sshra.s32 s15, $0x1F;
	s24 =	smul.u32 $0x38E38E39, s20;
	v32 =	vsel vm0, s28, v32;
	s28 =	sshrl.u32 s0, $0x1F;
	v31 =	vsel vm1, s13, v31  }
0x469: {  	s25 =	sshra.s32 s2, $0x3;
	s22 =	sshrl.u32 s2, $0x1F;
	s2 =	sshra.s32 s2, $0x1F;
	v32 =	vsel vm1, s29, v32;
	v54 =	vsel vm2, s28, v33;
	v31 =	vsel vm15, s15, v31  }
0x46a: {  	s29 =	sshrl.u32 s7, $0x1F;
	s11 =	sadd.s32 s24, s19;
	s24 =	sshra.s32 s18, $0x3;
	v29 =	vsel vm2, s22, v32;
	v30 =	vcombine.low v54, v30;
	v31 =	vsel vm2, s25, v31  }
0x46b: {  	s10 =	sshra.s32 s10, $0x3;
	s19 =	sshra.s32 s7, $0x3;
	v56 =	vmov s24;
	v29 =	vsel vm4, s29, v29;
	v31 =	vsel vm8, s2, v31  }
0x46c: {  	s22 =	sshra.s32 s7, $0x1F;
	s15 =	sshrl.u32 s6, $0x1F;
	v33 =	vsel vm0, s10, v56;
	s25 =	sshra.s32 s23, $0x3;
	vm8 =	vcmask $0x2724;
	v31 =	vsel vm4, s19, v31  }
0x46d: {  	s28 =	sshra.s32 s6, $0x3;
	s13 =	sshra.s32 s9, $0x3;
	s29 =	sshra.s32 s21, $0x3;
	v29 =	vsel vm5, s15, v29;
	v34 =	vmov s25;
	v31 =	vsel vm8, s22, v31  }
0x46e: {  	s5 =	sshra.s32 s5, $0x3;
	s12 =	sshra.s32 s6, $0x1F;
	s20 =	sshrl.u32 s11, $0x1F;
	v33 =	vsel vm1, s13, v33;
	v34 =	vsel vm0, s29, v34;
	v31 =	vsel vm5, s28, v31  }
0x46f: {  	s0 =	sshra.s32 s0, $0x3;
	s18 =	sshra.s32 s17, $0x3;
	s15 =	sshra.s32 s11, $0x3;
	v29 =	vsel vm6, s20, v29;
	v34 =	vsel vm1, s5, v34;
	v31 =	vsel vm13, s12, v31  }
0x470: {  	s20 =	sshrl.u32 s26, $0x1F;
	v33 =	vsel vm2, s18, v33;
	s19 =	sshra.s32 s11, $0x1F;
	v34 =	vsel vm2, s0, v34;
	v31 =	vsel vm6, s15, v31  }
0x471: {  	s21 =	sshra.s32 s26, $0x3;
	v29 =	vsel vm7, s20, v29;
	v33 =	vcombine.low v34, v33;
	v31 =	vsel vm14, s19, v31  }
0x472: {  	v57 =	vpop (erf);
	v30 =	vperm.xlane v30, v25;
	v29 =	vperm.xlane v29, v55;
	v31 =	vsel vm7, s21, v31  }
0x473: {  	v32 =	vadd.f32 $1.000000000e+00, v57;
	v33 =	vperm.xlane v33, v25;
	v31 =	vperm.xlane v31, v55  }
0x474: {  	vm8 =	vmmov $0xff;
	s22 =	sld [smem:$0x7F5]  }
0x475: {  	(erf) = vrcp.f32 v32;
	v29 =	vsel vm8, v29, v30;
	v58 =	vsel vm8, v31, v33  }
0x476: {  	v29 =	vadd.s32 v29, v58  }
0x477: {  	v59 =	vor.u32 s22, v0;
	v60 =	vmul.u32 $0xFFFFFFDC, v29  }
0x478: {  	vm9 =	vlt.s32 v26, $0x12C;
	v61 =	vsub.s32 $0x0, v28;
	vm8 =	vlt.s32 v59, v27  }
0x479: {  	s25 =	sld [smem:$0x7F4];
	vm8 =	vmand vm8, vm9;
	vm9 =	vlt.s32 v28, $0x1;
	vm10 =	vne.s32 v60, v61  }
0x47a: {  	s28 =	sld [smem:$0x7F6];
	vm9 =	vmand vm9, vm10  }
0x47b: {  	v62 =	vsel vm9, $0xFFFFFFFF, v3  }
0x47c: {  	s2 =	sadd.s32 $0x1, s25;
	v29 =	vadd.s32 v62, v29  }
0x47d: {  	p1 =	sne.s32 s2, s28;
	v30 =	vmul.u32 $0xFFFFFFDC, v29  }
.Ltmp24:
0x47e: {  	s23 =	simm.s32 $0xDF60;
	v63 =	vpop (erf);
	(pc) =	sbr.rel @!p1 .LBB2_63-.Ltmp24, $4  }
0x47f: {  	s24 =	simm.s32 $0xE0E0;
	[tilespmem:v26+s23+$0x0] =	vst.idx.msk vm8, v63;
	v28 =	vadd.s32 v28, v30  }
0x480: {  	s26 =	simm.s32 $0xE260;
	[tilespmem:v26+s24+$0x0] =	vst.idx.msk vm8, v28;
	v28 =	vadd.s32 v2, v29  }
0x481: {  	s9 =	sld [smem:$0x7FC];
	s29 =	simm.s32 $0xE3E0;
	[tilespmem:v26+s26+$0x0] =	vst.idx.msk vm8, v28  }
0x482: {  	s10 =	simm.s32 $0x2;
	s0 =	rddreg [dreg:$0x0];
	[tilespmem:v26+s29+$0x0] =	vst.idx.msk vm8, v6  }
.LBB2_42:
0x483: {  	p1 =	sgt.s32 s3, $0x0  }
.Ltmp25:
0x484: {  	_ = 	snop;
	(pc) =	sbr.rel @!p1 .LBB2_43-.Ltmp25, $4  }
0x485: {  	_ = 	snop  }
0x486: {  	s0 =	sshll.u32 s2, $0x4  }
0x487: {  	v29 =	vld [tilespmem:s0+$0xBEE0]  }
0x488: {  	v26 =	vimm.s32 $0x0;
	[smem:$0x7F5] =	sst s0;
	v28 =	vld [tilespmem:s0+$0xC6F0]  }
0x489: {  	p3 =	seq.s32 s3, $0x1  }
.Ltmp26:
0x48a: {  	_ = 	snop;
	(pc) =	sbr.rel @p3 .LBB2_47-.Ltmp26, $3  }
0x48b: {  	_ =	sdelay $0x1  }
0x48c: {  	s0 =	simm.s32 $0x0  }
0x48d: {  	s8 =	simm.s32 $0x1;
	p1 =	por $0x0, $0x0;
	p2 =	por $0x0, $0x0;
	v30 =	vmov s0  }
0x48e: {  	p3 =	seq.s32 s3, $0x2  }
.Ltmp27:
0x48f: {  	_ = 	snop;
	(pc) =	sbr.rel @p3 .LBB2_49-.Ltmp27, $3  }
0x490: {  	_ =	sdelay $0x1  }
0x491: {  	v34 =	vld.idx.msk [tilespmem:v30+s1+$0x0], $0xffff  }
0x492: {  	s9 =	simm.s32 $0x2;
	v35 =	vmov s8;
	v33 =	vld.idx.msk [tilespmem:v30+s31+$0x0], $0xffff;
	p1 =	por $0x1, $0x1  }
0x493: {  	_ = 	snop  }
0x494: {  	p3 =	seq.s32 s3, $0x3  }
.Ltmp28:
0x495: {  	_ = 	snop;
	(pc) =	sbr.rel @p3 .LBB2_51-.Ltmp28, $4  }
0x496: {  	_ = 	snop  }
0x497: {  	vm8 =	veq.s32 v34, v29;
	vm9 =	vlt.s32 v33, v28  }
0x498: {  	v32 =	vld.idx.msk [tilespmem:v35+s1+$0x0], $0xffff;
	v30 =	vmov s9;
	vm10 =	vgt.s32 v34, v29;
	vm8 =	vmand vm8, vm9  }
0x499: {  	s8 =	simm.s32 $0x3;
	p2 =	por $0x1, $0x1;
	v31 =	vimm.s32 $0x0;
	v33 =	vld.idx.msk [tilespmem:v35+s31+$0x0], $0xffff;
	vm8 =	vmor vm10, vm8  }
.LBB2_52:
0x49a: {  	s9 =	smov.u32 s8;
	s8 =	sadd.s32 $0x1, s8  }
0x49b: {  	v35 =	vsel vm8, $0x1, v3;
	p3 =	seq.s32 s3, s8  }
.Ltmp29:
0x49c: {  	v31 =	vadd.s32 v35, v31;
	(pc) =	sbr.rel @!p3 .LBB2_52-.Ltmp29, $4  }
0x49d: {  	vm8 =	veq.s32 v32, v29;
	v34 =	vmov v32;
	v32 =	vld.idx.msk [tilespmem:v30+s1+$0x0], $0xffff  }
0x49e: {  	vm9 =	vgt.s32 v34, v29;
	vm10 =	vlt.s32 v33, v28;
	v33 =	vld.idx.msk [tilespmem:v30+s31+$0x0], $0xffff;
	v30 =	vmov s9  }
0x49f: {  	vm8 =	vmand vm8, vm10  }
0x4a0: {  	vm8 =	vmor vm9, vm8  }
0x4a1: {  	_ = 	snop  }
0x4a2: {  	v34 =	vmov v32  }
.LBB2_54:
0x4a3: {  	_ =	sdelay $0x3  }
0x4a4: {  	v32 =	vld.idx.msk [tilespmem:v30+s1+$0x0], $0xffff  }
0x4a5: {  	v30 =	vld.idx.msk [tilespmem:v30+s31+$0x0], $0xffff;
	_ =	sdelay $0x1  }
0x4a6: {  	vm9 =	veq.s32 @p1 v34, v29;
	vm10 =	vlt.s32 @p1 v33, v28;
	v33 =	vsel @p2 vm8, $0x1, v3  }
0x4a7: {  	vm9 =	vmand @p1 vm9, vm10;
	vm10 =	vgt.s32 @p1 v34, v29;
	v31 =	vadd.s32 @p2 v33, v31  }
0x4a8: {  	vm8 =	vmor @p1 vm10, vm9;
	v31 =	vpsel p2, v31, v26  }
0x4a9: {  	vm8 =	vmmov @p1 vm8;
	vm9 =	veq.s32 v32, v29;
	vm10 =	vlt.s32 v30, v28  }
0x4aa: {  	v30 =	vsel @p1 vm8, $0x1, v3;
	vm8 =	vgt.s32 v32, v29;
	vm9 =	vmand vm9, vm10  }
0x4ab: {  	v30 =	vadd.s32 @p1 v30, v31;
	vm8 =	vmor vm8, vm9  }
0x4ac: {  	v26 =	vpsel p1, v30, v26;
	v30 =	vsel vm8, $0x1, v3  }
0x4ad: {  	v26 =	vadd.s32 v30, v26  }
.LBB2_43:
0x4ae: {  	p1 =	sgt.s32 s4, $0x0  }
.Ltmp30:
0x4af: {  	_ = 	snop;
	(pc) =	sbr.rel @!p1 .LBB2_62-.Ltmp30, $2  }
0x4b0: {  	_ =	sdelay $0x2  }
0x4b1: {  	s9 =	simm.s32 $0x0;
	[smem:$0x7F4] =	sst s2  }
0x4b2: {  	p3 =	sne.s32 s4, $0x1  }
.Ltmp31:
0x4b3: {  	_ = 	snop;
	(pc) =	sbr.rel @!p3 .LBB2_45-.Ltmp31, $2  }
0x4b4: {  	_ =	sdelay $0x2  }
0x4b5: {  	s8 =	simm.s32 $0x1;
	v30 =	vmov s9;
	p1 =	por $0x0, $0x0;
	p2 =	por $0x0, $0x0  }
0x4b6: {  	p3 =	sne.s32 s4, $0x2  }
.Ltmp32:
0x4b7: {  	_ = 	snop;
	(pc) =	sbr.rel @!p3 .LBB2_56-.Ltmp32, $3  }
0x4b8: {  	_ =	sdelay $0x1  }
0x4b9: {  	v34 =	vld.idx.msk [tilespmem:v30+s14+$0x0], $0xffff  }
0x4ba: {  	s9 =	simm.s32 $0x2;
	v35 =	vmov s8;
	v33 =	vld.idx.msk [tilespmem:v30+s16+$0x0], $0xffff;
	p1 =	por $0x1, $0x1  }
0x4bb: {  	_ = 	snop  }
0x4bc: {  	p3 =	sne.s32 s4, $0x3  }
.Ltmp33:
0x4bd: {  	_ = 	snop;
	(pc) =	sbr.rel @!p3 .LBB2_58-.Ltmp33, $4  }
0x4be: {  	_ = 	snop  }
0x4bf: {  	vm8 =	veq.s32 v34, v29;
	vm9 =	vlt.s32 v33, v28  }
0x4c0: {  	v32 =	vld.idx.msk [tilespmem:v35+s14+$0x0], $0xffff;
	v30 =	vmov s9;
	vm10 =	vgt.s32 v34, v29;
	vm8 =	vmand vm8, vm9  }
0x4c1: {  	s8 =	simm.s32 $0x3;
	p2 =	por $0x1, $0x1;
	v31 =	vmov v26;
	v33 =	vld.idx.msk [tilespmem:v35+s16+$0x0], $0xffff;
	vm8 =	vmor vm10, vm8  }
.LBB2_59:
0x4c2: {  	s9 =	smov.u32 s8;
	s8 =	sadd.s32 $0x1, s8  }
0x4c3: {  	v35 =	vsel vm8, $0x1, v3;
	p3 =	sne.s32 s4, s8  }
.Ltmp34:
0x4c4: {  	v31 =	vadd.s32 v35, v31;
	(pc) =	sbr.rel @p3 .LBB2_59-.Ltmp34, $4  }
0x4c5: {  	vm8 =	veq.s32 v32, v29;
	v34 =	vmov v32;
	v32 =	vld.idx.msk [tilespmem:v30+s14+$0x0], $0xffff  }
0x4c6: {  	vm9 =	vgt.s32 v34, v29;
	vm10 =	vlt.s32 v33, v28;
	v33 =	vld.idx.msk [tilespmem:v30+s16+$0x0], $0xffff;
	v30 =	vmov s9  }
0x4c7: {  	vm8 =	vmand vm8, vm10  }
0x4c8: {  	vm8 =	vmor vm9, vm8  }
.Ltmp35:
0x4c9: {  	(pc) =	sbr.rel .LBB2_61-.Ltmp35, $2  }
0x4ca: {  	_ =	sdelay $0x2  }
0x4cb: {  	v34 =	vmov v32  }
.LBB2_47:
.Ltmp36:
0x4cc: {  	(pc) =	sbr.rel .LBB2_54-.Ltmp36, $2  }
0x4cd: {  	_ =	sdelay $0x2  }
0x4ce: {  	v31 =	vimm.s32 $0x0  }
.LBB2_49:
.Ltmp37:
0x4cf: {  	(pc) =	sbr.rel .LBB2_54-.Ltmp37, $2  }
0x4d0: {  	_ =	sdelay $0x2  }
0x4d1: {  	v31 =	vimm.s32 $0x0;
	v30 =	vmov v35  }
.LBB2_56:
.Ltmp38:
0x4d2: {  	(pc) =	sbr.rel .LBB2_61-.Ltmp38, $2  }
0x4d3: {  	_ =	sdelay $0x2  }
0x4d4: {  	v31 =	vmov v26;
	v30 =	vmov v35  }
.LBB2_51:
.Ltmp39:
0x4d5: {  	(pc) =	sbr.rel .LBB2_54-.Ltmp39, $2  }
0x4d6: {  	_ =	sdelay $0x2  }
0x4d7: {  	v31 =	vimm.s32 $0x0;
	v34 =	vmov v32  }
.LBB2_58:
.Ltmp40:
0x4d8: {  	(pc) =	sbr.rel .LBB2_61-.Ltmp40, $2  }
0x4d9: {  	_ =	sdelay $0x2  }
0x4da: {  	v31 =	vmov v26;
	v34 =	vmov v32  }
.LBB2_63:
0x4db: {  	s2 =	rddreg [dreg:$0x16];
	s3 =	simm.s32 $0xDF60  }
0x4dc: {  	[spmem:s2] =	stream.linear.scatter [tilespmem:s3], [sflag:$0x2], $0x180, $0x38;
	[tilespmem:$0x11610] =	vst v63  }
0x4dd: {  	_ =	swait.ge [sflag:s10], $0x180  }
0x4de: {  	[sflag:s10] =	ssyncset.done $0x0  }
0x4df: {  	s24 =	simm.s32 $0xE0E0;
	s23 =	rddreg [dreg:$0x17];
	[sflag:s10] =	ssyncadd.s32 $0xFFFFFE80  }
0x4e0: {  	[spmem:s23] =	stream.linear.scatter [tilespmem:s24], [sflag:$0x2], $0x180, $0x38;
	[tilespmem:$0x11610] =	vst v63  }
0x4e1: {  	_ =	swait.ge [sflag:s10], $0x180  }
0x4e2: {  	[sflag:s10] =	ssyncset.done $0x0  }
0x4e3: {  	s26 =	simm.s32 $0xE260;
	s25 =	rddreg [dreg:$0x18];
	[sflag:s10] =	ssyncadd.s32 $0xFFFFFE80  }
0x4e4: {  	[spmem:s25] =	stream.linear.scatter [tilespmem:s26], [sflag:$0x2], $0x180, $0x38;
	[tilespmem:$0x11610] =	vst v63  }
0x4e5: {  	_ =	swait.ge [sflag:s10], $0x180  }
0x4e6: {  	[sflag:s10] =	ssyncset.done $0x0  }
0x4e7: {  	s29 =	simm.s32 $0xE3E0;
	s28 =	rddreg [dreg:$0x19];
	[sflag:s10] =	ssyncadd.s32 $0xFFFFFE80  }
0x4e8: {  	[spmem:s28] =	stream.linear.scatter [tilespmem:s29], [sflag:$0x2], $0x180, $0x38;
	[tilespmem:$0x11610] =	vst v63  }
0x4e9: {  	_ =	swait.ge [sflag:s10], $0x180  }
.Ltmp41:
0x4ea: {  	[sflag:s10] =	ssyncset.done $0x0;
	(pc) =	sbr.rel @p0 .LBB2_67-.Ltmp41, $4  }
0x4eb: {  	[sflag:s10] =	ssyncadd.s32 $0xFFFFFE80  }
0x4ec: {  	[bflag:$0x0] =	sbarrier.arrive $0xFFFF  }
0x4ed: {  	s8 =	sld [smem:$0x7FD]  }
0x4ee: {  	s3 =	sld [smem:$0x7F7]  }
0x4ef: {  	s2 =	rddreg [dreg:$0x1a];
	s3 =	simm.s32 $0xE560  }
0x4f0: {  	[tilespmem:s3], [sflag:$0x2] =	stream.linear.gather [spmem:s2], $0x180, $0x38;
	[tilespmem:$0x11610] =	vst v63  }
0x4f1: {  	_ =	swait.ge [sflag:s10], $0x180  }
0x4f2: {  	[sflag:s10] =	ssyncset.done $0x0  }
0x4f3: {  	s24 =	simm.s32 $0xE6E0;
	s23 =	rddreg [dreg:$0x1b];
	[sflag:s10] =	ssyncadd.s32 $0xFFFFFE80  }
0x4f4: {  	[tilespmem:s24], [sflag:$0x2] =	stream.linear.gather [spmem:s23], $0x180, $0x38;
	[tilespmem:$0x11610] =	vst v63  }
0x4f5: {  	_ =	swait.ge [sflag:s10], $0x180  }
0x4f6: {  	[sflag:s10] =	ssyncset.done $0x0  }
0x4f7: {  	s26 =	simm.s32 $0xE860;
	s25 =	rddreg [dreg:$0x1c];
	[sflag:s10] =	ssyncadd.s32 $0xFFFFFE80  }
0x4f8: {  	[tilespmem:s26], [sflag:$0x2] =	stream.linear.gather [spmem:s25], $0x180, $0x38;
	[tilespmem:$0x11610] =	vst v63  }
0x4f9: {  	_ =	swait.ge [sflag:s10], $0x180  }
0x4fa: {  	[sflag:s10] =	ssyncset.done $0x0  }
0x4fb: {  	s29 =	simm.s32 $0xE9E0;
	s28 =	rddreg [dreg:$0x1d];
	[sflag:s10] =	ssyncadd.s32 $0xFFFFFE80  }
0x4fc: {  	[tilespmem:s29], [sflag:$0x2] =	stream.linear.gather [spmem:s28], $0x180, $0x38;
	[tilespmem:$0x11610] =	vst v63  }
0x4fd: {  	_ =	swait.ge [sflag:s10], $0x180  }
0x4fe: {  	[sflag:s10] =	ssyncset.done $0x0  }
0x4ff: {  	s3 =	simm.s32 $0x0;
	[sflag:s10] =	ssyncadd.s32 $0xFFFFFE80  }
0x500: {  	v29 =	vld [tilespmem:s3+$0xE560]  }
0x501: {  	v30 =	vld [tilespmem:s3+$0xE6E0]  }
0x502: {  	v31 =	vld [tilespmem:s3+$0xE860]  }
0x503: {  	v27 =	vld [tilespmem:s3+$0xE9E0]  }
0x504: {  	v32 =	vld [tilespmem:s3+$0xDF60]  }
0x505: {  	v33 =	vld [tilespmem:s3+$0xE0E0]  }
0x506: {  	s2 =	simm.s32 $0x10;
	v34 =	vld [tilespmem:s3+$0xE260]  }
0x507: {  	v28 =	vld [tilespmem:s2+$0xE560]  }
0x508: {  	v26 =	vld [tilespmem:s2+$0xE6E0];
	vm8 =	vgt.s32 v27, $0x0  }
0x509: {  	v27 =	vld [tilespmem:s2+$0xE860];
	v32 =	vsel vm8, v29, v32  }
0x50a: {  	v29 =	vld [tilespmem:s2+$0xE9E0];
	v63 =	vsel vm8, v30, v33;
	[tilespmem:s3+$0xDF60] =	vst v32  }
0x50b: {  	s4 =	simm.s32 $0x80;
	v31 =	vsel vm8, v31, v34;
	v30 =	vld [tilespmem:s2+$0xDF60];
	[tilespmem:s3+$0xE0E0] =	vst v63  }
.LBB2_65:
0x50c: {  	p1 =	sne.s32 s4, $0x5C0;
	v32 =	vld [tilespmem:s2+$0xE0E0];
	[tilespmem:s3+$0xE260] =	vst v31;
	v31 =	vmov v28;
	s3 =	smov.u32 s2  }
0x50d: {  	s2 =	sshra.s32 s4, $0x2;
	v33 =	vld [tilespmem:s3+$0xE260];
	v34 =	vmov v26  }
.Ltmp42:
0x50e: {  	v28 =	vld [tilespmem:s2+$0xE560];
	v35 =	vmov v27;
	(pc) =	sbr.rel @p1 .LBB2_65-.Ltmp42, $4  }
0x50f: {  	v26 =	vld [tilespmem:s2+$0xE6E0];
	vm8 =	vgt.s32 v29, $0x0  }
0x510: {  	v27 =	vld [tilespmem:s2+$0xE860];
	v30 =	vsel vm8, v31, v30  }
0x511: {  	v29 =	vld [tilespmem:s2+$0xE9E0];
	[tilespmem:s3+$0xDF60] =	vst v30;
	v31 =	vsel vm8, v34, v32  }
0x512: {  	s4 =	sadd.s32 $0x40, s4;
	v30 =	vld [tilespmem:s2+$0xDF60];
	[tilespmem:s3+$0xE0E0] =	vst v31;
	v31 =	vsel vm8, v35, v33  }
0x513: {  	v32 =	vld [tilespmem:s2+$0xE0E0];
	[tilespmem:s3+$0xE260] =	vst v31  }
0x514: {  	v31 =	vld [tilespmem:s2+$0xE260];
	_ =	sdelay $0x1  }
0x515: {  	vm8 =	vgt.s32 v29, $0x0  }
0x516: {  	v28 =	vsel vm8, v28, v30  }
0x517: {  	[tilespmem:s2+$0xDF60] =	vst v28;
	v26 =	vsel vm8, v26, v32  }
0x518: {  	[tilespmem:s2+$0xE0E0] =	vst v26;
	v26 =	vsel vm8, v27, v31  }
0x519: {  	s21 =	simm.s32 $0x0;
	s22 =	rddreg [dreg:$0x1e];
	s4 =	simm.s32 $0xDF60;
	[tilespmem:s2+$0xE260] =	vst v26  }
0x51a: {  	[hbm4b:s22+s21] =	stream.linear.scatter [tilespmem:s4], [sflag:$0x2], $0x180, $0x38;
	[tilespmem:$0x11610] =	vst v63  }
0x51b: {  	_ =	swait.ge [sflag:s10], $0x180  }
0x51c: {  	[sflag:s10] =	ssyncset.done $0x0  }
0x51d: {  	s24 =	simm.s32 $0xE0E0;
	s23 =	rddreg [dreg:$0x1f];
	[sflag:s10] =	ssyncadd.s32 $0xFFFFFE80  }
0x51e: {  	[hbm4b:s23+s21] =	stream.linear.scatter [tilespmem:s24], [sflag:$0x2], $0x180, $0x38;
	[tilespmem:$0x11610] =	vst v63  }
0x51f: {  	_ =	swait.ge [sflag:s10], $0x180  }
0x520: {  	[sflag:s10] =	ssyncset.done $0x0  }
0x521: {  	[sflag:s10] =	ssyncadd.s32 $0xFFFFFE80  }
0x522: {  	v26 =	vld [tilespmem:$0xE260]  }
0x523: {  	v27 =	vld [tilespmem:$0xE270]  }
0x524: {  	v52 =	vld [tilespmem:$0xE280]  }
0x525: {  	v53 =	vld [tilespmem:$0xE290]  }
0x526: {  	v54 =	vld [tilespmem:$0xE2A0]  }
0x527: {  	v55 =	vld [tilespmem:$0xE2D0];
	[tilespmem:$0xEB60] =	vst v26  }
0x528: {  	v26 =	vld [tilespmem:$0xE2B0];
	[tilespmem:$0xEB70] =	vst v27  }
0x529: {  	v27 =	vld [tilespmem:$0xE2C0];
	[tilespmem:$0xEB80] =	vst v52  }
0x52a: {  	[tilespmem:$0xEB90] =	vst v53  }
0x52b: {  	[tilespmem:$0xEBA0] =	vst v54  }
0x52c: {  	s25 =	sld [smem:$0x7F9];
	[tilespmem:$0xEBD0] =	vst v55  }
0x52d: {  	s5 =	simm.s32 $0x80;
	[tilespmem:$0xEBB0] =	vst v26  }
0x52e: {  	s6 =	simm.s32 $0xEB60;
	s7 =	simm.s32 $0xEBE0;
	s26 =	simm.s32 $0x1;
	[tilespmem:$0xEBC0] =	vst v27  }
0x52f: {  	[tilespmem:s7], [sflag:$0x1] =	stream.indirect.gather [hbm4b:s25+s5], $0x8, s6, s5, $0xb8;
	[tilespmem:$0x11610] =	vst v63  }
0x530: {  	_ =	swait.ge [sflag:s26], $0x400  }
0x531: {  	[sflag:s26] =	ssyncset.done $0x0  }
0x532: {  	[sflag:s26] =	ssyncadd.s32 $0xFFFFFC00  }
0x533: {  	v26 =	vld [tilespmem:$0xE2E0]  }
0x534: {  	v27 =	vld [tilespmem:$0xE2F0]  }
0x535: {  	v56 =	vld [tilespmem:$0xE300]  }
0x536: {  	v57 =	vld [tilespmem:$0xE310]  }
0x537: {  	v58 =	vld [tilespmem:$0xE320]  }
0x538: {  	v59 =	vld [tilespmem:$0xE350];
	[tilespmem:$0xEB60] =	vst v26  }
0x539: {  	v26 =	vld [tilespmem:$0xE330];
	[tilespmem:$0xEB70] =	vst v27  }
0x53a: {  	v27 =	vld [tilespmem:$0xE340];
	[tilespmem:$0xEB80] =	vst v56  }
0x53b: {  	[tilespmem:$0xEB90] =	vst v57  }
0x53c: {  	[tilespmem:$0xEBA0] =	vst v58  }
0x53d: {  	[tilespmem:$0xEBD0] =	vst v59  }
0x53e: {  	[tilespmem:$0xEBB0] =	vst v26  }
0x53f: {  	s11 =	simm.s32 $0xEFE0;
	[tilespmem:$0xEBC0] =	vst v27  }
0x540: {  	[tilespmem:s11], [sflag:$0x1] =	stream.indirect.gather [hbm4b:s25+s5], $0x8, s6, s5, $0xb8;
	[tilespmem:$0x11610] =	vst v63  }
0x541: {  	_ =	swait.ge [sflag:s26], $0x400  }
0x542: {  	[sflag:s26] =	ssyncset.done $0x0  }
0x543: {  	[sflag:s26] =	ssyncadd.s32 $0xFFFFFC00  }
0x544: {  	v26 =	vld [tilespmem:$0xE360]  }
0x545: {  	v27 =	vld [tilespmem:$0xE370]  }
0x546: {  	v60 =	vld [tilespmem:$0xE380]  }
0x547: {  	v61 =	vld [tilespmem:$0xE390]  }
0x548: {  	v62 =	vld [tilespmem:$0xE3A0]  }
0x549: {  	v63 =	vld [tilespmem:$0xE3D0];
	[tilespmem:$0xEB60] =	vst v26  }
0x54a: {  	v26 =	vld [tilespmem:$0xE3B0];
	[tilespmem:$0xEB70] =	vst v27  }
0x54b: {  	v27 =	vld [tilespmem:$0xE3C0];
	[tilespmem:$0xEB80] =	vst v60  }
0x54c: {  	[tilespmem:$0xEB90] =	vst v61  }
0x54d: {  	[tilespmem:$0xEBA0] =	vst v62  }
0x54e: {  	[tilespmem:$0xEBD0] =	vst v63  }
0x54f: {  	[tilespmem:$0xEBB0] =	vst v26  }
0x550: {  	s28 =	simm.s32 $0xF3E0;
	[tilespmem:$0xEBC0] =	vst v27  }
0x551: {  	[tilespmem:s28], [sflag:$0x1] =	stream.indirect.gather [hbm4b:s25+s5], $0x8, s6, s5, $0xb8;
	[tilespmem:$0x11610] =	vst v63  }
0x552: {  	_ =	swait.ge [sflag:s26], $0x400  }
0x553: {  	s29 =	sld [smem:$0x7F8]  }
0x554: {  	[sflag:s26] =	ssyncset.done $0x0  }
.Ltmp43:
0x555: {  	[sflag:s26] =	ssyncadd.s32 $0xFFFFFC00;
	(pc) =	sbr.rel .LBB2_67-.Ltmp43, $4  }
0x556: {  	[hbm4b:s29+s21] =	stream.linear.scatter [tilespmem:s7], [sflag:$0x2], $0xC00, $0x38;
	[tilespmem:$0x11610] =	vst v63  }
0x557: {  	_ =	swait.ge [sflag:s10], $0xC00  }
0x558: {  	[sflag:s10] =	ssyncset.done $0x0  }
0x559: {  	s3 =	sld [smem:$0x7F7];
	[sflag:s10] =	ssyncadd.s32 $0xFFFFF400  }
.LBB2_68:
0x55a: {  	_ =	sfence.sel $0x180000  }
0x55b: {  	[bflag:$0x0] =	sbarrier.arrive $0xFFFF  }
0x55c: {  	_ =	strace $0x90000047  }
0x55d: {  	s0 =	stileid.u32;
	[bflag:$0x2] =	sbarrier.arrive $0xFFFF  }
0x55e: {  	p0 =	sne.s32 s0, $0x0;
	s0 =	rddreg [dreg:$0xd]  }
0x55f: {  	s0 =	sadd.s32 @!p0 $0x100000, s0  }
0x560: {  	[sflag:s0] =	ssyncadd.tile.s32 @!p0 $0x1;
	_ =	shalt  }
.Lfunc_end2:
_tile_overlayer_lowered:
.L_overlay_start_2:
0x561: {  	(tag) =	ssettag $0x2  }
0x562: {  	s0 =	rddreg [dreg:$0x0];
	s2 =	stileid.u32  }
0x563: {  	s1 =	rddreg [dreg:$0x1];
	p0 =	sne.s32 s2, $0x0  }
0x564: {  	s3 =	rddreg [dreg:$0x2];
	[bflag:$0x3] =	sbarrier.arrive $0xFFFF;
	s2 =	simm.s32 @!p0 $0x1C02  }
0x565: {  	[timem:s3], [sflag:s2] =	dma.local @!p0 [hbm:s0], s1  }
0x566: {  	s0 =	simm.s32 @!p0 $0x2  }
0x567: {  	_ =	swait.ge @!p0 [sflag:s0], s1  }
0x568: {  	s1 =	ssub.s32 @!p0 $0x0, s1;
	[sflag:s0] =	ssyncset.done @!p0 $0x0  }
0x569: {  	[sflag:s0] =	ssyncadd.s32 @!p0 s1  }
0x56a: {  	[bflag:$0x3] =	sbarrier.arrive $0xFFFF  }
0x56b: {  	_ =	shalt  }

</sc_bundles>
